<compile_context>
chip_gen: v7x
topology: tpu7x:2x2x1
jax: 0.10.2.dev20260603
libtpu: 0.0.44.dev20260713+nightly
codegen_flags: <defaults>
</compile_context>

<pallas_src>
import functools

import jax
import jax.numpy as jnp
from jax import lax
from jax.experimental import pallas as pl
from jax.experimental.pallas import tpu as pltpu
from jax.experimental.pallas import tpu_sc as plsc

_N = 10000
_NP = 10240
_M = 2500
_MP = 2560
_K = 32
_R2 = 0.25
_DT = 144
_E = _MP * _K
_NQW = _MP // 32
_NCH = _NP // 16
_RPT = 2688
_GP = _RPT * 32
_BE = 2048
_BQ = _BE // _K


def _fps_body(px_ref, py_ref, pz_ref, idx_ref):
    rows = lax.broadcasted_iota(jnp.int32, (8, 1280), 0)
    cols = lax.broadcasted_iota(jnp.int32, (8, 1280), 1)
    gidx = rows * 1280 + cols
    real = gidx < _N
    dists0 = jnp.where(real, jnp.inf, -jnp.inf).astype(jnp.float32)

    orow = lax.broadcasted_iota(jnp.int32, (24, 128), 0)
    ocol = lax.broadcasted_iota(jnp.int32, (24, 128), 1)
    oidx = orow * 128 + ocol
    idx0 = jnp.zeros((24, 128), jnp.int32)

    sel0 = gidx == 0
    sx0 = jnp.sum(jnp.where(sel0, px_ref[...], 0.0))
    sy0 = jnp.sum(jnp.where(sel0, py_ref[...], 0.0))
    sz0 = jnp.sum(jnp.where(sel0, pz_ref[...], 0.0))

    def body(i, carry):
        dists, idxarr, sx, sy, sz = carry
        dx = px_ref[...] - sx
        dy = py_ref[...] - sy
        dz = pz_ref[...] - sz
        d = (dx * dx + dz * dz) + dy * dy
        dists = jnp.minimum(dists, d)
        m = jnp.max(dists)
        cand = jnp.where(dists == m, gidx, jnp.int32(2**30))
        nxt = jnp.min(cand)
        sel = gidx == nxt
        sx = jnp.sum(jnp.where(sel, px_ref[...], 0.0))
        sy = jnp.sum(jnp.where(sel, py_ref[...], 0.0))
        sz = jnp.sum(jnp.where(sel, pz_ref[...], 0.0))
        idxarr = jnp.where(oidx == i, nxt, idxarr)
        return dists, idxarr, sx, sy, sz

    _, idxarr, _, _, _ = lax.fori_loop(
        1, _M, body, (dists0, idx0, sx0, sy0, sz0))
    idx_ref[...] = idxarr


def _fps_pallas(px, py, pz):
    idx2d = pl.pallas_call(
        _fps_body,
        out_shape=jax.ShapeDtypeStruct((24, 128), jnp.int32),
    )(px.reshape(8, 1280), py.reshape(8, 1280), pz.reshape(8, 1280))
    return idx2d.reshape(-1)[:_MP]


def _radius_body(px_hbm, py_hbm, pz_hbm, qx_hbm, qy_hbm, qz_hbm,
                 cols_hbm, cnt_hbm,
                 px_v, py_v, pz_v, qx_v, qy_v, qz_v, cols_v, cnt_v):
    wid = lax.axis_index("s") * 2 + lax.axis_index("c")
    base = wid * _NQW
    pltpu.sync_copy(px_hbm, px_v)
    pltpu.sync_copy(py_hbm, py_v)
    pltpu.sync_copy(pz_hbm, pz_v)
    pltpu.sync_copy(qx_hbm.at[pl.ds(base, _NQW)], qx_v)
    pltpu.sync_copy(qy_hbm.at[pl.ds(base, _NQW)], qy_v)
    pltpu.sync_copy(qz_hbm.at[pl.ds(base, _NQW)], qz_v)

    zero16 = jnp.zeros((16,), jnp.int32)

    def zbody(i, _):
        cols_v[pl.ds(i * 16, 16)] = zero16
        return 0

    lax.fori_loop(0, _NQW * _K // 16, zbody, 0)
    lane = lax.broadcasted_iota(jnp.int32, (16,), 0)

    def gbody(g, _):
        qxg = qx_v[pl.ds(g * 16, 16)]
        qyg = qy_v[pl.ds(g * 16, 16)]
        qzg = qz_v[pl.ds(g * 16, 16)]
        cnts = jnp.zeros((16,), jnp.int32)
        for j in range(16):
            jm = lane == j
            qx = jnp.sum(jnp.where(jm, qxg, 0.0))
            qy = jnp.sum(jnp.where(jm, qyg, 0.0))
            qz = jnp.sum(jnp.where(jm, qzg, 0.0))
            q = g * 16 + j

            def wcond(st):
                c, cnt = st
                return jnp.logical_and(c < _NCH // 2, cnt < _K)

            def wbody(st):
                c, cnt = st
                cnt2 = cnt
                for h in range(2):
                    off = (c * 2 + h) * 16
                    pxc = px_v[pl.ds(off, 16)]
                    pyc = py_v[pl.ds(off, 16)]
                    pzc = pz_v[pl.ds(off, 16)]
                    dx = pxc - qx
                    dy = pyc - qy
                    dz = pzc - qz
                    d2 = (dx * dx + dz * dz) + dy * dy
                    m = d2 <= _R2
                    mi = m.astype(jnp.int32)
                    ranks = plsc.cumsum(mi)
                    dst = (cnt2 - 1) + ranks
                    keep = jnp.logical_and(m, dst < _K)
                    ivec = off + lane
                    plsc.store_scatter(cols_v, [q * _K + dst], ivec,
                                       mask=keep)
                    cnt2 = cnt2 + jnp.sum(mi)
                return c + 1, cnt2

            _, cntf = lax.while_loop(wcond, wbody, (jnp.int32(0), jnp.int32(0)))
            cnts = jnp.where(jm, jnp.minimum(cntf, _K), cnts)
        cnt_v[pl.ds(g * 16, 16)] = cnts
        return 0

    lax.fori_loop(0, _NQW // 16, gbody, 0)
    pltpu.sync_copy(cols_v, cols_hbm.at[pl.ds(base * _K, _NQW * _K)])
    pltpu.sync_copy(cnt_v, cnt_hbm.at[pl.ds(base, _NQW)])


def _radius_sc(px, py, pz, qx, qy, qz):
    mesh = plsc.VectorSubcoreMesh(core_axis_name="c", subcore_axis_name="s")
    fn = pl.kernel(
        _radius_body,
        out_type=(jax.ShapeDtypeStruct((_MP * _K,), jnp.int32),
                  jax.ShapeDtypeStruct((_MP,), jnp.int32)),
        mesh=mesh,
        scratch_types=[
            pltpu.VMEM((_NP,), jnp.float32),
            pltpu.VMEM((_NP,), jnp.float32),
            pltpu.VMEM((_NP,), jnp.float32),
            pltpu.VMEM((_NQW,), jnp.float32),
            pltpu.VMEM((_NQW,), jnp.float32),
            pltpu.VMEM((_NQW,), jnp.float32),
            pltpu.VMEM((_NQW * _K,), jnp.int32),
            pltpu.VMEM((_NQW,), jnp.int32),
        ],
        compiler_params=pltpu.CompilerParams(needs_layout_passes=False),
    )
    return fn(px, py, pz, qx, qy, qz)


def _gather_body(tab_hbm, allidx_hbm, g_hbm, idxs_v, rows_v0, rows_v1,
                 sem0, sem1, wsem0, wsem1):
    wid = lax.axis_index("s") * 2 + lax.axis_index("c")
    nch = _RPT // 128
    for j in range(nch):
        pltpu.sync_copy(allidx_hbm.at[pl.ds(wid * _RPT + j * 128, 128)],
                        idxs_v.at[j])
    bufs = (rows_v0, rows_v1)
    sems = (sem0, sem1)
    wsems = (wsem0, wsem1)
    gh = [None, None]
    wh = [None, None]
    for j in range(nch + 1):
        if j < nch:
            if j >= 2:
                wh[j % 2].wait()
            gh[j % 2] = pltpu.async_copy(
                tab_hbm.at[idxs_v.at[j]], bufs[j % 2], sems[j % 2])
        if j >= 1:
            jj = j - 1
            gh[jj % 2].wait()
            row0 = wid * _RPT + jj * 128
            wh[jj % 2] = pltpu.async_copy(
                bufs[jj % 2], g_hbm.at[pl.ds(row0, 128)], wsems[jj % 2])
    wh[(nch - 2) % 2].wait()
    wh[(nch - 1) % 2].wait()


def _gather_sc(tab, allidx):
    mesh = plsc.VectorSubcoreMesh(core_axis_name="c", subcore_axis_name="s")
    fn = pl.kernel(
        _gather_body,
        out_type=jax.ShapeDtypeStruct((_GP, _DT), jnp.float32),
        mesh=mesh,
        scratch_types=[
            pltpu.VMEM((_RPT // 128, 128), jnp.int32),
            pltpu.VMEM((128, _DT), jnp.float32),
            pltpu.VMEM((128, _DT), jnp.float32),
            pltpu.SemaphoreType.DMA,
            pltpu.SemaphoreType.DMA,
            pltpu.SemaphoreType.DMA,
            pltpu.SemaphoreType.DMA,
        ],
        compiler_params=pltpu.CompilerParams(
            needs_layout_passes=False, use_tc_tiling_on_sc=False),
    )
    return fn(tab, allidx)


def _mlp_body(g_ref, qt_ref, w1x_ref, w1p_ref, b1_ref, w2_ref, b2_ref,
              w3_ref, b3_ref, out_ref):
    G = g_ref[...]
    QT = qt_ref[...]
    er = lax.broadcasted_iota(jnp.int32, (_BE, _BQ), 0)
    qc = lax.broadcasted_iota(jnp.int32, (_BE, _BQ), 1)
    Rf = (er // _K == qc).astype(jnp.float32)
    Qe = jnp.dot(Rf, QT, preferred_element_type=jnp.float32, precision=lax.Precision.HIGHEST)

    def col(a, i):
        return a[:, i:i + 1]

    pjx, pjy, pjz = col(G, 128), col(G, 129), col(G, 130)
    njx, njy, njz = col(G, 131), col(G, 132), col(G, 133)
    pix, piy, piz = col(Qe, 128), col(Qe, 129), col(Qe, 130)
    nix, niy, niz = col(Qe, 131), col(Qe, 132), col(Qe, 133)
    cnte = col(Qe, 144)

    dx = pjx - pix
    dy = pjy - piy
    dz = pjz - piz
    dist = jnp.sqrt(dx * dx + dy * dy + dz * dz + 1e-12)

    def ang(ax, ay, az, bx, by, bz):
        cx = ay * bz - az * by
        cy = az * bx - ax * bz
        cz = ax * by - ay * bx
        cn = jnp.sqrt(cx * cx + cy * cy + cz * cz + 1e-12)
        dt = ax * bx + ay * by + az * bz
        return jnp.arctan2(cn, dt)

    a1 = ang(nix, niy, niz, dx, dy, dz)
    a2 = ang(njx, njy, njz, dx, dy, dz)
    a3 = ang(nix, niy, niz, njx, njy, njz)

    w1p = w1p_ref[...]
    pre = jnp.dot(G[:, :128], w1x_ref[...], preferred_element_type=jnp.float32, precision=lax.Precision.HIGHEST)
    pre = (pre + dist * w1p[0:1] + a1 * w1p[1:2] + a2 * w1p[2:3]
           + a3 * w1p[3:4] + b1_ref[...])
    h1 = jnp.maximum(pre, 0.0)
    h2 = jnp.maximum(
        jnp.dot(h1, w2_ref[...], preferred_element_type=jnp.float32, precision=lax.Precision.HIGHEST)
        + b2_ref[...], 0.0)

    erank = col(er, 0) % _K
    validf = (erank < cnte.astype(jnp.int32)).astype(jnp.float32)
    h2m = h2 * validf
    seg = jnp.sum(h2m.reshape(_BQ, _K, _DT), axis=1)

    cntq = QT[:, 144:145]
    agg = seg / jnp.maximum(cntq, 1.0)
    out_ref[...] = jnp.maximum(
        jnp.dot(agg, w3_ref[...], preferred_element_type=jnp.float32, precision=lax.Precision.HIGHEST)
        + b3_ref[...], 0.0)


def _mlp_tc(G, QTX, W1x, W1p, b1p, W2p, b2p, W3p, b3p):
    nblk = _E // _BE
    return pl.pallas_call(
        _mlp_body,
        grid=(nblk,),
        in_specs=[
            pl.BlockSpec((_BE, _DT), lambda b: (b, 0)),
            pl.BlockSpec((_BQ, 160), lambda b: (b, 0)),
            pl.BlockSpec((128, _DT), lambda b: (0, 0)),
            pl.BlockSpec((8, _DT), lambda b: (0, 0)),
            pl.BlockSpec((1, _DT), lambda b: (0, 0)),
            pl.BlockSpec((_DT, _DT), lambda b: (0, 0)),
            pl.BlockSpec((1, _DT), lambda b: (0, 0)),
            pl.BlockSpec((_DT, 128), lambda b: (0, 0)),
            pl.BlockSpec((1, 128), lambda b: (0, 0)),
        ],
        out_specs=pl.BlockSpec((_BQ, 128), lambda b: (b, 0)),
        out_shape=jax.ShapeDtypeStruct((_MP, 128), jnp.float32),
    )(G, QTX, W1x, W1p, b1p, W2p, b2p, W3p, b3p)


def kernel(x, pos, batch, norm, W1, b1, W2, b2, W3, b3):
    posp = jnp.full((_NP, 3), 1e9, jnp.float32).at[:_N].set(pos)
    px = posp[:, 0]
    py = posp[:, 1]
    pz = posp[:, 2]

    idx_pad = _fps_pallas(px, py, pz)
    idx = idx_pad[:_M]

    qpos = posp[idx_pad]
    cols_flat, cnt = _radius_sc(px, py, pz,
                                qpos[:, 0], qpos[:, 1], qpos[:, 2])

    tab = jnp.concatenate(
        [x, pos, norm, jnp.zeros((_N, _DT - 134), jnp.float32)], axis=1)
    allidx = jnp.concatenate(
        [cols_flat, idx_pad, jnp.zeros((_GP - _E - _MP,), jnp.int32)])
    G = _gather_sc(tab, allidx)

    QT = lax.slice(G, (_E, 0), (_E + _MP, _DT))
    QTX = jnp.concatenate(
        [QT, cnt.astype(jnp.float32)[:, None],
         jnp.zeros((_MP, 15), jnp.float32)], axis=1)

    W1x = jnp.zeros((128, _DT), jnp.float32).at[:, :132].set(W1[:128])
    W1p = jnp.zeros((8, _DT), jnp.float32).at[:4, :132].set(W1[128:132])
    b1p = jnp.zeros((1, _DT), jnp.float32).at[0, :132].set(b1)
    W2p = jnp.zeros((_DT, _DT), jnp.float32).at[:132, :132].set(W2)
    b2p = jnp.zeros((1, _DT), jnp.float32).at[0, :132].set(b2)
    W3p = jnp.zeros((_DT, 128), jnp.float32).at[:132].set(W3)
    b3p = b3.reshape(1, 128)

    out_q = _mlp_tc(G, QTX, W1x, W1p, b1p, W2p, b2p, W3p, b3p)

    return (out_q[:_M], pos[idx], batch[idx], idx)

# --- scband reference (transcript-rebuilt; emitter-appended) ---
"""Pipeline reference for scband-samodule-16707422781720 (READ-ONLY COPY).

The authoritative reference and input builder live on the scoring server;
editing this copy changes nothing except your own understanding.
"""

import jax, jax.numpy as jnp
import numpy as np

N = 10000
DIM_IN = 128
DIM = DIM_IN + 4
DIM_OUT = 128
RATIO = 0.25
RADIUS = 0.5
K = 32
M = int(np.ceil(RATIO * N))


def setup_inputs(seed: int = 0):
    key = jax.random.key(seed)
    ks = jax.random.split(key, 10)
    x = jax.random.normal(ks[0], (N, DIM_IN), dtype=jnp.float32)
    pos = jax.random.normal(ks[1], (N, 3), dtype=jnp.float32)
    nrm = jax.random.normal(ks[2], (N, 3), dtype=jnp.float32)
    nrm = nrm / jnp.sqrt(jnp.sum(nrm * nrm, axis=-1, keepdims=True) + 1e-12)
    batch = jnp.zeros((N,), dtype=jnp.int32)
    W1 = jax.random.normal(ks[3], (DIM, DIM), dtype=jnp.float32) / np.sqrt(DIM)
    b1 = jnp.zeros((DIM,), dtype=jnp.float32)
    W2 = jax.random.normal(ks[4], (DIM, DIM), dtype=jnp.float32) / np.sqrt(DIM)
    b2 = jnp.zeros((DIM,), dtype=jnp.float32)
    W3 = jax.random.normal(ks[5], (DIM, DIM_OUT), dtype=jnp.float32) / np.sqrt(DIM)
    b3 = jnp.zeros((DIM_OUT,), dtype=jnp.float32)
    return {"x": x, "pos": pos, "batch": batch, "norm": nrm,
            "W1": W1, "b1": b1, "W2": W2, "b2": b2, "W3": W3, "b3": b3}


def fps(pos):
    # deterministic farthest point sampling (random_start=False / eval mode), single batch
    idx0 = jnp.zeros((M,), dtype=jnp.int32)
    dists0 = jnp.full((N,), jnp.inf, dtype=jnp.float32)

    def body(i, carry):
        dists, idx = carry
        last = idx[i - 1]
        d = jnp.sum((pos - pos[last]) ** 2, axis=-1)
        dists = jnp.minimum(dists, d)
        nxt = jnp.argmax(dists).astype(jnp.int32)
        idx = idx.at[i].set(nxt)
        return (dists, idx)

    _, idx = jax.lax.fori_loop(1, M, body, (dists0, idx0))
    return idx


def radius_neighbors(pos, qpos, batch, qbatch):
    # for each query, first K points (by index order) within RADIUS and same batch
    d2 = jnp.sum((qpos[:, None, :] - pos[None, :, :]) ** 2, axis=-1)  # [M, N]
    mask = (d2 <= RADIUS * RADIUS) & (qbatch[:, None] == batch[None, :])
    keyv = jnp.where(mask, jnp.arange(N, dtype=jnp.int32)[None, :], N)
    negv, cols = jax.lax.top_k(-keyv, K)  # smallest K indices among valid
    valid = (-negv) < N
    cols = jnp.where(valid, cols, 0)
    return cols.astype(jnp.int32), valid


def _safe_norm(v):
    return jnp.sqrt(jnp.sum(v * v, axis=-1) + 1e-12)


def _angle(v1, v2):
    cr = jnp.cross(v1, v2)
    return jnp.arctan2(_safe_norm(cr), jnp.sum(v1 * v2, axis=-1))


def reference(x, pos, batch, norm, W1, b1, W2, b2, W3, b3):
    idx = fps(pos)
    cols, valid = radius_neighbors(pos, pos[idx], batch, batch[idx])
    row_q = jnp.repeat(jnp.arange(M, dtype=jnp.int32), K)
    col = cols.reshape(-1)
    vmask = valid.reshape(-1)
    row = idx[row_q]  # targets in original node index space

    pi = pos[row]
    pj = pos[col]
    ni = norm[row]
    nj = norm[col]
    d = pj - pi
    ppf = jnp.stack([_safe_norm(d), _angle(ni, d), _angle(nj, d), _angle(ni, nj)], axis=-1)
    msg = jnp.concatenate([x[col], ppf], axis=-1)  # [E, DIM]

    h = jax.nn.relu(msg @ W1 + b1)
    h = jax.nn.relu(h @ W2 + b2)
    h = h * vmask[:, None].astype(h.dtype)

    sums = jnp.zeros((N, DIM), dtype=h.dtype).at[row].add(h)
    cnt = jnp.zeros((N,), dtype=h.dtype).at[row].add(vmask.astype(h.dtype))
    agg = sums / jnp.maximum(cnt, 1.0)[:, None]

    out = jax.nn.relu(agg @ W3 + b3)
    return (out[idx], pos[idx], batch[idx], idx)

if __name__ == "__main__":
    import jax
    _d = setup_inputs()
    print(jax.jit(kernel)(*tuple(_d.values())))

</pallas_src>

<mosaic_0001>
#map = affine_map<(d0, d1) -> (0)>
module attributes {stable_mosaic.version = 14 : i64} {
  func.func @_radius_body(%arg0: i32, %arg1: i32, %arg2: memref<10240xf32, #tpu.memory_space<hbm>>, %arg3: memref<10240xf32, #tpu.memory_space<hbm>>, %arg4: memref<10240xf32, #tpu.memory_space<hbm>>, %arg5: memref<2560xf32, #tpu.memory_space<hbm>>, %arg6: memref<2560xf32, #tpu.memory_space<hbm>>, %arg7: memref<2560xf32, #tpu.memory_space<hbm>>, %arg8: memref<81920xi32, #tpu.memory_space<hbm>>, %arg9: memref<2560xi32, #tpu.memory_space<hbm>>, %arg10: memref<10240xf32, #tpu.memory_space<vmem>>, %arg11: memref<10240xf32, #tpu.memory_space<vmem>>, %arg12: memref<10240xf32, #tpu.memory_space<vmem>>, %arg13: memref<80xf32, #tpu.memory_space<vmem>>, %arg14: memref<80xf32, #tpu.memory_space<vmem>>, %arg15: memref<80xf32, #tpu.memory_space<vmem>>, %arg16: memref<2560xi32, #tpu.memory_space<vmem>>, %arg17: memref<80xi32, #tpu.memory_space<vmem>>) attributes {dimension_semantics = [#tpu.dimension_semantics<core_parallel>, #tpu.dimension_semantics<subcore_parallel>], iteration_bounds = array<i64: 2, 16>, scalar_prefetch = 0 : i64, scratch_operands = 8 : i64, tpu.core_type = #tpu.core_type<sc_vector_subcore>, window_params = [{transform_indices = #map}, {transform_indices = #map}, {transform_indices = #map}, {transform_indices = #map}, {transform_indices = #map}, {transform_indices = #map}, {transform_indices = #map}, {transform_indices = #map}]} {
    %mul3A = arith.constant 2 : i32
    %mul3A_0 = arith.muli %arg1, %mul3A : i32
    %add3A = arith.addi %mul3A_0, %arg0 : i32
    %mul3A_1 = arith.constant 80 : i32
    %mul3A_2 = arith.muli %add3A, %mul3A_1 : i32
    "tpu.region"() ({
      %run_scoped3A = tpu.sem_alloc : memref<!tpu.dma_semaphore, #tpu.memory_space<semaphore_mem>>
      tpu.enqueue_dma source(%arg2 : memref<10240xf32, #tpu.memory_space<hbm>>) target(%arg10 : memref<10240xf32, #tpu.memory_space<vmem>>) target_semaphore(%run_scoped3A : memref<!tpu.dma_semaphore, #tpu.memory_space<semaphore_mem>>)
      tpu.wait_dma2 semaphore(%run_scoped3A : memref<!tpu.dma_semaphore, #tpu.memory_space<semaphore_mem>>) src(%arg2 : memref<10240xf32, #tpu.memory_space<hbm>>) dst(%arg10 : memref<10240xf32, #tpu.memory_space<vmem>>)
      tpu.yield
    }) : () -> ()
    "tpu.region"() ({
      %run_scoped3A = tpu.sem_alloc : memref<!tpu.dma_semaphore, #tpu.memory_space<semaphore_mem>>
      tpu.enqueue_dma source(%arg3 : memref<10240xf32, #tpu.memory_space<hbm>>) target(%arg11 : memref<10240xf32, #tpu.memory_space<vmem>>) target_semaphore(%run_scoped3A : memref<!tpu.dma_semaphore, #tpu.memory_space<semaphore_mem>>)
      tpu.wait_dma2 semaphore(%run_scoped3A : memref<!tpu.dma_semaphore, #tpu.memory_space<semaphore_mem>>) src(%arg3 : memref<10240xf32, #tpu.memory_space<hbm>>) dst(%arg11 : memref<10240xf32, #tpu.memory_space<vmem>>)
      tpu.yield
    }) : () -> ()
    "tpu.region"() ({
      %run_scoped3A = tpu.sem_alloc : memref<!tpu.dma_semaphore, #tpu.memory_space<semaphore_mem>>
      tpu.enqueue_dma source(%arg4 : memref<10240xf32, #tpu.memory_space<hbm>>) target(%arg12 : memref<10240xf32, #tpu.memory_space<vmem>>) target_semaphore(%run_scoped3A : memref<!tpu.dma_semaphore, #tpu.memory_space<semaphore_mem>>)
      tpu.wait_dma2 semaphore(%run_scoped3A : memref<!tpu.dma_semaphore, #tpu.memory_space<semaphore_mem>>) src(%arg4 : memref<10240xf32, #tpu.memory_space<hbm>>) dst(%arg12 : memref<10240xf32, #tpu.memory_space<vmem>>)
      tpu.yield
    }) : () -> ()
    "tpu.region"() ({
      %run_scoped3A = tpu.sem_alloc : memref<!tpu.dma_semaphore, #tpu.memory_space<semaphore_mem>>
      %dma_start3A = tpu.memref_slice %arg5[%mul3A_2] : memref<2560xf32, #tpu.memory_space<hbm>> -> memref<80xf32, #tpu.memory_space<hbm>>
      %dma_start3A_19 = tpu.memref_slice %arg5[%mul3A_2] : memref<2560xf32, #tpu.memory_space<hbm>> -> memref<80xf32, #tpu.memory_space<hbm>>
      tpu.enqueue_dma source(%dma_start3A_19 : memref<80xf32, #tpu.memory_space<hbm>>) target(%arg13 : memref<80xf32, #tpu.memory_space<vmem>>) target_semaphore(%run_scoped3A : memref<!tpu.dma_semaphore, #tpu.memory_space<semaphore_mem>>)
      %dma_wait3A = tpu.memref_slice %arg5[%mul3A_2] : memref<2560xf32, #tpu.memory_space<hbm>> -> memref<80xf32, #tpu.memory_space<hbm>>
      %dma_wait3A_20 = tpu.memref_slice %arg5[%mul3A_2] : memref<2560xf32, #tpu.memory_space<hbm>> -> memref<80xf32, #tpu.memory_space<hbm>>
      tpu.wait_dma2 semaphore(%run_scoped3A : memref<!tpu.dma_semaphore, #tpu.memory_space<semaphore_mem>>) src(%dma_wait3A_20 : memref<80xf32, #tpu.memory_space<hbm>>) dst(%arg13 : memref<80xf32, #tpu.memory_space<vmem>>)
      tpu.yield
    }) : () -> ()
    "tpu.region"() ({
      %run_scoped3A = tpu.sem_alloc : memref<!tpu.dma_semaphore, #tpu.memory_space<semaphore_mem>>
      %dma_start3A = tpu.memref_slice %arg6[%mul3A_2] : memref<2560xf32, #tpu.memory_space<hbm>> -> memref<80xf32, #tpu.memory_space<hbm>>
      %dma_start3A_19 = tpu.memref_slice %arg6[%mul3A_2] : memref<2560xf32, #tpu.memory_space<hbm>> -> memref<80xf32, #tpu.memory_space<hbm>>
      tpu.enqueue_dma source(%dma_start3A_19 : memref<80xf32, #tpu.memory_space<hbm>>) target(%arg14 : memref<80xf32, #tpu.memory_space<vmem>>) target_semaphore(%run_scoped3A : memref<!tpu.dma_semaphore, #tpu.memory_space<semaphore_mem>>)
      %dma_wait3A = tpu.memref_slice %arg6[%mul3A_2] : memref<2560xf32, #tpu.memory_space<hbm>> -> memref<80xf32, #tpu.memory_space<hbm>>
      %dma_wait3A_20 = tpu.memref_slice %arg6[%mul3A_2] : memref<2560xf32, #tpu.memory_space<hbm>> -> memref<80xf32, #tpu.memory_space<hbm>>
      tpu.wait_dma2 semaphore(%run_scoped3A : memref<!tpu.dma_semaphore, #tpu.memory_space<semaphore_mem>>) src(%dma_wait3A_20 : memref<80xf32, #tpu.memory_space<hbm>>) dst(%arg14 : memref<80xf32, #tpu.memory_space<vmem>>)
      tpu.yield
    }) : () -> ()
    "tpu.region"() ({
      %run_scoped3A = tpu.sem_alloc : memref<!tpu.dma_semaphore, #tpu.memory_space<semaphore_mem>>
      %dma_start3A = tpu.memref_slice %arg7[%mul3A_2] : memref<2560xf32, #tpu.memory_space<hbm>> -> memref<80xf32, #tpu.memory_space<hbm>>
      %dma_start3A_19 = tpu.memref_slice %arg7[%mul3A_2] : memref<2560xf32, #tpu.memory_space<hbm>> -> memref<80xf32, #tpu.memory_space<hbm>>
      tpu.enqueue_dma source(%dma_start3A_19 : memref<80xf32, #tpu.memory_space<hbm>>) target(%arg15 : memref<80xf32, #tpu.memory_space<vmem>>) target_semaphore(%run_scoped3A : memref<!tpu.dma_semaphore, #tpu.memory_space<semaphore_mem>>)
      %dma_wait3A = tpu.memref_slice %arg7[%mul3A_2] : memref<2560xf32, #tpu.memory_space<hbm>> -> memref<80xf32, #tpu.memory_space<hbm>>
      %dma_wait3A_20 = tpu.memref_slice %arg7[%mul3A_2] : memref<2560xf32, #tpu.memory_space<hbm>> -> memref<80xf32, #tpu.memory_space<hbm>>
      tpu.wait_dma2 semaphore(%run_scoped3A : memref<!tpu.dma_semaphore, #tpu.memory_space<semaphore_mem>>) src(%dma_wait3A_20 : memref<80xf32, #tpu.memory_space<hbm>>) dst(%arg15 : memref<80xf32, #tpu.memory_space<vmem>>)
      tpu.yield
    }) : () -> ()
    %broadcast_in_dim3A = arith.constant 0 : i32
    %broadcast_in_dim3A_3 = vector.broadcast %broadcast_in_dim3A : i32 to vector<16xi32>
    %scan3A = arith.constant 0 : i32
    %scan3A_4 = arith.constant 0 : i32
    %scan3A_5 = arith.constant 160 : i32
    %scan3A_6 = arith.addi %scan3A_4, %scan3A_5 : i32
    %scan3A_7 = arith.constant 1 : i32
    %scan3A_8 = scf.for %scan3A_19 = %scan3A_4 to %scan3A_6 step %scan3A_7 iter_args(%scan3A_20 = %scan3A) -> (i32)  : i32 {
      %mul3A_21 = arith.constant 16 : i32
      %mul3A_22 = arith.muli %scan3A_19, %mul3A_21 : i32
      %swap3A = arith.index_cast %mul3A_22 : i32 to index
      %swap3A_23 = tpu.vector_load %arg16[%swap3A] {strides = array<i32>} : memref<2560xi32, #tpu.memory_space<vmem>>, vector<16xi32>,
      tpu.vector_store %arg16[%swap3A], %broadcast_in_dim3A_3 {strides = array<i32>} : memref<2560xi32, #tpu.memory_space<vmem>>, vector<16xi32>,
      %scan3A_24 = arith.constant 0 : i32
      scf.yield %scan3A_24 : i32
    }
    %scan3A_9 = arith.constant 160 : i32
    %iota3A = tpu.iota {dimensions = array<i32: 0>} : vector<16xi32>
    %scan3A_10 = arith.constant 0 : i32
    %scan3A_11 = arith.constant 0 : i32
    %scan3A_12 = arith.constant 5 : i32
    %scan3A_13 = arith.addi %scan3A_11, %scan3A_12 : i32
    %scan3A_14 = arith.constant 1 : i32
    %scan3A_15 = scf.for %scan3A_19 = %scan3A_11 to %scan3A_13 step %scan3A_14 iter_args(%scan3A_20 = %scan3A_10) -> (i32)  : i32 {
      %mul3A_21 = arith.constant 16 : i32
      %mul3A_22 = arith.muli %scan3A_19, %mul3A_21 : i32
      %get3A = arith.index_cast %mul3A_22 : i32 to index
      %get3A_23 = tpu.vector_load %arg13[%get3A] {strides = array<i32>} : memref<80xf32, #tpu.memory_space<vmem>>, vector<16xf32>,
      %mul3A_24 = arith.constant 16 : i32
      %mul3A_25 = arith.muli %scan3A_19, %mul3A_24 : i32
      %get3A_26 = arith.index_cast %mul3A_25 : i32 to index
      %get3A_27 = tpu.vector_load %arg14[%get3A_26] {strides = array<i32>} : memref<80xf32, #tpu.memory_space<vmem>>, vector<16xf32>,
      %mul3A_28 = arith.constant 16 : i32
      %mul3A_29 = arith.muli %scan3A_19, %mul3A_28 : i32
      %get3A_30 = arith.index_cast %mul3A_29 : i32 to index
      %get3A_31 = tpu.vector_load %arg15[%get3A_30] {strides = array<i32>} : memref<80xf32, #tpu.memory_space<vmem>>, vector<16xf32>,
      %broadcast_in_dim3A_32 = arith.constant 0 : i32
      %broadcast_in_dim3A_33 = vector.broadcast %broadcast_in_dim3A_32 : i32 to vector<16xi32>
      %eq3A = arith.constant 0 : i32
      %eq3A_34 = vector.broadcast %eq3A : i32 to vector<16xi32>
      %eq3A_35 = arith.cmpi eq, %iota3A, %eq3A_34 : vector<16xi32>
      %jit3A = arith.constant 0.000000e+00 : f32
      %broadcast_in_dim3A_36 = vector.broadcast %jit3A : f32 to vector<16xf32>
      %select_n3A = arith.select %eq3A_35, %get3A_23, %broadcast_in_dim3A_36 : vector<16xi1>, vector<16xf32>
      %reduce_sum3A = arith.constant true
      %reduce_sum3A_37 = vector.broadcast %reduce_sum3A : i1 to vector<16xi1>
      %reduce_sum3A_38 = tpu.scan <sum>, %select_n3A masked %reduce_sum3A_37 : vector<16xf32>, vector<16xi1> -> vector<16xf32>
      %reduce_sum3A_39 = vector.extract %reduce_sum3A_38[15] : f32 from vector<16xf32>
      %jit3A_40 = arith.constant 0.000000e+00 : f32
      %broadcast_in_dim3A_41 = vector.broadcast %jit3A_40 : f32 to vector<16xf32>
      %select_n3A_42 = arith.select %eq3A_35, %get3A_27, %broadcast_in_dim3A_41 : vector<16xi1>, vector<16xf32>
      %reduce_sum3A_43 = arith.constant true
      %reduce_sum3A_44 = vector.broadcast %reduce_sum3A_43 : i1 to vector<16xi1>
      %reduce_sum3A_45 = tpu.scan <sum>, %select_n3A_42 masked %reduce_sum3A_44 : vector<16xf32>, vector<16xi1> -> vector<16xf32>
      %reduce_sum3A_46 = vector.extract %reduce_sum3A_45[15] : f32 from vector<16xf32>
      %jit3A_47 = arith.constant 0.000000e+00 : f32
      %broadcast_in_dim3A_48 = vector.broadcast %jit3A_47 : f32 to vector<16xf32>
      %select_n3A_49 = arith.select %eq3A_35, %get3A_31, %broadcast_in_dim3A_48 : vector<16xi1>, vector<16xf32>
      %reduce_sum3A_50 = arith.constant true
      %reduce_sum3A_51 = vector.broadcast %reduce_sum3A_50 : i1 to vector<16xi1>
      %reduce_sum3A_52 = tpu.scan <sum>, %select_n3A_49 masked %reduce_sum3A_51 : vector<16xf32>, vector<16xi1> -> vector<16xf32>
      %reduce_sum3A_53 = vector.extract %reduce_sum3A_52[15] : f32 from vector<16xf32>
      %mul3A_54 = arith.constant 16 : i32
      %mul3A_55 = arith.muli %scan3A_19, %mul3A_54 : i32
      %add3A_56 = arith.constant 0 : i32
      %add3A_57 = arith.addi %mul3A_55, %add3A_56 : i32
      %while3A = arith.constant 0 : i32
      %while3A_58 = arith.constant 0 : i32
      %while3A_59:2 = scf.while (%while3A_592 = %while3A, %while3A_593 = %while3A_58) : (i32, i32) -> (i32, i32) {
        %lt3A = arith.constant 320 : i32
        %lt3A_594 = arith.cmpi slt, %while3A_592, %lt3A : i32
        %lt3A_595 = arith.constant 32 : i32
        %lt3A_596 = arith.cmpi slt, %while3A_593, %lt3A_595 : i32
        %and3A = arith.andi %lt3A_594, %lt3A_596 : i1
        scf.condition(%and3A) %while3A_592, %while3A_593 : i32, i32
      } do {
      ^bb0(%while3A_592: i32, %while3A_593: i32):
        %mul3A_594 = arith.constant 2 : i32
        %mul3A_595 = arith.muli %while3A_592, %mul3A_594 : i32
        %add3A_596 = arith.constant 0 : i32
        %add3A_597 = arith.addi %mul3A_595, %add3A_596 : i32
        %mul3A_598 = arith.constant 16 : i32
        %mul3A_599 = arith.muli %add3A_597, %mul3A_598 : i32
        %get3A_600 = arith.index_cast %mul3A_599 : i32 to index
        %get3A_601 = tpu.vector_load %arg10[%get3A_600] {strides = array<i32>} : memref<10240xf32, #tpu.memory_space<vmem>>, vector<16xf32>,
        %get3A_602 = arith.index_cast %mul3A_599 : i32 to index
        %get3A_603 = tpu.vector_load %arg11[%get3A_602] {strides = array<i32>} : memref<10240xf32, #tpu.memory_space<vmem>>, vector<16xf32>,
        %get3A_604 = arith.index_cast %mul3A_599 : i32 to index
        %get3A_605 = tpu.vector_load %arg12[%get3A_604] {strides = array<i32>} : memref<10240xf32, #tpu.memory_space<vmem>>, vector<16xf32>,
        %sub3A = vector.broadcast %reduce_sum3A_39 : f32 to vector<16xf32>
        %sub3A_606 = arith.subf %get3A_601, %sub3A : vector<16xf32>
        %sub3A_607 = vector.broadcast %reduce_sum3A_46 : f32 to vector<16xf32>
        %sub3A_608 = arith.subf %get3A_603, %sub3A_607 : vector<16xf32>
        %sub3A_609 = vector.broadcast %reduce_sum3A_53 : f32 to vector<16xf32>
        %sub3A_610 = arith.subf %get3A_605, %sub3A_609 : vector<16xf32>
        %mul3A_611 = arith.mulf %sub3A_606, %sub3A_606 : vector<16xf32>
        %mul3A_612 = arith.mulf %sub3A_610, %sub3A_610 : vector<16xf32>
        %add3A_613 = arith.addf %mul3A_611, %mul3A_612 : vector<16xf32>
        %mul3A_614 = arith.mulf %sub3A_608, %sub3A_608 : vector<16xf32>
        %add3A_615 = arith.addf %add3A_613, %mul3A_614 : vector<16xf32>
        %le3A = arith.constant 2.500000e-01 : f32
        %le3A_616 = vector.broadcast %le3A : f32 to vector<16xf32>
        %le3A_617 = arith.cmpf ole, %add3A_615, %le3A_616 : vector<16xf32>
        %convert_element_type3A = arith.extui %le3A_617 : vector<16xi1> to vector<16xi32>
        %broadcast_in_dim3A_618 = arith.constant true
        %broadcast_in_dim3A_619 = vector.broadcast %broadcast_in_dim3A_618 : i1 to vector<16xi1>
        %masked_cumsum3A = tpu.scan <sum>, %convert_element_type3A masked %broadcast_in_dim3A_619 : vector<16xi32>, vector<16xi1> -> vector<16xi32>
        %sub3A_620 = arith.constant 1 : i32
        %sub3A_621 = arith.subi %while3A_593, %sub3A_620 : i32
        %add3A_622 = vector.broadcast %sub3A_621 : i32 to vector<16xi32>
        %add3A_623 = arith.addi %add3A_622, %masked_cumsum3A : vector<16xi32>
        %lt3A = arith.constant 32 : i32
        %lt3A_624 = vector.broadcast %lt3A : i32 to vector<16xi32>
        %lt3A_625 = arith.cmpi slt, %add3A_623, %lt3A_624 : vector<16xi32>
        %and3A = arith.andi %le3A_617, %lt3A_625 : vector<16xi1>
        %add3A_626 = vector.broadcast %mul3A_599 : i32 to vector<16xi32>
        %add3A_627 = arith.addi %add3A_626, %iota3A : vector<16xi32>
        %mul3A_628 = arith.constant 32 : i32
        %mul3A_629 = arith.muli %add3A_57, %mul3A_628 : i32
        %add3A_630 = vector.broadcast %mul3A_629 : i32 to vector<16xi32>
        %add3A_631 = arith.addi %add3A_630, %add3A_623 : vector<16xi32>
        tpu.vector_store_idx %arg16[%add3A_631], %add3A_627 masked %and3A : memref<2560xi32, #tpu.memory_space<vmem>>[vector<16xi32>], vector<16xi32>, vector<16xi1>
        %reduce_sum3A_632 = arith.constant true
        %reduce_sum3A_633 = vector.broadcast %reduce_sum3A_632 : i1 to vector<16xi1>
        %reduce_sum3A_634 = tpu.scan <sum>, %convert_element_type3A masked %reduce_sum3A_633 : vector<16xi32>, vector<16xi1> -> vector<16xi32>
        %reduce_sum3A_635 = vector.extract %reduce_sum3A_634[15] : i32 from vector<16xi32>
        %add3A_636 = arith.addi %while3A_593, %reduce_sum3A_635 : i32
        %mul3A_637 = arith.constant 2 : i32
        %mul3A_638 = arith.muli %while3A_592, %mul3A_637 : i32
        %add3A_639 = arith.constant 1 : i32
        %add3A_640 = arith.addi %mul3A_638, %add3A_639 : i32
        %mul3A_641 = arith.constant 16 : i32
        %mul3A_642 = arith.muli %add3A_640, %mul3A_641 : i32
        %get3A_643 = arith.index_cast %mul3A_642 : i32 to index
        %get3A_644 = tpu.vector_load %arg10[%get3A_643] {strides = array<i32>} : memref<10240xf32, #tpu.memory_space<vmem>>, vector<16xf32>,
        %get3A_645 = arith.index_cast %mul3A_642 : i32 to index
        %get3A_646 = tpu.vector_load %arg11[%get3A_645] {strides = array<i32>} : memref<10240xf32, #tpu.memory_space<vmem>>, vector<16xf32>,
        %get3A_647 = arith.index_cast %mul3A_642 : i32 to index
        %get3A_648 = tpu.vector_load %arg12[%get3A_647] {strides = array<i32>} : memref<10240xf32, #tpu.memory_space<vmem>>, vector<16xf32>,
        %sub3A_649 = vector.broadcast %reduce_sum3A_39 : f32 to vector<16xf32>
        %sub3A_650 = arith.subf %get3A_644, %sub3A_649 : vector<16xf32>
        %sub3A_651 = vector.broadcast %reduce_sum3A_46 : f32 to vector<16xf32>
        %sub3A_652 = arith.subf %get3A_646, %sub3A_651 : vector<16xf32>
        %sub3A_653 = vector.broadcast %reduce_sum3A_53 : f32 to vector<16xf32>
        %sub3A_654 = arith.subf %get3A_648, %sub3A_653 : vector<16xf32>
        %mul3A_655 = arith.mulf %sub3A_650, %sub3A_650 : vector<16xf32>
        %mul3A_656 = arith.mulf %sub3A_654, %sub3A_654 : vector<16xf32>
        %add3A_657 = arith.addf %mul3A_655, %mul3A_656 : vector<16xf32>
        %mul3A_658 = arith.mulf %sub3A_652, %sub3A_652 : vector<16xf32>
        %add3A_659 = arith.addf %add3A_657, %mul3A_658 : vector<16xf32>
        %le3A_660 = arith.constant 2.500000e-01 : f32
        %le3A_661 = vector.broadcast %le3A_660 : f32 to vector<16xf32>
        %le3A_662 = arith.cmpf ole, %add3A_659, %le3A_661 : vector<16xf32>
        %convert_element_type3A_663 = arith.extui %le3A_662 : vector<16xi1> to vector<16xi32>
        %broadcast_in_dim3A_664 = arith.constant true
        %broadcast_in_dim3A_665 = vector.broadcast %broadcast_in_dim3A_664 : i1 to vector<16xi1>
        %masked_cumsum3A_666 = tpu.scan <sum>, %convert_element_type3A_663 masked %broadcast_in_dim3A_665 : vector<16xi32>, vector<16xi1> -> vector<16xi32>
        %sub3A_667 = arith.constant 1 : i32
        %sub3A_668 = arith.subi %add3A_636, %sub3A_667 : i32
        %add3A_669 = vector.broadcast %sub3A_668 : i32 to vector<16xi32>
        %add3A_670 = arith.addi %add3A_669, %masked_cumsum3A_666 : vector<16xi32>
        %lt3A_671 = arith.constant 32 : i32
        %lt3A_672 = vector.broadcast %lt3A_671 : i32 to vector<16xi32>
        %lt3A_673 = arith.cmpi slt, %add3A_670, %lt3A_672 : vector<16xi32>
        %and3A_674 = arith.andi %le3A_662, %lt3A_673 : vector<16xi1>
        %add3A_675 = vector.broadcast %mul3A_642 : i32 to vector<16xi32>
        %add3A_676 = arith.addi %add3A_675, %iota3A : vector<16xi32>
        %mul3A_677 = arith.constant 32 : i32
        %mul3A_678 = arith.muli %add3A_57, %mul3A_677 : i32
        %add3A_679 = vector.broadcast %mul3A_678 : i32 to vector<16xi32>
        %add3A_680 = arith.addi %add3A_679, %add3A_670 : vector<16xi32>
        tpu.vector_store_idx %arg16[%add3A_680], %add3A_676 masked %and3A_674 : memref<2560xi32, #tpu.memory_space<vmem>>[vector<16xi32>], vector<16xi32>, vector<16xi1>
        %reduce_sum3A_681 = arith.constant true
        %reduce_sum3A_682 = vector.broadcast %reduce_sum3A_681 : i1 to vector<16xi1>
        %reduce_sum3A_683 = tpu.scan <sum>, %convert_element_type3A_663 masked %reduce_sum3A_682 : vector<16xi32>, vector<16xi1> -> vector<16xi32>
        %reduce_sum3A_684 = vector.extract %reduce_sum3A_683[15] : i32 from vector<16xi32>
        %add3A_685 = arith.addi %add3A_636, %reduce_sum3A_684 : i32
        %add3A_686 = arith.constant 1 : i32
        %add3A_687 = arith.addi %while3A_592, %add3A_686 : i32
        scf.yield %add3A_687, %add3A_685 : i32, i32
      }
      %min3A = arith.constant 32 : i32
      %min3A_60 = arith.minsi %while3A_59#1, %min3A : i32
      %broadcast_in_dim3A_61 = vector.broadcast %min3A_60 : i32 to vector<16xi32>
      %select_n3A_62 = arith.select %eq3A_35, %broadcast_in_dim3A_61, %broadcast_in_dim3A_33 : vector<16xi1>, vector<16xi32>
      %eq3A_63 = arith.constant 1 : i32
      %eq3A_64 = vector.broadcast %eq3A_63 : i32 to vector<16xi32>
      %eq3A_65 = arith.cmpi eq, %iota3A, %eq3A_64 : vector<16xi32>
      %jit3A_66 = arith.constant 0.000000e+00 : f32
      %broadcast_in_dim3A_67 = vector.broadcast %jit3A_66 : f32 to vector<16xf32>
      %select_n3A_68 = arith.select %eq3A_65, %get3A_23, %broadcast_in_dim3A_67 : vector<16xi1>, vector<16xf32>
      %reduce_sum3A_69 = arith.constant true
      %reduce_sum3A_70 = vector.broadcast %reduce_sum3A_69 : i1 to vector<16xi1>
      %reduce_sum3A_71 = tpu.scan <sum>, %select_n3A_68 masked %reduce_sum3A_70 : vector<16xf32>, vector<16xi1> -> vector<16xf32>
      %reduce_sum3A_72 = vector.extract %reduce_sum3A_71[15] : f32 from vector<16xf32>
      %jit3A_73 = arith.constant 0.000000e+00 : f32
      %broadcast_in_dim3A_74 = vector.broadcast %jit3A_73 : f32 to vector<16xf32>
      %select_n3A_75 = arith.select %eq3A_65, %get3A_27, %broadcast_in_dim3A_74 : vector<16xi1>, vector<16xf32>
      %reduce_sum3A_76 = arith.constant true
      %reduce_sum3A_77 = vector.broadcast %reduce_sum3A_76 : i1 to vector<16xi1>
      %reduce_sum3A_78 = tpu.scan <sum>, %select_n3A_75 masked %reduce_sum3A_77 : vector<16xf32>, vector<16xi1> -> vector<16xf32>
      %reduce_sum3A_79 = vector.extract %reduce_sum3A_78[15] : f32 from vector<16xf32>
      %jit3A_80 = arith.constant 0.000000e+00 : f32
      %broadcast_in_dim3A_81 = vector.broadcast %jit3A_80 : f32 to vector<16xf32>
      %select_n3A_82 = arith.select %eq3A_65, %get3A_31, %broadcast_in_dim3A_81 : vector<16xi1>, vector<16xf32>
      %reduce_sum3A_83 = arith.constant true
      %reduce_sum3A_84 = vector.broadcast %reduce_sum3A_83 : i1 to vector<16xi1>
      %reduce_sum3A_85 = tpu.scan <sum>, %select_n3A_82 masked %reduce_sum3A_84 : vector<16xf32>, vector<16xi1> -> vector<16xf32>
      %reduce_sum3A_86 = vector.extract %reduce_sum3A_85[15] : f32 from vector<16xf32>
      %mul3A_87 = arith.constant 16 : i32
      %mul3A_88 = arith.muli %scan3A_19, %mul3A_87 : i32
      %add3A_89 = arith.constant 1 : i32
      %add3A_90 = arith.addi %mul3A_88, %add3A_89 : i32
      %while3A_91 = arith.constant 0 : i32
      %while3A_92 = arith.constant 0 : i32
      %while3A_93:2 = scf.while (%while3A_592 = %while3A_91, %while3A_593 = %while3A_92) : (i32, i32) -> (i32, i32) {
        %lt3A = arith.constant 320 : i32
        %lt3A_594 = arith.cmpi slt, %while3A_592, %lt3A : i32
        %lt3A_595 = arith.constant 32 : i32
        %lt3A_596 = arith.cmpi slt, %while3A_593, %lt3A_595 : i32
        %and3A = arith.andi %lt3A_594, %lt3A_596 : i1
        scf.condition(%and3A) %while3A_592, %while3A_593 : i32, i32
      } do {
      ^bb0(%while3A_592: i32, %while3A_593: i32):
        %mul3A_594 = arith.constant 2 : i32
        %mul3A_595 = arith.muli %while3A_592, %mul3A_594 : i32
        %add3A_596 = arith.constant 0 : i32
        %add3A_597 = arith.addi %mul3A_595, %add3A_596 : i32
        %mul3A_598 = arith.constant 16 : i32
        %mul3A_599 = arith.muli %add3A_597, %mul3A_598 : i32
        %get3A_600 = arith.index_cast %mul3A_599 : i32 to index
        %get3A_601 = tpu.vector_load %arg10[%get3A_600] {strides = array<i32>} : memref<10240xf32, #tpu.memory_space<vmem>>, vector<16xf32>,
        %get3A_602 = arith.index_cast %mul3A_599 : i32 to index
        %get3A_603 = tpu.vector_load %arg11[%get3A_602] {strides = array<i32>} : memref<10240xf32, #tpu.memory_space<vmem>>, vector<16xf32>,
        %get3A_604 = arith.index_cast %mul3A_599 : i32 to index
        %get3A_605 = tpu.vector_load %arg12[%get3A_604] {strides = array<i32>} : memref<10240xf32, #tpu.memory_space<vmem>>, vector<16xf32>,
        %sub3A = vector.broadcast %reduce_sum3A_72 : f32 to vector<16xf32>
        %sub3A_606 = arith.subf %get3A_601, %sub3A : vector<16xf32>
        %sub3A_607 = vector.broadcast %reduce_sum3A_79 : f32 to vector<16xf32>
        %sub3A_608 = arith.subf %get3A_603, %sub3A_607 : vector<16xf32>
        %sub3A_609 = vector.broadcast %reduce_sum3A_86 : f32 to vector<16xf32>
        %sub3A_610 = arith.subf %get3A_605, %sub3A_609 : vector<16xf32>
        %mul3A_611 = arith.mulf %sub3A_606, %sub3A_606 : vector<16xf32>
        %mul3A_612 = arith.mulf %sub3A_610, %sub3A_610 : vector<16xf32>
        %add3A_613 = arith.addf %mul3A_611, %mul3A_612 : vector<16xf32>
        %mul3A_614 = arith.mulf %sub3A_608, %sub3A_608 : vector<16xf32>
        %add3A_615 = arith.addf %add3A_613, %mul3A_614 : vector<16xf32>
        %le3A = arith.constant 2.500000e-01 : f32
        %le3A_616 = vector.broadcast %le3A : f32 to vector<16xf32>
        %le3A_617 = arith.cmpf ole, %add3A_615, %le3A_616 : vector<16xf32>
        %convert_element_type3A = arith.extui %le3A_617 : vector<16xi1> to vector<16xi32>
        %broadcast_in_dim3A_618 = arith.constant true
        %broadcast_in_dim3A_619 = vector.broadcast %broadcast_in_dim3A_618 : i1 to vector<16xi1>
        %masked_cumsum3A = tpu.scan <sum>, %convert_element_type3A masked %broadcast_in_dim3A_619 : vector<16xi32>, vector<16xi1> -> vector<16xi32>
        %sub3A_620 = arith.constant 1 : i32
        %sub3A_621 = arith.subi %while3A_593, %sub3A_620 : i32
        %add3A_622 = vector.broadcast %sub3A_621 : i32 to vector<16xi32>
        %add3A_623 = arith.addi %add3A_622, %masked_cumsum3A : vector<16xi32>
        %lt3A = arith.constant 32 : i32
        %lt3A_624 = vector.broadcast %lt3A : i32 to vector<16xi32>
        %lt3A_625 = arith.cmpi slt, %add3A_623, %lt3A_624 : vector<16xi32>
        %and3A = arith.andi %le3A_617, %lt3A_625 : vector<16xi1>
        %add3A_626 = vector.broadcast %mul3A_599 : i32 to vector<16xi32>
        %add3A_627 = arith.addi %add3A_626, %iota3A : vector<16xi32>
        %mul3A_628 = arith.constant 32 : i32
        %mul3A_629 = arith.muli %add3A_90, %mul3A_628 : i32
        %add3A_630 = vector.broadcast %mul3A_629 : i32 to vector<16xi32>
        %add3A_631 = arith.addi %add3A_630, %add3A_623 : vector<16xi32>
        tpu.vector_store_idx %arg16[%add3A_631], %add3A_627 masked %and3A : memref<2560xi32, #tpu.memory_space<vmem>>[vector<16xi32>], vector<16xi32>, vector<16xi1>
        %reduce_sum3A_632 = arith.constant true
        %reduce_sum3A_633 = vector.broadcast %reduce_sum3A_632 : i1 to vector<16xi1>
        %reduce_sum3A_634 = tpu.scan <sum>, %convert_element_type3A masked %reduce_sum3A_633 : vector<16xi32>, vector<16xi1> -> vector<16xi32>
        %reduce_sum3A_635 = vector.extract %reduce_sum3A_634[15] : i32 from vector<16xi32>
        %add3A_636 = arith.addi %while3A_593, %reduce_sum3A_635 : i32
        %mul3A_637 = arith.constant 2 : i32
        %mul3A_638 = arith.muli %while3A_592, %mul3A_637 : i32
        %add3A_639 = arith.constant 1 : i32
        %add3A_640 = arith.addi %mul3A_638, %add3A_639 : i32
        %mul3A_641 = arith.constant 16 : i32
        %mul3A_642 = arith.muli %add3A_640, %mul3A_641 : i32
        %get3A_643 = arith.index_cast %mul3A_642 : i32 to index
        %get3A_644 = tpu.vector_load %arg10[%get3A_643] {strides = array<i32>} : memref<10240xf32, #tpu.memory_space<vmem>>, vector<16xf32>,
        %get3A_645 = arith.index_cast %mul3A_642 : i32 to index
        %get3A_646 = tpu.vector_load %arg11[%get3A_645] {strides = array<i32>} : memref<10240xf32, #tpu.memory_space<vmem>>, vector<16xf32>,
        %get3A_647 = arith.index_cast %mul3A_642 : i32 to index
        %get3A_648 = tpu.vector_load %arg12[%get3A_647] {strides = array<i32>} : memref<10240xf32, #tpu.memory_space<vmem>>, vector<16xf32>,
        %sub3A_649 = vector.broadcast %reduce_sum3A_72 : f32 to vector<16xf32>
        %sub3A_650 = arith.subf %get3A_644, %sub3A_649 : vector<16xf32>
        %sub3A_651 = vector.broadcast %reduce_sum3A_79 : f32 to vector<16xf32>
        %sub3A_652 = arith.subf %get3A_646, %sub3A_651 : vector<16xf32>
        %sub3A_653 = vector.broadcast %reduce_sum3A_86 : f32 to vector<16xf32>
        %sub3A_654 = arith.subf %get3A_648, %sub3A_653 : vector<16xf32>
        %mul3A_655 = arith.mulf %sub3A_650, %sub3A_650 : vector<16xf32>
        %mul3A_656 = arith.mulf %sub3A_654, %sub3A_654 : vector<16xf32>
        %add3A_657 = arith.addf %mul3A_655, %mul3A_656 : vector<16xf32>
        %mul3A_658 = arith.mulf %sub3A_652, %sub3A_652 : vector<16xf32>
        %add3A_659 = arith.addf %add3A_657, %mul3A_658 : vector<16xf32>
        %le3A_660 = arith.constant 2.500000e-01 : f32
        %le3A_661 = vector.broadcast %le3A_660 : f32 to vector<16xf32>
        %le3A_662 = arith.cmpf ole, %add3A_659, %le3A_661 : vector<16xf32>
        %convert_element_type3A_663 = arith.extui %le3A_662 : vector<16xi1> to vector<16xi32>
        %broadcast_in_dim3A_664 = arith.constant true
        %broadcast_in_dim3A_665 = vector.broadcast %broadcast_in_dim3A_664 : i1 to vector<16xi1>
        %masked_cumsum3A_666 = tpu.scan <sum>, %convert_element_type3A_663 masked %broadcast_in_dim3A_665 : vector<16xi32>, vector<16xi1> -> vector<16xi32>
        %sub3A_667 = arith.constant 1 : i32
        %sub3A_668 = arith.subi %add3A_636, %sub3A_667 : i32
        %add3A_669 = vector.broadcast %sub3A_668 : i32 to vector<16xi32>
        %add3A_670 = arith.addi %add3A_669, %masked_cumsum3A_666 : vector<16xi32>
        %lt3A_671 = arith.constant 32 : i32
        %lt3A_672 = vector.broadcast %lt3A_671 : i32 to vector<16xi32>
        %lt3A_673 = arith.cmpi slt, %add3A_670, %lt3A_672 : vector<16xi32>
        %and3A_674 = arith.andi %le3A_662, %lt3A_673 : vector<16xi1>
        %add3A_675 = vector.broadcast %mul3A_642 : i32 to vector<16xi32>
        %add3A_676 = arith.addi %add3A_675, %iota3A : vector<16xi32>
        %mul3A_677 = arith.constant 32 : i32
        %mul3A_678 = arith.muli %add3A_90, %mul3A_677 : i32
        %add3A_679 = vector.broadcast %mul3A_678 : i32 to vector<16xi32>
        %add3A_680 = arith.addi %add3A_679, %add3A_670 : vector<16xi32>
        tpu.vector_store_idx %arg16[%add3A_680], %add3A_676 masked %and3A_674 : memref<2560xi32, #tpu.memory_space<vmem>>[vector<16xi32>], vector<16xi32>, vector<16xi1>
        %reduce_sum3A_681 = arith.constant true
        %reduce_sum3A_682 = vector.broadcast %reduce_sum3A_681 : i1 to vector<16xi1>
        %reduce_sum3A_683 = tpu.scan <sum>, %convert_element_type3A_663 masked %reduce_sum3A_682 : vector<16xi32>, vector<16xi1> -> vector<16xi32>
        %reduce_sum3A_684 = vector.extract %reduce_sum3A_683[15] : i32 from vector<16xi32>
        %add3A_685 = arith.addi %add3A_636, %reduce_sum3A_684 : i32
        %add3A_686 = arith.constant 1 : i32
        %add3A_687 = arith.addi %while3A_592, %add3A_686 : i32
        scf.yield %add3A_687, %add3A_685 : i32, i32
      }
      %min3A_94 = arith.constant 32 : i32
      %min3A_95 = arith.minsi %while3A_93#1, %min3A_94 : i32
      %broadcast_in_dim3A_96 = vector.broadcast %min3A_95 : i32 to vector<16xi32>
      %select_n3A_97 = arith.select %eq3A_65, %broadcast_in_dim3A_96, %select_n3A_62 : vector<16xi1>, vector<16xi32>
      %eq3A_98 = arith.constant 2 : i32
      %eq3A_99 = vector.broadcast %eq3A_98 : i32 to vector<16xi32>
      %eq3A_100 = arith.cmpi eq, %iota3A, %eq3A_99 : vector<16xi32>
      %jit3A_101 = arith.constant 0.000000e+00 : f32
      %broadcast_in_dim3A_102 = vector.broadcast %jit3A_101 : f32 to vector<16xf32>
      %select_n3A_103 = arith.select %eq3A_100, %get3A_23, %broadcast_in_dim3A_102 : vector<16xi1>, vector<16xf32>
      %reduce_sum3A_104 = arith.constant true
      %reduce_sum3A_105 = vector.broadcast %reduce_sum3A_104 : i1 to vector<16xi1>
      %reduce_sum3A_106 = tpu.scan <sum>, %select_n3A_103 masked %reduce_sum3A_105 : vector<16xf32>, vector<16xi1> -> vector<16xf32>
      %reduce_sum3A_107 = vector.extract %reduce_sum3A_106[15] : f32 from vector<16xf32>
      %jit3A_108 = arith.constant 0.000000e+00 : f32
      %broadcast_in_dim3A_109 = vector.broadcast %jit3A_108 : f32 to vector<16xf32>
      %select_n3A_110 = arith.select %eq3A_100, %get3A_27, %broadcast_in_dim3A_109 : vector<16xi1>, vector<16xf32>
      %reduce_sum3A_111 = arith.constant true
      %reduce_sum3A_112 = vector.broadcast %reduce_sum3A_111 : i1 to vector<16xi1>
      %reduce_sum3A_113 = tpu.scan <sum>, %select_n3A_110 masked %reduce_sum3A_112 : vector<16xf32>, vector<16xi1> -> vector<16xf32>
      %reduce_sum3A_114 = vector.extract %reduce_sum3A_113[15] : f32 from vector<16xf32>
      %jit3A_115 = arith.constant 0.000000e+00 : f32
      %broadcast_in_dim3A_116 = vector.broadcast %jit3A_115 : f32 to vector<16xf32>
      %select_n3A_117 = arith.select %eq3A_100, %get3A_31, %broadcast_in_dim3A_116 : vector<16xi1>, vector<16xf32>
      %reduce_sum3A_118 = arith.constant true
      %reduce_sum3A_119 = vector.broadcast %reduce_sum3A_118 : i1 to vector<16xi1>
      %reduce_sum3A_120 = tpu.scan <sum>, %select_n3A_117 masked %reduce_sum3A_119 : vector<16xf32>, vector<16xi1> -> vector<16xf32>
      %reduce_sum3A_121 = vector.extract %reduce_sum3A_120[15] : f32 from vector<16xf32>
      %mul3A_122 = arith.constant 16 : i32
      %mul3A_123 = arith.muli %scan3A_19, %mul3A_122 : i32
      %add3A_124 = arith.constant 2 : i32
      %add3A_125 = arith.addi %mul3A_123, %add3A_124 : i32
      %while3A_126 = arith.constant 0 : i32
      %while3A_127 = arith.constant 0 : i32
      %while3A_128:2 = scf.while (%while3A_592 = %while3A_126, %while3A_593 = %while3A_127) : (i32, i32) -> (i32, i32) {
        %lt3A = arith.constant 320 : i32
        %lt3A_594 = arith.cmpi slt, %while3A_592, %lt3A : i32
        %lt3A_595 = arith.constant 32 : i32
        %lt3A_596 = arith.cmpi slt, %while3A_593, %lt3A_595 : i32
        %and3A = arith.andi %lt3A_594, %lt3A_596 : i1
        scf.condition(%and3A) %while3A_592, %while3A_593 : i32, i32
      } do {
      ^bb0(%while3A_592: i32, %while3A_593: i32):
        %mul3A_594 = arith.constant 2 : i32
        %mul3A_595 = arith.muli %while3A_592, %mul3A_594 : i32
        %add3A_596 = arith.constant 0 : i32
        %add3A_597 = arith.addi %mul3A_595, %add3A_596 : i32
        %mul3A_598 = arith.constant 16 : i32
        %mul3A_599 = arith.muli %add3A_597, %mul3A_598 : i32
        %get3A_600 = arith.index_cast %mul3A_599 : i32 to index
        %get3A_601 = tpu.vector_load %arg10[%get3A_600] {strides = array<i32>} : memref<10240xf32, #tpu.memory_space<vmem>>, vector<16xf32>,
        %get3A_602 = arith.index_cast %mul3A_599 : i32 to index
        %get3A_603 = tpu.vector_load %arg11[%get3A_602] {strides = array<i32>} : memref<10240xf32, #tpu.memory_space<vmem>>, vector<16xf32>,
        %get3A_604 = arith.index_cast %mul3A_599 : i32 to index
        %get3A_605 = tpu.vector_load %arg12[%get3A_604] {strides = array<i32>} : memref<10240xf32, #tpu.memory_space<vmem>>, vector<16xf32>,
        %sub3A = vector.broadcast %reduce_sum3A_107 : f32 to vector<16xf32>
        %sub3A_606 = arith.subf %get3A_601, %sub3A : vector<16xf32>
        %sub3A_607 = vector.broadcast %reduce_sum3A_114 : f32 to vector<16xf32>
        %sub3A_608 = arith.subf %get3A_603, %sub3A_607 : vector<16xf32>
        %sub3A_609 = vector.broadcast %reduce_sum3A_121 : f32 to vector<16xf32>
        %sub3A_610 = arith.subf %get3A_605, %sub3A_609 : vector<16xf32>
        %mul3A_611 = arith.mulf %sub3A_606, %sub3A_606 : vector<16xf32>
        %mul3A_612 = arith.mulf %sub3A_610, %sub3A_610 : vector<16xf32>
        %add3A_613 = arith.addf %mul3A_611, %mul3A_612 : vector<16xf32>
        %mul3A_614 = arith.mulf %sub3A_608, %sub3A_608 : vector<16xf32>
        %add3A_615 = arith.addf %add3A_613, %mul3A_614 : vector<16xf32>
        %le3A = arith.constant 2.500000e-01 : f32
        %le3A_616 = vector.broadcast %le3A : f32 to vector<16xf32>
        %le3A_617 = arith.cmpf ole, %add3A_615, %le3A_616 : vector<16xf32>
        %convert_element_type3A = arith.extui %le3A_617 : vector<16xi1> to vector<16xi32>
        %broadcast_in_dim3A_618 = arith.constant true
        %broadcast_in_dim3A_619 = vector.broadcast %broadcast_in_dim3A_618 : i1 to vector<16xi1>
        %masked_cumsum3A = tpu.scan <sum>, %convert_element_type3A masked %broadcast_in_dim3A_619 : vector<16xi32>, vector<16xi1> -> vector<16xi32>
        %sub3A_620 = arith.constant 1 : i32
        %sub3A_621 = arith.subi %while3A_593, %sub3A_620 : i32
        %add3A_622 = vector.broadcast %sub3A_621 : i32 to vector<16xi32>
        %add3A_623 = arith.addi %add3A_622, %masked_cumsum3A : vector<16xi32>
        %lt3A = arith.constant 32 : i32
        %lt3A_624 = vector.broadcast %lt3A : i32 to vector<16xi32>
        %lt3A_625 = arith.cmpi slt, %add3A_623, %lt3A_624 : vector<16xi32>
        %and3A = arith.andi %le3A_617, %lt3A_625 : vector<16xi1>
        %add3A_626 = vector.broadcast %mul3A_599 : i32 to vector<16xi32>
        %add3A_627 = arith.addi %add3A_626, %iota3A : vector<16xi32>
        %mul3A_628 = arith.constant 32 : i32
        %mul3A_629 = arith.muli %add3A_125, %mul3A_628 : i32
        %add3A_630 = vector.broadcast %mul3A_629 : i32 to vector<16xi32>
        %add3A_631 = arith.addi %add3A_630, %add3A_623 : vector<16xi32>
        tpu.vector_store_idx %arg16[%add3A_631], %add3A_627 masked %and3A : memref<2560xi32, #tpu.memory_space<vmem>>[vector<16xi32>], vector<16xi32>, vector<16xi1>
        %reduce_sum3A_632 = arith.constant true
        %reduce_sum3A_633 = vector.broadcast %reduce_sum3A_632 : i1 to vector<16xi1>
        %reduce_sum3A_634 = tpu.scan <sum>, %convert_element_type3A masked %reduce_sum3A_633 : vector<16xi32>, vector<16xi1> -> vector<16xi32>
        %reduce_sum3A_635 = vector.extract %reduce_sum3A_634[15] : i32 from vector<16xi32>
        %add3A_636 = arith.addi %while3A_593, %reduce_sum3A_635 : i32
        %mul3A_637 = arith.constant 2 : i32
        %mul3A_638 = arith.muli %while3A_592, %mul3A_637 : i32
        %add3A_639 = arith.constant 1 : i32
        %add3A_640 = arith.addi %mul3A_638, %add3A_639 : i32
        %mul3A_641 = arith.constant 16 : i32
        %mul3A_642 = arith.muli %add3A_640, %mul3A_641 : i32
        %get3A_643 = arith.index_cast %mul3A_642 : i32 to index
        %get3A_644 = tpu.vector_load %arg10[%get3A_643] {strides = array<i32>} : memref<10240xf32, #tpu.memory_space<vmem>>, vector<16xf32>,
        %get3A_645 = arith.index_cast %mul3A_642 : i32 to index
        %get3A_646 = tpu.vector_load %arg11[%get3A_645] {strides = array<i32>} : memref<10240xf32, #tpu.memory_space<vmem>>, vector<16xf32>,
        %get3A_647 = arith.index_cast %mul3A_642 : i32 to index
        %get3A_648 = tpu.vector_load %arg12[%get3A_647] {strides = array<i32>} : memref<10240xf32, #tpu.memory_space<vmem>>, vector<16xf32>,
        %sub3A_649 = vector.broadcast %reduce_sum3A_107 : f32 to vector<16xf32>
        %sub3A_650 = arith.subf %get3A_644, %sub3A_649 : vector<16xf32>
        %sub3A_651 = vector.broadcast %reduce_sum3A_114 : f32 to vector<16xf32>
        %sub3A_652 = arith.subf %get3A_646, %sub3A_651 : vector<16xf32>
        %sub3A_653 = vector.broadcast %reduce_sum3A_121 : f32 to vector<16xf32>
        %sub3A_654 = arith.subf %get3A_648, %sub3A_653 : vector<16xf32>
        %mul3A_655 = arith.mulf %sub3A_650, %sub3A_650 : vector<16xf32>
        %mul3A_656 = arith.mulf %sub3A_654, %sub3A_654 : vector<16xf32>
        %add3A_657 = arith.addf %mul3A_655, %mul3A_656 : vector<16xf32>
        %mul3A_658 = arith.mulf %sub3A_652, %sub3A_652 : vector<16xf32>
        %add3A_659 = arith.addf %add3A_657, %mul3A_658 : vector<16xf32>
        %le3A_660 = arith.constant 2.500000e-01 : f32
        %le3A_661 = vector.broadcast %le3A_660 : f32 to vector<16xf32>
        %le3A_662 = arith.cmpf ole, %add3A_659, %le3A_661 : vector<16xf32>
        %convert_element_type3A_663 = arith.extui %le3A_662 : vector<16xi1> to vector<16xi32>
        %broadcast_in_dim3A_664 = arith.constant true
        %broadcast_in_dim3A_665 = vector.broadcast %broadcast_in_dim3A_664 : i1 to vector<16xi1>
        %masked_cumsum3A_666 = tpu.scan <sum>, %convert_element_type3A_663 masked %broadcast_in_dim3A_665 : vector<16xi32>, vector<16xi1> -> vector<16xi32>
        %sub3A_667 = arith.constant 1 : i32
        %sub3A_668 = arith.subi %add3A_636, %sub3A_667 : i32
        %add3A_669 = vector.broadcast %sub3A_668 : i32 to vector<16xi32>
        %add3A_670 = arith.addi %add3A_669, %masked_cumsum3A_666 : vector<16xi32>
        %lt3A_671 = arith.constant 32 : i32
        %lt3A_672 = vector.broadcast %lt3A_671 : i32 to vector<16xi32>
        %lt3A_673 = arith.cmpi slt, %add3A_670, %lt3A_672 : vector<16xi32>
        %and3A_674 = arith.andi %le3A_662, %lt3A_673 : vector<16xi1>
        %add3A_675 = vector.broadcast %mul3A_642 : i32 to vector<16xi32>
        %add3A_676 = arith.addi %add3A_675, %iota3A : vector<16xi32>
        %mul3A_677 = arith.constant 32 : i32
        %mul3A_678 = arith.muli %add3A_125, %mul3A_677 : i32
        %add3A_679 = vector.broadcast %mul3A_678 : i32 to vector<16xi32>
        %add3A_680 = arith.addi %add3A_679, %add3A_670 : vector<16xi32>
        tpu.vector_store_idx %arg16[%add3A_680], %add3A_676 masked %and3A_674 : memref<2560xi32, #tpu.memory_space<vmem>>[vector<16xi32>], vector<16xi32>, vector<16xi1>
        %reduce_sum3A_681 = arith.constant true
        %reduce_sum3A_682 = vector.broadcast %reduce_sum3A_681 : i1 to vector<16xi1>
        %reduce_sum3A_683 = tpu.scan <sum>, %convert_element_type3A_663 masked %reduce_sum3A_682 : vector<16xi32>, vector<16xi1> -> vector<16xi32>
        %reduce_sum3A_684 = vector.extract %reduce_sum3A_683[15] : i32 from vector<16xi32>
        %add3A_685 = arith.addi %add3A_636, %reduce_sum3A_684 : i32
        %add3A_686 = arith.constant 1 : i32
        %add3A_687 = arith.addi %while3A_592, %add3A_686 : i32
        scf.yield %add3A_687, %add3A_685 : i32, i32
      }
      %min3A_129 = arith.constant 32 : i32
      %min3A_130 = arith.minsi %while3A_128#1, %min3A_129 : i32
      %broadcast_in_dim3A_131 = vector.broadcast %min3A_130 : i32 to vector<16xi32>
      %select_n3A_132 = arith.select %eq3A_100, %broadcast_in_dim3A_131, %select_n3A_97 : vector<16xi1>, vector<16xi32>
      %eq3A_133 = arith.constant 3 : i32
      %eq3A_134 = vector.broadcast %eq3A_133 : i32 to vector<16xi32>
      %eq3A_135 = arith.cmpi eq, %iota3A, %eq3A_134 : vector<16xi32>
      %jit3A_136 = arith.constant 0.000000e+00 : f32
      %broadcast_in_dim3A_137 = vector.broadcast %jit3A_136 : f32 to vector<16xf32>
      %select_n3A_138 = arith.select %eq3A_135, %get3A_23, %broadcast_in_dim3A_137 : vector<16xi1>, vector<16xf32>
      %reduce_sum3A_139 = arith.constant true
      %reduce_sum3A_140 = vector.broadcast %reduce_sum3A_139 : i1 to vector<16xi1>
      %reduce_sum3A_141 = tpu.scan <sum>, %select_n3A_138 masked %reduce_sum3A_140 : vector<16xf32>, vector<16xi1> -> vector<16xf32>
      %reduce_sum3A_142 = vector.extract %reduce_sum3A_141[15] : f32 from vector<16xf32>
      %jit3A_143 = arith.constant 0.000000e+00 : f32
      %broadcast_in_dim3A_144 = vector.broadcast %jit3A_143 : f32 to vector<16xf32>
      %select_n3A_145 = arith.select %eq3A_135, %get3A_27, %broadcast_in_dim3A_144 : vector<16xi1>, vector<16xf32>
      %reduce_sum3A_146 = arith.constant true
      %reduce_sum3A_147 = vector.broadcast %reduce_sum3A_146 : i1 to vector<16xi1>
      %reduce_sum3A_148 = tpu.scan <sum>, %select_n3A_145 masked %reduce_sum3A_147 : vector<16xf32>, vector<16xi1> -> vector<16xf32>
      %reduce_sum3A_149 = vector.extract %reduce_sum3A_148[15] : f32 from vector<16xf32>
      %jit3A_150 = arith.constant 0.000000e+00 : f32
      %broadcast_in_dim3A_151 = vector.broadcast %jit3A_150 : f32 to vector<16xf32>
      %select_n3A_152 = arith.select %eq3A_135, %get3A_31, %broadcast_in_dim3A_151 : vector<16xi1>, vector<16xf32>
      %reduce_sum3A_153 = arith.constant true
      %reduce_sum3A_154 = vector.broadcast %reduce_sum3A_153 : i1 to vector<16xi1>
      %reduce_sum3A_155 = tpu.scan <sum>, %select_n3A_152 masked %reduce_sum3A_154 : vector<16xf32>, vector<16xi1> -> vector<16xf32>
      %reduce_sum3A_156 = vector.extract %reduce_sum3A_155[15] : f32 from vector<16xf32>
      %mul3A_157 = arith.constant 16 : i32
      %mul3A_158 = arith.muli %scan3A_19, %mul3A_157 : i32
      %add3A_159 = arith.constant 3 : i32
      %add3A_160 = arith.addi %mul3A_158, %add3A_159 : i32
      %while3A_161 = arith.constant 0 : i32
      %while3A_162 = arith.constant 0 : i32
      %while3A_163:2 = scf.while (%while3A_592 = %while3A_161, %while3A_593 = %while3A_162) : (i32, i32) -> (i32, i32) {
        %lt3A = arith.constant 320 : i32
        %lt3A_594 = arith.cmpi slt, %while3A_592, %lt3A : i32
        %lt3A_595 = arith.constant 32 : i32
        %lt3A_596 = arith.cmpi slt, %while3A_593, %lt3A_595 : i32
        %and3A = arith.andi %lt3A_594, %lt3A_596 : i1
        scf.condition(%and3A) %while3A_592, %while3A_593 : i32, i32
      } do {
      ^bb0(%while3A_592: i32, %while3A_593: i32):
        %mul3A_594 = arith.constant 2 : i32
        %mul3A_595 = arith.muli %while3A_592, %mul3A_594 : i32
        %add3A_596 = arith.constant 0 : i32
        %add3A_597 = arith.addi %mul3A_595, %add3A_596 : i32
        %mul3A_598 = arith.constant 16 : i32
        %mul3A_599 = arith.muli %add3A_597, %mul3A_598 : i32
        %get3A_600 = arith.index_cast %mul3A_599 : i32 to index
        %get3A_601 = tpu.vector_load %arg10[%get3A_600] {strides = array<i32>} : memref<10240xf32, #tpu.memory_space<vmem>>, vector<16xf32>,
        %get3A_602 = arith.index_cast %mul3A_599 : i32 to index
        %get3A_603 = tpu.vector_load %arg11[%get3A_602] {strides = array<i32>} : memref<10240xf32, #tpu.memory_space<vmem>>, vector<16xf32>,
        %get3A_604 = arith.index_cast %mul3A_599 : i32 to index
        %get3A_605 = tpu.vector_load %arg12[%get3A_604] {strides = array<i32>} : memref<10240xf32, #tpu.memory_space<vmem>>, vector<16xf32>,
        %sub3A = vector.broadcast %reduce_sum3A_142 : f32 to vector<16xf32>
        %sub3A_606 = arith.subf %get3A_601, %sub3A : vector<16xf32>
        %sub3A_607 = vector.broadcast %reduce_sum3A_149 : f32 to vector<16xf32>
        %sub3A_608 = arith.subf %get3A_603, %sub3A_607 : vector<16xf32>
        %sub3A_609 = vector.broadcast %reduce_sum3A_156 : f32 to vector<16xf32>
        %sub3A_610 = arith.subf %get3A_605, %sub3A_609 : vector<16xf32>
        %mul3A_611 = arith.mulf %sub3A_606, %sub3A_606 : vector<16xf32>
        %mul3A_612 = arith.mulf %sub3A_610, %sub3A_610 : vector<16xf32>
        %add3A_613 = arith.addf %mul3A_611, %mul3A_612 : vector<16xf32>
        %mul3A_614 = arith.mulf %sub3A_608, %sub3A_608 : vector<16xf32>
        %add3A_615 = arith.addf %add3A_613, %mul3A_614 : vector<16xf32>
        %le3A = arith.constant 2.500000e-01 : f32
        %le3A_616 = vector.broadcast %le3A : f32 to vector<16xf32>
        %le3A_617 = arith.cmpf ole, %add3A_615, %le3A_616 : vector<16xf32>
        %convert_element_type3A = arith.extui %le3A_617 : vector<16xi1> to vector<16xi32>
        %broadcast_in_dim3A_618 = arith.constant true
        %broadcast_in_dim3A_619 = vector.broadcast %broadcast_in_dim3A_618 : i1 to vector<16xi1>
        %masked_cumsum3A = tpu.scan <sum>, %convert_element_type3A masked %broadcast_in_dim3A_619 : vector<16xi32>, vector<16xi1> -> vector<16xi32>
        %sub3A_620 = arith.constant 1 : i32
        %sub3A_621 = arith.subi %while3A_593, %sub3A_620 : i32
        %add3A_622 = vector.broadcast %sub3A_621 : i32 to vector<16xi32>
        %add3A_623 = arith.addi %add3A_622, %masked_cumsum3A : vector<16xi32>
        %lt3A = arith.constant 32 : i32
        %lt3A_624 = vector.broadcast %lt3A : i32 to vector<16xi32>
        %lt3A_625 = arith.cmpi slt, %add3A_623, %lt3A_624 : vector<16xi32>
        %and3A = arith.andi %le3A_617, %lt3A_625 : vector<16xi1>
        %add3A_626 = vector.broadcast %mul3A_599 : i32 to vector<16xi32>
        %add3A_627 = arith.addi %add3A_626, %iota3A : vector<16xi32>
        %mul3A_628 = arith.constant 32 : i32
        %mul3A_629 = arith.muli %add3A_160, %mul3A_628 : i32
        %add3A_630 = vector.broadcast %mul3A_629 : i32 to vector<16xi32>
        %add3A_631 = arith.addi %add3A_630, %add3A_623 : vector<16xi32>
        tpu.vector_store_idx %arg16[%add3A_631], %add3A_627 masked %and3A : memref<2560xi32, #tpu.memory_space<vmem>>[vector<16xi32>], vector<16xi32>, vector<16xi1>
        %reduce_sum3A_632 = arith.constant true
        %reduce_sum3A_633 = vector.broadcast %reduce_sum3A_632 : i1 to vector<16xi1>
        %reduce_sum3A_634 = tpu.scan <sum>, %convert_element_type3A masked %reduce_sum3A_633 : vector<16xi32>, vector<16xi1> -> vector<16xi32>
        %reduce_sum3A_635 = vector.extract %reduce_sum3A_634[15] : i32 from vector<16xi32>
        %add3A_636 = arith.addi %while3A_593, %reduce_sum3A_635 : i32
        %mul3A_637 = arith.constant 2 : i32
        %mul3A_638 = arith.muli %while3A_592, %mul3A_637 : i32
        %add3A_639 = arith.constant 1 : i32
        %add3A_640 = arith.addi %mul3A_638, %add3A_639 : i32
        %mul3A_641 = arith.constant 16 : i32
        %mul3A_642 = arith.muli %add3A_640, %mul3A_641 : i32
        %get3A_643 = arith.index_cast %mul3A_642 : i32 to index
        %get3A_644 = tpu.vector_load %arg10[%get3A_643] {strides = array<i32>} : memref<10240xf32, #tpu.memory_space<vmem>>, vector<16xf32>,
        %get3A_645 = arith.index_cast %mul3A_642 : i32 to index
        %get3A_646 = tpu.vector_load %arg11[%get3A_645] {strides = array<i32>} : memref<10240xf32, #tpu.memory_space<vmem>>, vector<16xf32>,
        %get3A_647 = arith.index_cast %mul3A_642 : i32 to index
        %get3A_648 = tpu.vector_load %arg12[%get3A_647] {strides = array<i32>} : memref<10240xf32, #tpu.memory_space<vmem>>, vector<16xf32>,
        %sub3A_649 = vector.broadcast %reduce_sum3A_142 : f32 to vector<16xf32>
        %sub3A_650 = arith.subf %get3A_644, %sub3A_649 : vector<16xf32>
        %sub3A_651 = vector.broadcast %reduce_sum3A_149 : f32 to vector<16xf32>
        %sub3A_652 = arith.subf %get3A_646, %sub3A_651 : vector<16xf32>
        %sub3A_653 = vector.broadcast %reduce_sum3A_156 : f32 to vector<16xf32>
        %sub3A_654 = arith.subf %get3A_648, %sub3A_653 : vector<16xf32>
        %mul3A_655 = arith.mulf %sub3A_650, %sub3A_650 : vector<16xf32>
        %mul3A_656 = arith.mulf %sub3A_654, %sub3A_654 : vector<16xf32>
        %add3A_657 = arith.addf %mul3A_655, %mul3A_656 : vector<16xf32>
        %mul3A_658 = arith.mulf %sub3A_652, %sub3A_652 : vector<16xf32>
        %add3A_659 = arith.addf %add3A_657, %mul3A_658 : vector<16xf32>
        %le3A_660 = arith.constant 2.500000e-01 : f32
        %le3A_661 = vector.broadcast %le3A_660 : f32 to vector<16xf32>
        %le3A_662 = arith.cmpf ole, %add3A_659, %le3A_661 : vector<16xf32>
        %convert_element_type3A_663 = arith.extui %le3A_662 : vector<16xi1> to vector<16xi32>
        %broadcast_in_dim3A_664 = arith.constant true
        %broadcast_in_dim3A_665 = vector.broadcast %broadcast_in_dim3A_664 : i1 to vector<16xi1>
        %masked_cumsum3A_666 = tpu.scan <sum>, %convert_element_type3A_663 masked %broadcast_in_dim3A_665 : vector<16xi32>, vector<16xi1> -> vector<16xi32>
        %sub3A_667 = arith.constant 1 : i32
        %sub3A_668 = arith.subi %add3A_636, %sub3A_667 : i32
        %add3A_669 = vector.broadcast %sub3A_668 : i32 to vector<16xi32>
        %add3A_670 = arith.addi %add3A_669, %masked_cumsum3A_666 : vector<16xi32>
        %lt3A_671 = arith.constant 32 : i32
        %lt3A_672 = vector.broadcast %lt3A_671 : i32 to vector<16xi32>
        %lt3A_673 = arith.cmpi slt, %add3A_670, %lt3A_672 : vector<16xi32>
        %and3A_674 = arith.andi %le3A_662, %lt3A_673 : vector<16xi1>
        %add3A_675 = vector.broadcast %mul3A_642 : i32 to vector<16xi32>
        %add3A_676 = arith.addi %add3A_675, %iota3A : vector<16xi32>
        %mul3A_677 = arith.constant 32 : i32
        %mul3A_678 = arith.muli %add3A_160, %mul3A_677 : i32
        %add3A_679 = vector.broadcast %mul3A_678 : i32 to vector<16xi32>
        %add3A_680 = arith.addi %add3A_679, %add3A_670 : vector<16xi32>
        tpu.vector_store_idx %arg16[%add3A_680], %add3A_676 masked %and3A_674 : memref<2560xi32, #tpu.memory_space<vmem>>[vector<16xi32>], vector<16xi32>, vector<16xi1>
        %reduce_sum3A_681 = arith.constant true
        %reduce_sum3A_682 = vector.broadcast %reduce_sum3A_681 : i1 to vector<16xi1>
        %reduce_sum3A_683 = tpu.scan <sum>, %convert_element_type3A_663 masked %reduce_sum3A_682 : vector<16xi32>, vector<16xi1> -> vector<16xi32>
        %reduce_sum3A_684 = vector.extract %reduce_sum3A_683[15] : i32 from vector<16xi32>
        %add3A_685 = arith.addi %add3A_636, %reduce_sum3A_684 : i32
        %add3A_686 = arith.constant 1 : i32
        %add3A_687 = arith.addi %while3A_592, %add3A_686 : i32
        scf.yield %add3A_687, %add3A_685 : i32, i32
      }
      %min3A_164 = arith.constant 32 : i32
      %min3A_165 = arith.minsi %while3A_163#1, %min3A_164 : i32
      %broadcast_in_dim3A_166 = vector.broadcast %min3A_165 : i32 to vector<16xi32>
      %select_n3A_167 = arith.select %eq3A_135, %broadcast_in_dim3A_166, %select_n3A_132 : vector<16xi1>, vector<16xi32>
      %eq3A_168 = arith.constant 4 : i32
      %eq3A_169 = vector.broadcast %eq3A_168 : i32 to vector<16xi32>
      %eq3A_170 = arith.cmpi eq, %iota3A, %eq3A_169 : vector<16xi32>
      %jit3A_171 = arith.constant 0.000000e+00 : f32
      %broadcast_in_dim3A_172 = vector.broadcast %jit3A_171 : f32 to vector<16xf32>
      %select_n3A_173 = arith.select %eq3A_170, %get3A_23, %broadcast_in_dim3A_172 : vector<16xi1>, vector<16xf32>
      %reduce_sum3A_174 = arith.constant true
      %reduce_sum3A_175 = vector.broadcast %reduce_sum3A_174 : i1 to vector<16xi1>
      %reduce_sum3A_176 = tpu.scan <sum>, %select_n3A_173 masked %reduce_sum3A_175 : vector<16xf32>, vector<16xi1> -> vector<16xf32>
      %reduce_sum3A_177 = vector.extract %reduce_sum3A_176[15] : f32 from vector<16xf32>
      %jit3A_178 = arith.constant 0.000000e+00 : f32
      %broadcast_in_dim3A_179 = vector.broadcast %jit3A_178 : f32 to vector<16xf32>
      %select_n3A_180 = arith.select %eq3A_170, %get3A_27, %broadcast_in_dim3A_179 : vector<16xi1>, vector<16xf32>
      %reduce_sum3A_181 = arith.constant true
      %reduce_sum3A_182 = vector.broadcast %reduce_sum3A_181 : i1 to vector<16xi1>
      %reduce_sum3A_183 = tpu.scan <sum>, %select_n3A_180 masked %reduce_sum3A_182 : vector<16xf32>, vector<16xi1> -> vector<16xf32>
      %reduce_sum3A_184 = vector.extract %reduce_sum3A_183[15] : f32 from vector<16xf32>
      %jit3A_185 = arith.constant 0.000000e+00 : f32
      %broadcast_in_dim3A_186 = vector.broadcast %jit3A_185 : f32 to vector<16xf32>
      %select_n3A_187 = arith.select %eq3A_170, %get3A_31, %broadcast_in_dim3A_186 : vector<16xi1>, vector<16xf32>
      %reduce_sum3A_188 = arith.constant true
      %reduce_sum3A_189 = vector.broadcast %reduce_sum3A_188 : i1 to vector<16xi1>
      %reduce_sum3A_190 = tpu.scan <sum>, %select_n3A_187 masked %reduce_sum3A_189 : vector<16xf32>, vector<16xi1> -> vector<16xf32>
      %reduce_sum3A_191 = vector.extract %reduce_sum3A_190[15] : f32 from vector<16xf32>
      %mul3A_192 = arith.constant 16 : i32
      %mul3A_193 = arith.muli %scan3A_19, %mul3A_192 : i32
      %add3A_194 = arith.constant 4 : i32
      %add3A_195 = arith.addi %mul3A_193, %add3A_194 : i32
      %while3A_196 = arith.constant 0 : i32
      %while3A_197 = arith.constant 0 : i32
      %while3A_198:2 = scf.while (%while3A_592 = %while3A_196, %while3A_593 = %while3A_197) : (i32, i32) -> (i32, i32) {
        %lt3A = arith.constant 320 : i32
        %lt3A_594 = arith.cmpi slt, %while3A_592, %lt3A : i32
        %lt3A_595 = arith.constant 32 : i32
        %lt3A_596 = arith.cmpi slt, %while3A_593, %lt3A_595 : i32
        %and3A = arith.andi %lt3A_594, %lt3A_596 : i1
        scf.condition(%and3A) %while3A_592, %while3A_593 : i32, i32
      } do {
      ^bb0(%while3A_592: i32, %while3A_593: i32):
        %mul3A_594 = arith.constant 2 : i32
        %mul3A_595 = arith.muli %while3A_592, %mul3A_594 : i32
        %add3A_596 = arith.constant 0 : i32
        %add3A_597 = arith.addi %mul3A_595, %add3A_596 : i32
        %mul3A_598 = arith.constant 16 : i32
        %mul3A_599 = arith.muli %add3A_597, %mul3A_598 : i32
        %get3A_600 = arith.index_cast %mul3A_599 : i32 to index
        %get3A_601 = tpu.vector_load %arg10[%get3A_600] {strides = array<i32>} : memref<10240xf32, #tpu.memory_space<vmem>>, vector<16xf32>,
        %get3A_602 = arith.index_cast %mul3A_599 : i32 to index
        %get3A_603 = tpu.vector_load %arg11[%get3A_602] {strides = array<i32>} : memref<10240xf32, #tpu.memory_space<vmem>>, vector<16xf32>,
        %get3A_604 = arith.index_cast %mul3A_599 : i32 to index
        %get3A_605 = tpu.vector_load %arg12[%get3A_604] {strides = array<i32>} : memref<10240xf32, #tpu.memory_space<vmem>>, vector<16xf32>,
        %sub3A = vector.broadcast %reduce_sum3A_177 : f32 to vector<16xf32>
        %sub3A_606 = arith.subf %get3A_601, %sub3A : vector<16xf32>
        %sub3A_607 = vector.broadcast %reduce_sum3A_184 : f32 to vector<16xf32>
        %sub3A_608 = arith.subf %get3A_603, %sub3A_607 : vector<16xf32>
        %sub3A_609 = vector.broadcast %reduce_sum3A_191 : f32 to vector<16xf32>
        %sub3A_610 = arith.subf %get3A_605, %sub3A_609 : vector<16xf32>
        %mul3A_611 = arith.mulf %sub3A_606, %sub3A_606 : vector<16xf32>
        %mul3A_612 = arith.mulf %sub3A_610, %sub3A_610 : vector<16xf32>
        %add3A_613 = arith.addf %mul3A_611, %mul3A_612 : vector<16xf32>
        %mul3A_614 = arith.mulf %sub3A_608, %sub3A_608 : vector<16xf32>
        %add3A_615 = arith.addf %add3A_613, %mul3A_614 : vector<16xf32>
        %le3A = arith.constant 2.500000e-01 : f32
        %le3A_616 = vector.broadcast %le3A : f32 to vector<16xf32>
        %le3A_617 = arith.cmpf ole, %add3A_615, %le3A_616 : vector<16xf32>
        %convert_element_type3A = arith.extui %le3A_617 : vector<16xi1> to vector<16xi32>
        %broadcast_in_dim3A_618 = arith.constant true
        %broadcast_in_dim3A_619 = vector.broadcast %broadcast_in_dim3A_618 : i1 to vector<16xi1>
        %masked_cumsum3A = tpu.scan <sum>, %convert_element_type3A masked %broadcast_in_dim3A_619 : vector<16xi32>, vector<16xi1> -> vector<16xi32>
        %sub3A_620 = arith.constant 1 : i32
        %sub3A_621 = arith.subi %while3A_593, %sub3A_620 : i32
        %add3A_622 = vector.broadcast %sub3A_621 : i32 to vector<16xi32>
        %add3A_623 = arith.addi %add3A_622, %masked_cumsum3A : vector<16xi32>
        %lt3A = arith.constant 32 : i32
        %lt3A_624 = vector.broadcast %lt3A : i32 to vector<16xi32>
        %lt3A_625 = arith.cmpi slt, %add3A_623, %lt3A_624 : vector<16xi32>
        %and3A = arith.andi %le3A_617, %lt3A_625 : vector<16xi1>
        %add3A_626 = vector.broadcast %mul3A_599 : i32 to vector<16xi32>
        %add3A_627 = arith.addi %add3A_626, %iota3A : vector<16xi32>
        %mul3A_628 = arith.constant 32 : i32
        %mul3A_629 = arith.muli %add3A_195, %mul3A_628 : i32
        %add3A_630 = vector.broadcast %mul3A_629 : i32 to vector<16xi32>
        %add3A_631 = arith.addi %add3A_630, %add3A_623 : vector<16xi32>
        tpu.vector_store_idx %arg16[%add3A_631], %add3A_627 masked %and3A : memref<2560xi32, #tpu.memory_space<vmem>>[vector<16xi32>], vector<16xi32>, vector<16xi1>
        %reduce_sum3A_632 = arith.constant true
        %reduce_sum3A_633 = vector.broadcast %reduce_sum3A_632 : i1 to vector<16xi1>
        %reduce_sum3A_634 = tpu.scan <sum>, %convert_element_type3A masked %reduce_sum3A_633 : vector<16xi32>, vector<16xi1> -> vector<16xi32>
        %reduce_sum3A_635 = vector.extract %reduce_sum3A_634[15] : i32 from vector<16xi32>
        %add3A_636 = arith.addi %while3A_593, %reduce_sum3A_635 : i32
        %mul3A_637 = arith.constant 2 : i32
        %mul3A_638 = arith.muli %while3A_592, %mul3A_637 : i32
        %add3A_639 = arith.constant 1 : i32
        %add3A_640 = arith.addi %mul3A_638, %add3A_639 : i32
        %mul3A_641 = arith.constant 16 : i32
        %mul3A_642 = arith.muli %add3A_640, %mul3A_641 : i32
        %get3A_643 = arith.index_cast %mul3A_642 : i32 to index
        %get3A_644 = tpu.vector_load %arg10[%get3A_643] {strides = array<i32>} : memref<10240xf32, #tpu.memory_space<vmem>>, vector<16xf32>,
        %get3A_645 = arith.index_cast %mul3A_642 : i32 to index
        %get3A_646 = tpu.vector_load %arg11[%get3A_645] {strides = array<i32>} : memref<10240xf32, #tpu.memory_space<vmem>>, vector<16xf32>,
        %get3A_647 = arith.index_cast %mul3A_642 : i32 to index
        %get3A_648 = tpu.vector_load %arg12[%get3A_647] {strides = array<i32>} : memref<10240xf32, #tpu.memory_space<vmem>>, vector<16xf32>,
        %sub3A_649 = vector.broadcast %reduce_sum3A_177 : f32 to vector<16xf32>
        %sub3A_650 = arith.subf %get3A_644, %sub3A_649 : vector<16xf32>
        %sub3A_651 = vector.broadcast %reduce_sum3A_184 : f32 to vector<16xf32>
        %sub3A_652 = arith.subf %get3A_646, %sub3A_651 : vector<16xf32>
        %sub3A_653 = vector.broadcast %reduce_sum3A_191 : f32 to vector<16xf32>
        %sub3A_654 = arith.subf %get3A_648, %sub3A_653 : vector<16xf32>
        %mul3A_655 = arith.mulf %sub3A_650, %sub3A_650 : vector<16xf32>
        %mul3A_656 = arith.mulf %sub3A_654, %sub3A_654 : vector<16xf32>
        %add3A_657 = arith.addf %mul3A_655, %mul3A_656 : vector<16xf32>
        %mul3A_658 = arith.mulf %sub3A_652, %sub3A_652 : vector<16xf32>
        %add3A_659 = arith.addf %add3A_657, %mul3A_658 : vector<16xf32>
        %le3A_660 = arith.constant 2.500000e-01 : f32
        %le3A_661 = vector.broadcast %le3A_660 : f32 to vector<16xf32>
        %le3A_662 = arith.cmpf ole, %add3A_659, %le3A_661 : vector<16xf32>
        %convert_element_type3A_663 = arith.extui %le3A_662 : vector<16xi1> to vector<16xi32>
        %broadcast_in_dim3A_664 = arith.constant true
        %broadcast_in_dim3A_665 = vector.broadcast %broadcast_in_dim3A_664 : i1 to vector<16xi1>
        %masked_cumsum3A_666 = tpu.scan <sum>, %convert_element_type3A_663 masked %broadcast_in_dim3A_665 : vector<16xi32>, vector<16xi1> -> vector<16xi32>
        %sub3A_667 = arith.constant 1 : i32
        %sub3A_668 = arith.subi %add3A_636, %sub3A_667 : i32
        %add3A_669 = vector.broadcast %sub3A_668 : i32 to vector<16xi32>
        %add3A_670 = arith.addi %add3A_669, %masked_cumsum3A_666 : vector<16xi32>
        %lt3A_671 = arith.constant 32 : i32
        %lt3A_672 = vector.broadcast %lt3A_671 : i32 to vector<16xi32>
        %lt3A_673 = arith.cmpi slt, %add3A_670, %lt3A_672 : vector<16xi32>
        %and3A_674 = arith.andi %le3A_662, %lt3A_673 : vector<16xi1>
        %add3A_675 = vector.broadcast %mul3A_642 : i32 to vector<16xi32>
        %add3A_676 = arith.addi %add3A_675, %iota3A : vector<16xi32>
        %mul3A_677 = arith.constant 32 : i32
        %mul3A_678 = arith.muli %add3A_195, %mul3A_677 : i32
        %add3A_679 = vector.broadcast %mul3A_678 : i32 to vector<16xi32>
        %add3A_680 = arith.addi %add3A_679, %add3A_670 : vector<16xi32>
        tpu.vector_store_idx %arg16[%add3A_680], %add3A_676 masked %and3A_674 : memref<2560xi32, #tpu.memory_space<vmem>>[vector<16xi32>], vector<16xi32>, vector<16xi1>
        %reduce_sum3A_681 = arith.constant true
        %reduce_sum3A_682 = vector.broadcast %reduce_sum3A_681 : i1 to vector<16xi1>
        %reduce_sum3A_683 = tpu.scan <sum>, %convert_element_type3A_663 masked %reduce_sum3A_682 : vector<16xi32>, vector<16xi1> -> vector<16xi32>
        %reduce_sum3A_684 = vector.extract %reduce_sum3A_683[15] : i32 from vector<16xi32>
        %add3A_685 = arith.addi %add3A_636, %reduce_sum3A_684 : i32
        %add3A_686 = arith.constant 1 : i32
        %add3A_687 = arith.addi %while3A_592, %add3A_686 : i32
        scf.yield %add3A_687, %add3A_685 : i32, i32
      }
      %min3A_199 = arith.constant 32 : i32
      %min3A_200 = arith.minsi %while3A_198#1, %min3A_199 : i32
      %broadcast_in_dim3A_201 = vector.broadcast %min3A_200 : i32 to vector<16xi32>
      %select_n3A_202 = arith.select %eq3A_170, %broadcast_in_dim3A_201, %select_n3A_167 : vector<16xi1>, vector<16xi32>
      %eq3A_203 = arith.constant 5 : i32
      %eq3A_204 = vector.broadcast %eq3A_203 : i32 to vector<16xi32>
      %eq3A_205 = arith.cmpi eq, %iota3A, %eq3A_204 : vector<16xi32>
      %jit3A_206 = arith.constant 0.000000e+00 : f32
      %broadcast_in_dim3A_207 = vector.broadcast %jit3A_206 : f32 to vector<16xf32>
      %select_n3A_208 = arith.select %eq3A_205, %get3A_23, %broadcast_in_dim3A_207 : vector<16xi1>, vector<16xf32>
      %reduce_sum3A_209 = arith.constant true
      %reduce_sum3A_210 = vector.broadcast %reduce_sum3A_209 : i1 to vector<16xi1>
      %reduce_sum3A_211 = tpu.scan <sum>, %select_n3A_208 masked %reduce_sum3A_210 : vector<16xf32>, vector<16xi1> -> vector<16xf32>
      %reduce_sum3A_212 = vector.extract %reduce_sum3A_211[15] : f32 from vector<16xf32>
      %jit3A_213 = arith.constant 0.000000e+00 : f32
      %broadcast_in_dim3A_214 = vector.broadcast %jit3A_213 : f32 to vector<16xf32>
      %select_n3A_215 = arith.select %eq3A_205, %get3A_27, %broadcast_in_dim3A_214 : vector<16xi1>, vector<16xf32>
      %reduce_sum3A_216 = arith.constant true
      %reduce_sum3A_217 = vector.broadcast %reduce_sum3A_216 : i1 to vector<16xi1>
      %reduce_sum3A_218 = tpu.scan <sum>, %select_n3A_215 masked %reduce_sum3A_217 : vector<16xf32>, vector<16xi1> -> vector<16xf32>
      %reduce_sum3A_219 = vector.extract %reduce_sum3A_218[15] : f32 from vector<16xf32>
      %jit3A_220 = arith.constant 0.000000e+00 : f32
      %broadcast_in_dim3A_221 = vector.broadcast %jit3A_220 : f32 to vector<16xf32>
      %select_n3A_222 = arith.select %eq3A_205, %get3A_31, %broadcast_in_dim3A_221 : vector<16xi1>, vector<16xf32>
      %reduce_sum3A_223 = arith.constant true
      %reduce_sum3A_224 = vector.broadcast %reduce_sum3A_223 : i1 to vector<16xi1>
      %reduce_sum3A_225 = tpu.scan <sum>, %select_n3A_222 masked %reduce_sum3A_224 : vector<16xf32>, vector<16xi1> -> vector<16xf32>
      %reduce_sum3A_226 = vector.extract %reduce_sum3A_225[15] : f32 from vector<16xf32>
      %mul3A_227 = arith.constant 16 : i32
      %mul3A_228 = arith.muli %scan3A_19, %mul3A_227 : i32
      %add3A_229 = arith.constant 5 : i32
      %add3A_230 = arith.addi %mul3A_228, %add3A_229 : i32
      %while3A_231 = arith.constant 0 : i32
      %while3A_232 = arith.constant 0 : i32
      %while3A_233:2 = scf.while (%while3A_592 = %while3A_231, %while3A_593 = %while3A_232) : (i32, i32) -> (i32, i32) {
        %lt3A = arith.constant 320 : i32
        %lt3A_594 = arith.cmpi slt, %while3A_592, %lt3A : i32
        %lt3A_595 = arith.constant 32 : i32
        %lt3A_596 = arith.cmpi slt, %while3A_593, %lt3A_595 : i32
        %and3A = arith.andi %lt3A_594, %lt3A_596 : i1
        scf.condition(%and3A) %while3A_592, %while3A_593 : i32, i32
      } do {
      ^bb0(%while3A_592: i32, %while3A_593: i32):
        %mul3A_594 = arith.constant 2 : i32
        %mul3A_595 = arith.muli %while3A_592, %mul3A_594 : i32
        %add3A_596 = arith.constant 0 : i32
        %add3A_597 = arith.addi %mul3A_595, %add3A_596 : i32
        %mul3A_598 = arith.constant 16 : i32
        %mul3A_599 = arith.muli %add3A_597, %mul3A_598 : i32
        %get3A_600 = arith.index_cast %mul3A_599 : i32 to index
        %get3A_601 = tpu.vector_load %arg10[%get3A_600] {strides = array<i32>} : memref<10240xf32, #tpu.memory_space<vmem>>, vector<16xf32>,
        %get3A_602 = arith.index_cast %mul3A_599 : i32 to index
        %get3A_603 = tpu.vector_load %arg11[%get3A_602] {strides = array<i32>} : memref<10240xf32, #tpu.memory_space<vmem>>, vector<16xf32>,
        %get3A_604 = arith.index_cast %mul3A_599 : i32 to index
        %get3A_605 = tpu.vector_load %arg12[%get3A_604] {strides = array<i32>} : memref<10240xf32, #tpu.memory_space<vmem>>, vector<16xf32>,
        %sub3A = vector.broadcast %reduce_sum3A_212 : f32 to vector<16xf32>
        %sub3A_606 = arith.subf %get3A_601, %sub3A : vector<16xf32>
        %sub3A_607 = vector.broadcast %reduce_sum3A_219 : f32 to vector<16xf32>
        %sub3A_608 = arith.subf %get3A_603, %sub3A_607 : vector<16xf32>
        %sub3A_609 = vector.broadcast %reduce_sum3A_226 : f32 to vector<16xf32>
        %sub3A_610 = arith.subf %get3A_605, %sub3A_609 : vector<16xf32>
        %mul3A_611 = arith.mulf %sub3A_606, %sub3A_606 : vector<16xf32>
        %mul3A_612 = arith.mulf %sub3A_610, %sub3A_610 : vector<16xf32>
        %add3A_613 = arith.addf %mul3A_611, %mul3A_612 : vector<16xf32>
        %mul3A_614 = arith.mulf %sub3A_608, %sub3A_608 : vector<16xf32>
        %add3A_615 = arith.addf %add3A_613, %mul3A_614 : vector<16xf32>
        %le3A = arith.constant 2.500000e-01 : f32
        %le3A_616 = vector.broadcast %le3A : f32 to vector<16xf32>
        %le3A_617 = arith.cmpf ole, %add3A_615, %le3A_616 : vector<16xf32>
        %convert_element_type3A = arith.extui %le3A_617 : vector<16xi1> to vector<16xi32>
        %broadcast_in_dim3A_618 = arith.constant true
        %broadcast_in_dim3A_619 = vector.broadcast %broadcast_in_dim3A_618 : i1 to vector<16xi1>
        %masked_cumsum3A = tpu.scan <sum>, %convert_element_type3A masked %broadcast_in_dim3A_619 : vector<16xi32>, vector<16xi1> -> vector<16xi32>
        %sub3A_620 = arith.constant 1 : i32
        %sub3A_621 = arith.subi %while3A_593, %sub3A_620 : i32
        %add3A_622 = vector.broadcast %sub3A_621 : i32 to vector<16xi32>
        %add3A_623 = arith.addi %add3A_622, %masked_cumsum3A : vector<16xi32>
        %lt3A = arith.constant 32 : i32
        %lt3A_624 = vector.broadcast %lt3A : i32 to vector<16xi32>
        %lt3A_625 = arith.cmpi slt, %add3A_623, %lt3A_624 : vector<16xi32>
        %and3A = arith.andi %le3A_617, %lt3A_625 : vector<16xi1>
        %add3A_626 = vector.broadcast %mul3A_599 : i32 to vector<16xi32>
        %add3A_627 = arith.addi %add3A_626, %iota3A : vector<16xi32>
        %mul3A_628 = arith.constant 32 : i32
        %mul3A_629 = arith.muli %add3A_230, %mul3A_628 : i32
        %add3A_630 = vector.broadcast %mul3A_629 : i32 to vector<16xi32>
        %add3A_631 = arith.addi %add3A_630, %add3A_623 : vector<16xi32>
        tpu.vector_store_idx %arg16[%add3A_631], %add3A_627 masked %and3A : memref<2560xi32, #tpu.memory_space<vmem>>[vector<16xi32>], vector<16xi32>, vector<16xi1>
        %reduce_sum3A_632 = arith.constant true
        %reduce_sum3A_633 = vector.broadcast %reduce_sum3A_632 : i1 to vector<16xi1>
        %reduce_sum3A_634 = tpu.scan <sum>, %convert_element_type3A masked %reduce_sum3A_633 : vector<16xi32>, vector<16xi1> -> vector<16xi32>
        %reduce_sum3A_635 = vector.extract %reduce_sum3A_634[15] : i32 from vector<16xi32>
        %add3A_636 = arith.addi %while3A_593, %reduce_sum3A_635 : i32
        %mul3A_637 = arith.constant 2 : i32
        %mul3A_638 = arith.muli %while3A_592, %mul3A_637 : i32
        %add3A_639 = arith.constant 1 : i32
        %add3A_640 = arith.addi %mul3A_638, %add3A_639 : i32
        %mul3A_641 = arith.constant 16 : i32
        %mul3A_642 = arith.muli %add3A_640, %mul3A_641 : i32
        %get3A_643 = arith.index_cast %mul3A_642 : i32 to index
        %get3A_644 = tpu.vector_load %arg10[%get3A_643] {strides = array<i32>} : memref<10240xf32, #tpu.memory_space<vmem>>, vector<16xf32>,
        %get3A_645 = arith.index_cast %mul3A_642 : i32 to index
        %get3A_646 = tpu.vector_load %arg11[%get3A_645] {strides = array<i32>} : memref<10240xf32, #tpu.memory_space<vmem>>, vector<16xf32>,
        %get3A_647 = arith.index_cast %mul3A_642 : i32 to index
        %get3A_648 = tpu.vector_load %arg12[%get3A_647] {strides = array<i32>} : memref<10240xf32, #tpu.memory_space<vmem>>, vector<16xf32>,
        %sub3A_649 = vector.broadcast %reduce_sum3A_212 : f32 to vector<16xf32>
        %sub3A_650 = arith.subf %get3A_644, %sub3A_649 : vector<16xf32>
        %sub3A_651 = vector.broadcast %reduce_sum3A_219 : f32 to vector<16xf32>
        %sub3A_652 = arith.subf %get3A_646, %sub3A_651 : vector<16xf32>
        %sub3A_653 = vector.broadcast %reduce_sum3A_226 : f32 to vector<16xf32>
        %sub3A_654 = arith.subf %get3A_648, %sub3A_653 : vector<16xf32>
        %mul3A_655 = arith.mulf %sub3A_650, %sub3A_650 : vector<16xf32>
        %mul3A_656 = arith.mulf %sub3A_654, %sub3A_654 : vector<16xf32>
        %add3A_657 = arith.addf %mul3A_655, %mul3A_656 : vector<16xf32>
        %mul3A_658 = arith.mulf %sub3A_652, %sub3A_652 : vector<16xf32>
        %add3A_659 = arith.addf %add3A_657, %mul3A_658 : vector<16xf32>
        %le3A_660 = arith.constant 2.500000e-01 : f32
        %le3A_661 = vector.broadcast %le3A_660 : f32 to vector<16xf32>
        %le3A_662 = arith.cmpf ole, %add3A_659, %le3A_661 : vector<16xf32>
        %convert_element_type3A_663 = arith.extui %le3A_662 : vector<16xi1> to vector<16xi32>
        %broadcast_in_dim3A_664 = arith.constant true
        %broadcast_in_dim3A_665 = vector.broadcast %broadcast_in_dim3A_664 : i1 to vector<16xi1>
        %masked_cumsum3A_666 = tpu.scan <sum>, %convert_element_type3A_663 masked %broadcast_in_dim3A_665 : vector<16xi32>, vector<16xi1> -> vector<16xi32>
        %sub3A_667 = arith.constant 1 : i32
        %sub3A_668 = arith.subi %add3A_636, %sub3A_667 : i32
        %add3A_669 = vector.broadcast %sub3A_668 : i32 to vector<16xi32>
        %add3A_670 = arith.addi %add3A_669, %masked_cumsum3A_666 : vector<16xi32>
        %lt3A_671 = arith.constant 32 : i32
        %lt3A_672 = vector.broadcast %lt3A_671 : i32 to vector<16xi32>
        %lt3A_673 = arith.cmpi slt, %add3A_670, %lt3A_672 : vector<16xi32>
        %and3A_674 = arith.andi %le3A_662, %lt3A_673 : vector<16xi1>
        %add3A_675 = vector.broadcast %mul3A_642 : i32 to vector<16xi32>
        %add3A_676 = arith.addi %add3A_675, %iota3A : vector<16xi32>
        %mul3A_677 = arith.constant 32 : i32
        %mul3A_678 = arith.muli %add3A_230, %mul3A_677 : i32
        %add3A_679 = vector.broadcast %mul3A_678 : i32 to vector<16xi32>
        %add3A_680 = arith.addi %add3A_679, %add3A_670 : vector<16xi32>
        tpu.vector_store_idx %arg16[%add3A_680], %add3A_676 masked %and3A_674 : memref<2560xi32, #tpu.memory_space<vmem>>[vector<16xi32>], vector<16xi32>, vector<16xi1>
        %reduce_sum3A_681 = arith.constant true
        %reduce_sum3A_682 = vector.broadcast %reduce_sum3A_681 : i1 to vector<16xi1>
        %reduce_sum3A_683 = tpu.scan <sum>, %convert_element_type3A_663 masked %reduce_sum3A_682 : vector<16xi32>, vector<16xi1> -> vector<16xi32>
        %reduce_sum3A_684 = vector.extract %reduce_sum3A_683[15] : i32 from vector<16xi32>
        %add3A_685 = arith.addi %add3A_636, %reduce_sum3A_684 : i32
        %add3A_686 = arith.constant 1 : i32
        %add3A_687 = arith.addi %while3A_592, %add3A_686 : i32
        scf.yield %add3A_687, %add3A_685 : i32, i32
      }
      %min3A_234 = arith.constant 32 : i32
      %min3A_235 = arith.minsi %while3A_233#1, %min3A_234 : i32
      %broadcast_in_dim3A_236 = vector.broadcast %min3A_235 : i32 to vector<16xi32>
      %select_n3A_237 = arith.select %eq3A_205, %broadcast_in_dim3A_236, %select_n3A_202 : vector<16xi1>, vector<16xi32>
      %eq3A_238 = arith.constant 6 : i32
      %eq3A_239 = vector.broadcast %eq3A_238 : i32 to vector<16xi32>
      %eq3A_240 = arith.cmpi eq, %iota3A, %eq3A_239 : vector<16xi32>
      %jit3A_241 = arith.constant 0.000000e+00 : f32
      %broadcast_in_dim3A_242 = vector.broadcast %jit3A_241 : f32 to vector<16xf32>
      %select_n3A_243 = arith.select %eq3A_240, %get3A_23, %broadcast_in_dim3A_242 : vector<16xi1>, vector<16xf32>
      %reduce_sum3A_244 = arith.constant true
      %reduce_sum3A_245 = vector.broadcast %reduce_sum3A_244 : i1 to vector<16xi1>
      %reduce_sum3A_246 = tpu.scan <sum>, %select_n3A_243 masked %reduce_sum3A_245 : vector<16xf32>, vector<16xi1> -> vector<16xf32>
      %reduce_sum3A_247 = vector.extract %reduce_sum3A_246[15] : f32 from vector<16xf32>
      %jit3A_248 = arith.constant 0.000000e+00 : f32
      %broadcast_in_dim3A_249 = vector.broadcast %jit3A_248 : f32 to vector<16xf32>
      %select_n3A_250 = arith.select %eq3A_240, %get3A_27, %broadcast_in_dim3A_249 : vector<16xi1>, vector<16xf32>
      %reduce_sum3A_251 = arith.constant true
      %reduce_sum3A_252 = vector.broadcast %reduce_sum3A_251 : i1 to vector<16xi1>
      %reduce_sum3A_253 = tpu.scan <sum>, %select_n3A_250 masked %reduce_sum3A_252 : vector<16xf32>, vector<16xi1> -> vector<16xf32>
      %reduce_sum3A_254 = vector.extract %reduce_sum3A_253[15] : f32 from vector<16xf32>
      %jit3A_255 = arith.constant 0.000000e+00 : f32
      %broadcast_in_dim3A_256 = vector.broadcast %jit3A_255 : f32 to vector<16xf32>
      %select_n3A_257 = arith.select %eq3A_240, %get3A_31, %broadcast_in_dim3A_256 : vector<16xi1>, vector<16xf32>
      %reduce_sum3A_258 = arith.constant true
      %reduce_sum3A_259 = vector.broadcast %reduce_sum3A_258 : i1 to vector<16xi1>
      %reduce_sum3A_260 = tpu.scan <sum>, %select_n3A_257 masked %reduce_sum3A_259 : vector<16xf32>, vector<16xi1> -> vector<16xf32>
      %reduce_sum3A_261 = vector.extract %reduce_sum3A_260[15] : f32 from vector<16xf32>
      %mul3A_262 = arith.constant 16 : i32
      %mul3A_263 = arith.muli %scan3A_19, %mul3A_262 : i32
      %add3A_264 = arith.constant 6 : i32
      %add3A_265 = arith.addi %mul3A_263, %add3A_264 : i32
      %while3A_266 = arith.constant 0 : i32
      %while3A_267 = arith.constant 0 : i32
      %while3A_268:2 = scf.while (%while3A_592 = %while3A_266, %while3A_593 = %while3A_267) : (i32, i32) -> (i32, i32) {
        %lt3A = arith.constant 320 : i32
        %lt3A_594 = arith.cmpi slt, %while3A_592, %lt3A : i32
        %lt3A_595 = arith.constant 32 : i32
        %lt3A_596 = arith.cmpi slt, %while3A_593, %lt3A_595 : i32
        %and3A = arith.andi %lt3A_594, %lt3A_596 : i1
        scf.condition(%and3A) %while3A_592, %while3A_593 : i32, i32
      } do {
      ^bb0(%while3A_592: i32, %while3A_593: i32):
        %mul3A_594 = arith.constant 2 : i32
        %mul3A_595 = arith.muli %while3A_592, %mul3A_594 : i32
        %add3A_596 = arith.constant 0 : i32
        %add3A_597 = arith.addi %mul3A_595, %add3A_596 : i32
        %mul3A_598 = arith.constant 16 : i32
        %mul3A_599 = arith.muli %add3A_597, %mul3A_598 : i32
        %get3A_600 = arith.index_cast %mul3A_599 : i32 to index
        %get3A_601 = tpu.vector_load %arg10[%get3A_600] {strides = array<i32>} : memref<10240xf32, #tpu.memory_space<vmem>>, vector<16xf32>,
        %get3A_602 = arith.index_cast %mul3A_599 : i32 to index
        %get3A_603 = tpu.vector_load %arg11[%get3A_602] {strides = array<i32>} : memref<10240xf32, #tpu.memory_space<vmem>>, vector<16xf32>,
        %get3A_604 = arith.index_cast %mul3A_599 : i32 to index
        %get3A_605 = tpu.vector_load %arg12[%get3A_604] {strides = array<i32>} : memref<10240xf32, #tpu.memory_space<vmem>>, vector<16xf32>,
        %sub3A = vector.broadcast %reduce_sum3A_247 : f32 to vector<16xf32>
        %sub3A_606 = arith.subf %get3A_601, %sub3A : vector<16xf32>
        %sub3A_607 = vector.broadcast %reduce_sum3A_254 : f32 to vector<16xf32>
        %sub3A_608 = arith.subf %get3A_603, %sub3A_607 : vector<16xf32>
        %sub3A_609 = vector.broadcast %reduce_sum3A_261 : f32 to vector<16xf32>
        %sub3A_610 = arith.subf %get3A_605, %sub3A_609 : vector<16xf32>
        %mul3A_611 = arith.mulf %sub3A_606, %sub3A_606 : vector<16xf32>
        %mul3A_612 = arith.mulf %sub3A_610, %sub3A_610 : vector<16xf32>
        %add3A_613 = arith.addf %mul3A_611, %mul3A_612 : vector<16xf32>
        %mul3A_614 = arith.mulf %sub3A_608, %sub3A_608 : vector<16xf32>
        %add3A_615 = arith.addf %add3A_613, %mul3A_614 : vector<16xf32>
        %le3A = arith.constant 2.500000e-01 : f32
        %le3A_616 = vector.broadcast %le3A : f32 to vector<16xf32>
        %le3A_617 = arith.cmpf ole, %add3A_615, %le3A_616 : vector<16xf32>
        %convert_element_type3A = arith.extui %le3A_617 : vector<16xi1> to vector<16xi32>
        %broadcast_in_dim3A_618 = arith.constant true
        %broadcast_in_dim3A_619 = vector.broadcast %broadcast_in_dim3A_618 : i1 to vector<16xi1>
        %masked_cumsum3A = tpu.scan <sum>, %convert_element_type3A masked %broadcast_in_dim3A_619 : vector<16xi32>, vector<16xi1> -> vector<16xi32>
        %sub3A_620 = arith.constant 1 : i32
        %sub3A_621 = arith.subi %while3A_593, %sub3A_620 : i32
        %add3A_622 = vector.broadcast %sub3A_621 : i32 to vector<16xi32>
        %add3A_623 = arith.addi %add3A_622, %masked_cumsum3A : vector<16xi32>
        %lt3A = arith.constant 32 : i32
        %lt3A_624 = vector.broadcast %lt3A : i32 to vector<16xi32>
        %lt3A_625 = arith.cmpi slt, %add3A_623, %lt3A_624 : vector<16xi32>
        %and3A = arith.andi %le3A_617, %lt3A_625 : vector<16xi1>
        %add3A_626 = vector.broadcast %mul3A_599 : i32 to vector<16xi32>
        %add3A_627 = arith.addi %add3A_626, %iota3A : vector<16xi32>
        %mul3A_628 = arith.constant 32 : i32
        %mul3A_629 = arith.muli %add3A_265, %mul3A_628 : i32
        %add3A_630 = vector.broadcast %mul3A_629 : i32 to vector<16xi32>
        %add3A_631 = arith.addi %add3A_630, %add3A_623 : vector<16xi32>
        tpu.vector_store_idx %arg16[%add3A_631], %add3A_627 masked %and3A : memref<2560xi32, #tpu.memory_space<vmem>>[vector<16xi32>], vector<16xi32>, vector<16xi1>
        %reduce_sum3A_632 = arith.constant true
        %reduce_sum3A_633 = vector.broadcast %reduce_sum3A_632 : i1 to vector<16xi1>
        %reduce_sum3A_634 = tpu.scan <sum>, %convert_element_type3A masked %reduce_sum3A_633 : vector<16xi32>, vector<16xi1> -> vector<16xi32>
        %reduce_sum3A_635 = vector.extract %reduce_sum3A_634[15] : i32 from vector<16xi32>
        %add3A_636 = arith.addi %while3A_593, %reduce_sum3A_635 : i32
        %mul3A_637 = arith.constant 2 : i32
        %mul3A_638 = arith.muli %while3A_592, %mul3A_637 : i32
        %add3A_639 = arith.constant 1 : i32
        %add3A_640 = arith.addi %mul3A_638, %add3A_639 : i32
        %mul3A_641 = arith.constant 16 : i32
        %mul3A_642 = arith.muli %add3A_640, %mul3A_641 : i32
        %get3A_643 = arith.index_cast %mul3A_642 : i32 to index
        %get3A_644 = tpu.vector_load %arg10[%get3A_643] {strides = array<i32>} : memref<10240xf32, #tpu.memory_space<vmem>>, vector<16xf32>,
        %get3A_645 = arith.index_cast %mul3A_642 : i32 to index
        %get3A_646 = tpu.vector_load %arg11[%get3A_645] {strides = array<i32>} : memref<10240xf32, #tpu.memory_space<vmem>>, vector<16xf32>,
        %get3A_647 = arith.index_cast %mul3A_642 : i32 to index
        %get3A_648 = tpu.vector_load %arg12[%get3A_647] {strides = array<i32>} : memref<10240xf32, #tpu.memory_space<vmem>>, vector<16xf32>,
        %sub3A_649 = vector.broadcast %reduce_sum3A_247 : f32 to vector<16xf32>
        %sub3A_650 = arith.subf %get3A_644, %sub3A_649 : vector<16xf32>
        %sub3A_651 = vector.broadcast %reduce_sum3A_254 : f32 to vector<16xf32>
        %sub3A_652 = arith.subf %get3A_646, %sub3A_651 : vector<16xf32>
        %sub3A_653 = vector.broadcast %reduce_sum3A_261 : f32 to vector<16xf32>
        %sub3A_654 = arith.subf %get3A_648, %sub3A_653 : vector<16xf32>
        %mul3A_655 = arith.mulf %sub3A_650, %sub3A_650 : vector<16xf32>
        %mul3A_656 = arith.mulf %sub3A_654, %sub3A_654 : vector<16xf32>
        %add3A_657 = arith.addf %mul3A_655, %mul3A_656 : vector<16xf32>
        %mul3A_658 = arith.mulf %sub3A_652, %sub3A_652 : vector<16xf32>
        %add3A_659 = arith.addf %add3A_657, %mul3A_658 : vector<16xf32>
        %le3A_660 = arith.constant 2.500000e-01 : f32
        %le3A_661 = vector.broadcast %le3A_660 : f32 to vector<16xf32>
        %le3A_662 = arith.cmpf ole, %add3A_659, %le3A_661 : vector<16xf32>
        %convert_element_type3A_663 = arith.extui %le3A_662 : vector<16xi1> to vector<16xi32>
        %broadcast_in_dim3A_664 = arith.constant true
        %broadcast_in_dim3A_665 = vector.broadcast %broadcast_in_dim3A_664 : i1 to vector<16xi1>
        %masked_cumsum3A_666 = tpu.scan <sum>, %convert_element_type3A_663 masked %broadcast_in_dim3A_665 : vector<16xi32>, vector<16xi1> -> vector<16xi32>
        %sub3A_667 = arith.constant 1 : i32
        %sub3A_668 = arith.subi %add3A_636, %sub3A_667 : i32
        %add3A_669 = vector.broadcast %sub3A_668 : i32 to vector<16xi32>
        %add3A_670 = arith.addi %add3A_669, %masked_cumsum3A_666 : vector<16xi32>
        %lt3A_671 = arith.constant 32 : i32
        %lt3A_672 = vector.broadcast %lt3A_671 : i32 to vector<16xi32>
        %lt3A_673 = arith.cmpi slt, %add3A_670, %lt3A_672 : vector<16xi32>
        %and3A_674 = arith.andi %le3A_662, %lt3A_673 : vector<16xi1>
        %add3A_675 = vector.broadcast %mul3A_642 : i32 to vector<16xi32>
        %add3A_676 = arith.addi %add3A_675, %iota3A : vector<16xi32>
        %mul3A_677 = arith.constant 32 : i32
        %mul3A_678 = arith.muli %add3A_265, %mul3A_677 : i32
        %add3A_679 = vector.broadcast %mul3A_678 : i32 to vector<16xi32>
        %add3A_680 = arith.addi %add3A_679, %add3A_670 : vector<16xi32>
        tpu.vector_store_idx %arg16[%add3A_680], %add3A_676 masked %and3A_674 : memref<2560xi32, #tpu.memory_space<vmem>>[vector<16xi32>], vector<16xi32>, vector<16xi1>
        %reduce_sum3A_681 = arith.constant true
        %reduce_sum3A_682 = vector.broadcast %reduce_sum3A_681 : i1 to vector<16xi1>
        %reduce_sum3A_683 = tpu.scan <sum>, %convert_element_type3A_663 masked %reduce_sum3A_682 : vector<16xi32>, vector<16xi1> -> vector<16xi32>
        %reduce_sum3A_684 = vector.extract %reduce_sum3A_683[15] : i32 from vector<16xi32>
        %add3A_685 = arith.addi %add3A_636, %reduce_sum3A_684 : i32
        %add3A_686 = arith.constant 1 : i32
        %add3A_687 = arith.addi %while3A_592, %add3A_686 : i32
        scf.yield %add3A_687, %add3A_685 : i32, i32
      }
      %min3A_269 = arith.constant 32 : i32
      %min3A_270 = arith.minsi %while3A_268#1, %min3A_269 : i32
      %broadcast_in_dim3A_271 = vector.broadcast %min3A_270 : i32 to vector<16xi32>
      %select_n3A_272 = arith.select %eq3A_240, %broadcast_in_dim3A_271, %select_n3A_237 : vector<16xi1>, vector<16xi32>
      %eq3A_273 = arith.constant 7 : i32
      %eq3A_274 = vector.broadcast %eq3A_273 : i32 to vector<16xi32>
      %eq3A_275 = arith.cmpi eq, %iota3A, %eq3A_274 : vector<16xi32>
      %jit3A_276 = arith.constant 0.000000e+00 : f32
      %broadcast_in_dim3A_277 = vector.broadcast %jit3A_276 : f32 to vector<16xf32>
      %select_n3A_278 = arith.select %eq3A_275, %get3A_23, %broadcast_in_dim3A_277 : vector<16xi1>, vector<16xf32>
      %reduce_sum3A_279 = arith.constant true
      %reduce_sum3A_280 = vector.broadcast %reduce_sum3A_279 : i1 to vector<16xi1>
      %reduce_sum3A_281 = tpu.scan <sum>, %select_n3A_278 masked %reduce_sum3A_280 : vector<16xf32>, vector<16xi1> -> vector<16xf32>
      %reduce_sum3A_282 = vector.extract %reduce_sum3A_281[15] : f32 from vector<16xf32>
      %jit3A_283 = arith.constant 0.000000e+00 : f32
      %broadcast_in_dim3A_284 = vector.broadcast %jit3A_283 : f32 to vector<16xf32>
      %select_n3A_285 = arith.select %eq3A_275, %get3A_27, %broadcast_in_dim3A_284 : vector<16xi1>, vector<16xf32>
      %reduce_sum3A_286 = arith.constant true
      %reduce_sum3A_287 = vector.broadcast %reduce_sum3A_286 : i1 to vector<16xi1>
      %reduce_sum3A_288 = tpu.scan <sum>, %select_n3A_285 masked %reduce_sum3A_287 : vector<16xf32>, vector<16xi1> -> vector<16xf32>
      %reduce_sum3A_289 = vector.extract %reduce_sum3A_288[15] : f32 from vector<16xf32>
      %jit3A_290 = arith.constant 0.000000e+00 : f32
      %broadcast_in_dim3A_291 = vector.broadcast %jit3A_290 : f32 to vector<16xf32>
      %select_n3A_292 = arith.select %eq3A_275, %get3A_31, %broadcast_in_dim3A_291 : vector<16xi1>, vector<16xf32>
      %reduce_sum3A_293 = arith.constant true
      %reduce_sum3A_294 = vector.broadcast %reduce_sum3A_293 : i1 to vector<16xi1>
      %reduce_sum3A_295 = tpu.scan <sum>, %select_n3A_292 masked %reduce_sum3A_294 : vector<16xf32>, vector<16xi1> -> vector<16xf32>
      %reduce_sum3A_296 = vector.extract %reduce_sum3A_295[15] : f32 from vector<16xf32>
      %mul3A_297 = arith.constant 16 : i32
      %mul3A_298 = arith.muli %scan3A_19, %mul3A_297 : i32
      %add3A_299 = arith.constant 7 : i32
      %add3A_300 = arith.addi %mul3A_298, %add3A_299 : i32
      %while3A_301 = arith.constant 0 : i32
      %while3A_302 = arith.constant 0 : i32
      %while3A_303:2 = scf.while (%while3A_592 = %while3A_301, %while3A_593 = %while3A_302) : (i32, i32) -> (i32, i32) {
        %lt3A = arith.constant 320 : i32
        %lt3A_594 = arith.cmpi slt, %while3A_592, %lt3A : i32
        %lt3A_595 = arith.constant 32 : i32
        %lt3A_596 = arith.cmpi slt, %while3A_593, %lt3A_595 : i32
        %and3A = arith.andi %lt3A_594, %lt3A_596 : i1
        scf.condition(%and3A) %while3A_592, %while3A_593 : i32, i32
      } do {
      ^bb0(%while3A_592: i32, %while3A_593: i32):
        %mul3A_594 = arith.constant 2 : i32
        %mul3A_595 = arith.muli %while3A_592, %mul3A_594 : i32
        %add3A_596 = arith.constant 0 : i32
        %add3A_597 = arith.addi %mul3A_595, %add3A_596 : i32
        %mul3A_598 = arith.constant 16 : i32
        %mul3A_599 = arith.muli %add3A_597, %mul3A_598 : i32
        %get3A_600 = arith.index_cast %mul3A_599 : i32 to index
        %get3A_601 = tpu.vector_load %arg10[%get3A_600] {strides = array<i32>} : memref<10240xf32, #tpu.memory_space<vmem>>, vector<16xf32>,
        %get3A_602 = arith.index_cast %mul3A_599 : i32 to index
        %get3A_603 = tpu.vector_load %arg11[%get3A_602] {strides = array<i32>} : memref<10240xf32, #tpu.memory_space<vmem>>, vector<16xf32>,
        %get3A_604 = arith.index_cast %mul3A_599 : i32 to index
        %get3A_605 = tpu.vector_load %arg12[%get3A_604] {strides = array<i32>} : memref<10240xf32, #tpu.memory_space<vmem>>, vector<16xf32>,
        %sub3A = vector.broadcast %reduce_sum3A_282 : f32 to vector<16xf32>
        %sub3A_606 = arith.subf %get3A_601, %sub3A : vector<16xf32>
        %sub3A_607 = vector.broadcast %reduce_sum3A_289 : f32 to vector<16xf32>
        %sub3A_608 = arith.subf %get3A_603, %sub3A_607 : vector<16xf32>
        %sub3A_609 = vector.broadcast %reduce_sum3A_296 : f32 to vector<16xf32>
        %sub3A_610 = arith.subf %get3A_605, %sub3A_609 : vector<16xf32>
        %mul3A_611 = arith.mulf %sub3A_606, %sub3A_606 : vector<16xf32>
        %mul3A_612 = arith.mulf %sub3A_610, %sub3A_610 : vector<16xf32>
        %add3A_613 = arith.addf %mul3A_611, %mul3A_612 : vector<16xf32>
        %mul3A_614 = arith.mulf %sub3A_608, %sub3A_608 : vector<16xf32>
        %add3A_615 = arith.addf %add3A_613, %mul3A_614 : vector<16xf32>
        %le3A = arith.constant 2.500000e-01 : f32
        %le3A_616 = vector.broadcast %le3A : f32 to vector<16xf32>
        %le3A_617 = arith.cmpf ole, %add3A_615, %le3A_616 : vector<16xf32>
        %convert_element_type3A = arith.extui %le3A_617 : vector<16xi1> to vector<16xi32>
        %broadcast_in_dim3A_618 = arith.constant true
        %broadcast_in_dim3A_619 = vector.broadcast %broadcast_in_dim3A_618 : i1 to vector<16xi1>
        %masked_cumsum3A = tpu.scan <sum>, %convert_element_type3A masked %broadcast_in_dim3A_619 : vector<16xi32>, vector<16xi1> -> vector<16xi32>
        %sub3A_620 = arith.constant 1 : i32
        %sub3A_621 = arith.subi %while3A_593, %sub3A_620 : i32
        %add3A_622 = vector.broadcast %sub3A_621 : i32 to vector<16xi32>
        %add3A_623 = arith.addi %add3A_622, %masked_cumsum3A : vector<16xi32>
        %lt3A = arith.constant 32 : i32
        %lt3A_624 = vector.broadcast %lt3A : i32 to vector<16xi32>
        %lt3A_625 = arith.cmpi slt, %add3A_623, %lt3A_624 : vector<16xi32>
        %and3A = arith.andi %le3A_617, %lt3A_625 : vector<16xi1>
        %add3A_626 = vector.broadcast %mul3A_599 : i32 to vector<16xi32>
        %add3A_627 = arith.addi %add3A_626, %iota3A : vector<16xi32>
        %mul3A_628 = arith.constant 32 : i32
        %mul3A_629 = arith.muli %add3A_300, %mul3A_628 : i32
        %add3A_630 = vector.broadcast %mul3A_629 : i32 to vector<16xi32>
        %add3A_631 = arith.addi %add3A_630, %add3A_623 : vector<16xi32>
        tpu.vector_store_idx %arg16[%add3A_631], %add3A_627 masked %and3A : memref<2560xi32, #tpu.memory_space<vmem>>[vector<16xi32>], vector<16xi32>, vector<16xi1>
        %reduce_sum3A_632 = arith.constant true
        %reduce_sum3A_633 = vector.broadcast %reduce_sum3A_632 : i1 to vector<16xi1>
        %reduce_sum3A_634 = tpu.scan <sum>, %convert_element_type3A masked %reduce_sum3A_633 : vector<16xi32>, vector<16xi1> -> vector<16xi32>
        %reduce_sum3A_635 = vector.extract %reduce_sum3A_634[15] : i32 from vector<16xi32>
        %add3A_636 = arith.addi %while3A_593, %reduce_sum3A_635 : i32
        %mul3A_637 = arith.constant 2 : i32
        %mul3A_638 = arith.muli %while3A_592, %mul3A_637 : i32
        %add3A_639 = arith.constant 1 : i32
        %add3A_640 = arith.addi %mul3A_638, %add3A_639 : i32
        %mul3A_641 = arith.constant 16 : i32
        %mul3A_642 = arith.muli %add3A_640, %mul3A_641 : i32
        %get3A_643 = arith.index_cast %mul3A_642 : i32 to index
        %get3A_644 = tpu.vector_load %arg10[%get3A_643] {strides = array<i32>} : memref<10240xf32, #tpu.memory_space<vmem>>, vector<16xf32>,
        %get3A_645 = arith.index_cast %mul3A_642 : i32 to index
        %get3A_646 = tpu.vector_load %arg11[%get3A_645] {strides = array<i32>} : memref<10240xf32, #tpu.memory_space<vmem>>, vector<16xf32>,
        %get3A_647 = arith.index_cast %mul3A_642 : i32 to index
        %get3A_648 = tpu.vector_load %arg12[%get3A_647] {strides = array<i32>} : memref<10240xf32, #tpu.memory_space<vmem>>, vector<16xf32>,
        %sub3A_649 = vector.broadcast %reduce_sum3A_282 : f32 to vector<16xf32>
        %sub3A_650 = arith.subf %get3A_644, %sub3A_649 : vector<16xf32>
        %sub3A_651 = vector.broadcast %reduce_sum3A_289 : f32 to vector<16xf32>
        %sub3A_652 = arith.subf %get3A_646, %sub3A_651 : vector<16xf32>
        %sub3A_653 = vector.broadcast %reduce_sum3A_296 : f32 to vector<16xf32>
        %sub3A_654 = arith.subf %get3A_648, %sub3A_653 : vector<16xf32>
        %mul3A_655 = arith.mulf %sub3A_650, %sub3A_650 : vector<16xf32>
        %mul3A_656 = arith.mulf %sub3A_654, %sub3A_654 : vector<16xf32>
        %add3A_657 = arith.addf %mul3A_655, %mul3A_656 : vector<16xf32>
        %mul3A_658 = arith.mulf %sub3A_652, %sub3A_652 : vector<16xf32>
        %add3A_659 = arith.addf %add3A_657, %mul3A_658 : vector<16xf32>
        %le3A_660 = arith.constant 2.500000e-01 : f32
        %le3A_661 = vector.broadcast %le3A_660 : f32 to vector<16xf32>
        %le3A_662 = arith.cmpf ole, %add3A_659, %le3A_661 : vector<16xf32>
        %convert_element_type3A_663 = arith.extui %le3A_662 : vector<16xi1> to vector<16xi32>
        %broadcast_in_dim3A_664 = arith.constant true
        %broadcast_in_dim3A_665 = vector.broadcast %broadcast_in_dim3A_664 : i1 to vector<16xi1>
        %masked_cumsum3A_666 = tpu.scan <sum>, %convert_element_type3A_663 masked %broadcast_in_dim3A_665 : vector<16xi32>, vector<16xi1> -> vector<16xi32>
        %sub3A_667 = arith.constant 1 : i32
        %sub3A_668 = arith.subi %add3A_636, %sub3A_667 : i32
        %add3A_669 = vector.broadcast %sub3A_668 : i32 to vector<16xi32>
        %add3A_670 = arith.addi %add3A_669, %masked_cumsum3A_666 : vector<16xi32>
        %lt3A_671 = arith.constant 32 : i32
        %lt3A_672 = vector.broadcast %lt3A_671 : i32 to vector<16xi32>
        %lt3A_673 = arith.cmpi slt, %add3A_670, %lt3A_672 : vector<16xi32>
        %and3A_674 = arith.andi %le3A_662, %lt3A_673 : vector<16xi1>
        %add3A_675 = vector.broadcast %mul3A_642 : i32 to vector<16xi32>
        %add3A_676 = arith.addi %add3A_675, %iota3A : vector<16xi32>
        %mul3A_677 = arith.constant 32 : i32
        %mul3A_678 = arith.muli %add3A_300, %mul3A_677 : i32
        %add3A_679 = vector.broadcast %mul3A_678 : i32 to vector<16xi32>
        %add3A_680 = arith.addi %add3A_679, %add3A_670 : vector<16xi32>
        tpu.vector_store_idx %arg16[%add3A_680], %add3A_676 masked %and3A_674 : memref<2560xi32, #tpu.memory_space<vmem>>[vector<16xi32>], vector<16xi32>, vector<16xi1>
        %reduce_sum3A_681 = arith.constant true
        %reduce_sum3A_682 = vector.broadcast %reduce_sum3A_681 : i1 to vector<16xi1>
        %reduce_sum3A_683 = tpu.scan <sum>, %convert_element_type3A_663 masked %reduce_sum3A_682 : vector<16xi32>, vector<16xi1> -> vector<16xi32>
        %reduce_sum3A_684 = vector.extract %reduce_sum3A_683[15] : i32 from vector<16xi32>
        %add3A_685 = arith.addi %add3A_636, %reduce_sum3A_684 : i32
        %add3A_686 = arith.constant 1 : i32
        %add3A_687 = arith.addi %while3A_592, %add3A_686 : i32
        scf.yield %add3A_687, %add3A_685 : i32, i32
      }
      %min3A_304 = arith.constant 32 : i32
      %min3A_305 = arith.minsi %while3A_303#1, %min3A_304 : i32
      %broadcast_in_dim3A_306 = vector.broadcast %min3A_305 : i32 to vector<16xi32>
      %select_n3A_307 = arith.select %eq3A_275, %broadcast_in_dim3A_306, %select_n3A_272 : vector<16xi1>, vector<16xi32>
      %eq3A_308 = arith.constant 8 : i32
      %eq3A_309 = vector.broadcast %eq3A_308 : i32 to vector<16xi32>
      %eq3A_310 = arith.cmpi eq, %iota3A, %eq3A_309 : vector<16xi32>
      %jit3A_311 = arith.constant 0.000000e+00 : f32
      %broadcast_in_dim3A_312 = vector.broadcast %jit3A_311 : f32 to vector<16xf32>
      %select_n3A_313 = arith.select %eq3A_310, %get3A_23, %broadcast_in_dim3A_312 : vector<16xi1>, vector<16xf32>
      %reduce_sum3A_314 = arith.constant true
      %reduce_sum3A_315 = vector.broadcast %reduce_sum3A_314 : i1 to vector<16xi1>
      %reduce_sum3A_316 = tpu.scan <sum>, %select_n3A_313 masked %reduce_sum3A_315 : vector<16xf32>, vector<16xi1> -> vector<16xf32>
      %reduce_sum3A_317 = vector.extract %reduce_sum3A_316[15] : f32 from vector<16xf32>
      %jit3A_318 = arith.constant 0.000000e+00 : f32
      %broadcast_in_dim3A_319 = vector.broadcast %jit3A_318 : f32 to vector<16xf32>
      %select_n3A_320 = arith.select %eq3A_310, %get3A_27, %broadcast_in_dim3A_319 : vector<16xi1>, vector<16xf32>
      %reduce_sum3A_321 = arith.constant true
      %reduce_sum3A_322 = vector.broadcast %reduce_sum3A_321 : i1 to vector<16xi1>
      %reduce_sum3A_323 = tpu.scan <sum>, %select_n3A_320 masked %reduce_sum3A_322 : vector<16xf32>, vector<16xi1> -> vector<16xf32>
      %reduce_sum3A_324 = vector.extract %reduce_sum3A_323[15] : f32 from vector<16xf32>
      %jit3A_325 = arith.constant 0.000000e+00 : f32
      %broadcast_in_dim3A_326 = vector.broadcast %jit3A_325 : f32 to vector<16xf32>
      %select_n3A_327 = arith.select %eq3A_310, %get3A_31, %broadcast_in_dim3A_326 : vector<16xi1>, vector<16xf32>
      %reduce_sum3A_328 = arith.constant true
      %reduce_sum3A_329 = vector.broadcast %reduce_sum3A_328 : i1 to vector<16xi1>
      %reduce_sum3A_330 = tpu.scan <sum>, %select_n3A_327 masked %reduce_sum3A_329 : vector<16xf32>, vector<16xi1> -> vector<16xf32>
      %reduce_sum3A_331 = vector.extract %reduce_sum3A_330[15] : f32 from vector<16xf32>
      %mul3A_332 = arith.constant 16 : i32
      %mul3A_333 = arith.muli %scan3A_19, %mul3A_332 : i32
      %add3A_334 = arith.constant 8 : i32
      %add3A_335 = arith.addi %mul3A_333, %add3A_334 : i32
      %while3A_336 = arith.constant 0 : i32
      %while3A_337 = arith.constant 0 : i32
      %while3A_338:2 = scf.while (%while3A_592 = %while3A_336, %while3A_593 = %while3A_337) : (i32, i32) -> (i32, i32) {
        %lt3A = arith.constant 320 : i32
        %lt3A_594 = arith.cmpi slt, %while3A_592, %lt3A : i32
        %lt3A_595 = arith.constant 32 : i32
        %lt3A_596 = arith.cmpi slt, %while3A_593, %lt3A_595 : i32
        %and3A = arith.andi %lt3A_594, %lt3A_596 : i1
        scf.condition(%and3A) %while3A_592, %while3A_593 : i32, i32
      } do {
      ^bb0(%while3A_592: i32, %while3A_593: i32):
        %mul3A_594 = arith.constant 2 : i32
        %mul3A_595 = arith.muli %while3A_592, %mul3A_594 : i32
        %add3A_596 = arith.constant 0 : i32
        %add3A_597 = arith.addi %mul3A_595, %add3A_596 : i32
        %mul3A_598 = arith.constant 16 : i32
        %mul3A_599 = arith.muli %add3A_597, %mul3A_598 : i32
        %get3A_600 = arith.index_cast %mul3A_599 : i32 to index
        %get3A_601 = tpu.vector_load %arg10[%get3A_600] {strides = array<i32>} : memref<10240xf32, #tpu.memory_space<vmem>>, vector<16xf32>,
        %get3A_602 = arith.index_cast %mul3A_599 : i32 to index
        %get3A_603 = tpu.vector_load %arg11[%get3A_602] {strides = array<i32>} : memref<10240xf32, #tpu.memory_space<vmem>>, vector<16xf32>,
        %get3A_604 = arith.index_cast %mul3A_599 : i32 to index
        %get3A_605 = tpu.vector_load %arg12[%get3A_604] {strides = array<i32>} : memref<10240xf32, #tpu.memory_space<vmem>>, vector<16xf32>,
        %sub3A = vector.broadcast %reduce_sum3A_317 : f32 to vector<16xf32>
        %sub3A_606 = arith.subf %get3A_601, %sub3A : vector<16xf32>
        %sub3A_607 = vector.broadcast %reduce_sum3A_324 : f32 to vector<16xf32>
        %sub3A_608 = arith.subf %get3A_603, %sub3A_607 : vector<16xf32>
        %sub3A_609 = vector.broadcast %reduce_sum3A_331 : f32 to vector<16xf32>
        %sub3A_610 = arith.subf %get3A_605, %sub3A_609 : vector<16xf32>
        %mul3A_611 = arith.mulf %sub3A_606, %sub3A_606 : vector<16xf32>
        %mul3A_612 = arith.mulf %sub3A_610, %sub3A_610 : vector<16xf32>
        %add3A_613 = arith.addf %mul3A_611, %mul3A_612 : vector<16xf32>
        %mul3A_614 = arith.mulf %sub3A_608, %sub3A_608 : vector<16xf32>
        %add3A_615 = arith.addf %add3A_613, %mul3A_614 : vector<16xf32>
        %le3A = arith.constant 2.500000e-01 : f32
        %le3A_616 = vector.broadcast %le3A : f32 to vector<16xf32>
        %le3A_617 = arith.cmpf ole, %add3A_615, %le3A_616 : vector<16xf32>
        %convert_element_type3A = arith.extui %le3A_617 : vector<16xi1> to vector<16xi32>
        %broadcast_in_dim3A_618 = arith.constant true
        %broadcast_in_dim3A_619 = vector.broadcast %broadcast_in_dim3A_618 : i1 to vector<16xi1>
        %masked_cumsum3A = tpu.scan <sum>, %convert_element_type3A masked %broadcast_in_dim3A_619 : vector<16xi32>, vector<16xi1> -> vector<16xi32>
        %sub3A_620 = arith.constant 1 : i32
        %sub3A_621 = arith.subi %while3A_593, %sub3A_620 : i32
        %add3A_622 = vector.broadcast %sub3A_621 : i32 to vector<16xi32>
        %add3A_623 = arith.addi %add3A_622, %masked_cumsum3A : vector<16xi32>
        %lt3A = arith.constant 32 : i32
        %lt3A_624 = vector.broadcast %lt3A : i32 to vector<16xi32>
        %lt3A_625 = arith.cmpi slt, %add3A_623, %lt3A_624 : vector<16xi32>
        %and3A = arith.andi %le3A_617, %lt3A_625 : vector<16xi1>
        %add3A_626 = vector.broadcast %mul3A_599 : i32 to vector<16xi32>
        %add3A_627 = arith.addi %add3A_626, %iota3A : vector<16xi32>
        %mul3A_628 = arith.constant 32 : i32
        %mul3A_629 = arith.muli %add3A_335, %mul3A_628 : i32
        %add3A_630 = vector.broadcast %mul3A_629 : i32 to vector<16xi32>
        %add3A_631 = arith.addi %add3A_630, %add3A_623 : vector<16xi32>
        tpu.vector_store_idx %arg16[%add3A_631], %add3A_627 masked %and3A : memref<2560xi32, #tpu.memory_space<vmem>>[vector<16xi32>], vector<16xi32>, vector<16xi1>
        %reduce_sum3A_632 = arith.constant true
        %reduce_sum3A_633 = vector.broadcast %reduce_sum3A_632 : i1 to vector<16xi1>
        %reduce_sum3A_634 = tpu.scan <sum>, %convert_element_type3A masked %reduce_sum3A_633 : vector<16xi32>, vector<16xi1> -> vector<16xi32>
        %reduce_sum3A_635 = vector.extract %reduce_sum3A_634[15] : i32 from vector<16xi32>
        %add3A_636 = arith.addi %while3A_593, %reduce_sum3A_635 : i32
        %mul3A_637 = arith.constant 2 : i32
        %mul3A_638 = arith.muli %while3A_592, %mul3A_637 : i32
        %add3A_639 = arith.constant 1 : i32
        %add3A_640 = arith.addi %mul3A_638, %add3A_639 : i32
        %mul3A_641 = arith.constant 16 : i32
        %mul3A_642 = arith.muli %add3A_640, %mul3A_641 : i32
        %get3A_643 = arith.index_cast %mul3A_642 : i32 to index
        %get3A_644 = tpu.vector_load %arg10[%get3A_643] {strides = array<i32>} : memref<10240xf32, #tpu.memory_space<vmem>>, vector<16xf32>,
        %get3A_645 = arith.index_cast %mul3A_642 : i32 to index
        %get3A_646 = tpu.vector_load %arg11[%get3A_645] {strides = array<i32>} : memref<10240xf32, #tpu.memory_space<vmem>>, vector<16xf32>,
        %get3A_647 = arith.index_cast %mul3A_642 : i32 to index
        %get3A_648 = tpu.vector_load %arg12[%get3A_647] {strides = array<i32>} : memref<10240xf32, #tpu.memory_space<vmem>>, vector<16xf32>,
        %sub3A_649 = vector.broadcast %reduce_sum3A_317 : f32 to vector<16xf32>
        %sub3A_650 = arith.subf %get3A_644, %sub3A_649 : vector<16xf32>
        %sub3A_651 = vector.broadcast %reduce_sum3A_324 : f32 to vector<16xf32>
        %sub3A_652 = arith.subf %get3A_646, %sub3A_651 : vector<16xf32>
        %sub3A_653 = vector.broadcast %reduce_sum3A_331 : f32 to vector<16xf32>
        %sub3A_654 = arith.subf %get3A_648, %sub3A_653 : vector<16xf32>
        %mul3A_655 = arith.mulf %sub3A_650, %sub3A_650 : vector<16xf32>
        %mul3A_656 = arith.mulf %sub3A_654, %sub3A_654 : vector<16xf32>
        %add3A_657 = arith.addf %mul3A_655, %mul3A_656 : vector<16xf32>
        %mul3A_658 = arith.mulf %sub3A_652, %sub3A_652 : vector<16xf32>
        %add3A_659 = arith.addf %add3A_657, %mul3A_658 : vector<16xf32>
        %le3A_660 = arith.constant 2.500000e-01 : f32
        %le3A_661 = vector.broadcast %le3A_660 : f32 to vector<16xf32>
        %le3A_662 = arith.cmpf ole, %add3A_659, %le3A_661 : vector<16xf32>
        %convert_element_type3A_663 = arith.extui %le3A_662 : vector<16xi1> to vector<16xi32>
        %broadcast_in_dim3A_664 = arith.constant true
        %broadcast_in_dim3A_665 = vector.broadcast %broadcast_in_dim3A_664 : i1 to vector<16xi1>
        %masked_cumsum3A_666 = tpu.scan <sum>, %convert_element_type3A_663 masked %broadcast_in_dim3A_665 : vector<16xi32>, vector<16xi1> -> vector<16xi32>
        %sub3A_667 = arith.constant 1 : i32
        %sub3A_668 = arith.subi %add3A_636, %sub3A_667 : i32
        %add3A_669 = vector.broadcast %sub3A_668 : i32 to vector<16xi32>
        %add3A_670 = arith.addi %add3A_669, %masked_cumsum3A_666 : vector<16xi32>
        %lt3A_671 = arith.constant 32 : i32
        %lt3A_672 = vector.broadcast %lt3A_671 : i32 to vector<16xi32>
        %lt3A_673 = arith.cmpi slt, %add3A_670, %lt3A_672 : vector<16xi32>
        %and3A_674 = arith.andi %le3A_662, %lt3A_673 : vector<16xi1>
        %add3A_675 = vector.broadcast %mul3A_642 : i32 to vector<16xi32>
        %add3A_676 = arith.addi %add3A_675, %iota3A : vector<16xi32>
        %mul3A_677 = arith.constant 32 : i32
        %mul3A_678 = arith.muli %add3A_335, %mul3A_677 : i32
        %add3A_679 = vector.broadcast %mul3A_678 : i32 to vector<16xi32>
        %add3A_680 = arith.addi %add3A_679, %add3A_670 : vector<16xi32>
        tpu.vector_store_idx %arg16[%add3A_680], %add3A_676 masked %and3A_674 : memref<2560xi32, #tpu.memory_space<vmem>>[vector<16xi32>], vector<16xi32>, vector<16xi1>
        %reduce_sum3A_681 = arith.constant true
        %reduce_sum3A_682 = vector.broadcast %reduce_sum3A_681 : i1 to vector<16xi1>
        %reduce_sum3A_683 = tpu.scan <sum>, %convert_element_type3A_663 masked %reduce_sum3A_682 : vector<16xi32>, vector<16xi1> -> vector<16xi32>
        %reduce_sum3A_684 = vector.extract %reduce_sum3A_683[15] : i32 from vector<16xi32>
        %add3A_685 = arith.addi %add3A_636, %reduce_sum3A_684 : i32
        %add3A_686 = arith.constant 1 : i32
        %add3A_687 = arith.addi %while3A_592, %add3A_686 : i32
        scf.yield %add3A_687, %add3A_685 : i32, i32
      }
      %min3A_339 = arith.constant 32 : i32
      %min3A_340 = arith.minsi %while3A_338#1, %min3A_339 : i32
      %broadcast_in_dim3A_341 = vector.broadcast %min3A_340 : i32 to vector<16xi32>
      %select_n3A_342 = arith.select %eq3A_310, %broadcast_in_dim3A_341, %select_n3A_307 : vector<16xi1>, vector<16xi32>
      %eq3A_343 = arith.constant 9 : i32
      %eq3A_344 = vector.broadcast %eq3A_343 : i32 to vector<16xi32>
      %eq3A_345 = arith.cmpi eq, %iota3A, %eq3A_344 : vector<16xi32>
      %jit3A_346 = arith.constant 0.000000e+00 : f32
      %broadcast_in_dim3A_347 = vector.broadcast %jit3A_346 : f32 to vector<16xf32>
      %select_n3A_348 = arith.select %eq3A_345, %get3A_23, %broadcast_in_dim3A_347 : vector<16xi1>, vector<16xf32>
      %reduce_sum3A_349 = arith.constant true
      %reduce_sum3A_350 = vector.broadcast %reduce_sum3A_349 : i1 to vector<16xi1>
      %reduce_sum3A_351 = tpu.scan <sum>, %select_n3A_348 masked %reduce_sum3A_350 : vector<16xf32>, vector<16xi1> -> vector<16xf32>
      %reduce_sum3A_352 = vector.extract %reduce_sum3A_351[15] : f32 from vector<16xf32>
      %jit3A_353 = arith.constant 0.000000e+00 : f32
      %broadcast_in_dim3A_354 = vector.broadcast %jit3A_353 : f32 to vector<16xf32>
      %select_n3A_355 = arith.select %eq3A_345, %get3A_27, %broadcast_in_dim3A_354 : vector<16xi1>, vector<16xf32>
      %reduce_sum3A_356 = arith.constant true
      %reduce_sum3A_357 = vector.broadcast %reduce_sum3A_356 : i1 to vector<16xi1>
      %reduce_sum3A_358 = tpu.scan <sum>, %select_n3A_355 masked %reduce_sum3A_357 : vector<16xf32>, vector<16xi1> -> vector<16xf32>
      %reduce_sum3A_359 = vector.extract %reduce_sum3A_358[15] : f32 from vector<16xf32>
      %jit3A_360 = arith.constant 0.000000e+00 : f32
      %broadcast_in_dim3A_361 = vector.broadcast %jit3A_360 : f32 to vector<16xf32>
      %select_n3A_362 = arith.select %eq3A_345, %get3A_31, %broadcast_in_dim3A_361 : vector<16xi1>, vector<16xf32>
      %reduce_sum3A_363 = arith.constant true
      %reduce_sum3A_364 = vector.broadcast %reduce_sum3A_363 : i1 to vector<16xi1>
      %reduce_sum3A_365 = tpu.scan <sum>, %select_n3A_362 masked %reduce_sum3A_364 : vector<16xf32>, vector<16xi1> -> vector<16xf32>
      %reduce_sum3A_366 = vector.extract %reduce_sum3A_365[15] : f32 from vector<16xf32>
      %mul3A_367 = arith.constant 16 : i32
      %mul3A_368 = arith.muli %scan3A_19, %mul3A_367 : i32
      %add3A_369 = arith.constant 9 : i32
      %add3A_370 = arith.addi %mul3A_368, %add3A_369 : i32
      %while3A_371 = arith.constant 0 : i32
      %while3A_372 = arith.constant 0 : i32
      %while3A_373:2 = scf.while (%while3A_592 = %while3A_371, %while3A_593 = %while3A_372) : (i32, i32) -> (i32, i32) {
        %lt3A = arith.constant 320 : i32
        %lt3A_594 = arith.cmpi slt, %while3A_592, %lt3A : i32
        %lt3A_595 = arith.constant 32 : i32
        %lt3A_596 = arith.cmpi slt, %while3A_593, %lt3A_595 : i32
        %and3A = arith.andi %lt3A_594, %lt3A_596 : i1
        scf.condition(%and3A) %while3A_592, %while3A_593 : i32, i32
      } do {
      ^bb0(%while3A_592: i32, %while3A_593: i32):
        %mul3A_594 = arith.constant 2 : i32
        %mul3A_595 = arith.muli %while3A_592, %mul3A_594 : i32
        %add3A_596 = arith.constant 0 : i32
        %add3A_597 = arith.addi %mul3A_595, %add3A_596 : i32
        %mul3A_598 = arith.constant 16 : i32
        %mul3A_599 = arith.muli %add3A_597, %mul3A_598 : i32
        %get3A_600 = arith.index_cast %mul3A_599 : i32 to index
        %get3A_601 = tpu.vector_load %arg10[%get3A_600] {strides = array<i32>} : memref<10240xf32, #tpu.memory_space<vmem>>, vector<16xf32>,
        %get3A_602 = arith.index_cast %mul3A_599 : i32 to index
        %get3A_603 = tpu.vector_load %arg11[%get3A_602] {strides = array<i32>} : memref<10240xf32, #tpu.memory_space<vmem>>, vector<16xf32>,
        %get3A_604 = arith.index_cast %mul3A_599 : i32 to index
        %get3A_605 = tpu.vector_load %arg12[%get3A_604] {strides = array<i32>} : memref<10240xf32, #tpu.memory_space<vmem>>, vector<16xf32>,
        %sub3A = vector.broadcast %reduce_sum3A_352 : f32 to vector<16xf32>
        %sub3A_606 = arith.subf %get3A_601, %sub3A : vector<16xf32>
        %sub3A_607 = vector.broadcast %reduce_sum3A_359 : f32 to vector<16xf32>
        %sub3A_608 = arith.subf %get3A_603, %sub3A_607 : vector<16xf32>
        %sub3A_609 = vector.broadcast %reduce_sum3A_366 : f32 to vector<16xf32>
        %sub3A_610 = arith.subf %get3A_605, %sub3A_609 : vector<16xf32>
        %mul3A_611 = arith.mulf %sub3A_606, %sub3A_606 : vector<16xf32>
        %mul3A_612 = arith.mulf %sub3A_610, %sub3A_610 : vector<16xf32>
        %add3A_613 = arith.addf %mul3A_611, %mul3A_612 : vector<16xf32>
        %mul3A_614 = arith.mulf %sub3A_608, %sub3A_608 : vector<16xf32>
        %add3A_615 = arith.addf %add3A_613, %mul3A_614 : vector<16xf32>
        %le3A = arith.constant 2.500000e-01 : f32
        %le3A_616 = vector.broadcast %le3A : f32 to vector<16xf32>
        %le3A_617 = arith.cmpf ole, %add3A_615, %le3A_616 : vector<16xf32>
        %convert_element_type3A = arith.extui %le3A_617 : vector<16xi1> to vector<16xi32>
        %broadcast_in_dim3A_618 = arith.constant true
        %broadcast_in_dim3A_619 = vector.broadcast %broadcast_in_dim3A_618 : i1 to vector<16xi1>
        %masked_cumsum3A = tpu.scan <sum>, %convert_element_type3A masked %broadcast_in_dim3A_619 : vector<16xi32>, vector<16xi1> -> vector<16xi32>
        %sub3A_620 = arith.constant 1 : i32
        %sub3A_621 = arith.subi %while3A_593, %sub3A_620 : i32
        %add3A_622 = vector.broadcast %sub3A_621 : i32 to vector<16xi32>
        %add3A_623 = arith.addi %add3A_622, %masked_cumsum3A : vector<16xi32>
        %lt3A = arith.constant 32 : i32
        %lt3A_624 = vector.broadcast %lt3A : i32 to vector<16xi32>
        %lt3A_625 = arith.cmpi slt, %add3A_623, %lt3A_624 : vector<16xi32>
        %and3A = arith.andi %le3A_617, %lt3A_625 : vector<16xi1>
        %add3A_626 = vector.broadcast %mul3A_599 : i32 to vector<16xi32>
        %add3A_627 = arith.addi %add3A_626, %iota3A : vector<16xi32>
        %mul3A_628 = arith.constant 32 : i32
        %mul3A_629 = arith.muli %add3A_370, %mul3A_628 : i32
        %add3A_630 = vector.broadcast %mul3A_629 : i32 to vector<16xi32>
        %add3A_631 = arith.addi %add3A_630, %add3A_623 : vector<16xi32>
        tpu.vector_store_idx %arg16[%add3A_631], %add3A_627 masked %and3A : memref<2560xi32, #tpu.memory_space<vmem>>[vector<16xi32>], vector<16xi32>, vector<16xi1>
        %reduce_sum3A_632 = arith.constant true
        %reduce_sum3A_633 = vector.broadcast %reduce_sum3A_632 : i1 to vector<16xi1>
        %reduce_sum3A_634 = tpu.scan <sum>, %convert_element_type3A masked %reduce_sum3A_633 : vector<16xi32>, vector<16xi1> -> vector<16xi32>
        %reduce_sum3A_635 = vector.extract %reduce_sum3A_634[15] : i32 from vector<16xi32>
        %add3A_636 = arith.addi %while3A_593, %reduce_sum3A_635 : i32
        %mul3A_637 = arith.constant 2 : i32
        %mul3A_638 = arith.muli %while3A_592, %mul3A_637 : i32
        %add3A_639 = arith.constant 1 : i32
        %add3A_640 = arith.addi %mul3A_638, %add3A_639 : i32
        %mul3A_641 = arith.constant 16 : i32
        %mul3A_642 = arith.muli %add3A_640, %mul3A_641 : i32
        %get3A_643 = arith.index_cast %mul3A_642 : i32 to index
        %get3A_644 = tpu.vector_load %arg10[%get3A_643] {strides = array<i32>} : memref<10240xf32, #tpu.memory_space<vmem>>, vector<16xf32>,
        %get3A_645 = arith.index_cast %mul3A_642 : i32 to index
        %get3A_646 = tpu.vector_load %arg11[%get3A_645] {strides = array<i32>} : memref<10240xf32, #tpu.memory_space<vmem>>, vector<16xf32>,
        %get3A_647 = arith.index_cast %mul3A_642 : i32 to index
        %get3A_648 = tpu.vector_load %arg12[%get3A_647] {strides = array<i32>} : memref<10240xf32, #tpu.memory_space<vmem>>, vector<16xf32>,
        %sub3A_649 = vector.broadcast %reduce_sum3A_352 : f32 to vector<16xf32>
        %sub3A_650 = arith.subf %get3A_644, %sub3A_649 : vector<16xf32>
        %sub3A_651 = vector.broadcast %reduce_sum3A_359 : f32 to vector<16xf32>
        %sub3A_652 = arith.subf %get3A_646, %sub3A_651 : vector<16xf32>
        %sub3A_653 = vector.broadcast %reduce_sum3A_366 : f32 to vector<16xf32>
        %sub3A_654 = arith.subf %get3A_648, %sub3A_653 : vector<16xf32>
        %mul3A_655 = arith.mulf %sub3A_650, %sub3A_650 : vector<16xf32>
        %mul3A_656 = arith.mulf %sub3A_654, %sub3A_654 : vector<16xf32>
        %add3A_657 = arith.addf %mul3A_655, %mul3A_656 : vector<16xf32>
        %mul3A_658 = arith.mulf %sub3A_652, %sub3A_652 : vector<16xf32>
        %add3A_659 = arith.addf %add3A_657, %mul3A_658 : vector<16xf32>
        %le3A_660 = arith.constant 2.500000e-01 : f32
        %le3A_661 = vector.broadcast %le3A_660 : f32 to vector<16xf32>
        %le3A_662 = arith.cmpf ole, %add3A_659, %le3A_661 : vector<16xf32>
        %convert_element_type3A_663 = arith.extui %le3A_662 : vector<16xi1> to vector<16xi32>
        %broadcast_in_dim3A_664 = arith.constant true
        %broadcast_in_dim3A_665 = vector.broadcast %broadcast_in_dim3A_664 : i1 to vector<16xi1>
        %masked_cumsum3A_666 = tpu.scan <sum>, %convert_element_type3A_663 masked %broadcast_in_dim3A_665 : vector<16xi32>, vector<16xi1> -> vector<16xi32>
        %sub3A_667 = arith.constant 1 : i32
        %sub3A_668 = arith.subi %add3A_636, %sub3A_667 : i32
        %add3A_669 = vector.broadcast %sub3A_668 : i32 to vector<16xi32>
        %add3A_670 = arith.addi %add3A_669, %masked_cumsum3A_666 : vector<16xi32>
        %lt3A_671 = arith.constant 32 : i32
        %lt3A_672 = vector.broadcast %lt3A_671 : i32 to vector<16xi32>
        %lt3A_673 = arith.cmpi slt, %add3A_670, %lt3A_672 : vector<16xi32>
        %and3A_674 = arith.andi %le3A_662, %lt3A_673 : vector<16xi1>
        %add3A_675 = vector.broadcast %mul3A_642 : i32 to vector<16xi32>
        %add3A_676 = arith.addi %add3A_675, %iota3A : vector<16xi32>
        %mul3A_677 = arith.constant 32 : i32
        %mul3A_678 = arith.muli %add3A_370, %mul3A_677 : i32
        %add3A_679 = vector.broadcast %mul3A_678 : i32 to vector<16xi32>
        %add3A_680 = arith.addi %add3A_679, %add3A_670 : vector<16xi32>
        tpu.vector_store_idx %arg16[%add3A_680], %add3A_676 masked %and3A_674 : memref<2560xi32, #tpu.memory_space<vmem>>[vector<16xi32>], vector<16xi32>, vector<16xi1>
        %reduce_sum3A_681 = arith.constant true
        %reduce_sum3A_682 = vector.broadcast %reduce_sum3A_681 : i1 to vector<16xi1>
        %reduce_sum3A_683 = tpu.scan <sum>, %convert_element_type3A_663 masked %reduce_sum3A_682 : vector<16xi32>, vector<16xi1> -> vector<16xi32>
        %reduce_sum3A_684 = vector.extract %reduce_sum3A_683[15] : i32 from vector<16xi32>
        %add3A_685 = arith.addi %add3A_636, %reduce_sum3A_684 : i32
        %add3A_686 = arith.constant 1 : i32
        %add3A_687 = arith.addi %while3A_592, %add3A_686 : i32
        scf.yield %add3A_687, %add3A_685 : i32, i32
      }
      %min3A_374 = arith.constant 32 : i32
      %min3A_375 = arith.minsi %while3A_373#1, %min3A_374 : i32
      %broadcast_in_dim3A_376 = vector.broadcast %min3A_375 : i32 to vector<16xi32>
      %select_n3A_377 = arith.select %eq3A_345, %broadcast_in_dim3A_376, %select_n3A_342 : vector<16xi1>, vector<16xi32>
      %eq3A_378 = arith.constant 10 : i32
      %eq3A_379 = vector.broadcast %eq3A_378 : i32 to vector<16xi32>
      %eq3A_380 = arith.cmpi eq, %iota3A, %eq3A_379 : vector<16xi32>
      %jit3A_381 = arith.constant 0.000000e+00 : f32
      %broadcast_in_dim3A_382 = vector.broadcast %jit3A_381 : f32 to vector<16xf32>
      %select_n3A_383 = arith.select %eq3A_380, %get3A_23, %broadcast_in_dim3A_382 : vector<16xi1>, vector<16xf32>
      %reduce_sum3A_384 = arith.constant true
      %reduce_sum3A_385 = vector.broadcast %reduce_sum3A_384 : i1 to vector<16xi1>
      %reduce_sum3A_386 = tpu.scan <sum>, %select_n3A_383 masked %reduce_sum3A_385 : vector<16xf32>, vector<16xi1> -> vector<16xf32>
      %reduce_sum3A_387 = vector.extract %reduce_sum3A_386[15] : f32 from vector<16xf32>
      %jit3A_388 = arith.constant 0.000000e+00 : f32
      %broadcast_in_dim3A_389 = vector.broadcast %jit3A_388 : f32 to vector<16xf32>
      %select_n3A_390 = arith.select %eq3A_380, %get3A_27, %broadcast_in_dim3A_389 : vector<16xi1>, vector<16xf32>
      %reduce_sum3A_391 = arith.constant true
      %reduce_sum3A_392 = vector.broadcast %reduce_sum3A_391 : i1 to vector<16xi1>
      %reduce_sum3A_393 = tpu.scan <sum>, %select_n3A_390 masked %reduce_sum3A_392 : vector<16xf32>, vector<16xi1> -> vector<16xf32>
      %reduce_sum3A_394 = vector.extract %reduce_sum3A_393[15] : f32 from vector<16xf32>
      %jit3A_395 = arith.constant 0.000000e+00 : f32
      %broadcast_in_dim3A_396 = vector.broadcast %jit3A_395 : f32 to vector<16xf32>
      %select_n3A_397 = arith.select %eq3A_380, %get3A_31, %broadcast_in_dim3A_396 : vector<16xi1>, vector<16xf32>
      %reduce_sum3A_398 = arith.constant true
      %reduce_sum3A_399 = vector.broadcast %reduce_sum3A_398 : i1 to vector<16xi1>
      %reduce_sum3A_400 = tpu.scan <sum>, %select_n3A_397 masked %reduce_sum3A_399 : vector<16xf32>, vector<16xi1> -> vector<16xf32>
      %reduce_sum3A_401 = vector.extract %reduce_sum3A_400[15] : f32 from vector<16xf32>
      %mul3A_402 = arith.constant 16 : i32
      %mul3A_403 = arith.muli %scan3A_19, %mul3A_402 : i32
      %add3A_404 = arith.constant 10 : i32
      %add3A_405 = arith.addi %mul3A_403, %add3A_404 : i32
      %while3A_406 = arith.constant 0 : i32
      %while3A_407 = arith.constant 0 : i32
      %while3A_408:2 = scf.while (%while3A_592 = %while3A_406, %while3A_593 = %while3A_407) : (i32, i32) -> (i32, i32) {
        %lt3A = arith.constant 320 : i32
        %lt3A_594 = arith.cmpi slt, %while3A_592, %lt3A : i32
        %lt3A_595 = arith.constant 32 : i32
        %lt3A_596 = arith.cmpi slt, %while3A_593, %lt3A_595 : i32
        %and3A = arith.andi %lt3A_594, %lt3A_596 : i1
        scf.condition(%and3A) %while3A_592, %while3A_593 : i32, i32
      } do {
      ^bb0(%while3A_592: i32, %while3A_593: i32):
        %mul3A_594 = arith.constant 2 : i32
        %mul3A_595 = arith.muli %while3A_592, %mul3A_594 : i32
        %add3A_596 = arith.constant 0 : i32
        %add3A_597 = arith.addi %mul3A_595, %add3A_596 : i32
        %mul3A_598 = arith.constant 16 : i32
        %mul3A_599 = arith.muli %add3A_597, %mul3A_598 : i32
        %get3A_600 = arith.index_cast %mul3A_599 : i32 to index
        %get3A_601 = tpu.vector_load %arg10[%get3A_600] {strides = array<i32>} : memref<10240xf32, #tpu.memory_space<vmem>>, vector<16xf32>,
        %get3A_602 = arith.index_cast %mul3A_599 : i32 to index
        %get3A_603 = tpu.vector_load %arg11[%get3A_602] {strides = array<i32>} : memref<10240xf32, #tpu.memory_space<vmem>>, vector<16xf32>,
        %get3A_604 = arith.index_cast %mul3A_599 : i32 to index
        %get3A_605 = tpu.vector_load %arg12[%get3A_604] {strides = array<i32>} : memref<10240xf32, #tpu.memory_space<vmem>>, vector<16xf32>,
        %sub3A = vector.broadcast %reduce_sum3A_387 : f32 to vector<16xf32>
        %sub3A_606 = arith.subf %get3A_601, %sub3A : vector<16xf32>
        %sub3A_607 = vector.broadcast %reduce_sum3A_394 : f32 to vector<16xf32>
        %sub3A_608 = arith.subf %get3A_603, %sub3A_607 : vector<16xf32>
        %sub3A_609 = vector.broadcast %reduce_sum3A_401 : f32 to vector<16xf32>
        %sub3A_610 = arith.subf %get3A_605, %sub3A_609 : vector<16xf32>
        %mul3A_611 = arith.mulf %sub3A_606, %sub3A_606 : vector<16xf32>
        %mul3A_612 = arith.mulf %sub3A_610, %sub3A_610 : vector<16xf32>
        %add3A_613 = arith.addf %mul3A_611, %mul3A_612 : vector<16xf32>
        %mul3A_614 = arith.mulf %sub3A_608, %sub3A_608 : vector<16xf32>
        %add3A_615 = arith.addf %add3A_613, %mul3A_614 : vector<16xf32>
        %le3A = arith.constant 2.500000e-01 : f32
        %le3A_616 = vector.broadcast %le3A : f32 to vector<16xf32>
        %le3A_617 = arith.cmpf ole, %add3A_615, %le3A_616 : vector<16xf32>
        %convert_element_type3A = arith.extui %le3A_617 : vector<16xi1> to vector<16xi32>
        %broadcast_in_dim3A_618 = arith.constant true
        %broadcast_in_dim3A_619 = vector.broadcast %broadcast_in_dim3A_618 : i1 to vector<16xi1>
        %masked_cumsum3A = tpu.scan <sum>, %convert_element_type3A masked %broadcast_in_dim3A_619 : vector<16xi32>, vector<16xi1> -> vector<16xi32>
        %sub3A_620 = arith.constant 1 : i32
        %sub3A_621 = arith.subi %while3A_593, %sub3A_620 : i32
        %add3A_622 = vector.broadcast %sub3A_621 : i32 to vector<16xi32>
        %add3A_623 = arith.addi %add3A_622, %masked_cumsum3A : vector<16xi32>
        %lt3A = arith.constant 32 : i32
        %lt3A_624 = vector.broadcast %lt3A : i32 to vector<16xi32>
        %lt3A_625 = arith.cmpi slt, %add3A_623, %lt3A_624 : vector<16xi32>
        %and3A = arith.andi %le3A_617, %lt3A_625 : vector<16xi1>
        %add3A_626 = vector.broadcast %mul3A_599 : i32 to vector<16xi32>
        %add3A_627 = arith.addi %add3A_626, %iota3A : vector<16xi32>
        %mul3A_628 = arith.constant 32 : i32
        %mul3A_629 = arith.muli %add3A_405, %mul3A_628 : i32
        %add3A_630 = vector.broadcast %mul3A_629 : i32 to vector<16xi32>
        %add3A_631 = arith.addi %add3A_630, %add3A_623 : vector<16xi32>
        tpu.vector_store_idx %arg16[%add3A_631], %add3A_627 masked %and3A : memref<2560xi32, #tpu.memory_space<vmem>>[vector<16xi32>], vector<16xi32>, vector<16xi1>
        %reduce_sum3A_632 = arith.constant true
        %reduce_sum3A_633 = vector.broadcast %reduce_sum3A_632 : i1 to vector<16xi1>
        %reduce_sum3A_634 = tpu.scan <sum>, %convert_element_type3A masked %reduce_sum3A_633 : vector<16xi32>, vector<16xi1> -> vector<16xi32>
        %reduce_sum3A_635 = vector.extract %reduce_sum3A_634[15] : i32 from vector<16xi32>
        %add3A_636 = arith.addi %while3A_593, %reduce_sum3A_635 : i32
        %mul3A_637 = arith.constant 2 : i32
        %mul3A_638 = arith.muli %while3A_592, %mul3A_637 : i32
        %add3A_639 = arith.constant 1 : i32
        %add3A_640 = arith.addi %mul3A_638, %add3A_639 : i32
        %mul3A_641 = arith.constant 16 : i32
        %mul3A_642 = arith.muli %add3A_640, %mul3A_641 : i32
        %get3A_643 = arith.index_cast %mul3A_642 : i32 to index
        %get3A_644 = tpu.vector_load %arg10[%get3A_643] {strides = array<i32>} : memref<10240xf32, #tpu.memory_space<vmem>>, vector<16xf32>,
        %get3A_645 = arith.index_cast %mul3A_642 : i32 to index
        %get3A_646 = tpu.vector_load %arg11[%get3A_645] {strides = array<i32>} : memref<10240xf32, #tpu.memory_space<vmem>>, vector<16xf32>,
        %get3A_647 = arith.index_cast %mul3A_642 : i32 to index
        %get3A_648 = tpu.vector_load %arg12[%get3A_647] {strides = array<i32>} : memref<10240xf32, #tpu.memory_space<vmem>>, vector<16xf32>,
        %sub3A_649 = vector.broadcast %reduce_sum3A_387 : f32 to vector<16xf32>
        %sub3A_650 = arith.subf %get3A_644, %sub3A_649 : vector<16xf32>
        %sub3A_651 = vector.broadcast %reduce_sum3A_394 : f32 to vector<16xf32>
        %sub3A_652 = arith.subf %get3A_646, %sub3A_651 : vector<16xf32>
        %sub3A_653 = vector.broadcast %reduce_sum3A_401 : f32 to vector<16xf32>
        %sub3A_654 = arith.subf %get3A_648, %sub3A_653 : vector<16xf32>
        %mul3A_655 = arith.mulf %sub3A_650, %sub3A_650 : vector<16xf32>
        %mul3A_656 = arith.mulf %sub3A_654, %sub3A_654 : vector<16xf32>
        %add3A_657 = arith.addf %mul3A_655, %mul3A_656 : vector<16xf32>
        %mul3A_658 = arith.mulf %sub3A_652, %sub3A_652 : vector<16xf32>
        %add3A_659 = arith.addf %add3A_657, %mul3A_658 : vector<16xf32>
        %le3A_660 = arith.constant 2.500000e-01 : f32
        %le3A_661 = vector.broadcast %le3A_660 : f32 to vector<16xf32>
        %le3A_662 = arith.cmpf ole, %add3A_659, %le3A_661 : vector<16xf32>
        %convert_element_type3A_663 = arith.extui %le3A_662 : vector<16xi1> to vector<16xi32>
        %broadcast_in_dim3A_664 = arith.constant true
        %broadcast_in_dim3A_665 = vector.broadcast %broadcast_in_dim3A_664 : i1 to vector<16xi1>
        %masked_cumsum3A_666 = tpu.scan <sum>, %convert_element_type3A_663 masked %broadcast_in_dim3A_665 : vector<16xi32>, vector<16xi1> -> vector<16xi32>
        %sub3A_667 = arith.constant 1 : i32
        %sub3A_668 = arith.subi %add3A_636, %sub3A_667 : i32
        %add3A_669 = vector.broadcast %sub3A_668 : i32 to vector<16xi32>
        %add3A_670 = arith.addi %add3A_669, %masked_cumsum3A_666 : vector<16xi32>
        %lt3A_671 = arith.constant 32 : i32
        %lt3A_672 = vector.broadcast %lt3A_671 : i32 to vector<16xi32>
        %lt3A_673 = arith.cmpi slt, %add3A_670, %lt3A_672 : vector<16xi32>
        %and3A_674 = arith.andi %le3A_662, %lt3A_673 : vector<16xi1>
        %add3A_675 = vector.broadcast %mul3A_642 : i32 to vector<16xi32>
        %add3A_676 = arith.addi %add3A_675, %iota3A : vector<16xi32>
        %mul3A_677 = arith.constant 32 : i32
        %mul3A_678 = arith.muli %add3A_405, %mul3A_677 : i32
        %add3A_679 = vector.broadcast %mul3A_678 : i32 to vector<16xi32>
        %add3A_680 = arith.addi %add3A_679, %add3A_670 : vector<16xi32>
        tpu.vector_store_idx %arg16[%add3A_680], %add3A_676 masked %and3A_674 : memref<2560xi32, #tpu.memory_space<vmem>>[vector<16xi32>], vector<16xi32>, vector<16xi1>
        %reduce_sum3A_681 = arith.constant true
        %reduce_sum3A_682 = vector.broadcast %reduce_sum3A_681 : i1 to vector<16xi1>
        %reduce_sum3A_683 = tpu.scan <sum>, %convert_element_type3A_663 masked %reduce_sum3A_682 : vector<16xi32>, vector<16xi1> -> vector<16xi32>
        %reduce_sum3A_684 = vector.extract %reduce_sum3A_683[15] : i32 from vector<16xi32>
        %add3A_685 = arith.addi %add3A_636, %reduce_sum3A_684 : i32
        %add3A_686 = arith.constant 1 : i32
        %add3A_687 = arith.addi %while3A_592, %add3A_686 : i32
        scf.yield %add3A_687, %add3A_685 : i32, i32
      }
      %min3A_409 = arith.constant 32 : i32
      %min3A_410 = arith.minsi %while3A_408#1, %min3A_409 : i32
      %broadcast_in_dim3A_411 = vector.broadcast %min3A_410 : i32 to vector<16xi32>
      %select_n3A_412 = arith.select %eq3A_380, %broadcast_in_dim3A_411, %select_n3A_377 : vector<16xi1>, vector<16xi32>
      %eq3A_413 = arith.constant 11 : i32
      %eq3A_414 = vector.broadcast %eq3A_413 : i32 to vector<16xi32>
      %eq3A_415 = arith.cmpi eq, %iota3A, %eq3A_414 : vector<16xi32>
      %jit3A_416 = arith.constant 0.000000e+00 : f32
      %broadcast_in_dim3A_417 = vector.broadcast %jit3A_416 : f32 to vector<16xf32>
      %select_n3A_418 = arith.select %eq3A_415, %get3A_23, %broadcast_in_dim3A_417 : vector<16xi1>, vector<16xf32>
      %reduce_sum3A_419 = arith.constant true
      %reduce_sum3A_420 = vector.broadcast %reduce_sum3A_419 : i1 to vector<16xi1>
      %reduce_sum3A_421 = tpu.scan <sum>, %select_n3A_418 masked %reduce_sum3A_420 : vector<16xf32>, vector<16xi1> -> vector<16xf32>
      %reduce_sum3A_422 = vector.extract %reduce_sum3A_421[15] : f32 from vector<16xf32>
      %jit3A_423 = arith.constant 0.000000e+00 : f32
      %broadcast_in_dim3A_424 = vector.broadcast %jit3A_423 : f32 to vector<16xf32>
      %select_n3A_425 = arith.select %eq3A_415, %get3A_27, %broadcast_in_dim3A_424 : vector<16xi1>, vector<16xf32>
      %reduce_sum3A_426 = arith.constant true
      %reduce_sum3A_427 = vector.broadcast %reduce_sum3A_426 : i1 to vector<16xi1>
      %reduce_sum3A_428 = tpu.scan <sum>, %select_n3A_425 masked %reduce_sum3A_427 : vector<16xf32>, vector<16xi1> -> vector<16xf32>
      %reduce_sum3A_429 = vector.extract %reduce_sum3A_428[15] : f32 from vector<16xf32>
      %jit3A_430 = arith.constant 0.000000e+00 : f32
      %broadcast_in_dim3A_431 = vector.broadcast %jit3A_430 : f32 to vector<16xf32>
      %select_n3A_432 = arith.select %eq3A_415, %get3A_31, %broadcast_in_dim3A_431 : vector<16xi1>, vector<16xf32>
      %reduce_sum3A_433 = arith.constant true
      %reduce_sum3A_434 = vector.broadcast %reduce_sum3A_433 : i1 to vector<16xi1>
      %reduce_sum3A_435 = tpu.scan <sum>, %select_n3A_432 masked %reduce_sum3A_434 : vector<16xf32>, vector<16xi1> -> vector<16xf32>
      %reduce_sum3A_436 = vector.extract %reduce_sum3A_435[15] : f32 from vector<16xf32>
      %mul3A_437 = arith.constant 16 : i32
      %mul3A_438 = arith.muli %scan3A_19, %mul3A_437 : i32
      %add3A_439 = arith.constant 11 : i32
      %add3A_440 = arith.addi %mul3A_438, %add3A_439 : i32
      %while3A_441 = arith.constant 0 : i32
      %while3A_442 = arith.constant 0 : i32
      %while3A_443:2 = scf.while (%while3A_592 = %while3A_441, %while3A_593 = %while3A_442) : (i32, i32) -> (i32, i32) {
        %lt3A = arith.constant 320 : i32
        %lt3A_594 = arith.cmpi slt, %while3A_592, %lt3A : i32
        %lt3A_595 = arith.constant 32 : i32
        %lt3A_596 = arith.cmpi slt, %while3A_593, %lt3A_595 : i32
        %and3A = arith.andi %lt3A_594, %lt3A_596 : i1
        scf.condition(%and3A) %while3A_592, %while3A_593 : i32, i32
      } do {
      ^bb0(%while3A_592: i32, %while3A_593: i32):
        %mul3A_594 = arith.constant 2 : i32
        %mul3A_595 = arith.muli %while3A_592, %mul3A_594 : i32
        %add3A_596 = arith.constant 0 : i32
        %add3A_597 = arith.addi %mul3A_595, %add3A_596 : i32
        %mul3A_598 = arith.constant 16 : i32
        %mul3A_599 = arith.muli %add3A_597, %mul3A_598 : i32
        %get3A_600 = arith.index_cast %mul3A_599 : i32 to index
        %get3A_601 = tpu.vector_load %arg10[%get3A_600] {strides = array<i32>} : memref<10240xf32, #tpu.memory_space<vmem>>, vector<16xf32>,
        %get3A_602 = arith.index_cast %mul3A_599 : i32 to index
        %get3A_603 = tpu.vector_load %arg11[%get3A_602] {strides = array<i32>} : memref<10240xf32, #tpu.memory_space<vmem>>, vector<16xf32>,
        %get3A_604 = arith.index_cast %mul3A_599 : i32 to index
        %get3A_605 = tpu.vector_load %arg12[%get3A_604] {strides = array<i32>} : memref<10240xf32, #tpu.memory_space<vmem>>, vector<16xf32>,
        %sub3A = vector.broadcast %reduce_sum3A_422 : f32 to vector<16xf32>
        %sub3A_606 = arith.subf %get3A_601, %sub3A : vector<16xf32>
        %sub3A_607 = vector.broadcast %reduce_sum3A_429 : f32 to vector<16xf32>
        %sub3A_608 = arith.subf %get3A_603, %sub3A_607 : vector<16xf32>
        %sub3A_609 = vector.broadcast %reduce_sum3A_436 : f32 to vector<16xf32>
        %sub3A_610 = arith.subf %get3A_605, %sub3A_609 : vector<16xf32>
        %mul3A_611 = arith.mulf %sub3A_606, %sub3A_606 : vector<16xf32>
        %mul3A_612 = arith.mulf %sub3A_610, %sub3A_610 : vector<16xf32>
        %add3A_613 = arith.addf %mul3A_611, %mul3A_612 : vector<16xf32>
        %mul3A_614 = arith.mulf %sub3A_608, %sub3A_608 : vector<16xf32>
        %add3A_615 = arith.addf %add3A_613, %mul3A_614 : vector<16xf32>
        %le3A = arith.constant 2.500000e-01 : f32
        %le3A_616 = vector.broadcast %le3A : f32 to vector<16xf32>
        %le3A_617 = arith.cmpf ole, %add3A_615, %le3A_616 : vector<16xf32>
        %convert_element_type3A = arith.extui %le3A_617 : vector<16xi1> to vector<16xi32>
        %broadcast_in_dim3A_618 = arith.constant true
        %broadcast_in_dim3A_619 = vector.broadcast %broadcast_in_dim3A_618 : i1 to vector<16xi1>
        %masked_cumsum3A = tpu.scan <sum>, %convert_element_type3A masked %broadcast_in_dim3A_619 : vector<16xi32>, vector<16xi1> -> vector<16xi32>
        %sub3A_620 = arith.constant 1 : i32
        %sub3A_621 = arith.subi %while3A_593, %sub3A_620 : i32
        %add3A_622 = vector.broadcast %sub3A_621 : i32 to vector<16xi32>
        %add3A_623 = arith.addi %add3A_622, %masked_cumsum3A : vector<16xi32>
        %lt3A = arith.constant 32 : i32
        %lt3A_624 = vector.broadcast %lt3A : i32 to vector<16xi32>
        %lt3A_625 = arith.cmpi slt, %add3A_623, %lt3A_624 : vector<16xi32>
        %and3A = arith.andi %le3A_617, %lt3A_625 : vector<16xi1>
        %add3A_626 = vector.broadcast %mul3A_599 : i32 to vector<16xi32>
        %add3A_627 = arith.addi %add3A_626, %iota3A : vector<16xi32>
        %mul3A_628 = arith.constant 32 : i32
        %mul3A_629 = arith.muli %add3A_440, %mul3A_628 : i32
        %add3A_630 = vector.broadcast %mul3A_629 : i32 to vector<16xi32>
        %add3A_631 = arith.addi %add3A_630, %add3A_623 : vector<16xi32>
        tpu.vector_store_idx %arg16[%add3A_631], %add3A_627 masked %and3A : memref<2560xi32, #tpu.memory_space<vmem>>[vector<16xi32>], vector<16xi32>, vector<16xi1>
        %reduce_sum3A_632 = arith.constant true
        %reduce_sum3A_633 = vector.broadcast %reduce_sum3A_632 : i1 to vector<16xi1>
        %reduce_sum3A_634 = tpu.scan <sum>, %convert_element_type3A masked %reduce_sum3A_633 : vector<16xi32>, vector<16xi1> -> vector<16xi32>
        %reduce_sum3A_635 = vector.extract %reduce_sum3A_634[15] : i32 from vector<16xi32>
        %add3A_636 = arith.addi %while3A_593, %reduce_sum3A_635 : i32
        %mul3A_637 = arith.constant 2 : i32
        %mul3A_638 = arith.muli %while3A_592, %mul3A_637 : i32
        %add3A_639 = arith.constant 1 : i32
        %add3A_640 = arith.addi %mul3A_638, %add3A_639 : i32
        %mul3A_641 = arith.constant 16 : i32
        %mul3A_642 = arith.muli %add3A_640, %mul3A_641 : i32
        %get3A_643 = arith.index_cast %mul3A_642 : i32 to index
        %get3A_644 = tpu.vector_load %arg10[%get3A_643] {strides = array<i32>} : memref<10240xf32, #tpu.memory_space<vmem>>, vector<16xf32>,
        %get3A_645 = arith.index_cast %mul3A_642 : i32 to index
        %get3A_646 = tpu.vector_load %arg11[%get3A_645] {strides = array<i32>} : memref<10240xf32, #tpu.memory_space<vmem>>, vector<16xf32>,
        %get3A_647 = arith.index_cast %mul3A_642 : i32 to index
        %get3A_648 = tpu.vector_load %arg12[%get3A_647] {strides = array<i32>} : memref<10240xf32, #tpu.memory_space<vmem>>, vector<16xf32>,
        %sub3A_649 = vector.broadcast %reduce_sum3A_422 : f32 to vector<16xf32>
        %sub3A_650 = arith.subf %get3A_644, %sub3A_649 : vector<16xf32>
        %sub3A_651 = vector.broadcast %reduce_sum3A_429 : f32 to vector<16xf32>
        %sub3A_652 = arith.subf %get3A_646, %sub3A_651 : vector<16xf32>
        %sub3A_653 = vector.broadcast %reduce_sum3A_436 : f32 to vector<16xf32>
        %sub3A_654 = arith.subf %get3A_648, %sub3A_653 : vector<16xf32>
        %mul3A_655 = arith.mulf %sub3A_650, %sub3A_650 : vector<16xf32>
        %mul3A_656 = arith.mulf %sub3A_654, %sub3A_654 : vector<16xf32>
        %add3A_657 = arith.addf %mul3A_655, %mul3A_656 : vector<16xf32>
        %mul3A_658 = arith.mulf %sub3A_652, %sub3A_652 : vector<16xf32>
        %add3A_659 = arith.addf %add3A_657, %mul3A_658 : vector<16xf32>
        %le3A_660 = arith.constant 2.500000e-01 : f32
        %le3A_661 = vector.broadcast %le3A_660 : f32 to vector<16xf32>
        %le3A_662 = arith.cmpf ole, %add3A_659, %le3A_661 : vector<16xf32>
        %convert_element_type3A_663 = arith.extui %le3A_662 : vector<16xi1> to vector<16xi32>
        %broadcast_in_dim3A_664 = arith.constant true
        %broadcast_in_dim3A_665 = vector.broadcast %broadcast_in_dim3A_664 : i1 to vector<16xi1>
        %masked_cumsum3A_666 = tpu.scan <sum>, %convert_element_type3A_663 masked %broadcast_in_dim3A_665 : vector<16xi32>, vector<16xi1> -> vector<16xi32>
        %sub3A_667 = arith.constant 1 : i32
        %sub3A_668 = arith.subi %add3A_636, %sub3A_667 : i32
        %add3A_669 = vector.broadcast %sub3A_668 : i32 to vector<16xi32>
        %add3A_670 = arith.addi %add3A_669, %masked_cumsum3A_666 : vector<16xi32>
        %lt3A_671 = arith.constant 32 : i32
        %lt3A_672 = vector.broadcast %lt3A_671 : i32 to vector<16xi32>
        %lt3A_673 = arith.cmpi slt, %add3A_670, %lt3A_672 : vector<16xi32>
        %and3A_674 = arith.andi %le3A_662, %lt3A_673 : vector<16xi1>
        %add3A_675 = vector.broadcast %mul3A_642 : i32 to vector<16xi32>
        %add3A_676 = arith.addi %add3A_675, %iota3A : vector<16xi32>
        %mul3A_677 = arith.constant 32 : i32
        %mul3A_678 = arith.muli %add3A_440, %mul3A_677 : i32
        %add3A_679 = vector.broadcast %mul3A_678 : i32 to vector<16xi32>
        %add3A_680 = arith.addi %add3A_679, %add3A_670 : vector<16xi32>
        tpu.vector_store_idx %arg16[%add3A_680], %add3A_676 masked %and3A_674 : memref<2560xi32, #tpu.memory_space<vmem>>[vector<16xi32>], vector<16xi32>, vector<16xi1>
        %reduce_sum3A_681 = arith.constant true
        %reduce_sum3A_682 = vector.broadcast %reduce_sum3A_681 : i1 to vector<16xi1>
        %reduce_sum3A_683 = tpu.scan <sum>, %convert_element_type3A_663 masked %reduce_sum3A_682 : vector<16xi32>, vector<16xi1> -> vector<16xi32>
        %reduce_sum3A_684 = vector.extract %reduce_sum3A_683[15] : i32 from vector<16xi32>
        %add3A_685 = arith.addi %add3A_636, %reduce_sum3A_684 : i32
        %add3A_686 = arith.constant 1 : i32
        %add3A_687 = arith.addi %while3A_592, %add3A_686 : i32
        scf.yield %add3A_687, %add3A_685 : i32, i32
      }
      %min3A_444 = arith.constant 32 : i32
      %min3A_445 = arith.minsi %while3A_443#1, %min3A_444 : i32
      %broadcast_in_dim3A_446 = vector.broadcast %min3A_445 : i32 to vector<16xi32>
      %select_n3A_447 = arith.select %eq3A_415, %broadcast_in_dim3A_446, %select_n3A_412 : vector<16xi1>, vector<16xi32>
      %eq3A_448 = arith.constant 12 : i32
      %eq3A_449 = vector.broadcast %eq3A_448 : i32 to vector<16xi32>
      %eq3A_450 = arith.cmpi eq, %iota3A, %eq3A_449 : vector<16xi32>
      %jit3A_451 = arith.constant 0.000000e+00 : f32
      %broadcast_in_dim3A_452 = vector.broadcast %jit3A_451 : f32 to vector<16xf32>
      %select_n3A_453 = arith.select %eq3A_450, %get3A_23, %broadcast_in_dim3A_452 : vector<16xi1>, vector<16xf32>
      %reduce_sum3A_454 = arith.constant true
      %reduce_sum3A_455 = vector.broadcast %reduce_sum3A_454 : i1 to vector<16xi1>
      %reduce_sum3A_456 = tpu.scan <sum>, %select_n3A_453 masked %reduce_sum3A_455 : vector<16xf32>, vector<16xi1> -> vector<16xf32>
      %reduce_sum3A_457 = vector.extract %reduce_sum3A_456[15] : f32 from vector<16xf32>
      %jit3A_458 = arith.constant 0.000000e+00 : f32
      %broadcast_in_dim3A_459 = vector.broadcast %jit3A_458 : f32 to vector<16xf32>
      %select_n3A_460 = arith.select %eq3A_450, %get3A_27, %broadcast_in_dim3A_459 : vector<16xi1>, vector<16xf32>
      %reduce_sum3A_461 = arith.constant true
      %reduce_sum3A_462 = vector.broadcast %reduce_sum3A_461 : i1 to vector<16xi1>
      %reduce_sum3A_463 = tpu.scan <sum>, %select_n3A_460 masked %reduce_sum3A_462 : vector<16xf32>, vector<16xi1> -> vector<16xf32>
      %reduce_sum3A_464 = vector.extract %reduce_sum3A_463[15] : f32 from vector<16xf32>
      %jit3A_465 = arith.constant 0.000000e+00 : f32
      %broadcast_in_dim3A_466 = vector.broadcast %jit3A_465 : f32 to vector<16xf32>
      %select_n3A_467 = arith.select %eq3A_450, %get3A_31, %broadcast_in_dim3A_466 : vector<16xi1>, vector<16xf32>
      %reduce_sum3A_468 = arith.constant true
      %reduce_sum3A_469 = vector.broadcast %reduce_sum3A_468 : i1 to vector<16xi1>
      %reduce_sum3A_470 = tpu.scan <sum>, %select_n3A_467 masked %reduce_sum3A_469 : vector<16xf32>, vector<16xi1> -> vector<16xf32>
      %reduce_sum3A_471 = vector.extract %reduce_sum3A_470[15] : f32 from vector<16xf32>
      %mul3A_472 = arith.constant 16 : i32
      %mul3A_473 = arith.muli %scan3A_19, %mul3A_472 : i32
      %add3A_474 = arith.constant 12 : i32
      %add3A_475 = arith.addi %mul3A_473, %add3A_474 : i32
      %while3A_476 = arith.constant 0 : i32
      %while3A_477 = arith.constant 0 : i32
      %while3A_478:2 = scf.while (%while3A_592 = %while3A_476, %while3A_593 = %while3A_477) : (i32, i32) -> (i32, i32) {
        %lt3A = arith.constant 320 : i32
        %lt3A_594 = arith.cmpi slt, %while3A_592, %lt3A : i32
        %lt3A_595 = arith.constant 32 : i32
        %lt3A_596 = arith.cmpi slt, %while3A_593, %lt3A_595 : i32
        %and3A = arith.andi %lt3A_594, %lt3A_596 : i1
        scf.condition(%and3A) %while3A_592, %while3A_593 : i32, i32
      } do {
      ^bb0(%while3A_592: i32, %while3A_593: i32):
        %mul3A_594 = arith.constant 2 : i32
        %mul3A_595 = arith.muli %while3A_592, %mul3A_594 : i32
        %add3A_596 = arith.constant 0 : i32
        %add3A_597 = arith.addi %mul3A_595, %add3A_596 : i32
        %mul3A_598 = arith.constant 16 : i32
        %mul3A_599 = arith.muli %add3A_597, %mul3A_598 : i32
        %get3A_600 = arith.index_cast %mul3A_599 : i32 to index
        %get3A_601 = tpu.vector_load %arg10[%get3A_600] {strides = array<i32>} : memref<10240xf32, #tpu.memory_space<vmem>>, vector<16xf32>,
        %get3A_602 = arith.index_cast %mul3A_599 : i32 to index
        %get3A_603 = tpu.vector_load %arg11[%get3A_602] {strides = array<i32>} : memref<10240xf32, #tpu.memory_space<vmem>>, vector<16xf32>,
        %get3A_604 = arith.index_cast %mul3A_599 : i32 to index
        %get3A_605 = tpu.vector_load %arg12[%get3A_604] {strides = array<i32>} : memref<10240xf32, #tpu.memory_space<vmem>>, vector<16xf32>,
        %sub3A = vector.broadcast %reduce_sum3A_457 : f32 to vector<16xf32>
        %sub3A_606 = arith.subf %get3A_601, %sub3A : vector<16xf32>
        %sub3A_607 = vector.broadcast %reduce_sum3A_464 : f32 to vector<16xf32>
        %sub3A_608 = arith.subf %get3A_603, %sub3A_607 : vector<16xf32>
        %sub3A_609 = vector.broadcast %reduce_sum3A_471 : f32 to vector<16xf32>
        %sub3A_610 = arith.subf %get3A_605, %sub3A_609 : vector<16xf32>
        %mul3A_611 = arith.mulf %sub3A_606, %sub3A_606 : vector<16xf32>
        %mul3A_612 = arith.mulf %sub3A_610, %sub3A_610 : vector<16xf32>
        %add3A_613 = arith.addf %mul3A_611, %mul3A_612 : vector<16xf32>
        %mul3A_614 = arith.mulf %sub3A_608, %sub3A_608 : vector<16xf32>
        %add3A_615 = arith.addf %add3A_613, %mul3A_614 : vector<16xf32>
        %le3A = arith.constant 2.500000e-01 : f32
        %le3A_616 = vector.broadcast %le3A : f32 to vector<16xf32>
        %le3A_617 = arith.cmpf ole, %add3A_615, %le3A_616 : vector<16xf32>
        %convert_element_type3A = arith.extui %le3A_617 : vector<16xi1> to vector<16xi32>
        %broadcast_in_dim3A_618 = arith.constant true
        %broadcast_in_dim3A_619 = vector.broadcast %broadcast_in_dim3A_618 : i1 to vector<16xi1>
        %masked_cumsum3A = tpu.scan <sum>, %convert_element_type3A masked %broadcast_in_dim3A_619 : vector<16xi32>, vector<16xi1> -> vector<16xi32>
        %sub3A_620 = arith.constant 1 : i32
        %sub3A_621 = arith.subi %while3A_593, %sub3A_620 : i32
        %add3A_622 = vector.broadcast %sub3A_621 : i32 to vector<16xi32>
        %add3A_623 = arith.addi %add3A_622, %masked_cumsum3A : vector<16xi32>
        %lt3A = arith.constant 32 : i32
        %lt3A_624 = vector.broadcast %lt3A : i32 to vector<16xi32>
        %lt3A_625 = arith.cmpi slt, %add3A_623, %lt3A_624 : vector<16xi32>
        %and3A = arith.andi %le3A_617, %lt3A_625 : vector<16xi1>
        %add3A_626 = vector.broadcast %mul3A_599 : i32 to vector<16xi32>
        %add3A_627 = arith.addi %add3A_626, %iota3A : vector<16xi32>
        %mul3A_628 = arith.constant 32 : i32
        %mul3A_629 = arith.muli %add3A_475, %mul3A_628 : i32
        %add3A_630 = vector.broadcast %mul3A_629 : i32 to vector<16xi32>
        %add3A_631 = arith.addi %add3A_630, %add3A_623 : vector<16xi32>
        tpu.vector_store_idx %arg16[%add3A_631], %add3A_627 masked %and3A : memref<2560xi32, #tpu.memory_space<vmem>>[vector<16xi32>], vector<16xi32>, vector<16xi1>
        %reduce_sum3A_632 = arith.constant true
        %reduce_sum3A_633 = vector.broadcast %reduce_sum3A_632 : i1 to vector<16xi1>
        %reduce_sum3A_634 = tpu.scan <sum>, %convert_element_type3A masked %reduce_sum3A_633 : vector<16xi32>, vector<16xi1> -> vector<16xi32>
        %reduce_sum3A_635 = vector.extract %reduce_sum3A_634[15] : i32 from vector<16xi32>
        %add3A_636 = arith.addi %while3A_593, %reduce_sum3A_635 : i32
        %mul3A_637 = arith.constant 2 : i32
        %mul3A_638 = arith.muli %while3A_592, %mul3A_637 : i32
        %add3A_639 = arith.constant 1 : i32
        %add3A_640 = arith.addi %mul3A_638, %add3A_639 : i32
        %mul3A_641 = arith.constant 16 : i32
        %mul3A_642 = arith.muli %add3A_640, %mul3A_641 : i32
        %get3A_643 = arith.index_cast %mul3A_642 : i32 to index
        %get3A_644 = tpu.vector_load %arg10[%get3A_643] {strides = array<i32>} : memref<10240xf32, #tpu.memory_space<vmem>>, vector<16xf32>,
        %get3A_645 = arith.index_cast %mul3A_642 : i32 to index
        %get3A_646 = tpu.vector_load %arg11[%get3A_645] {strides = array<i32>} : memref<10240xf32, #tpu.memory_space<vmem>>, vector<16xf32>,
        %get3A_647 = arith.index_cast %mul3A_642 : i32 to index
        %get3A_648 = tpu.vector_load %arg12[%get3A_647] {strides = array<i32>} : memref<10240xf32, #tpu.memory_space<vmem>>, vector<16xf32>,
        %sub3A_649 = vector.broadcast %reduce_sum3A_457 : f32 to vector<16xf32>
        %sub3A_650 = arith.subf %get3A_644, %sub3A_649 : vector<16xf32>
        %sub3A_651 = vector.broadcast %reduce_sum3A_464 : f32 to vector<16xf32>
        %sub3A_652 = arith.subf %get3A_646, %sub3A_651 : vector<16xf32>
        %sub3A_653 = vector.broadcast %reduce_sum3A_471 : f32 to vector<16xf32>
        %sub3A_654 = arith.subf %get3A_648, %sub3A_653 : vector<16xf32>
        %mul3A_655 = arith.mulf %sub3A_650, %sub3A_650 : vector<16xf32>
        %mul3A_656 = arith.mulf %sub3A_654, %sub3A_654 : vector<16xf32>
        %add3A_657 = arith.addf %mul3A_655, %mul3A_656 : vector<16xf32>
        %mul3A_658 = arith.mulf %sub3A_652, %sub3A_652 : vector<16xf32>
        %add3A_659 = arith.addf %add3A_657, %mul3A_658 : vector<16xf32>
        %le3A_660 = arith.constant 2.500000e-01 : f32
        %le3A_661 = vector.broadcast %le3A_660 : f32 to vector<16xf32>
        %le3A_662 = arith.cmpf ole, %add3A_659, %le3A_661 : vector<16xf32>
        %convert_element_type3A_663 = arith.extui %le3A_662 : vector<16xi1> to vector<16xi32>
        %broadcast_in_dim3A_664 = arith.constant true
        %broadcast_in_dim3A_665 = vector.broadcast %broadcast_in_dim3A_664 : i1 to vector<16xi1>
        %masked_cumsum3A_666 = tpu.scan <sum>, %convert_element_type3A_663 masked %broadcast_in_dim3A_665 : vector<16xi32>, vector<16xi1> -> vector<16xi32>
        %sub3A_667 = arith.constant 1 : i32
        %sub3A_668 = arith.subi %add3A_636, %sub3A_667 : i32
        %add3A_669 = vector.broadcast %sub3A_668 : i32 to vector<16xi32>
        %add3A_670 = arith.addi %add3A_669, %masked_cumsum3A_666 : vector<16xi32>
        %lt3A_671 = arith.constant 32 : i32
        %lt3A_672 = vector.broadcast %lt3A_671 : i32 to vector<16xi32>
        %lt3A_673 = arith.cmpi slt, %add3A_670, %lt3A_672 : vector<16xi32>
        %and3A_674 = arith.andi %le3A_662, %lt3A_673 : vector<16xi1>
        %add3A_675 = vector.broadcast %mul3A_642 : i32 to vector<16xi32>
        %add3A_676 = arith.addi %add3A_675, %iota3A : vector<16xi32>
        %mul3A_677 = arith.constant 32 : i32
        %mul3A_678 = arith.muli %add3A_475, %mul3A_677 : i32
        %add3A_679 = vector.broadcast %mul3A_678 : i32 to vector<16xi32>
        %add3A_680 = arith.addi %add3A_679, %add3A_670 : vector<16xi32>
        tpu.vector_store_idx %arg16[%add3A_680], %add3A_676 masked %and3A_674 : memref<2560xi32, #tpu.memory_space<vmem>>[vector<16xi32>], vector<16xi32>, vector<16xi1>
        %reduce_sum3A_681 = arith.constant true
        %reduce_sum3A_682 = vector.broadcast %reduce_sum3A_681 : i1 to vector<16xi1>
        %reduce_sum3A_683 = tpu.scan <sum>, %convert_element_type3A_663 masked %reduce_sum3A_682 : vector<16xi32>, vector<16xi1> -> vector<16xi32>
        %reduce_sum3A_684 = vector.extract %reduce_sum3A_683[15] : i32 from vector<16xi32>
        %add3A_685 = arith.addi %add3A_636, %reduce_sum3A_684 : i32
        %add3A_686 = arith.constant 1 : i32
        %add3A_687 = arith.addi %while3A_592, %add3A_686 : i32
        scf.yield %add3A_687, %add3A_685 : i32, i32
      }
      %min3A_479 = arith.constant 32 : i32
      %min3A_480 = arith.minsi %while3A_478#1, %min3A_479 : i32
      %broadcast_in_dim3A_481 = vector.broadcast %min3A_480 : i32 to vector<16xi32>
      %select_n3A_482 = arith.select %eq3A_450, %broadcast_in_dim3A_481, %select_n3A_447 : vector<16xi1>, vector<16xi32>
      %eq3A_483 = arith.constant 13 : i32
      %eq3A_484 = vector.broadcast %eq3A_483 : i32 to vector<16xi32>
      %eq3A_485 = arith.cmpi eq, %iota3A, %eq3A_484 : vector<16xi32>
      %jit3A_486 = arith.constant 0.000000e+00 : f32
      %broadcast_in_dim3A_487 = vector.broadcast %jit3A_486 : f32 to vector<16xf32>
      %select_n3A_488 = arith.select %eq3A_485, %get3A_23, %broadcast_in_dim3A_487 : vector<16xi1>, vector<16xf32>
      %reduce_sum3A_489 = arith.constant true
      %reduce_sum3A_490 = vector.broadcast %reduce_sum3A_489 : i1 to vector<16xi1>
      %reduce_sum3A_491 = tpu.scan <sum>, %select_n3A_488 masked %reduce_sum3A_490 : vector<16xf32>, vector<16xi1> -> vector<16xf32>
      %reduce_sum3A_492 = vector.extract %reduce_sum3A_491[15] : f32 from vector<16xf32>
      %jit3A_493 = arith.constant 0.000000e+00 : f32
      %broadcast_in_dim3A_494 = vector.broadcast %jit3A_493 : f32 to vector<16xf32>
      %select_n3A_495 = arith.select %eq3A_485, %get3A_27, %broadcast_in_dim3A_494 : vector<16xi1>, vector<16xf32>
      %reduce_sum3A_496 = arith.constant true
      %reduce_sum3A_497 = vector.broadcast %reduce_sum3A_496 : i1 to vector<16xi1>
      %reduce_sum3A_498 = tpu.scan <sum>, %select_n3A_495 masked %reduce_sum3A_497 : vector<16xf32>, vector<16xi1> -> vector<16xf32>
      %reduce_sum3A_499 = vector.extract %reduce_sum3A_498[15] : f32 from vector<16xf32>
      %jit3A_500 = arith.constant 0.000000e+00 : f32
      %broadcast_in_dim3A_501 = vector.broadcast %jit3A_500 : f32 to vector<16xf32>
      %select_n3A_502 = arith.select %eq3A_485, %get3A_31, %broadcast_in_dim3A_501 : vector<16xi1>, vector<16xf32>
      %reduce_sum3A_503 = arith.constant true
      %reduce_sum3A_504 = vector.broadcast %reduce_sum3A_503 : i1 to vector<16xi1>
      %reduce_sum3A_505 = tpu.scan <sum>, %select_n3A_502 masked %reduce_sum3A_504 : vector<16xf32>, vector<16xi1> -> vector<16xf32>
      %reduce_sum3A_506 = vector.extract %reduce_sum3A_505[15] : f32 from vector<16xf32>
      %mul3A_507 = arith.constant 16 : i32
      %mul3A_508 = arith.muli %scan3A_19, %mul3A_507 : i32
      %add3A_509 = arith.constant 13 : i32
      %add3A_510 = arith.addi %mul3A_508, %add3A_509 : i32
      %while3A_511 = arith.constant 0 : i32
      %while3A_512 = arith.constant 0 : i32
      %while3A_513:2 = scf.while (%while3A_592 = %while3A_511, %while3A_593 = %while3A_512) : (i32, i32) -> (i32, i32) {
        %lt3A = arith.constant 320 : i32
        %lt3A_594 = arith.cmpi slt, %while3A_592, %lt3A : i32
        %lt3A_595 = arith.constant 32 : i32
        %lt3A_596 = arith.cmpi slt, %while3A_593, %lt3A_595 : i32
        %and3A = arith.andi %lt3A_594, %lt3A_596 : i1
        scf.condition(%and3A) %while3A_592, %while3A_593 : i32, i32
      } do {
      ^bb0(%while3A_592: i32, %while3A_593: i32):
        %mul3A_594 = arith.constant 2 : i32
        %mul3A_595 = arith.muli %while3A_592, %mul3A_594 : i32
        %add3A_596 = arith.constant 0 : i32
        %add3A_597 = arith.addi %mul3A_595, %add3A_596 : i32
        %mul3A_598 = arith.constant 16 : i32
        %mul3A_599 = arith.muli %add3A_597, %mul3A_598 : i32
        %get3A_600 = arith.index_cast %mul3A_599 : i32 to index
        %get3A_601 = tpu.vector_load %arg10[%get3A_600] {strides = array<i32>} : memref<10240xf32, #tpu.memory_space<vmem>>, vector<16xf32>,
        %get3A_602 = arith.index_cast %mul3A_599 : i32 to index
        %get3A_603 = tpu.vector_load %arg11[%get3A_602] {strides = array<i32>} : memref<10240xf32, #tpu.memory_space<vmem>>, vector<16xf32>,
        %get3A_604 = arith.index_cast %mul3A_599 : i32 to index
        %get3A_605 = tpu.vector_load %arg12[%get3A_604] {strides = array<i32>} : memref<10240xf32, #tpu.memory_space<vmem>>, vector<16xf32>,
        %sub3A = vector.broadcast %reduce_sum3A_492 : f32 to vector<16xf32>
        %sub3A_606 = arith.subf %get3A_601, %sub3A : vector<16xf32>
        %sub3A_607 = vector.broadcast %reduce_sum3A_499 : f32 to vector<16xf32>
        %sub3A_608 = arith.subf %get3A_603, %sub3A_607 : vector<16xf32>
        %sub3A_609 = vector.broadcast %reduce_sum3A_506 : f32 to vector<16xf32>
        %sub3A_610 = arith.subf %get3A_605, %sub3A_609 : vector<16xf32>
        %mul3A_611 = arith.mulf %sub3A_606, %sub3A_606 : vector<16xf32>
        %mul3A_612 = arith.mulf %sub3A_610, %sub3A_610 : vector<16xf32>
        %add3A_613 = arith.addf %mul3A_611, %mul3A_612 : vector<16xf32>
        %mul3A_614 = arith.mulf %sub3A_608, %sub3A_608 : vector<16xf32>
        %add3A_615 = arith.addf %add3A_613, %mul3A_614 : vector<16xf32>
        %le3A = arith.constant 2.500000e-01 : f32
        %le3A_616 = vector.broadcast %le3A : f32 to vector<16xf32>
        %le3A_617 = arith.cmpf ole, %add3A_615, %le3A_616 : vector<16xf32>
        %convert_element_type3A = arith.extui %le3A_617 : vector<16xi1> to vector<16xi32>
        %broadcast_in_dim3A_618 = arith.constant true
        %broadcast_in_dim3A_619 = vector.broadcast %broadcast_in_dim3A_618 : i1 to vector<16xi1>
        %masked_cumsum3A = tpu.scan <sum>, %convert_element_type3A masked %broadcast_in_dim3A_619 : vector<16xi32>, vector<16xi1> -> vector<16xi32>
        %sub3A_620 = arith.constant 1 : i32
        %sub3A_621 = arith.subi %while3A_593, %sub3A_620 : i32
        %add3A_622 = vector.broadcast %sub3A_621 : i32 to vector<16xi32>
        %add3A_623 = arith.addi %add3A_622, %masked_cumsum3A : vector<16xi32>
        %lt3A = arith.constant 32 : i32
        %lt3A_624 = vector.broadcast %lt3A : i32 to vector<16xi32>
        %lt3A_625 = arith.cmpi slt, %add3A_623, %lt3A_624 : vector<16xi32>
        %and3A = arith.andi %le3A_617, %lt3A_625 : vector<16xi1>
        %add3A_626 = vector.broadcast %mul3A_599 : i32 to vector<16xi32>
        %add3A_627 = arith.addi %add3A_626, %iota3A : vector<16xi32>
        %mul3A_628 = arith.constant 32 : i32
        %mul3A_629 = arith.muli %add3A_510, %mul3A_628 : i32
        %add3A_630 = vector.broadcast %mul3A_629 : i32 to vector<16xi32>
        %add3A_631 = arith.addi %add3A_630, %add3A_623 : vector<16xi32>
        tpu.vector_store_idx %arg16[%add3A_631], %add3A_627 masked %and3A : memref<2560xi32, #tpu.memory_space<vmem>>[vector<16xi32>], vector<16xi32>, vector<16xi1>
        %reduce_sum3A_632 = arith.constant true
        %reduce_sum3A_633 = vector.broadcast %reduce_sum3A_632 : i1 to vector<16xi1>
        %reduce_sum3A_634 = tpu.scan <sum>, %convert_element_type3A masked %reduce_sum3A_633 : vector<16xi32>, vector<16xi1> -> vector<16xi32>
        %reduce_sum3A_635 = vector.extract %reduce_sum3A_634[15] : i32 from vector<16xi32>
        %add3A_636 = arith.addi %while3A_593, %reduce_sum3A_635 : i32
        %mul3A_637 = arith.constant 2 : i32
        %mul3A_638 = arith.muli %while3A_592, %mul3A_637 : i32
        %add3A_639 = arith.constant 1 : i32
        %add3A_640 = arith.addi %mul3A_638, %add3A_639 : i32
        %mul3A_641 = arith.constant 16 : i32
        %mul3A_642 = arith.muli %add3A_640, %mul3A_641 : i32
        %get3A_643 = arith.index_cast %mul3A_642 : i32 to index
        %get3A_644 = tpu.vector_load %arg10[%get3A_643] {strides = array<i32>} : memref<10240xf32, #tpu.memory_space<vmem>>, vector<16xf32>,
        %get3A_645 = arith.index_cast %mul3A_642 : i32 to index
        %get3A_646 = tpu.vector_load %arg11[%get3A_645] {strides = array<i32>} : memref<10240xf32, #tpu.memory_space<vmem>>, vector<16xf32>,
        %get3A_647 = arith.index_cast %mul3A_642 : i32 to index
        %get3A_648 = tpu.vector_load %arg12[%get3A_647] {strides = array<i32>} : memref<10240xf32, #tpu.memory_space<vmem>>, vector<16xf32>,
        %sub3A_649 = vector.broadcast %reduce_sum3A_492 : f32 to vector<16xf32>
        %sub3A_650 = arith.subf %get3A_644, %sub3A_649 : vector<16xf32>
        %sub3A_651 = vector.broadcast %reduce_sum3A_499 : f32 to vector<16xf32>
        %sub3A_652 = arith.subf %get3A_646, %sub3A_651 : vector<16xf32>
        %sub3A_653 = vector.broadcast %reduce_sum3A_506 : f32 to vector<16xf32>
        %sub3A_654 = arith.subf %get3A_648, %sub3A_653 : vector<16xf32>
        %mul3A_655 = arith.mulf %sub3A_650, %sub3A_650 : vector<16xf32>
        %mul3A_656 = arith.mulf %sub3A_654, %sub3A_654 : vector<16xf32>
        %add3A_657 = arith.addf %mul3A_655, %mul3A_656 : vector<16xf32>
        %mul3A_658 = arith.mulf %sub3A_652, %sub3A_652 : vector<16xf32>
        %add3A_659 = arith.addf %add3A_657, %mul3A_658 : vector<16xf32>
        %le3A_660 = arith.constant 2.500000e-01 : f32
        %le3A_661 = vector.broadcast %le3A_660 : f32 to vector<16xf32>
        %le3A_662 = arith.cmpf ole, %add3A_659, %le3A_661 : vector<16xf32>
        %convert_element_type3A_663 = arith.extui %le3A_662 : vector<16xi1> to vector<16xi32>
        %broadcast_in_dim3A_664 = arith.constant true
        %broadcast_in_dim3A_665 = vector.broadcast %broadcast_in_dim3A_664 : i1 to vector<16xi1>
        %masked_cumsum3A_666 = tpu.scan <sum>, %convert_element_type3A_663 masked %broadcast_in_dim3A_665 : vector<16xi32>, vector<16xi1> -> vector<16xi32>
        %sub3A_667 = arith.constant 1 : i32
        %sub3A_668 = arith.subi %add3A_636, %sub3A_667 : i32
        %add3A_669 = vector.broadcast %sub3A_668 : i32 to vector<16xi32>
        %add3A_670 = arith.addi %add3A_669, %masked_cumsum3A_666 : vector<16xi32>
        %lt3A_671 = arith.constant 32 : i32
        %lt3A_672 = vector.broadcast %lt3A_671 : i32 to vector<16xi32>
        %lt3A_673 = arith.cmpi slt, %add3A_670, %lt3A_672 : vector<16xi32>
        %and3A_674 = arith.andi %le3A_662, %lt3A_673 : vector<16xi1>
        %add3A_675 = vector.broadcast %mul3A_642 : i32 to vector<16xi32>
        %add3A_676 = arith.addi %add3A_675, %iota3A : vector<16xi32>
        %mul3A_677 = arith.constant 32 : i32
        %mul3A_678 = arith.muli %add3A_510, %mul3A_677 : i32
        %add3A_679 = vector.broadcast %mul3A_678 : i32 to vector<16xi32>
        %add3A_680 = arith.addi %add3A_679, %add3A_670 : vector<16xi32>
        tpu.vector_store_idx %arg16[%add3A_680], %add3A_676 masked %and3A_674 : memref<2560xi32, #tpu.memory_space<vmem>>[vector<16xi32>], vector<16xi32>, vector<16xi1>
        %reduce_sum3A_681 = arith.constant true
        %reduce_sum3A_682 = vector.broadcast %reduce_sum3A_681 : i1 to vector<16xi1>
        %reduce_sum3A_683 = tpu.scan <sum>, %convert_element_type3A_663 masked %reduce_sum3A_682 : vector<16xi32>, vector<16xi1> -> vector<16xi32>
        %reduce_sum3A_684 = vector.extract %reduce_sum3A_683[15] : i32 from vector<16xi32>
        %add3A_685 = arith.addi %add3A_636, %reduce_sum3A_684 : i32
        %add3A_686 = arith.constant 1 : i32
        %add3A_687 = arith.addi %while3A_592, %add3A_686 : i32
        scf.yield %add3A_687, %add3A_685 : i32, i32
      }
      %min3A_514 = arith.constant 32 : i32
      %min3A_515 = arith.minsi %while3A_513#1, %min3A_514 : i32
      %broadcast_in_dim3A_516 = vector.broadcast %min3A_515 : i32 to vector<16xi32>
      %select_n3A_517 = arith.select %eq3A_485, %broadcast_in_dim3A_516, %select_n3A_482 : vector<16xi1>, vector<16xi32>
      %eq3A_518 = arith.constant 14 : i32
      %eq3A_519 = vector.broadcast %eq3A_518 : i32 to vector<16xi32>
      %eq3A_520 = arith.cmpi eq, %iota3A, %eq3A_519 : vector<16xi32>
      %jit3A_521 = arith.constant 0.000000e+00 : f32
      %broadcast_in_dim3A_522 = vector.broadcast %jit3A_521 : f32 to vector<16xf32>
      %select_n3A_523 = arith.select %eq3A_520, %get3A_23, %broadcast_in_dim3A_522 : vector<16xi1>, vector<16xf32>
      %reduce_sum3A_524 = arith.constant true
      %reduce_sum3A_525 = vector.broadcast %reduce_sum3A_524 : i1 to vector<16xi1>
      %reduce_sum3A_526 = tpu.scan <sum>, %select_n3A_523 masked %reduce_sum3A_525 : vector<16xf32>, vector<16xi1> -> vector<16xf32>
      %reduce_sum3A_527 = vector.extract %reduce_sum3A_526[15] : f32 from vector<16xf32>
      %jit3A_528 = arith.constant 0.000000e+00 : f32
      %broadcast_in_dim3A_529 = vector.broadcast %jit3A_528 : f32 to vector<16xf32>
      %select_n3A_530 = arith.select %eq3A_520, %get3A_27, %broadcast_in_dim3A_529 : vector<16xi1>, vector<16xf32>
      %reduce_sum3A_531 = arith.constant true
      %reduce_sum3A_532 = vector.broadcast %reduce_sum3A_531 : i1 to vector<16xi1>
      %reduce_sum3A_533 = tpu.scan <sum>, %select_n3A_530 masked %reduce_sum3A_532 : vector<16xf32>, vector<16xi1> -> vector<16xf32>
      %reduce_sum3A_534 = vector.extract %reduce_sum3A_533[15] : f32 from vector<16xf32>
      %jit3A_535 = arith.constant 0.000000e+00 : f32
      %broadcast_in_dim3A_536 = vector.broadcast %jit3A_535 : f32 to vector<16xf32>
      %select_n3A_537 = arith.select %eq3A_520, %get3A_31, %broadcast_in_dim3A_536 : vector<16xi1>, vector<16xf32>
      %reduce_sum3A_538 = arith.constant true
      %reduce_sum3A_539 = vector.broadcast %reduce_sum3A_538 : i1 to vector<16xi1>
      %reduce_sum3A_540 = tpu.scan <sum>, %select_n3A_537 masked %reduce_sum3A_539 : vector<16xf32>, vector<16xi1> -> vector<16xf32>
      %reduce_sum3A_541 = vector.extract %reduce_sum3A_540[15] : f32 from vector<16xf32>
      %mul3A_542 = arith.constant 16 : i32
      %mul3A_543 = arith.muli %scan3A_19, %mul3A_542 : i32
      %add3A_544 = arith.constant 14 : i32
      %add3A_545 = arith.addi %mul3A_543, %add3A_544 : i32
      %while3A_546 = arith.constant 0 : i32
      %while3A_547 = arith.constant 0 : i32
      %while3A_548:2 = scf.while (%while3A_592 = %while3A_546, %while3A_593 = %while3A_547) : (i32, i32) -> (i32, i32) {
        %lt3A = arith.constant 320 : i32
        %lt3A_594 = arith.cmpi slt, %while3A_592, %lt3A : i32
        %lt3A_595 = arith.constant 32 : i32
        %lt3A_596 = arith.cmpi slt, %while3A_593, %lt3A_595 : i32
        %and3A = arith.andi %lt3A_594, %lt3A_596 : i1
        scf.condition(%and3A) %while3A_592, %while3A_593 : i32, i32
      } do {
      ^bb0(%while3A_592: i32, %while3A_593: i32):
        %mul3A_594 = arith.constant 2 : i32
        %mul3A_595 = arith.muli %while3A_592, %mul3A_594 : i32
        %add3A_596 = arith.constant 0 : i32
        %add3A_597 = arith.addi %mul3A_595, %add3A_596 : i32
        %mul3A_598 = arith.constant 16 : i32
        %mul3A_599 = arith.muli %add3A_597, %mul3A_598 : i32
        %get3A_600 = arith.index_cast %mul3A_599 : i32 to index
        %get3A_601 = tpu.vector_load %arg10[%get3A_600] {strides = array<i32>} : memref<10240xf32, #tpu.memory_space<vmem>>, vector<16xf32>,
        %get3A_602 = arith.index_cast %mul3A_599 : i32 to index
        %get3A_603 = tpu.vector_load %arg11[%get3A_602] {strides = array<i32>} : memref<10240xf32, #tpu.memory_space<vmem>>, vector<16xf32>,
        %get3A_604 = arith.index_cast %mul3A_599 : i32 to index
        %get3A_605 = tpu.vector_load %arg12[%get3A_604] {strides = array<i32>} : memref<10240xf32, #tpu.memory_space<vmem>>, vector<16xf32>,
        %sub3A = vector.broadcast %reduce_sum3A_527 : f32 to vector<16xf32>
        %sub3A_606 = arith.subf %get3A_601, %sub3A : vector<16xf32>
        %sub3A_607 = vector.broadcast %reduce_sum3A_534 : f32 to vector<16xf32>
        %sub3A_608 = arith.subf %get3A_603, %sub3A_607 : vector<16xf32>
        %sub3A_609 = vector.broadcast %reduce_sum3A_541 : f32 to vector<16xf32>
        %sub3A_610 = arith.subf %get3A_605, %sub3A_609 : vector<16xf32>
        %mul3A_611 = arith.mulf %sub3A_606, %sub3A_606 : vector<16xf32>
        %mul3A_612 = arith.mulf %sub3A_610, %sub3A_610 : vector<16xf32>
        %add3A_613 = arith.addf %mul3A_611, %mul3A_612 : vector<16xf32>
        %mul3A_614 = arith.mulf %sub3A_608, %sub3A_608 : vector<16xf32>
        %add3A_615 = arith.addf %add3A_613, %mul3A_614 : vector<16xf32>
        %le3A = arith.constant 2.500000e-01 : f32
        %le3A_616 = vector.broadcast %le3A : f32 to vector<16xf32>
        %le3A_617 = arith.cmpf ole, %add3A_615, %le3A_616 : vector<16xf32>
        %convert_element_type3A = arith.extui %le3A_617 : vector<16xi1> to vector<16xi32>
        %broadcast_in_dim3A_618 = arith.constant true
        %broadcast_in_dim3A_619 = vector.broadcast %broadcast_in_dim3A_618 : i1 to vector<16xi1>
        %masked_cumsum3A = tpu.scan <sum>, %convert_element_type3A masked %broadcast_in_dim3A_619 : vector<16xi32>, vector<16xi1> -> vector<16xi32>
        %sub3A_620 = arith.constant 1 : i32
        %sub3A_621 = arith.subi %while3A_593, %sub3A_620 : i32
        %add3A_622 = vector.broadcast %sub3A_621 : i32 to vector<16xi32>
        %add3A_623 = arith.addi %add3A_622, %masked_cumsum3A : vector<16xi32>
        %lt3A = arith.constant 32 : i32
        %lt3A_624 = vector.broadcast %lt3A : i32 to vector<16xi32>
        %lt3A_625 = arith.cmpi slt, %add3A_623, %lt3A_624 : vector<16xi32>
        %and3A = arith.andi %le3A_617, %lt3A_625 : vector<16xi1>
        %add3A_626 = vector.broadcast %mul3A_599 : i32 to vector<16xi32>
        %add3A_627 = arith.addi %add3A_626, %iota3A : vector<16xi32>
        %mul3A_628 = arith.constant 32 : i32
        %mul3A_629 = arith.muli %add3A_545, %mul3A_628 : i32
        %add3A_630 = vector.broadcast %mul3A_629 : i32 to vector<16xi32>
        %add3A_631 = arith.addi %add3A_630, %add3A_623 : vector<16xi32>
        tpu.vector_store_idx %arg16[%add3A_631], %add3A_627 masked %and3A : memref<2560xi32, #tpu.memory_space<vmem>>[vector<16xi32>], vector<16xi32>, vector<16xi1>
        %reduce_sum3A_632 = arith.constant true
        %reduce_sum3A_633 = vector.broadcast %reduce_sum3A_632 : i1 to vector<16xi1>
        %reduce_sum3A_634 = tpu.scan <sum>, %convert_element_type3A masked %reduce_sum3A_633 : vector<16xi32>, vector<16xi1> -> vector<16xi32>
        %reduce_sum3A_635 = vector.extract %reduce_sum3A_634[15] : i32 from vector<16xi32>
        %add3A_636 = arith.addi %while3A_593, %reduce_sum3A_635 : i32
        %mul3A_637 = arith.constant 2 : i32
        %mul3A_638 = arith.muli %while3A_592, %mul3A_637 : i32
        %add3A_639 = arith.constant 1 : i32
        %add3A_640 = arith.addi %mul3A_638, %add3A_639 : i32
        %mul3A_641 = arith.constant 16 : i32
        %mul3A_642 = arith.muli %add3A_640, %mul3A_641 : i32
        %get3A_643 = arith.index_cast %mul3A_642 : i32 to index
        %get3A_644 = tpu.vector_load %arg10[%get3A_643] {strides = array<i32>} : memref<10240xf32, #tpu.memory_space<vmem>>, vector<16xf32>,
        %get3A_645 = arith.index_cast %mul3A_642 : i32 to index
        %get3A_646 = tpu.vector_load %arg11[%get3A_645] {strides = array<i32>} : memref<10240xf32, #tpu.memory_space<vmem>>, vector<16xf32>,
        %get3A_647 = arith.index_cast %mul3A_642 : i32 to index
        %get3A_648 = tpu.vector_load %arg12[%get3A_647] {strides = array<i32>} : memref<10240xf32, #tpu.memory_space<vmem>>, vector<16xf32>,
        %sub3A_649 = vector.broadcast %reduce_sum3A_527 : f32 to vector<16xf32>
        %sub3A_650 = arith.subf %get3A_644, %sub3A_649 : vector<16xf32>
        %sub3A_651 = vector.broadcast %reduce_sum3A_534 : f32 to vector<16xf32>
        %sub3A_652 = arith.subf %get3A_646, %sub3A_651 : vector<16xf32>
        %sub3A_653 = vector.broadcast %reduce_sum3A_541 : f32 to vector<16xf32>
        %sub3A_654 = arith.subf %get3A_648, %sub3A_653 : vector<16xf32>
        %mul3A_655 = arith.mulf %sub3A_650, %sub3A_650 : vector<16xf32>
        %mul3A_656 = arith.mulf %sub3A_654, %sub3A_654 : vector<16xf32>
        %add3A_657 = arith.addf %mul3A_655, %mul3A_656 : vector<16xf32>
        %mul3A_658 = arith.mulf %sub3A_652, %sub3A_652 : vector<16xf32>
        %add3A_659 = arith.addf %add3A_657, %mul3A_658 : vector<16xf32>
        %le3A_660 = arith.constant 2.500000e-01 : f32
        %le3A_661 = vector.broadcast %le3A_660 : f32 to vector<16xf32>
        %le3A_662 = arith.cmpf ole, %add3A_659, %le3A_661 : vector<16xf32>
        %convert_element_type3A_663 = arith.extui %le3A_662 : vector<16xi1> to vector<16xi32>
        %broadcast_in_dim3A_664 = arith.constant true
        %broadcast_in_dim3A_665 = vector.broadcast %broadcast_in_dim3A_664 : i1 to vector<16xi1>
        %masked_cumsum3A_666 = tpu.scan <sum>, %convert_element_type3A_663 masked %broadcast_in_dim3A_665 : vector<16xi32>, vector<16xi1> -> vector<16xi32>
        %sub3A_667 = arith.constant 1 : i32
        %sub3A_668 = arith.subi %add3A_636, %sub3A_667 : i32
        %add3A_669 = vector.broadcast %sub3A_668 : i32 to vector<16xi32>
        %add3A_670 = arith.addi %add3A_669, %masked_cumsum3A_666 : vector<16xi32>
        %lt3A_671 = arith.constant 32 : i32
        %lt3A_672 = vector.broadcast %lt3A_671 : i32 to vector<16xi32>
        %lt3A_673 = arith.cmpi slt, %add3A_670, %lt3A_672 : vector<16xi32>
        %and3A_674 = arith.andi %le3A_662, %lt3A_673 : vector<16xi1>
        %add3A_675 = vector.broadcast %mul3A_642 : i32 to vector<16xi32>
        %add3A_676 = arith.addi %add3A_675, %iota3A : vector<16xi32>
        %mul3A_677 = arith.constant 32 : i32
        %mul3A_678 = arith.muli %add3A_545, %mul3A_677 : i32
        %add3A_679 = vector.broadcast %mul3A_678 : i32 to vector<16xi32>
        %add3A_680 = arith.addi %add3A_679, %add3A_670 : vector<16xi32>
        tpu.vector_store_idx %arg16[%add3A_680], %add3A_676 masked %and3A_674 : memref<2560xi32, #tpu.memory_space<vmem>>[vector<16xi32>], vector<16xi32>, vector<16xi1>
        %reduce_sum3A_681 = arith.constant true
        %reduce_sum3A_682 = vector.broadcast %reduce_sum3A_681 : i1 to vector<16xi1>
        %reduce_sum3A_683 = tpu.scan <sum>, %convert_element_type3A_663 masked %reduce_sum3A_682 : vector<16xi32>, vector<16xi1> -> vector<16xi32>
        %reduce_sum3A_684 = vector.extract %reduce_sum3A_683[15] : i32 from vector<16xi32>
        %add3A_685 = arith.addi %add3A_636, %reduce_sum3A_684 : i32
        %add3A_686 = arith.constant 1 : i32
        %add3A_687 = arith.addi %while3A_592, %add3A_686 : i32
        scf.yield %add3A_687, %add3A_685 : i32, i32
      }
      %min3A_549 = arith.constant 32 : i32
      %min3A_550 = arith.minsi %while3A_548#1, %min3A_549 : i32
      %broadcast_in_dim3A_551 = vector.broadcast %min3A_550 : i32 to vector<16xi32>
      %select_n3A_552 = arith.select %eq3A_520, %broadcast_in_dim3A_551, %select_n3A_517 : vector<16xi1>, vector<16xi32>
      %eq3A_553 = arith.constant 15 : i32
      %eq3A_554 = vector.broadcast %eq3A_553 : i32 to vector<16xi32>
      %eq3A_555 = arith.cmpi eq, %iota3A, %eq3A_554 : vector<16xi32>
      %jit3A_556 = arith.constant 0.000000e+00 : f32
      %broadcast_in_dim3A_557 = vector.broadcast %jit3A_556 : f32 to vector<16xf32>
      %select_n3A_558 = arith.select %eq3A_555, %get3A_23, %broadcast_in_dim3A_557 : vector<16xi1>, vector<16xf32>
      %reduce_sum3A_559 = arith.constant true
      %reduce_sum3A_560 = vector.broadcast %reduce_sum3A_559 : i1 to vector<16xi1>
      %reduce_sum3A_561 = tpu.scan <sum>, %select_n3A_558 masked %reduce_sum3A_560 : vector<16xf32>, vector<16xi1> -> vector<16xf32>
      %reduce_sum3A_562 = vector.extract %reduce_sum3A_561[15] : f32 from vector<16xf32>
      %jit3A_563 = arith.constant 0.000000e+00 : f32
      %broadcast_in_dim3A_564 = vector.broadcast %jit3A_563 : f32 to vector<16xf32>
      %select_n3A_565 = arith.select %eq3A_555, %get3A_27, %broadcast_in_dim3A_564 : vector<16xi1>, vector<16xf32>
      %reduce_sum3A_566 = arith.constant true
      %reduce_sum3A_567 = vector.broadcast %reduce_sum3A_566 : i1 to vector<16xi1>
      %reduce_sum3A_568 = tpu.scan <sum>, %select_n3A_565 masked %reduce_sum3A_567 : vector<16xf32>, vector<16xi1> -> vector<16xf32>
      %reduce_sum3A_569 = vector.extract %reduce_sum3A_568[15] : f32 from vector<16xf32>
      %jit3A_570 = arith.constant 0.000000e+00 : f32
      %broadcast_in_dim3A_571 = vector.broadcast %jit3A_570 : f32 to vector<16xf32>
      %select_n3A_572 = arith.select %eq3A_555, %get3A_31, %broadcast_in_dim3A_571 : vector<16xi1>, vector<16xf32>
      %reduce_sum3A_573 = arith.constant true
      %reduce_sum3A_574 = vector.broadcast %reduce_sum3A_573 : i1 to vector<16xi1>
      %reduce_sum3A_575 = tpu.scan <sum>, %select_n3A_572 masked %reduce_sum3A_574 : vector<16xf32>, vector<16xi1> -> vector<16xf32>
      %reduce_sum3A_576 = vector.extract %reduce_sum3A_575[15] : f32 from vector<16xf32>
      %mul3A_577 = arith.constant 16 : i32
      %mul3A_578 = arith.muli %scan3A_19, %mul3A_577 : i32
      %add3A_579 = arith.constant 15 : i32
      %add3A_580 = arith.addi %mul3A_578, %add3A_579 : i32
      %while3A_581 = arith.constant 0 : i32
      %while3A_582 = arith.constant 0 : i32
      %while3A_583:2 = scf.while (%while3A_592 = %while3A_581, %while3A_593 = %while3A_582) : (i32, i32) -> (i32, i32) {
        %lt3A = arith.constant 320 : i32
        %lt3A_594 = arith.cmpi slt, %while3A_592, %lt3A : i32
        %lt3A_595 = arith.constant 32 : i32
        %lt3A_596 = arith.cmpi slt, %while3A_593, %lt3A_595 : i32
        %and3A = arith.andi %lt3A_594, %lt3A_596 : i1
        scf.condition(%and3A) %while3A_592, %while3A_593 : i32, i32
      } do {
      ^bb0(%while3A_592: i32, %while3A_593: i32):
        %mul3A_594 = arith.constant 2 : i32
        %mul3A_595 = arith.muli %while3A_592, %mul3A_594 : i32
        %add3A_596 = arith.constant 0 : i32
        %add3A_597 = arith.addi %mul3A_595, %add3A_596 : i32
        %mul3A_598 = arith.constant 16 : i32
        %mul3A_599 = arith.muli %add3A_597, %mul3A_598 : i32
        %get3A_600 = arith.index_cast %mul3A_599 : i32 to index
        %get3A_601 = tpu.vector_load %arg10[%get3A_600] {strides = array<i32>} : memref<10240xf32, #tpu.memory_space<vmem>>, vector<16xf32>,
        %get3A_602 = arith.index_cast %mul3A_599 : i32 to index
        %get3A_603 = tpu.vector_load %arg11[%get3A_602] {strides = array<i32>} : memref<10240xf32, #tpu.memory_space<vmem>>, vector<16xf32>,
        %get3A_604 = arith.index_cast %mul3A_599 : i32 to index
        %get3A_605 = tpu.vector_load %arg12[%get3A_604] {strides = array<i32>} : memref<10240xf32, #tpu.memory_space<vmem>>, vector<16xf32>,
        %sub3A = vector.broadcast %reduce_sum3A_562 : f32 to vector<16xf32>
        %sub3A_606 = arith.subf %get3A_601, %sub3A : vector<16xf32>
        %sub3A_607 = vector.broadcast %reduce_sum3A_569 : f32 to vector<16xf32>
        %sub3A_608 = arith.subf %get3A_603, %sub3A_607 : vector<16xf32>
        %sub3A_609 = vector.broadcast %reduce_sum3A_576 : f32 to vector<16xf32>
        %sub3A_610 = arith.subf %get3A_605, %sub3A_609 : vector<16xf32>
        %mul3A_611 = arith.mulf %sub3A_606, %sub3A_606 : vector<16xf32>
        %mul3A_612 = arith.mulf %sub3A_610, %sub3A_610 : vector<16xf32>
        %add3A_613 = arith.addf %mul3A_611, %mul3A_612 : vector<16xf32>
        %mul3A_614 = arith.mulf %sub3A_608, %sub3A_608 : vector<16xf32>
        %add3A_615 = arith.addf %add3A_613, %mul3A_614 : vector<16xf32>
        %le3A = arith.constant 2.500000e-01 : f32
        %le3A_616 = vector.broadcast %le3A : f32 to vector<16xf32>
        %le3A_617 = arith.cmpf ole, %add3A_615, %le3A_616 : vector<16xf32>
        %convert_element_type3A = arith.extui %le3A_617 : vector<16xi1> to vector<16xi32>
        %broadcast_in_dim3A_618 = arith.constant true
        %broadcast_in_dim3A_619 = vector.broadcast %broadcast_in_dim3A_618 : i1 to vector<16xi1>
        %masked_cumsum3A = tpu.scan <sum>, %convert_element_type3A masked %broadcast_in_dim3A_619 : vector<16xi32>, vector<16xi1> -> vector<16xi32>
        %sub3A_620 = arith.constant 1 : i32
        %sub3A_621 = arith.subi %while3A_593, %sub3A_620 : i32
        %add3A_622 = vector.broadcast %sub3A_621 : i32 to vector<16xi32>
        %add3A_623 = arith.addi %add3A_622, %masked_cumsum3A : vector<16xi32>
        %lt3A = arith.constant 32 : i32
        %lt3A_624 = vector.broadcast %lt3A : i32 to vector<16xi32>
        %lt3A_625 = arith.cmpi slt, %add3A_623, %lt3A_624 : vector<16xi32>
        %and3A = arith.andi %le3A_617, %lt3A_625 : vector<16xi1>
        %add3A_626 = vector.broadcast %mul3A_599 : i32 to vector<16xi32>
        %add3A_627 = arith.addi %add3A_626, %iota3A : vector<16xi32>
        %mul3A_628 = arith.constant 32 : i32
        %mul3A_629 = arith.muli %add3A_580, %mul3A_628 : i32
        %add3A_630 = vector.broadcast %mul3A_629 : i32 to vector<16xi32>
        %add3A_631 = arith.addi %add3A_630, %add3A_623 : vector<16xi32>
        tpu.vector_store_idx %arg16[%add3A_631], %add3A_627 masked %and3A : memref<2560xi32, #tpu.memory_space<vmem>>[vector<16xi32>], vector<16xi32>, vector<16xi1>
        %reduce_sum3A_632 = arith.constant true
        %reduce_sum3A_633 = vector.broadcast %reduce_sum3A_632 : i1 to vector<16xi1>
        %reduce_sum3A_634 = tpu.scan <sum>, %convert_element_type3A masked %reduce_sum3A_633 : vector<16xi32>, vector<16xi1> -> vector<16xi32>
        %reduce_sum3A_635 = vector.extract %reduce_sum3A_634[15] : i32 from vector<16xi32>
        %add3A_636 = arith.addi %while3A_593, %reduce_sum3A_635 : i32
        %mul3A_637 = arith.constant 2 : i32
        %mul3A_638 = arith.muli %while3A_592, %mul3A_637 : i32
        %add3A_639 = arith.constant 1 : i32
        %add3A_640 = arith.addi %mul3A_638, %add3A_639 : i32
        %mul3A_641 = arith.constant 16 : i32
        %mul3A_642 = arith.muli %add3A_640, %mul3A_641 : i32
        %get3A_643 = arith.index_cast %mul3A_642 : i32 to index
        %get3A_644 = tpu.vector_load %arg10[%get3A_643] {strides = array<i32>} : memref<10240xf32, #tpu.memory_space<vmem>>, vector<16xf32>,
        %get3A_645 = arith.index_cast %mul3A_642 : i32 to index
        %get3A_646 = tpu.vector_load %arg11[%get3A_645] {strides = array<i32>} : memref<10240xf32, #tpu.memory_space<vmem>>, vector<16xf32>,
        %get3A_647 = arith.index_cast %mul3A_642 : i32 to index
        %get3A_648 = tpu.vector_load %arg12[%get3A_647] {strides = array<i32>} : memref<10240xf32, #tpu.memory_space<vmem>>, vector<16xf32>,
        %sub3A_649 = vector.broadcast %reduce_sum3A_562 : f32 to vector<16xf32>
        %sub3A_650 = arith.subf %get3A_644, %sub3A_649 : vector<16xf32>
        %sub3A_651 = vector.broadcast %reduce_sum3A_569 : f32 to vector<16xf32>
        %sub3A_652 = arith.subf %get3A_646, %sub3A_651 : vector<16xf32>
        %sub3A_653 = vector.broadcast %reduce_sum3A_576 : f32 to vector<16xf32>
        %sub3A_654 = arith.subf %get3A_648, %sub3A_653 : vector<16xf32>
        %mul3A_655 = arith.mulf %sub3A_650, %sub3A_650 : vector<16xf32>
        %mul3A_656 = arith.mulf %sub3A_654, %sub3A_654 : vector<16xf32>
        %add3A_657 = arith.addf %mul3A_655, %mul3A_656 : vector<16xf32>
        %mul3A_658 = arith.mulf %sub3A_652, %sub3A_652 : vector<16xf32>
        %add3A_659 = arith.addf %add3A_657, %mul3A_658 : vector<16xf32>
        %le3A_660 = arith.constant 2.500000e-01 : f32
        %le3A_661 = vector.broadcast %le3A_660 : f32 to vector<16xf32>
        %le3A_662 = arith.cmpf ole, %add3A_659, %le3A_661 : vector<16xf32>
        %convert_element_type3A_663 = arith.extui %le3A_662 : vector<16xi1> to vector<16xi32>
        %broadcast_in_dim3A_664 = arith.constant true
        %broadcast_in_dim3A_665 = vector.broadcast %broadcast_in_dim3A_664 : i1 to vector<16xi1>
        %masked_cumsum3A_666 = tpu.scan <sum>, %convert_element_type3A_663 masked %broadcast_in_dim3A_665 : vector<16xi32>, vector<16xi1> -> vector<16xi32>
        %sub3A_667 = arith.constant 1 : i32
        %sub3A_668 = arith.subi %add3A_636, %sub3A_667 : i32
        %add3A_669 = vector.broadcast %sub3A_668 : i32 to vector<16xi32>
        %add3A_670 = arith.addi %add3A_669, %masked_cumsum3A_666 : vector<16xi32>
        %lt3A_671 = arith.constant 32 : i32
        %lt3A_672 = vector.broadcast %lt3A_671 : i32 to vector<16xi32>
        %lt3A_673 = arith.cmpi slt, %add3A_670, %lt3A_672 : vector<16xi32>
        %and3A_674 = arith.andi %le3A_662, %lt3A_673 : vector<16xi1>
        %add3A_675 = vector.broadcast %mul3A_642 : i32 to vector<16xi32>
        %add3A_676 = arith.addi %add3A_675, %iota3A : vector<16xi32>
        %mul3A_677 = arith.constant 32 : i32
        %mul3A_678 = arith.muli %add3A_580, %mul3A_677 : i32
        %add3A_679 = vector.broadcast %mul3A_678 : i32 to vector<16xi32>
        %add3A_680 = arith.addi %add3A_679, %add3A_670 : vector<16xi32>
        tpu.vector_store_idx %arg16[%add3A_680], %add3A_676 masked %and3A_674 : memref<2560xi32, #tpu.memory_space<vmem>>[vector<16xi32>], vector<16xi32>, vector<16xi1>
        %reduce_sum3A_681 = arith.constant true
        %reduce_sum3A_682 = vector.broadcast %reduce_sum3A_681 : i1 to vector<16xi1>
        %reduce_sum3A_683 = tpu.scan <sum>, %convert_element_type3A_663 masked %reduce_sum3A_682 : vector<16xi32>, vector<16xi1> -> vector<16xi32>
        %reduce_sum3A_684 = vector.extract %reduce_sum3A_683[15] : i32 from vector<16xi32>
        %add3A_685 = arith.addi %add3A_636, %reduce_sum3A_684 : i32
        %add3A_686 = arith.constant 1 : i32
        %add3A_687 = arith.addi %while3A_592, %add3A_686 : i32
        scf.yield %add3A_687, %add3A_685 : i32, i32
      }
      %min3A_584 = arith.constant 32 : i32
      %min3A_585 = arith.minsi %while3A_583#1, %min3A_584 : i32
      %broadcast_in_dim3A_586 = vector.broadcast %min3A_585 : i32 to vector<16xi32>
      %select_n3A_587 = arith.select %eq3A_555, %broadcast_in_dim3A_586, %select_n3A_552 : vector<16xi1>, vector<16xi32>
      %mul3A_588 = arith.constant 16 : i32
      %mul3A_589 = arith.muli %scan3A_19, %mul3A_588 : i32
      %swap3A = arith.index_cast %mul3A_589 : i32 to index
      %swap3A_590 = tpu.vector_load %arg17[%swap3A] {strides = array<i32>} : memref<80xi32, #tpu.memory_space<vmem>>, vector<16xi32>,
      tpu.vector_store %arg17[%swap3A], %select_n3A_587 {strides = array<i32>} : memref<80xi32, #tpu.memory_space<vmem>>, vector<16xi32>,
      %scan3A_591 = arith.constant 0 : i32
      scf.yield %scan3A_591 : i32
    }
    %scan3A_16 = arith.constant 5 : i32
    %mul3A_17 = arith.constant 32 : i32
    %mul3A_18 = arith.muli %mul3A_2, %mul3A_17 : i32
    "tpu.region"() ({
      %run_scoped3A = tpu.sem_alloc : memref<!tpu.dma_semaphore, #tpu.memory_space<semaphore_mem>>
      %dma_start3A = tpu.memref_slice %arg8[%mul3A_18] : memref<81920xi32, #tpu.memory_space<hbm>> -> memref<2560xi32, #tpu.memory_space<hbm>>
      %dma_start3A_19 = tpu.memref_slice %arg8[%mul3A_18] : memref<81920xi32, #tpu.memory_space<hbm>> -> memref<2560xi32, #tpu.memory_space<hbm>>
      tpu.enqueue_dma source(%arg16 : memref<2560xi32, #tpu.memory_space<vmem>>) target(%dma_start3A_19 : memref<2560xi32, #tpu.memory_space<hbm>>) target_semaphore(%run_scoped3A : memref<!tpu.dma_semaphore, #tpu.memory_space<semaphore_mem>>)
      %dma_wait3A = tpu.memref_slice %arg8[%mul3A_18] : memref<81920xi32, #tpu.memory_space<hbm>> -> memref<2560xi32, #tpu.memory_space<hbm>>
      %dma_wait3A_20 = tpu.memref_slice %arg8[%mul3A_18] : memref<81920xi32, #tpu.memory_space<hbm>> -> memref<2560xi32, #tpu.memory_space<hbm>>
      tpu.wait_dma2 semaphore(%run_scoped3A : memref<!tpu.dma_semaphore, #tpu.memory_space<semaphore_mem>>) src(%arg16 : memref<2560xi32, #tpu.memory_space<vmem>>) dst(%dma_wait3A_20 : memref<2560xi32, #tpu.memory_space<hbm>>)
      tpu.yield
    }) : () -> ()
    "tpu.region"() ({
      %run_scoped3A = tpu.sem_alloc : memref<!tpu.dma_semaphore, #tpu.memory_space<semaphore_mem>>
      %dma_start3A = tpu.memref_slice %arg9[%mul3A_2] : memref<2560xi32, #tpu.memory_space<hbm>> -> memref<80xi32, #tpu.memory_space<hbm>>
      %dma_start3A_19 = tpu.memref_slice %arg9[%mul3A_2] : memref<2560xi32, #tpu.memory_space<hbm>> -> memref<80xi32, #tpu.memory_space<hbm>>
      tpu.enqueue_dma source(%arg17 : memref<80xi32, #tpu.memory_space<vmem>>) target(%dma_start3A_19 : memref<80xi32, #tpu.memory_space<hbm>>) target_semaphore(%run_scoped3A : memref<!tpu.dma_semaphore, #tpu.memory_space<semaphore_mem>>)
      %dma_wait3A = tpu.memref_slice %arg9[%mul3A_2] : memref<2560xi32, #tpu.memory_space<hbm>> -> memref<80xi32, #tpu.memory_space<hbm>>
      %dma_wait3A_20 = tpu.memref_slice %arg9[%mul3A_2] : memref<2560xi32, #tpu.memory_space<hbm>> -> memref<80xi32, #tpu.memory_space<hbm>>
      tpu.wait_dma2 semaphore(%run_scoped3A : memref<!tpu.dma_semaphore, #tpu.memory_space<semaphore_mem>>) src(%arg17 : memref<80xi32, #tpu.memory_space<vmem>>) dst(%dma_wait3A_20 : memref<80xi32, #tpu.memory_space<hbm>>)
      tpu.yield
    }) : () -> ()
    return
  }
}

#map = affine_map<(d0, d1) -> (0, 0)>
#map1 = affine_map<(d0, d1) -> (0)>
module attributes {stable_mosaic.version = 14 : i64} {
  func.func @_gather_body(%arg0: i32, %arg1: i32, %arg2: memref<10000x144xf32, #tpu.memory_space<hbm>>, %arg3: memref<86016xi32, #tpu.memory_space<hbm>>, %arg4: memref<86016x144xf32, #tpu.memory_space<hbm>>, %arg5: memref<21x128xi32, #tpu.memory_space<vmem>>, %arg6: memref<128x144xf32, #tpu.memory_space<vmem>>, %arg7: memref<128x144xf32, #tpu.memory_space<vmem>>, %arg8: memref<!tpu.dma_semaphore, #tpu.memory_space<semaphore_mem>>, %arg9: memref<!tpu.dma_semaphore, #tpu.memory_space<semaphore_mem>>, %arg10: memref<!tpu.dma_semaphore, #tpu.memory_space<semaphore_mem>>, %arg11: memref<!tpu.dma_semaphore, #tpu.memory_space<semaphore_mem>>) attributes {dimension_semantics = [#tpu.dimension_semantics<core_parallel>, #tpu.dimension_semantics<subcore_parallel>], iteration_bounds = array<i64: 2, 16>, scalar_prefetch = 0 : i64, scratch_operands = 7 : i64, tpu.core_type = #tpu.core_type<sc_vector_subcore>, window_params = [{transform_indices = #map}, {transform_indices = #map1}, {transform_indices = #map}]} {
    %mul3A = arith.constant 2 : i32
    %mul3A_0 = arith.muli %arg1, %mul3A : i32
    %add3A = arith.addi %mul3A_0, %arg0 : i32
    %mul3A_1 = arith.constant 2688 : i32
    %mul3A_2 = arith.muli %add3A, %mul3A_1 : i32
    %add3A_3 = arith.constant 0 : i32
    %add3A_4 = arith.addi %mul3A_2, %add3A_3 : i32
    %run_scoped3A = arith.constant 0 : i32
    "tpu.region"() ({
      %run_scoped3A_649 = tpu.sem_alloc : memref<!tpu.dma_semaphore, #tpu.memory_space<semaphore_mem>>
      %dma_start3A_650 = arith.constant 0 : i32
      %dma_start3A_651 = tpu.memref_slice %arg5[%run_scoped3A, %dma_start3A_650] : memref<21x128xi32, #tpu.memory_space<vmem>> -> memref<1x128xi32, #tpu.memory_space<vmem>>
      %dma_start3A_652 = tpu.memref_squeeze %dma_start3A_651 : memref<1x128xi32, #tpu.memory_space<vmem>> -> memref<128xi32, #tpu.memory_space<vmem>>
      %dma_start3A_653 = tpu.memref_slice %arg3[%add3A_4] : memref<86016xi32, #tpu.memory_space<hbm>> -> memref<128xi32, #tpu.memory_space<hbm>>
      %dma_start3A_654 = arith.constant 0 : i32
      %dma_start3A_655 = tpu.memref_slice %arg5[%run_scoped3A, %dma_start3A_654] : memref<21x128xi32, #tpu.memory_space<vmem>> -> memref<1x128xi32, #tpu.memory_space<vmem>>
      %dma_start3A_656 = tpu.memref_squeeze %dma_start3A_655 : memref<1x128xi32, #tpu.memory_space<vmem>> -> memref<128xi32, #tpu.memory_space<vmem>>
      %dma_start3A_657 = tpu.memref_slice %arg3[%add3A_4] : memref<86016xi32, #tpu.memory_space<hbm>> -> memref<128xi32, #tpu.memory_space<hbm>>
      tpu.enqueue_dma source(%dma_start3A_657 : memref<128xi32, #tpu.memory_space<hbm>>) target(%dma_start3A_656 : memref<128xi32, #tpu.memory_space<vmem>>) target_semaphore(%run_scoped3A_649 : memref<!tpu.dma_semaphore, #tpu.memory_space<semaphore_mem>>)
      %dma_wait3A_658 = arith.constant 0 : i32
      %dma_wait3A_659 = tpu.memref_slice %arg5[%run_scoped3A, %dma_wait3A_658] : memref<21x128xi32, #tpu.memory_space<vmem>> -> memref<1x128xi32, #tpu.memory_space<vmem>>
      %dma_wait3A_660 = tpu.memref_squeeze %dma_wait3A_659 : memref<1x128xi32, #tpu.memory_space<vmem>> -> memref<128xi32, #tpu.memory_space<vmem>>
      %dma_wait3A_661 = tpu.memref_slice %arg3[%add3A_4] : memref<86016xi32, #tpu.memory_space<hbm>> -> memref<128xi32, #tpu.memory_space<hbm>>
      %dma_wait3A_662 = arith.constant 0 : i32
      %dma_wait3A_663 = tpu.memref_slice %arg5[%run_scoped3A, %dma_wait3A_662] : memref<21x128xi32, #tpu.memory_space<vmem>> -> memref<1x128xi32, #tpu.memory_space<vmem>>
      %dma_wait3A_664 = tpu.memref_squeeze %dma_wait3A_663 : memref<1x128xi32, #tpu.memory_space<vmem>> -> memref<128xi32, #tpu.memory_space<vmem>>
      %dma_wait3A_665 = tpu.memref_slice %arg3[%add3A_4] : memref<86016xi32, #tpu.memory_space<hbm>> -> memref<128xi32, #tpu.memory_space<hbm>>
      tpu.wait_dma2 semaphore(%run_scoped3A_649 : memref<!tpu.dma_semaphore, #tpu.memory_space<semaphore_mem>>) src(%dma_wait3A_665 : memref<128xi32, #tpu.memory_space<hbm>>) dst(%dma_wait3A_664 : memref<128xi32, #tpu.memory_space<vmem>>)
      tpu.yield
    }) : () -> ()
    %mul3A_5 = arith.constant 2688 : i32
    %mul3A_6 = arith.muli %add3A, %mul3A_5 : i32
    %add3A_7 = arith.constant 128 : i32
    %add3A_8 = arith.addi %mul3A_6, %add3A_7 : i32
    %run_scoped3A_9 = arith.constant 1 : i32
    "tpu.region"() ({
      %run_scoped3A_649 = tpu.sem_alloc : memref<!tpu.dma_semaphore, #tpu.memory_space<semaphore_mem>>
      %dma_start3A_650 = arith.constant 0 : i32
      %dma_start3A_651 = tpu.memref_slice %arg5[%run_scoped3A_9, %dma_start3A_650] : memref<21x128xi32, #tpu.memory_space<vmem>> -> memref<1x128xi32, #tpu.memory_space<vmem>>
      %dma_start3A_652 = tpu.memref_squeeze %dma_start3A_651 : memref<1x128xi32, #tpu.memory_space<vmem>> -> memref<128xi32, #tpu.memory_space<vmem>>
      %dma_start3A_653 = tpu.memref_slice %arg3[%add3A_8] : memref<86016xi32, #tpu.memory_space<hbm>> -> memref<128xi32, #tpu.memory_space<hbm>>
      %dma_start3A_654 = arith.constant 0 : i32
      %dma_start3A_655 = tpu.memref_slice %arg5[%run_scoped3A_9, %dma_start3A_654] : memref<21x128xi32, #tpu.memory_space<vmem>> -> memref<1x128xi32, #tpu.memory_space<vmem>>
      %dma_start3A_656 = tpu.memref_squeeze %dma_start3A_655 : memref<1x128xi32, #tpu.memory_space<vmem>> -> memref<128xi32, #tpu.memory_space<vmem>>
      %dma_start3A_657 = tpu.memref_slice %arg3[%add3A_8] : memref<86016xi32, #tpu.memory_space<hbm>> -> memref<128xi32, #tpu.memory_space<hbm>>
      tpu.enqueue_dma source(%dma_start3A_657 : memref<128xi32, #tpu.memory_space<hbm>>) target(%dma_start3A_656 : memref<128xi32, #tpu.memory_space<vmem>>) target_semaphore(%run_scoped3A_649 : memref<!tpu.dma_semaphore, #tpu.memory_space<semaphore_mem>>)
      %dma_wait3A_658 = arith.constant 0 : i32
      %dma_wait3A_659 = tpu.memref_slice %arg5[%run_scoped3A_9, %dma_wait3A_658] : memref<21x128xi32, #tpu.memory_space<vmem>> -> memref<1x128xi32, #tpu.memory_space<vmem>>
      %dma_wait3A_660 = tpu.memref_squeeze %dma_wait3A_659 : memref<1x128xi32, #tpu.memory_space<vmem>> -> memref<128xi32, #tpu.memory_space<vmem>>
      %dma_wait3A_661 = tpu.memref_slice %arg3[%add3A_8] : memref<86016xi32, #tpu.memory_space<hbm>> -> memref<128xi32, #tpu.memory_space<hbm>>
      %dma_wait3A_662 = arith.constant 0 : i32
      %dma_wait3A_663 = tpu.memref_slice %arg5[%run_scoped3A_9, %dma_wait3A_662] : memref<21x128xi32, #tpu.memory_space<vmem>> -> memref<1x128xi32, #tpu.memory_space<vmem>>
      %dma_wait3A_664 = tpu.memref_squeeze %dma_wait3A_663 : memref<1x128xi32, #tpu.memory_space<vmem>> -> memref<128xi32, #tpu.memory_space<vmem>>
      %dma_wait3A_665 = tpu.memref_slice %arg3[%add3A_8] : memref<86016xi32, #tpu.memory_space<hbm>> -> memref<128xi32, #tpu.memory_space<hbm>>
      tpu.wait_dma2 semaphore(%run_scoped3A_649 : memref<!tpu.dma_semaphore, #tpu.memory_space<semaphore_mem>>) src(%dma_wait3A_665 : memref<128xi32, #tpu.memory_space<hbm>>) dst(%dma_wait3A_664 : memref<128xi32, #tpu.memory_space<vmem>>)
      tpu.yield
    }) : () -> ()
    %mul3A_10 = arith.constant 2688 : i32
    %mul3A_11 = arith.muli %add3A, %mul3A_10 : i32
    %add3A_12 = arith.constant 256 : i32
    %add3A_13 = arith.addi %mul3A_11, %add3A_12 : i32
    %run_scoped3A_14 = arith.constant 2 : i32
    "tpu.region"() ({
      %run_scoped3A_649 = tpu.sem_alloc : memref<!tpu.dma_semaphore, #tpu.memory_space<semaphore_mem>>
      %dma_start3A_650 = arith.constant 0 : i32
      %dma_start3A_651 = tpu.memref_slice %arg5[%run_scoped3A_14, %dma_start3A_650] : memref<21x128xi32, #tpu.memory_space<vmem>> -> memref<1x128xi32, #tpu.memory_space<vmem>>
      %dma_start3A_652 = tpu.memref_squeeze %dma_start3A_651 : memref<1x128xi32, #tpu.memory_space<vmem>> -> memref<128xi32, #tpu.memory_space<vmem>>
      %dma_start3A_653 = tpu.memref_slice %arg3[%add3A_13] : memref<86016xi32, #tpu.memory_space<hbm>> -> memref<128xi32, #tpu.memory_space<hbm>>
      %dma_start3A_654 = arith.constant 0 : i32
      %dma_start3A_655 = tpu.memref_slice %arg5[%run_scoped3A_14, %dma_start3A_654] : memref<21x128xi32, #tpu.memory_space<vmem>> -> memref<1x128xi32, #tpu.memory_space<vmem>>
      %dma_start3A_656 = tpu.memref_squeeze %dma_start3A_655 : memref<1x128xi32, #tpu.memory_space<vmem>> -> memref<128xi32, #tpu.memory_space<vmem>>
      %dma_start3A_657 = tpu.memref_slice %arg3[%add3A_13] : memref<86016xi32, #tpu.memory_space<hbm>> -> memref<128xi32, #tpu.memory_space<hbm>>
      tpu.enqueue_dma source(%dma_start3A_657 : memref<128xi32, #tpu.memory_space<hbm>>) target(%dma_start3A_656 : memref<128xi32, #tpu.memory_space<vmem>>) target_semaphore(%run_scoped3A_649 : memref<!tpu.dma_semaphore, #tpu.memory_space<semaphore_mem>>)
      %dma_wait3A_658 = arith.constant 0 : i32
      %dma_wait3A_659 = tpu.memref_slice %arg5[%run_scoped3A_14, %dma_wait3A_658] : memref<21x128xi32, #tpu.memory_space<vmem>> -> memref<1x128xi32, #tpu.memory_space<vmem>>
      %dma_wait3A_660 = tpu.memref_squeeze %dma_wait3A_659 : memref<1x128xi32, #tpu.memory_space<vmem>> -> memref<128xi32, #tpu.memory_space<vmem>>
      %dma_wait3A_661 = tpu.memref_slice %arg3[%add3A_13] : memref<86016xi32, #tpu.memory_space<hbm>> -> memref<128xi32, #tpu.memory_space<hbm>>
      %dma_wait3A_662 = arith.constant 0 : i32
      %dma_wait3A_663 = tpu.memref_slice %arg5[%run_scoped3A_14, %dma_wait3A_662] : memref<21x128xi32, #tpu.memory_space<vmem>> -> memref<1x128xi32, #tpu.memory_space<vmem>>
      %dma_wait3A_664 = tpu.memref_squeeze %dma_wait3A_663 : memref<1x128xi32, #tpu.memory_space<vmem>> -> memref<128xi32, #tpu.memory_space<vmem>>
      %dma_wait3A_665 = tpu.memref_slice %arg3[%add3A_13] : memref<86016xi32, #tpu.memory_space<hbm>> -> memref<128xi32, #tpu.memory_space<hbm>>
      tpu.wait_dma2 semaphore(%run_scoped3A_649 : memref<!tpu.dma_semaphore, #tpu.memory_space<semaphore_mem>>) src(%dma_wait3A_665 : memref<128xi32, #tpu.memory_space<hbm>>) dst(%dma_wait3A_664 : memref<128xi32, #tpu.memory_space<vmem>>)
      tpu.yield
    }) : () -> ()
    %mul3A_15 = arith.constant 2688 : i32
    %mul3A_16 = arith.muli %add3A, %mul3A_15 : i32
    %add3A_17 = arith.constant 384 : i32
    %add3A_18 = arith.addi %mul3A_16, %add3A_17 : i32
    %run_scoped3A_19 = arith.constant 3 : i32
    "tpu.region"() ({
      %run_scoped3A_649 = tpu.sem_alloc : memref<!tpu.dma_semaphore, #tpu.memory_space<semaphore_mem>>
      %dma_start3A_650 = arith.constant 0 : i32
      %dma_start3A_651 = tpu.memref_slice %arg5[%run_scoped3A_19, %dma_start3A_650] : memref<21x128xi32, #tpu.memory_space<vmem>> -> memref<1x128xi32, #tpu.memory_space<vmem>>
      %dma_start3A_652 = tpu.memref_squeeze %dma_start3A_651 : memref<1x128xi32, #tpu.memory_space<vmem>> -> memref<128xi32, #tpu.memory_space<vmem>>
      %dma_start3A_653 = tpu.memref_slice %arg3[%add3A_18] : memref<86016xi32, #tpu.memory_space<hbm>> -> memref<128xi32, #tpu.memory_space<hbm>>
      %dma_start3A_654 = arith.constant 0 : i32
      %dma_start3A_655 = tpu.memref_slice %arg5[%run_scoped3A_19, %dma_start3A_654] : memref<21x128xi32, #tpu.memory_space<vmem>> -> memref<1x128xi32, #tpu.memory_space<vmem>>
      %dma_start3A_656 = tpu.memref_squeeze %dma_start3A_655 : memref<1x128xi32, #tpu.memory_space<vmem>> -> memref<128xi32, #tpu.memory_space<vmem>>
      %dma_start3A_657 = tpu.memref_slice %arg3[%add3A_18] : memref<86016xi32, #tpu.memory_space<hbm>> -> memref<128xi32, #tpu.memory_space<hbm>>
      tpu.enqueue_dma source(%dma_start3A_657 : memref<128xi32, #tpu.memory_space<hbm>>) target(%dma_start3A_656 : memref<128xi32, #tpu.memory_space<vmem>>) target_semaphore(%run_scoped3A_649 : memref<!tpu.dma_semaphore, #tpu.memory_space<semaphore_mem>>)
      %dma_wait3A_658 = arith.constant 0 : i32
      %dma_wait3A_659 = tpu.memref_slice %arg5[%run_scoped3A_19, %dma_wait3A_658] : memref<21x128xi32, #tpu.memory_space<vmem>> -> memref<1x128xi32, #tpu.memory_space<vmem>>
      %dma_wait3A_660 = tpu.memref_squeeze %dma_wait3A_659 : memref<1x128xi32, #tpu.memory_space<vmem>> -> memref<128xi32, #tpu.memory_space<vmem>>
      %dma_wait3A_661 = tpu.memref_slice %arg3[%add3A_18] : memref<86016xi32, #tpu.memory_space<hbm>> -> memref<128xi32, #tpu.memory_space<hbm>>
      %dma_wait3A_662 = arith.constant 0 : i32
      %dma_wait3A_663 = tpu.memref_slice %arg5[%run_scoped3A_19, %dma_wait3A_662] : memref<21x128xi32, #tpu.memory_space<vmem>> -> memref<1x128xi32, #tpu.memory_space<vmem>>
      %dma_wait3A_664 = tpu.memref_squeeze %dma_wait3A_663 : memref<1x128xi32, #tpu.memory_space<vmem>> -> memref<128xi32, #tpu.memory_space<vmem>>
      %dma_wait3A_665 = tpu.memref_slice %arg3[%add3A_18] : memref<86016xi32, #tpu.memory_space<hbm>> -> memref<128xi32, #tpu.memory_space<hbm>>
      tpu.wait_dma2 semaphore(%run_scoped3A_649 : memref<!tpu.dma_semaphore, #tpu.memory_space<semaphore_mem>>) src(%dma_wait3A_665 : memref<128xi32, #tpu.memory_space<hbm>>) dst(%dma_wait3A_664 : memref<128xi32, #tpu.memory_space<vmem>>)
      tpu.yield
    }) : () -> ()
    %mul3A_20 = arith.constant 2688 : i32
    %mul3A_21 = arith.muli %add3A, %mul3A_20 : i32
    %add3A_22 = arith.constant 512 : i32
    %add3A_23 = arith.addi %mul3A_21, %add3A_22 : i32
    %run_scoped3A_24 = arith.constant 4 : i32
    "tpu.region"() ({
      %run_scoped3A_649 = tpu.sem_alloc : memref<!tpu.dma_semaphore, #tpu.memory_space<semaphore_mem>>
      %dma_start3A_650 = arith.constant 0 : i32
      %dma_start3A_651 = tpu.memref_slice %arg5[%run_scoped3A_24, %dma_start3A_650] : memref<21x128xi32, #tpu.memory_space<vmem>> -> memref<1x128xi32, #tpu.memory_space<vmem>>
      %dma_start3A_652 = tpu.memref_squeeze %dma_start3A_651 : memref<1x128xi32, #tpu.memory_space<vmem>> -> memref<128xi32, #tpu.memory_space<vmem>>
      %dma_start3A_653 = tpu.memref_slice %arg3[%add3A_23] : memref<86016xi32, #tpu.memory_space<hbm>> -> memref<128xi32, #tpu.memory_space<hbm>>
      %dma_start3A_654 = arith.constant 0 : i32
      %dma_start3A_655 = tpu.memref_slice %arg5[%run_scoped3A_24, %dma_start3A_654] : memref<21x128xi32, #tpu.memory_space<vmem>> -> memref<1x128xi32, #tpu.memory_space<vmem>>
      %dma_start3A_656 = tpu.memref_squeeze %dma_start3A_655 : memref<1x128xi32, #tpu.memory_space<vmem>> -> memref<128xi32, #tpu.memory_space<vmem>>
      %dma_start3A_657 = tpu.memref_slice %arg3[%add3A_23] : memref<86016xi32, #tpu.memory_space<hbm>> -> memref<128xi32, #tpu.memory_space<hbm>>
      tpu.enqueue_dma source(%dma_start3A_657 : memref<128xi32, #tpu.memory_space<hbm>>) target(%dma_start3A_656 : memref<128xi32, #tpu.memory_space<vmem>>) target_semaphore(%run_scoped3A_649 : memref<!tpu.dma_semaphore, #tpu.memory_space<semaphore_mem>>)
      %dma_wait3A_658 = arith.constant 0 : i32
      %dma_wait3A_659 = tpu.memref_slice %arg5[%run_scoped3A_24, %dma_wait3A_658] : memref<21x128xi32, #tpu.memory_space<vmem>> -> memref<1x128xi32, #tpu.memory_space<vmem>>
      %dma_wait3A_660 = tpu.memref_squeeze %dma_wait3A_659 : memref<1x128xi32, #tpu.memory_space<vmem>> -> memref<128xi32, #tpu.memory_space<vmem>>
      %dma_wait3A_661 = tpu.memref_slice %arg3[%add3A_23] : memref<86016xi32, #tpu.memory_space<hbm>> -> memref<128xi32, #tpu.memory_space<hbm>>
      %dma_wait3A_662 = arith.constant 0 : i32
      %dma_wait3A_663 = tpu.memref_slice %arg5[%run_scoped3A_24, %dma_wait3A_662] : memref<21x128xi32, #tpu.memory_space<vmem>> -> memref<1x128xi32, #tpu.memory_space<vmem>>
      %dma_wait3A_664 = tpu.memref_squeeze %dma_wait3A_663 : memref<1x128xi32, #tpu.memory_space<vmem>> -> memref<128xi32, #tpu.memory_space<vmem>>
      %dma_wait3A_665 = tpu.memref_slice %arg3[%add3A_23] : memref<86016xi32, #tpu.memory_space<hbm>> -> memref<128xi32, #tpu.memory_space<hbm>>
      tpu.wait_dma2 semaphore(%run_scoped3A_649 : memref<!tpu.dma_semaphore, #tpu.memory_space<semaphore_mem>>) src(%dma_wait3A_665 : memref<128xi32, #tpu.memory_space<hbm>>) dst(%dma_wait3A_664 : memref<128xi32, #tpu.memory_space<vmem>>)
      tpu.yield
    }) : () -> ()
    %mul3A_25 = arith.constant 2688 : i32
    %mul3A_26 = arith.muli %add3A, %mul3A_25 : i32
    %add3A_27 = arith.constant 640 : i32
    %add3A_28 = arith.addi %mul3A_26, %add3A_27 : i32
    %run_scoped3A_29 = arith.constant 5 : i32
    "tpu.region"() ({
      %run_scoped3A_649 = tpu.sem_alloc : memref<!tpu.dma_semaphore, #tpu.memory_space<semaphore_mem>>
      %dma_start3A_650 = arith.constant 0 : i32
      %dma_start3A_651 = tpu.memref_slice %arg5[%run_scoped3A_29, %dma_start3A_650] : memref<21x128xi32, #tpu.memory_space<vmem>> -> memref<1x128xi32, #tpu.memory_space<vmem>>
      %dma_start3A_652 = tpu.memref_squeeze %dma_start3A_651 : memref<1x128xi32, #tpu.memory_space<vmem>> -> memref<128xi32, #tpu.memory_space<vmem>>
      %dma_start3A_653 = tpu.memref_slice %arg3[%add3A_28] : memref<86016xi32, #tpu.memory_space<hbm>> -> memref<128xi32, #tpu.memory_space<hbm>>
      %dma_start3A_654 = arith.constant 0 : i32
      %dma_start3A_655 = tpu.memref_slice %arg5[%run_scoped3A_29, %dma_start3A_654] : memref<21x128xi32, #tpu.memory_space<vmem>> -> memref<1x128xi32, #tpu.memory_space<vmem>>
      %dma_start3A_656 = tpu.memref_squeeze %dma_start3A_655 : memref<1x128xi32, #tpu.memory_space<vmem>> -> memref<128xi32, #tpu.memory_space<vmem>>
      %dma_start3A_657 = tpu.memref_slice %arg3[%add3A_28] : memref<86016xi32, #tpu.memory_space<hbm>> -> memref<128xi32, #tpu.memory_space<hbm>>
      tpu.enqueue_dma source(%dma_start3A_657 : memref<128xi32, #tpu.memory_space<hbm>>) target(%dma_start3A_656 : memref<128xi32, #tpu.memory_space<vmem>>) target_semaphore(%run_scoped3A_649 : memref<!tpu.dma_semaphore, #tpu.memory_space<semaphore_mem>>)
      %dma_wait3A_658 = arith.constant 0 : i32
      %dma_wait3A_659 = tpu.memref_slice %arg5[%run_scoped3A_29, %dma_wait3A_658] : memref<21x128xi32, #tpu.memory_space<vmem>> -> memref<1x128xi32, #tpu.memory_space<vmem>>
      %dma_wait3A_660 = tpu.memref_squeeze %dma_wait3A_659 : memref<1x128xi32, #tpu.memory_space<vmem>> -> memref<128xi32, #tpu.memory_space<vmem>>
      %dma_wait3A_661 = tpu.memref_slice %arg3[%add3A_28] : memref<86016xi32, #tpu.memory_space<hbm>> -> memref<128xi32, #tpu.memory_space<hbm>>
      %dma_wait3A_662 = arith.constant 0 : i32
      %dma_wait3A_663 = tpu.memref_slice %arg5[%run_scoped3A_29, %dma_wait3A_662] : memref<21x128xi32, #tpu.memory_space<vmem>> -> memref<1x128xi32, #tpu.memory_space<vmem>>
      %dma_wait3A_664 = tpu.memref_squeeze %dma_wait3A_663 : memref<1x128xi32, #tpu.memory_space<vmem>> -> memref<128xi32, #tpu.memory_space<vmem>>
      %dma_wait3A_665 = tpu.memref_slice %arg3[%add3A_28] : memref<86016xi32, #tpu.memory_space<hbm>> -> memref<128xi32, #tpu.memory_space<hbm>>
      tpu.wait_dma2 semaphore(%run_scoped3A_649 : memref<!tpu.dma_semaphore, #tpu.memory_space<semaphore_mem>>) src(%dma_wait3A_665 : memref<128xi32, #tpu.memory_space<hbm>>) dst(%dma_wait3A_664 : memref<128xi32, #tpu.memory_space<vmem>>)
      tpu.yield
    }) : () -> ()
    %mul3A_30 = arith.constant 2688 : i32
    %mul3A_31 = arith.muli %add3A, %mul3A_30 : i32
    %add3A_32 = arith.constant 768 : i32
    %add3A_33 = arith.addi %mul3A_31, %add3A_32 : i32
    %run_scoped3A_34 = arith.constant 6 : i32
    "tpu.region"() ({
      %run_scoped3A_649 = tpu.sem_alloc : memref<!tpu.dma_semaphore, #tpu.memory_space<semaphore_mem>>
      %dma_start3A_650 = arith.constant 0 : i32
      %dma_start3A_651 = tpu.memref_slice %arg5[%run_scoped3A_34, %dma_start3A_650] : memref<21x128xi32, #tpu.memory_space<vmem>> -> memref<1x128xi32, #tpu.memory_space<vmem>>
      %dma_start3A_652 = tpu.memref_squeeze %dma_start3A_651 : memref<1x128xi32, #tpu.memory_space<vmem>> -> memref<128xi32, #tpu.memory_space<vmem>>
      %dma_start3A_653 = tpu.memref_slice %arg3[%add3A_33] : memref<86016xi32, #tpu.memory_space<hbm>> -> memref<128xi32, #tpu.memory_space<hbm>>
      %dma_start3A_654 = arith.constant 0 : i32
      %dma_start3A_655 = tpu.memref_slice %arg5[%run_scoped3A_34, %dma_start3A_654] : memref<21x128xi32, #tpu.memory_space<vmem>> -> memref<1x128xi32, #tpu.memory_space<vmem>>
      %dma_start3A_656 = tpu.memref_squeeze %dma_start3A_655 : memref<1x128xi32, #tpu.memory_space<vmem>> -> memref<128xi32, #tpu.memory_space<vmem>>
      %dma_start3A_657 = tpu.memref_slice %arg3[%add3A_33] : memref<86016xi32, #tpu.memory_space<hbm>> -> memref<128xi32, #tpu.memory_space<hbm>>
      tpu.enqueue_dma source(%dma_start3A_657 : memref<128xi32, #tpu.memory_space<hbm>>) target(%dma_start3A_656 : memref<128xi32, #tpu.memory_space<vmem>>) target_semaphore(%run_scoped3A_649 : memref<!tpu.dma_semaphore, #tpu.memory_space<semaphore_mem>>)
      %dma_wait3A_658 = arith.constant 0 : i32
      %dma_wait3A_659 = tpu.memref_slice %arg5[%run_scoped3A_34, %dma_wait3A_658] : memref<21x128xi32, #tpu.memory_space<vmem>> -> memref<1x128xi32, #tpu.memory_space<vmem>>
      %dma_wait3A_660 = tpu.memref_squeeze %dma_wait3A_659 : memref<1x128xi32, #tpu.memory_space<vmem>> -> memref<128xi32, #tpu.memory_space<vmem>>
      %dma_wait3A_661 = tpu.memref_slice %arg3[%add3A_33] : memref<86016xi32, #tpu.memory_space<hbm>> -> memref<128xi32, #tpu.memory_space<hbm>>
      %dma_wait3A_662 = arith.constant 0 : i32
      %dma_wait3A_663 = tpu.memref_slice %arg5[%run_scoped3A_34, %dma_wait3A_662] : memref<21x128xi32, #tpu.memory_space<vmem>> -> memref<1x128xi32, #tpu.memory_space<vmem>>
      %dma_wait3A_664 = tpu.memref_squeeze %dma_wait3A_663 : memref<1x128xi32, #tpu.memory_space<vmem>> -> memref<128xi32, #tpu.memory_space<vmem>>
      %dma_wait3A_665 = tpu.memref_slice %arg3[%add3A_33] : memref<86016xi32, #tpu.memory_space<hbm>> -> memref<128xi32, #tpu.memory_space<hbm>>
      tpu.wait_dma2 semaphore(%run_scoped3A_649 : memref<!tpu.dma_semaphore, #tpu.memory_space<semaphore_mem>>) src(%dma_wait3A_665 : memref<128xi32, #tpu.memory_space<hbm>>) dst(%dma_wait3A_664 : memref<128xi32, #tpu.memory_space<vmem>>)
      tpu.yield
    }) : () -> ()
    %mul3A_35 = arith.constant 2688 : i32
    %mul3A_36 = arith.muli %add3A, %mul3A_35 : i32
    %add3A_37 = arith.constant 896 : i32
    %add3A_38 = arith.addi %mul3A_36, %add3A_37 : i32
    %run_scoped3A_39 = arith.constant 7 : i32
    "tpu.region"() ({
      %run_scoped3A_649 = tpu.sem_alloc : memref<!tpu.dma_semaphore, #tpu.memory_space<semaphore_mem>>
      %dma_start3A_650 = arith.constant 0 : i32
      %dma_start3A_651 = tpu.memref_slice %arg5[%run_scoped3A_39, %dma_start3A_650] : memref<21x128xi32, #tpu.memory_space<vmem>> -> memref<1x128xi32, #tpu.memory_space<vmem>>
      %dma_start3A_652 = tpu.memref_squeeze %dma_start3A_651 : memref<1x128xi32, #tpu.memory_space<vmem>> -> memref<128xi32, #tpu.memory_space<vmem>>
      %dma_start3A_653 = tpu.memref_slice %arg3[%add3A_38] : memref<86016xi32, #tpu.memory_space<hbm>> -> memref<128xi32, #tpu.memory_space<hbm>>
      %dma_start3A_654 = arith.constant 0 : i32
      %dma_start3A_655 = tpu.memref_slice %arg5[%run_scoped3A_39, %dma_start3A_654] : memref<21x128xi32, #tpu.memory_space<vmem>> -> memref<1x128xi32, #tpu.memory_space<vmem>>
      %dma_start3A_656 = tpu.memref_squeeze %dma_start3A_655 : memref<1x128xi32, #tpu.memory_space<vmem>> -> memref<128xi32, #tpu.memory_space<vmem>>
      %dma_start3A_657 = tpu.memref_slice %arg3[%add3A_38] : memref<86016xi32, #tpu.memory_space<hbm>> -> memref<128xi32, #tpu.memory_space<hbm>>
      tpu.enqueue_dma source(%dma_start3A_657 : memref<128xi32, #tpu.memory_space<hbm>>) target(%dma_start3A_656 : memref<128xi32, #tpu.memory_space<vmem>>) target_semaphore(%run_scoped3A_649 : memref<!tpu.dma_semaphore, #tpu.memory_space<semaphore_mem>>)
      %dma_wait3A_658 = arith.constant 0 : i32
      %dma_wait3A_659 = tpu.memref_slice %arg5[%run_scoped3A_39, %dma_wait3A_658] : memref<21x128xi32, #tpu.memory_space<vmem>> -> memref<1x128xi32, #tpu.memory_space<vmem>>
      %dma_wait3A_660 = tpu.memref_squeeze %dma_wait3A_659 : memref<1x128xi32, #tpu.memory_space<vmem>> -> memref<128xi32, #tpu.memory_space<vmem>>
      %dma_wait3A_661 = tpu.memref_slice %arg3[%add3A_38] : memref<86016xi32, #tpu.memory_space<hbm>> -> memref<128xi32, #tpu.memory_space<hbm>>
      %dma_wait3A_662 = arith.constant 0 : i32
      %dma_wait3A_663 = tpu.memref_slice %arg5[%run_scoped3A_39, %dma_wait3A_662] : memref<21x128xi32, #tpu.memory_space<vmem>> -> memref<1x128xi32, #tpu.memory_space<vmem>>
      %dma_wait3A_664 = tpu.memref_squeeze %dma_wait3A_663 : memref<1x128xi32, #tpu.memory_space<vmem>> -> memref<128xi32, #tpu.memory_space<vmem>>
      %dma_wait3A_665 = tpu.memref_slice %arg3[%add3A_38] : memref<86016xi32, #tpu.memory_space<hbm>> -> memref<128xi32, #tpu.memory_space<hbm>>
      tpu.wait_dma2 semaphore(%run_scoped3A_649 : memref<!tpu.dma_semaphore, #tpu.memory_space<semaphore_mem>>) src(%dma_wait3A_665 : memref<128xi32, #tpu.memory_space<hbm>>) dst(%dma_wait3A_664 : memref<128xi32, #tpu.memory_space<vmem>>)
      tpu.yield
    }) : () -> ()
    %mul3A_40 = arith.constant 2688 : i32
    %mul3A_41 = arith.muli %add3A, %mul3A_40 : i32
    %add3A_42 = arith.constant 1024 : i32
    %add3A_43 = arith.addi %mul3A_41, %add3A_42 : i32
    %run_scoped3A_44 = arith.constant 8 : i32
    "tpu.region"() ({
      %run_scoped3A_649 = tpu.sem_alloc : memref<!tpu.dma_semaphore, #tpu.memory_space<semaphore_mem>>
      %dma_start3A_650 = arith.constant 0 : i32
      %dma_start3A_651 = tpu.memref_slice %arg5[%run_scoped3A_44, %dma_start3A_650] : memref<21x128xi32, #tpu.memory_space<vmem>> -> memref<1x128xi32, #tpu.memory_space<vmem>>
      %dma_start3A_652 = tpu.memref_squeeze %dma_start3A_651 : memref<1x128xi32, #tpu.memory_space<vmem>> -> memref<128xi32, #tpu.memory_space<vmem>>
      %dma_start3A_653 = tpu.memref_slice %arg3[%add3A_43] : memref<86016xi32, #tpu.memory_space<hbm>> -> memref<128xi32, #tpu.memory_space<hbm>>
      %dma_start3A_654 = arith.constant 0 : i32
      %dma_start3A_655 = tpu.memref_slice %arg5[%run_scoped3A_44, %dma_start3A_654] : memref<21x128xi32, #tpu.memory_space<vmem>> -> memref<1x128xi32, #tpu.memory_space<vmem>>
      %dma_start3A_656 = tpu.memref_squeeze %dma_start3A_655 : memref<1x128xi32, #tpu.memory_space<vmem>> -> memref<128xi32, #tpu.memory_space<vmem>>
      %dma_start3A_657 = tpu.memref_slice %arg3[%add3A_43] : memref<86016xi32, #tpu.memory_space<hbm>> -> memref<128xi32, #tpu.memory_space<hbm>>
      tpu.enqueue_dma source(%dma_start3A_657 : memref<128xi32, #tpu.memory_space<hbm>>) target(%dma_start3A_656 : memref<128xi32, #tpu.memory_space<vmem>>) target_semaphore(%run_scoped3A_649 : memref<!tpu.dma_semaphore, #tpu.memory_space<semaphore_mem>>)
      %dma_wait3A_658 = arith.constant 0 : i32
      %dma_wait3A_659 = tpu.memref_slice %arg5[%run_scoped3A_44, %dma_wait3A_658] : memref<21x128xi32, #tpu.memory_space<vmem>> -> memref<1x128xi32, #tpu.memory_space<vmem>>
      %dma_wait3A_660 = tpu.memref_squeeze %dma_wait3A_659 : memref<1x128xi32, #tpu.memory_space<vmem>> -> memref<128xi32, #tpu.memory_space<vmem>>
      %dma_wait3A_661 = tpu.memref_slice %arg3[%add3A_43] : memref<86016xi32, #tpu.memory_space<hbm>> -> memref<128xi32, #tpu.memory_space<hbm>>
      %dma_wait3A_662 = arith.constant 0 : i32
      %dma_wait3A_663 = tpu.memref_slice %arg5[%run_scoped3A_44, %dma_wait3A_662] : memref<21x128xi32, #tpu.memory_space<vmem>> -> memref<1x128xi32, #tpu.memory_space<vmem>>
      %dma_wait3A_664 = tpu.memref_squeeze %dma_wait3A_663 : memref<1x128xi32, #tpu.memory_space<vmem>> -> memref<128xi32, #tpu.memory_space<vmem>>
      %dma_wait3A_665 = tpu.memref_slice %arg3[%add3A_43] : memref<86016xi32, #tpu.memory_space<hbm>> -> memref<128xi32, #tpu.memory_space<hbm>>
      tpu.wait_dma2 semaphore(%run_scoped3A_649 : memref<!tpu.dma_semaphore, #tpu.memory_space<semaphore_mem>>) src(%dma_wait3A_665 : memref<128xi32, #tpu.memory_space<hbm>>) dst(%dma_wait3A_664 : memref<128xi32, #tpu.memory_space<vmem>>)
      tpu.yield
    }) : () -> ()
    %mul3A_45 = arith.constant 2688 : i32
    %mul3A_46 = arith.muli %add3A, %mul3A_45 : i32
    %add3A_47 = arith.constant 1152 : i32
    %add3A_48 = arith.addi %mul3A_46, %add3A_47 : i32
    %run_scoped3A_49 = arith.constant 9 : i32
    "tpu.region"() ({
      %run_scoped3A_649 = tpu.sem_alloc : memref<!tpu.dma_semaphore, #tpu.memory_space<semaphore_mem>>
      %dma_start3A_650 = arith.constant 0 : i32
      %dma_start3A_651 = tpu.memref_slice %arg5[%run_scoped3A_49, %dma_start3A_650] : memref<21x128xi32, #tpu.memory_space<vmem>> -> memref<1x128xi32, #tpu.memory_space<vmem>>
      %dma_start3A_652 = tpu.memref_squeeze %dma_start3A_651 : memref<1x128xi32, #tpu.memory_space<vmem>> -> memref<128xi32, #tpu.memory_space<vmem>>
      %dma_start3A_653 = tpu.memref_slice %arg3[%add3A_48] : memref<86016xi32, #tpu.memory_space<hbm>> -> memref<128xi32, #tpu.memory_space<hbm>>
      %dma_start3A_654 = arith.constant 0 : i32
      %dma_start3A_655 = tpu.memref_slice %arg5[%run_scoped3A_49, %dma_start3A_654] : memref<21x128xi32, #tpu.memory_space<vmem>> -> memref<1x128xi32, #tpu.memory_space<vmem>>
      %dma_start3A_656 = tpu.memref_squeeze %dma_start3A_655 : memref<1x128xi32, #tpu.memory_space<vmem>> -> memref<128xi32, #tpu.memory_space<vmem>>
      %dma_start3A_657 = tpu.memref_slice %arg3[%add3A_48] : memref<86016xi32, #tpu.memory_space<hbm>> -> memref<128xi32, #tpu.memory_space<hbm>>
      tpu.enqueue_dma source(%dma_start3A_657 : memref<128xi32, #tpu.memory_space<hbm>>) target(%dma_start3A_656 : memref<128xi32, #tpu.memory_space<vmem>>) target_semaphore(%run_scoped3A_649 : memref<!tpu.dma_semaphore, #tpu.memory_space<semaphore_mem>>)
      %dma_wait3A_658 = arith.constant 0 : i32
      %dma_wait3A_659 = tpu.memref_slice %arg5[%run_scoped3A_49, %dma_wait3A_658] : memref<21x128xi32, #tpu.memory_space<vmem>> -> memref<1x128xi32, #tpu.memory_space<vmem>>
      %dma_wait3A_660 = tpu.memref_squeeze %dma_wait3A_659 : memref<1x128xi32, #tpu.memory_space<vmem>> -> memref<128xi32, #tpu.memory_space<vmem>>
      %dma_wait3A_661 = tpu.memref_slice %arg3[%add3A_48] : memref<86016xi32, #tpu.memory_space<hbm>> -> memref<128xi32, #tpu.memory_space<hbm>>
      %dma_wait3A_662 = arith.constant 0 : i32
      %dma_wait3A_663 = tpu.memref_slice %arg5[%run_scoped3A_49, %dma_wait3A_662] : memref<21x128xi32, #tpu.memory_space<vmem>> -> memref<1x128xi32, #tpu.memory_space<vmem>>
      %dma_wait3A_664 = tpu.memref_squeeze %dma_wait3A_663 : memref<1x128xi32, #tpu.memory_space<vmem>> -> memref<128xi32, #tpu.memory_space<vmem>>
      %dma_wait3A_665 = tpu.memref_slice %arg3[%add3A_48] : memref<86016xi32, #tpu.memory_space<hbm>> -> memref<128xi32, #tpu.memory_space<hbm>>
      tpu.wait_dma2 semaphore(%run_scoped3A_649 : memref<!tpu.dma_semaphore, #tpu.memory_space<semaphore_mem>>) src(%dma_wait3A_665 : memref<128xi32, #tpu.memory_space<hbm>>) dst(%dma_wait3A_664 : memref<128xi32, #tpu.memory_space<vmem>>)
      tpu.yield
    }) : () -> ()
    %mul3A_50 = arith.constant 2688 : i32
    %mul3A_51 = arith.muli %add3A, %mul3A_50 : i32
    %add3A_52 = arith.constant 1280 : i32
    %add3A_53 = arith.addi %mul3A_51, %add3A_52 : i32
    %run_scoped3A_54 = arith.constant 10 : i32
    "tpu.region"() ({
      %run_scoped3A_649 = tpu.sem_alloc : memref<!tpu.dma_semaphore, #tpu.memory_space<semaphore_mem>>
      %dma_start3A_650 = arith.constant 0 : i32
      %dma_start3A_651 = tpu.memref_slice %arg5[%run_scoped3A_54, %dma_start3A_650] : memref<21x128xi32, #tpu.memory_space<vmem>> -> memref<1x128xi32, #tpu.memory_space<vmem>>
      %dma_start3A_652 = tpu.memref_squeeze %dma_start3A_651 : memref<1x128xi32, #tpu.memory_space<vmem>> -> memref<128xi32, #tpu.memory_space<vmem>>
      %dma_start3A_653 = tpu.memref_slice %arg3[%add3A_53] : memref<86016xi32, #tpu.memory_space<hbm>> -> memref<128xi32, #tpu.memory_space<hbm>>
      %dma_start3A_654 = arith.constant 0 : i32
      %dma_start3A_655 = tpu.memref_slice %arg5[%run_scoped3A_54, %dma_start3A_654] : memref<21x128xi32, #tpu.memory_space<vmem>> -> memref<1x128xi32, #tpu.memory_space<vmem>>
      %dma_start3A_656 = tpu.memref_squeeze %dma_start3A_655 : memref<1x128xi32, #tpu.memory_space<vmem>> -> memref<128xi32, #tpu.memory_space<vmem>>
      %dma_start3A_657 = tpu.memref_slice %arg3[%add3A_53] : memref<86016xi32, #tpu.memory_space<hbm>> -> memref<128xi32, #tpu.memory_space<hbm>>
      tpu.enqueue_dma source(%dma_start3A_657 : memref<128xi32, #tpu.memory_space<hbm>>) target(%dma_start3A_656 : memref<128xi32, #tpu.memory_space<vmem>>) target_semaphore(%run_scoped3A_649 : memref<!tpu.dma_semaphore, #tpu.memory_space<semaphore_mem>>)
      %dma_wait3A_658 = arith.constant 0 : i32
      %dma_wait3A_659 = tpu.memref_slice %arg5[%run_scoped3A_54, %dma_wait3A_658] : memref<21x128xi32, #tpu.memory_space<vmem>> -> memref<1x128xi32, #tpu.memory_space<vmem>>
      %dma_wait3A_660 = tpu.memref_squeeze %dma_wait3A_659 : memref<1x128xi32, #tpu.memory_space<vmem>> -> memref<128xi32, #tpu.memory_space<vmem>>
      %dma_wait3A_661 = tpu.memref_slice %arg3[%add3A_53] : memref<86016xi32, #tpu.memory_space<hbm>> -> memref<128xi32, #tpu.memory_space<hbm>>
      %dma_wait3A_662 = arith.constant 0 : i32
      %dma_wait3A_663 = tpu.memref_slice %arg5[%run_scoped3A_54, %dma_wait3A_662] : memref<21x128xi32, #tpu.memory_space<vmem>> -> memref<1x128xi32, #tpu.memory_space<vmem>>
      %dma_wait3A_664 = tpu.memref_squeeze %dma_wait3A_663 : memref<1x128xi32, #tpu.memory_space<vmem>> -> memref<128xi32, #tpu.memory_space<vmem>>
      %dma_wait3A_665 = tpu.memref_slice %arg3[%add3A_53] : memref<86016xi32, #tpu.memory_space<hbm>> -> memref<128xi32, #tpu.memory_space<hbm>>
      tpu.wait_dma2 semaphore(%run_scoped3A_649 : memref<!tpu.dma_semaphore, #tpu.memory_space<semaphore_mem>>) src(%dma_wait3A_665 : memref<128xi32, #tpu.memory_space<hbm>>) dst(%dma_wait3A_664 : memref<128xi32, #tpu.memory_space<vmem>>)
      tpu.yield
    }) : () -> ()
    %mul3A_55 = arith.constant 2688 : i32
    %mul3A_56 = arith.muli %add3A, %mul3A_55 : i32
    %add3A_57 = arith.constant 1408 : i32
    %add3A_58 = arith.addi %mul3A_56, %add3A_57 : i32
    %run_scoped3A_59 = arith.constant 11 : i32
    "tpu.region"() ({
      %run_scoped3A_649 = tpu.sem_alloc : memref<!tpu.dma_semaphore, #tpu.memory_space<semaphore_mem>>
      %dma_start3A_650 = arith.constant 0 : i32
      %dma_start3A_651 = tpu.memref_slice %arg5[%run_scoped3A_59, %dma_start3A_650] : memref<21x128xi32, #tpu.memory_space<vmem>> -> memref<1x128xi32, #tpu.memory_space<vmem>>
      %dma_start3A_652 = tpu.memref_squeeze %dma_start3A_651 : memref<1x128xi32, #tpu.memory_space<vmem>> -> memref<128xi32, #tpu.memory_space<vmem>>
      %dma_start3A_653 = tpu.memref_slice %arg3[%add3A_58] : memref<86016xi32, #tpu.memory_space<hbm>> -> memref<128xi32, #tpu.memory_space<hbm>>
      %dma_start3A_654 = arith.constant 0 : i32
      %dma_start3A_655 = tpu.memref_slice %arg5[%run_scoped3A_59, %dma_start3A_654] : memref<21x128xi32, #tpu.memory_space<vmem>> -> memref<1x128xi32, #tpu.memory_space<vmem>>
      %dma_start3A_656 = tpu.memref_squeeze %dma_start3A_655 : memref<1x128xi32, #tpu.memory_space<vmem>> -> memref<128xi32, #tpu.memory_space<vmem>>
      %dma_start3A_657 = tpu.memref_slice %arg3[%add3A_58] : memref<86016xi32, #tpu.memory_space<hbm>> -> memref<128xi32, #tpu.memory_space<hbm>>
      tpu.enqueue_dma source(%dma_start3A_657 : memref<128xi32, #tpu.memory_space<hbm>>) target(%dma_start3A_656 : memref<128xi32, #tpu.memory_space<vmem>>) target_semaphore(%run_scoped3A_649 : memref<!tpu.dma_semaphore, #tpu.memory_space<semaphore_mem>>)
      %dma_wait3A_658 = arith.constant 0 : i32
      %dma_wait3A_659 = tpu.memref_slice %arg5[%run_scoped3A_59, %dma_wait3A_658] : memref<21x128xi32, #tpu.memory_space<vmem>> -> memref<1x128xi32, #tpu.memory_space<vmem>>
      %dma_wait3A_660 = tpu.memref_squeeze %dma_wait3A_659 : memref<1x128xi32, #tpu.memory_space<vmem>> -> memref<128xi32, #tpu.memory_space<vmem>>
      %dma_wait3A_661 = tpu.memref_slice %arg3[%add3A_58] : memref<86016xi32, #tpu.memory_space<hbm>> -> memref<128xi32, #tpu.memory_space<hbm>>
      %dma_wait3A_662 = arith.constant 0 : i32
      %dma_wait3A_663 = tpu.memref_slice %arg5[%run_scoped3A_59, %dma_wait3A_662] : memref<21x128xi32, #tpu.memory_space<vmem>> -> memref<1x128xi32, #tpu.memory_space<vmem>>
      %dma_wait3A_664 = tpu.memref_squeeze %dma_wait3A_663 : memref<1x128xi32, #tpu.memory_space<vmem>> -> memref<128xi32, #tpu.memory_space<vmem>>
      %dma_wait3A_665 = tpu.memref_slice %arg3[%add3A_58] : memref<86016xi32, #tpu.memory_space<hbm>> -> memref<128xi32, #tpu.memory_space<hbm>>
      tpu.wait_dma2 semaphore(%run_scoped3A_649 : memref<!tpu.dma_semaphore, #tpu.memory_space<semaphore_mem>>) src(%dma_wait3A_665 : memref<128xi32, #tpu.memory_space<hbm>>) dst(%dma_wait3A_664 : memref<128xi32, #tpu.memory_space<vmem>>)
      tpu.yield
    }) : () -> ()
    %mul3A_60 = arith.constant 2688 : i32
    %mul3A_61 = arith.muli %add3A, %mul3A_60 : i32
    %add3A_62 = arith.constant 1536 : i32
    %add3A_63 = arith.addi %mul3A_61, %add3A_62 : i32
    %run_scoped3A_64 = arith.constant 12 : i32
    "tpu.region"() ({
      %run_scoped3A_649 = tpu.sem_alloc : memref<!tpu.dma_semaphore, #tpu.memory_space<semaphore_mem>>
      %dma_start3A_650 = arith.constant 0 : i32
      %dma_start3A_651 = tpu.memref_slice %arg5[%run_scoped3A_64, %dma_start3A_650] : memref<21x128xi32, #tpu.memory_space<vmem>> -> memref<1x128xi32, #tpu.memory_space<vmem>>
      %dma_start3A_652 = tpu.memref_squeeze %dma_start3A_651 : memref<1x128xi32, #tpu.memory_space<vmem>> -> memref<128xi32, #tpu.memory_space<vmem>>
      %dma_start3A_653 = tpu.memref_slice %arg3[%add3A_63] : memref<86016xi32, #tpu.memory_space<hbm>> -> memref<128xi32, #tpu.memory_space<hbm>>
      %dma_start3A_654 = arith.constant 0 : i32
      %dma_start3A_655 = tpu.memref_slice %arg5[%run_scoped3A_64, %dma_start3A_654] : memref<21x128xi32, #tpu.memory_space<vmem>> -> memref<1x128xi32, #tpu.memory_space<vmem>>
      %dma_start3A_656 = tpu.memref_squeeze %dma_start3A_655 : memref<1x128xi32, #tpu.memory_space<vmem>> -> memref<128xi32, #tpu.memory_space<vmem>>
      %dma_start3A_657 = tpu.memref_slice %arg3[%add3A_63] : memref<86016xi32, #tpu.memory_space<hbm>> -> memref<128xi32, #tpu.memory_space<hbm>>
      tpu.enqueue_dma source(%dma_start3A_657 : memref<128xi32, #tpu.memory_space<hbm>>) target(%dma_start3A_656 : memref<128xi32, #tpu.memory_space<vmem>>) target_semaphore(%run_scoped3A_649 : memref<!tpu.dma_semaphore, #tpu.memory_space<semaphore_mem>>)
      %dma_wait3A_658 = arith.constant 0 : i32
      %dma_wait3A_659 = tpu.memref_slice %arg5[%run_scoped3A_64, %dma_wait3A_658] : memref<21x128xi32, #tpu.memory_space<vmem>> -> memref<1x128xi32, #tpu.memory_space<vmem>>
      %dma_wait3A_660 = tpu.memref_squeeze %dma_wait3A_659 : memref<1x128xi32, #tpu.memory_space<vmem>> -> memref<128xi32, #tpu.memory_space<vmem>>
      %dma_wait3A_661 = tpu.memref_slice %arg3[%add3A_63] : memref<86016xi32, #tpu.memory_space<hbm>> -> memref<128xi32, #tpu.memory_space<hbm>>
      %dma_wait3A_662 = arith.constant 0 : i32
      %dma_wait3A_663 = tpu.memref_slice %arg5[%run_scoped3A_64, %dma_wait3A_662] : memref<21x128xi32, #tpu.memory_space<vmem>> -> memref<1x128xi32, #tpu.memory_space<vmem>>
      %dma_wait3A_664 = tpu.memref_squeeze %dma_wait3A_663 : memref<1x128xi32, #tpu.memory_space<vmem>> -> memref<128xi32, #tpu.memory_space<vmem>>
      %dma_wait3A_665 = tpu.memref_slice %arg3[%add3A_63] : memref<86016xi32, #tpu.memory_space<hbm>> -> memref<128xi32, #tpu.memory_space<hbm>>
      tpu.wait_dma2 semaphore(%run_scoped3A_649 : memref<!tpu.dma_semaphore, #tpu.memory_space<semaphore_mem>>) src(%dma_wait3A_665 : memref<128xi32, #tpu.memory_space<hbm>>) dst(%dma_wait3A_664 : memref<128xi32, #tpu.memory_space<vmem>>)
      tpu.yield
    }) : () -> ()
    %mul3A_65 = arith.constant 2688 : i32
    %mul3A_66 = arith.muli %add3A, %mul3A_65 : i32
    %add3A_67 = arith.constant 1664 : i32
    %add3A_68 = arith.addi %mul3A_66, %add3A_67 : i32
    %run_scoped3A_69 = arith.constant 13 : i32
    "tpu.region"() ({
      %run_scoped3A_649 = tpu.sem_alloc : memref<!tpu.dma_semaphore, #tpu.memory_space<semaphore_mem>>
      %dma_start3A_650 = arith.constant 0 : i32
      %dma_start3A_651 = tpu.memref_slice %arg5[%run_scoped3A_69, %dma_start3A_650] : memref<21x128xi32, #tpu.memory_space<vmem>> -> memref<1x128xi32, #tpu.memory_space<vmem>>
      %dma_start3A_652 = tpu.memref_squeeze %dma_start3A_651 : memref<1x128xi32, #tpu.memory_space<vmem>> -> memref<128xi32, #tpu.memory_space<vmem>>
      %dma_start3A_653 = tpu.memref_slice %arg3[%add3A_68] : memref<86016xi32, #tpu.memory_space<hbm>> -> memref<128xi32, #tpu.memory_space<hbm>>
      %dma_start3A_654 = arith.constant 0 : i32
      %dma_start3A_655 = tpu.memref_slice %arg5[%run_scoped3A_69, %dma_start3A_654] : memref<21x128xi32, #tpu.memory_space<vmem>> -> memref<1x128xi32, #tpu.memory_space<vmem>>
      %dma_start3A_656 = tpu.memref_squeeze %dma_start3A_655 : memref<1x128xi32, #tpu.memory_space<vmem>> -> memref<128xi32, #tpu.memory_space<vmem>>
      %dma_start3A_657 = tpu.memref_slice %arg3[%add3A_68] : memref<86016xi32, #tpu.memory_space<hbm>> -> memref<128xi32, #tpu.memory_space<hbm>>
      tpu.enqueue_dma source(%dma_start3A_657 : memref<128xi32, #tpu.memory_space<hbm>>) target(%dma_start3A_656 : memref<128xi32, #tpu.memory_space<vmem>>) target_semaphore(%run_scoped3A_649 : memref<!tpu.dma_semaphore, #tpu.memory_space<semaphore_mem>>)
      %dma_wait3A_658 = arith.constant 0 : i32
      %dma_wait3A_659 = tpu.memref_slice %arg5[%run_scoped3A_69, %dma_wait3A_658] : memref<21x128xi32, #tpu.memory_space<vmem>> -> memref<1x128xi32, #tpu.memory_space<vmem>>
      %dma_wait3A_660 = tpu.memref_squeeze %dma_wait3A_659 : memref<1x128xi32, #tpu.memory_space<vmem>> -> memref<128xi32, #tpu.memory_space<vmem>>
      %dma_wait3A_661 = tpu.memref_slice %arg3[%add3A_68] : memref<86016xi32, #tpu.memory_space<hbm>> -> memref<128xi32, #tpu.memory_space<hbm>>
      %dma_wait3A_662 = arith.constant 0 : i32
      %dma_wait3A_663 = tpu.memref_slice %arg5[%run_scoped3A_69, %dma_wait3A_662] : memref<21x128xi32, #tpu.memory_space<vmem>> -> memref<1x128xi32, #tpu.memory_space<vmem>>
      %dma_wait3A_664 = tpu.memref_squeeze %dma_wait3A_663 : memref<1x128xi32, #tpu.memory_space<vmem>> -> memref<128xi32, #tpu.memory_space<vmem>>
      %dma_wait3A_665 = tpu.memref_slice %arg3[%add3A_68] : memref<86016xi32, #tpu.memory_space<hbm>> -> memref<128xi32, #tpu.memory_space<hbm>>
      tpu.wait_dma2 semaphore(%run_scoped3A_649 : memref<!tpu.dma_semaphore, #tpu.memory_space<semaphore_mem>>) src(%dma_wait3A_665 : memref<128xi32, #tpu.memory_space<hbm>>) dst(%dma_wait3A_664 : memref<128xi32, #tpu.memory_space<vmem>>)
      tpu.yield
    }) : () -> ()
    %mul3A_70 = arith.constant 2688 : i32
    %mul3A_71 = arith.muli %add3A, %mul3A_70 : i32
    %add3A_72 = arith.constant 1792 : i32
    %add3A_73 = arith.addi %mul3A_71, %add3A_72 : i32
    %run_scoped3A_74 = arith.constant 14 : i32
    "tpu.region"() ({
      %run_scoped3A_649 = tpu.sem_alloc : memref<!tpu.dma_semaphore, #tpu.memory_space<semaphore_mem>>
      %dma_start3A_650 = arith.constant 0 : i32
      %dma_start3A_651 = tpu.memref_slice %arg5[%run_scoped3A_74, %dma_start3A_650] : memref<21x128xi32, #tpu.memory_space<vmem>> -> memref<1x128xi32, #tpu.memory_space<vmem>>
      %dma_start3A_652 = tpu.memref_squeeze %dma_start3A_651 : memref<1x128xi32, #tpu.memory_space<vmem>> -> memref<128xi32, #tpu.memory_space<vmem>>
      %dma_start3A_653 = tpu.memref_slice %arg3[%add3A_73] : memref<86016xi32, #tpu.memory_space<hbm>> -> memref<128xi32, #tpu.memory_space<hbm>>
      %dma_start3A_654 = arith.constant 0 : i32
      %dma_start3A_655 = tpu.memref_slice %arg5[%run_scoped3A_74, %dma_start3A_654] : memref<21x128xi32, #tpu.memory_space<vmem>> -> memref<1x128xi32, #tpu.memory_space<vmem>>
      %dma_start3A_656 = tpu.memref_squeeze %dma_start3A_655 : memref<1x128xi32, #tpu.memory_space<vmem>> -> memref<128xi32, #tpu.memory_space<vmem>>
      %dma_start3A_657 = tpu.memref_slice %arg3[%add3A_73] : memref<86016xi32, #tpu.memory_space<hbm>> -> memref<128xi32, #tpu.memory_space<hbm>>
      tpu.enqueue_dma source(%dma_start3A_657 : memref<128xi32, #tpu.memory_space<hbm>>) target(%dma_start3A_656 : memref<128xi32, #tpu.memory_space<vmem>>) target_semaphore(%run_scoped3A_649 : memref<!tpu.dma_semaphore, #tpu.memory_space<semaphore_mem>>)
      %dma_wait3A_658 = arith.constant 0 : i32
      %dma_wait3A_659 = tpu.memref_slice %arg5[%run_scoped3A_74, %dma_wait3A_658] : memref<21x128xi32, #tpu.memory_space<vmem>> -> memref<1x128xi32, #tpu.memory_space<vmem>>
      %dma_wait3A_660 = tpu.memref_squeeze %dma_wait3A_659 : memref<1x128xi32, #tpu.memory_space<vmem>> -> memref<128xi32, #tpu.memory_space<vmem>>
      %dma_wait3A_661 = tpu.memref_slice %arg3[%add3A_73] : memref<86016xi32, #tpu.memory_space<hbm>> -> memref<128xi32, #tpu.memory_space<hbm>>
      %dma_wait3A_662 = arith.constant 0 : i32
      %dma_wait3A_663 = tpu.memref_slice %arg5[%run_scoped3A_74, %dma_wait3A_662] : memref<21x128xi32, #tpu.memory_space<vmem>> -> memref<1x128xi32, #tpu.memory_space<vmem>>
      %dma_wait3A_664 = tpu.memref_squeeze %dma_wait3A_663 : memref<1x128xi32, #tpu.memory_space<vmem>> -> memref<128xi32, #tpu.memory_space<vmem>>
      %dma_wait3A_665 = tpu.memref_slice %arg3[%add3A_73] : memref<86016xi32, #tpu.memory_space<hbm>> -> memref<128xi32, #tpu.memory_space<hbm>>
      tpu.wait_dma2 semaphore(%run_scoped3A_649 : memref<!tpu.dma_semaphore, #tpu.memory_space<semaphore_mem>>) src(%dma_wait3A_665 : memref<128xi32, #tpu.memory_space<hbm>>) dst(%dma_wait3A_664 : memref<128xi32, #tpu.memory_space<vmem>>)
      tpu.yield
    }) : () -> ()
    %mul3A_75 = arith.constant 2688 : i32
    %mul3A_76 = arith.muli %add3A, %mul3A_75 : i32
    %add3A_77 = arith.constant 1920 : i32
    %add3A_78 = arith.addi %mul3A_76, %add3A_77 : i32
    %run_scoped3A_79 = arith.constant 15 : i32
    "tpu.region"() ({
      %run_scoped3A_649 = tpu.sem_alloc : memref<!tpu.dma_semaphore, #tpu.memory_space<semaphore_mem>>
      %dma_start3A_650 = arith.constant 0 : i32
      %dma_start3A_651 = tpu.memref_slice %arg5[%run_scoped3A_79, %dma_start3A_650] : memref<21x128xi32, #tpu.memory_space<vmem>> -> memref<1x128xi32, #tpu.memory_space<vmem>>
      %dma_start3A_652 = tpu.memref_squeeze %dma_start3A_651 : memref<1x128xi32, #tpu.memory_space<vmem>> -> memref<128xi32, #tpu.memory_space<vmem>>
      %dma_start3A_653 = tpu.memref_slice %arg3[%add3A_78] : memref<86016xi32, #tpu.memory_space<hbm>> -> memref<128xi32, #tpu.memory_space<hbm>>
      %dma_start3A_654 = arith.constant 0 : i32
      %dma_start3A_655 = tpu.memref_slice %arg5[%run_scoped3A_79, %dma_start3A_654] : memref<21x128xi32, #tpu.memory_space<vmem>> -> memref<1x128xi32, #tpu.memory_space<vmem>>
      %dma_start3A_656 = tpu.memref_squeeze %dma_start3A_655 : memref<1x128xi32, #tpu.memory_space<vmem>> -> memref<128xi32, #tpu.memory_space<vmem>>
      %dma_start3A_657 = tpu.memref_slice %arg3[%add3A_78] : memref<86016xi32, #tpu.memory_space<hbm>> -> memref<128xi32, #tpu.memory_space<hbm>>
      tpu.enqueue_dma source(%dma_start3A_657 : memref<128xi32, #tpu.memory_space<hbm>>) target(%dma_start3A_656 : memref<128xi32, #tpu.memory_space<vmem>>) target_semaphore(%run_scoped3A_649 : memref<!tpu.dma_semaphore, #tpu.memory_space<semaphore_mem>>)
      %dma_wait3A_658 = arith.constant 0 : i32
      %dma_wait3A_659 = tpu.memref_slice %arg5[%run_scoped3A_79, %dma_wait3A_658] : memref<21x128xi32, #tpu.memory_space<vmem>> -> memref<1x128xi32, #tpu.memory_space<vmem>>
      %dma_wait3A_660 = tpu.memref_squeeze %dma_wait3A_659 : memref<1x128xi32, #tpu.memory_space<vmem>> -> memref<128xi32, #tpu.memory_space<vmem>>
      %dma_wait3A_661 = tpu.memref_slice %arg3[%add3A_78] : memref<86016xi32, #tpu.memory_space<hbm>> -> memref<128xi32, #tpu.memory_space<hbm>>
      %dma_wait3A_662 = arith.constant 0 : i32
      %dma_wait3A_663 = tpu.memref_slice %arg5[%run_scoped3A_79, %dma_wait3A_662] : memref<21x128xi32, #tpu.memory_space<vmem>> -> memref<1x128xi32, #tpu.memory_space<vmem>>
      %dma_wait3A_664 = tpu.memref_squeeze %dma_wait3A_663 : memref<1x128xi32, #tpu.memory_space<vmem>> -> memref<128xi32, #tpu.memory_space<vmem>>
      %dma_wait3A_665 = tpu.memref_slice %arg3[%add3A_78] : memref<86016xi32, #tpu.memory_space<hbm>> -> memref<128xi32, #tpu.memory_space<hbm>>
      tpu.wait_dma2 semaphore(%run_scoped3A_649 : memref<!tpu.dma_semaphore, #tpu.memory_space<semaphore_mem>>) src(%dma_wait3A_665 : memref<128xi32, #tpu.memory_space<hbm>>) dst(%dma_wait3A_664 : memref<128xi32, #tpu.memory_space<vmem>>)
      tpu.yield
    }) : () -> ()
    %mul3A_80 = arith.constant 2688 : i32
    %mul3A_81 = arith.muli %add3A, %mul3A_80 : i32
    %add3A_82 = arith.constant 2048 : i32
    %add3A_83 = arith.addi %mul3A_81, %add3A_82 : i32
    %run_scoped3A_84 = arith.constant 16 : i32
    "tpu.region"() ({
      %run_scoped3A_649 = tpu.sem_alloc : memref<!tpu.dma_semaphore, #tpu.memory_space<semaphore_mem>>
      %dma_start3A_650 = arith.constant 0 : i32
      %dma_start3A_651 = tpu.memref_slice %arg5[%run_scoped3A_84, %dma_start3A_650] : memref<21x128xi32, #tpu.memory_space<vmem>> -> memref<1x128xi32, #tpu.memory_space<vmem>>
      %dma_start3A_652 = tpu.memref_squeeze %dma_start3A_651 : memref<1x128xi32, #tpu.memory_space<vmem>> -> memref<128xi32, #tpu.memory_space<vmem>>
      %dma_start3A_653 = tpu.memref_slice %arg3[%add3A_83] : memref<86016xi32, #tpu.memory_space<hbm>> -> memref<128xi32, #tpu.memory_space<hbm>>
      %dma_start3A_654 = arith.constant 0 : i32
      %dma_start3A_655 = tpu.memref_slice %arg5[%run_scoped3A_84, %dma_start3A_654] : memref<21x128xi32, #tpu.memory_space<vmem>> -> memref<1x128xi32, #tpu.memory_space<vmem>>
      %dma_start3A_656 = tpu.memref_squeeze %dma_start3A_655 : memref<1x128xi32, #tpu.memory_space<vmem>> -> memref<128xi32, #tpu.memory_space<vmem>>
      %dma_start3A_657 = tpu.memref_slice %arg3[%add3A_83] : memref<86016xi32, #tpu.memory_space<hbm>> -> memref<128xi32, #tpu.memory_space<hbm>>
      tpu.enqueue_dma source(%dma_start3A_657 : memref<128xi32, #tpu.memory_space<hbm>>) target(%dma_start3A_656 : memref<128xi32, #tpu.memory_space<vmem>>) target_semaphore(%run_scoped3A_649 : memref<!tpu.dma_semaphore, #tpu.memory_space<semaphore_mem>>)
      %dma_wait3A_658 = arith.constant 0 : i32
      %dma_wait3A_659 = tpu.memref_slice %arg5[%run_scoped3A_84, %dma_wait3A_658] : memref<21x128xi32, #tpu.memory_space<vmem>> -> memref<1x128xi32, #tpu.memory_space<vmem>>
      %dma_wait3A_660 = tpu.memref_squeeze %dma_wait3A_659 : memref<1x128xi32, #tpu.memory_space<vmem>> -> memref<128xi32, #tpu.memory_space<vmem>>
      %dma_wait3A_661 = tpu.memref_slice %arg3[%add3A_83] : memref<86016xi32, #tpu.memory_space<hbm>> -> memref<128xi32, #tpu.memory_space<hbm>>
      %dma_wait3A_662 = arith.constant 0 : i32
      %dma_wait3A_663 = tpu.memref_slice %arg5[%run_scoped3A_84, %dma_wait3A_662] : memref<21x128xi32, #tpu.memory_space<vmem>> -> memref<1x128xi32, #tpu.memory_space<vmem>>
      %dma_wait3A_664 = tpu.memref_squeeze %dma_wait3A_663 : memref<1x128xi32, #tpu.memory_space<vmem>> -> memref<128xi32, #tpu.memory_space<vmem>>
      %dma_wait3A_665 = tpu.memref_slice %arg3[%add3A_83] : memref<86016xi32, #tpu.memory_space<hbm>> -> memref<128xi32, #tpu.memory_space<hbm>>
      tpu.wait_dma2 semaphore(%run_scoped3A_649 : memref<!tpu.dma_semaphore, #tpu.memory_space<semaphore_mem>>) src(%dma_wait3A_665 : memref<128xi32, #tpu.memory_space<hbm>>) dst(%dma_wait3A_664 : memref<128xi32, #tpu.memory_space<vmem>>)
      tpu.yield
    }) : () -> ()
    %mul3A_85 = arith.constant 2688 : i32
    %mul3A_86 = arith.muli %add3A, %mul3A_85 : i32
    %add3A_87 = arith.constant 2176 : i32
    %add3A_88 = arith.addi %mul3A_86, %add3A_87 : i32
    %run_scoped3A_89 = arith.constant 17 : i32
    "tpu.region"() ({
      %run_scoped3A_649 = tpu.sem_alloc : memref<!tpu.dma_semaphore, #tpu.memory_space<semaphore_mem>>
      %dma_start3A_650 = arith.constant 0 : i32
      %dma_start3A_651 = tpu.memref_slice %arg5[%run_scoped3A_89, %dma_start3A_650] : memref<21x128xi32, #tpu.memory_space<vmem>> -> memref<1x128xi32, #tpu.memory_space<vmem>>
      %dma_start3A_652 = tpu.memref_squeeze %dma_start3A_651 : memref<1x128xi32, #tpu.memory_space<vmem>> -> memref<128xi32, #tpu.memory_space<vmem>>
      %dma_start3A_653 = tpu.memref_slice %arg3[%add3A_88] : memref<86016xi32, #tpu.memory_space<hbm>> -> memref<128xi32, #tpu.memory_space<hbm>>
      %dma_start3A_654 = arith.constant 0 : i32
      %dma_start3A_655 = tpu.memref_slice %arg5[%run_scoped3A_89, %dma_start3A_654] : memref<21x128xi32, #tpu.memory_space<vmem>> -> memref<1x128xi32, #tpu.memory_space<vmem>>
      %dma_start3A_656 = tpu.memref_squeeze %dma_start3A_655 : memref<1x128xi32, #tpu.memory_space<vmem>> -> memref<128xi32, #tpu.memory_space<vmem>>
      %dma_start3A_657 = tpu.memref_slice %arg3[%add3A_88] : memref<86016xi32, #tpu.memory_space<hbm>> -> memref<128xi32, #tpu.memory_space<hbm>>
      tpu.enqueue_dma source(%dma_start3A_657 : memref<128xi32, #tpu.memory_space<hbm>>) target(%dma_start3A_656 : memref<128xi32, #tpu.memory_space<vmem>>) target_semaphore(%run_scoped3A_649 : memref<!tpu.dma_semaphore, #tpu.memory_space<semaphore_mem>>)
      %dma_wait3A_658 = arith.constant 0 : i32
      %dma_wait3A_659 = tpu.memref_slice %arg5[%run_scoped3A_89, %dma_wait3A_658] : memref<21x128xi32, #tpu.memory_space<vmem>> -> memref<1x128xi32, #tpu.memory_space<vmem>>
      %dma_wait3A_660 = tpu.memref_squeeze %dma_wait3A_659 : memref<1x128xi32, #tpu.memory_space<vmem>> -> memref<128xi32, #tpu.memory_space<vmem>>
      %dma_wait3A_661 = tpu.memref_slice %arg3[%add3A_88] : memref<86016xi32, #tpu.memory_space<hbm>> -> memref<128xi32, #tpu.memory_space<hbm>>
      %dma_wait3A_662 = arith.constant 0 : i32
      %dma_wait3A_663 = tpu.memref_slice %arg5[%run_scoped3A_89, %dma_wait3A_662] : memref<21x128xi32, #tpu.memory_space<vmem>> -> memref<1x128xi32, #tpu.memory_space<vmem>>
      %dma_wait3A_664 = tpu.memref_squeeze %dma_wait3A_663 : memref<1x128xi32, #tpu.memory_space<vmem>> -> memref<128xi32, #tpu.memory_space<vmem>>
      %dma_wait3A_665 = tpu.memref_slice %arg3[%add3A_88] : memref<86016xi32, #tpu.memory_space<hbm>> -> memref<128xi32, #tpu.memory_space<hbm>>
      tpu.wait_dma2 semaphore(%run_scoped3A_649 : memref<!tpu.dma_semaphore, #tpu.memory_space<semaphore_mem>>) src(%dma_wait3A_665 : memref<128xi32, #tpu.memory_space<hbm>>) dst(%dma_wait3A_664 : memref<128xi32, #tpu.memory_space<vmem>>)
      tpu.yield
    }) : () -> ()
    %mul3A_90 = arith.constant 2688 : i32
    %mul3A_91 = arith.muli %add3A, %mul3A_90 : i32
    %add3A_92 = arith.constant 2304 : i32
    %add3A_93 = arith.addi %mul3A_91, %add3A_92 : i32
    %run_scoped3A_94 = arith.constant 18 : i32
    "tpu.region"() ({
      %run_scoped3A_649 = tpu.sem_alloc : memref<!tpu.dma_semaphore, #tpu.memory_space<semaphore_mem>>
      %dma_start3A_650 = arith.constant 0 : i32
      %dma_start3A_651 = tpu.memref_slice %arg5[%run_scoped3A_94, %dma_start3A_650] : memref<21x128xi32, #tpu.memory_space<vmem>> -> memref<1x128xi32, #tpu.memory_space<vmem>>
      %dma_start3A_652 = tpu.memref_squeeze %dma_start3A_651 : memref<1x128xi32, #tpu.memory_space<vmem>> -> memref<128xi32, #tpu.memory_space<vmem>>
      %dma_start3A_653 = tpu.memref_slice %arg3[%add3A_93] : memref<86016xi32, #tpu.memory_space<hbm>> -> memref<128xi32, #tpu.memory_space<hbm>>
      %dma_start3A_654 = arith.constant 0 : i32
      %dma_start3A_655 = tpu.memref_slice %arg5[%run_scoped3A_94, %dma_start3A_654] : memref<21x128xi32, #tpu.memory_space<vmem>> -> memref<1x128xi32, #tpu.memory_space<vmem>>
      %dma_start3A_656 = tpu.memref_squeeze %dma_start3A_655 : memref<1x128xi32, #tpu.memory_space<vmem>> -> memref<128xi32, #tpu.memory_space<vmem>>
      %dma_start3A_657 = tpu.memref_slice %arg3[%add3A_93] : memref<86016xi32, #tpu.memory_space<hbm>> -> memref<128xi32, #tpu.memory_space<hbm>>
      tpu.enqueue_dma source(%dma_start3A_657 : memref<128xi32, #tpu.memory_space<hbm>>) target(%dma_start3A_656 : memref<128xi32, #tpu.memory_space<vmem>>) target_semaphore(%run_scoped3A_649 : memref<!tpu.dma_semaphore, #tpu.memory_space<semaphore_mem>>)
      %dma_wait3A_658 = arith.constant 0 : i32
      %dma_wait3A_659 = tpu.memref_slice %arg5[%run_scoped3A_94, %dma_wait3A_658] : memref<21x128xi32, #tpu.memory_space<vmem>> -> memref<1x128xi32, #tpu.memory_space<vmem>>
      %dma_wait3A_660 = tpu.memref_squeeze %dma_wait3A_659 : memref<1x128xi32, #tpu.memory_space<vmem>> -> memref<128xi32, #tpu.memory_space<vmem>>
      %dma_wait3A_661 = tpu.memref_slice %arg3[%add3A_93] : memref<86016xi32, #tpu.memory_space<hbm>> -> memref<128xi32, #tpu.memory_space<hbm>>
      %dma_wait3A_662 = arith.constant 0 : i32
      %dma_wait3A_663 = tpu.memref_slice %arg5[%run_scoped3A_94, %dma_wait3A_662] : memref<21x128xi32, #tpu.memory_space<vmem>> -> memref<1x128xi32, #tpu.memory_space<vmem>>
      %dma_wait3A_664 = tpu.memref_squeeze %dma_wait3A_663 : memref<1x128xi32, #tpu.memory_space<vmem>> -> memref<128xi32, #tpu.memory_space<vmem>>
      %dma_wait3A_665 = tpu.memref_slice %arg3[%add3A_93] : memref<86016xi32, #tpu.memory_space<hbm>> -> memref<128xi32, #tpu.memory_space<hbm>>
      tpu.wait_dma2 semaphore(%run_scoped3A_649 : memref<!tpu.dma_semaphore, #tpu.memory_space<semaphore_mem>>) src(%dma_wait3A_665 : memref<128xi32, #tpu.memory_space<hbm>>) dst(%dma_wait3A_664 : memref<128xi32, #tpu.memory_space<vmem>>)
      tpu.yield
    }) : () -> ()
    %mul3A_95 = arith.constant 2688 : i32
    %mul3A_96 = arith.muli %add3A, %mul3A_95 : i32
    %add3A_97 = arith.constant 2432 : i32
    %add3A_98 = arith.addi %mul3A_96, %add3A_97 : i32
    %run_scoped3A_99 = arith.constant 19 : i32
    "tpu.region"() ({
      %run_scoped3A_649 = tpu.sem_alloc : memref<!tpu.dma_semaphore, #tpu.memory_space<semaphore_mem>>
      %dma_start3A_650 = arith.constant 0 : i32
      %dma_start3A_651 = tpu.memref_slice %arg5[%run_scoped3A_99, %dma_start3A_650] : memref<21x128xi32, #tpu.memory_space<vmem>> -> memref<1x128xi32, #tpu.memory_space<vmem>>
      %dma_start3A_652 = tpu.memref_squeeze %dma_start3A_651 : memref<1x128xi32, #tpu.memory_space<vmem>> -> memref<128xi32, #tpu.memory_space<vmem>>
      %dma_start3A_653 = tpu.memref_slice %arg3[%add3A_98] : memref<86016xi32, #tpu.memory_space<hbm>> -> memref<128xi32, #tpu.memory_space<hbm>>
      %dma_start3A_654 = arith.constant 0 : i32
      %dma_start3A_655 = tpu.memref_slice %arg5[%run_scoped3A_99, %dma_start3A_654] : memref<21x128xi32, #tpu.memory_space<vmem>> -> memref<1x128xi32, #tpu.memory_space<vmem>>
      %dma_start3A_656 = tpu.memref_squeeze %dma_start3A_655 : memref<1x128xi32, #tpu.memory_space<vmem>> -> memref<128xi32, #tpu.memory_space<vmem>>
      %dma_start3A_657 = tpu.memref_slice %arg3[%add3A_98] : memref<86016xi32, #tpu.memory_space<hbm>> -> memref<128xi32, #tpu.memory_space<hbm>>
      tpu.enqueue_dma source(%dma_start3A_657 : memref<128xi32, #tpu.memory_space<hbm>>) target(%dma_start3A_656 : memref<128xi32, #tpu.memory_space<vmem>>) target_semaphore(%run_scoped3A_649 : memref<!tpu.dma_semaphore, #tpu.memory_space<semaphore_mem>>)
      %dma_wait3A_658 = arith.constant 0 : i32
      %dma_wait3A_659 = tpu.memref_slice %arg5[%run_scoped3A_99, %dma_wait3A_658] : memref<21x128xi32, #tpu.memory_space<vmem>> -> memref<1x128xi32, #tpu.memory_space<vmem>>
      %dma_wait3A_660 = tpu.memref_squeeze %dma_wait3A_659 : memref<1x128xi32, #tpu.memory_space<vmem>> -> memref<128xi32, #tpu.memory_space<vmem>>
      %dma_wait3A_661 = tpu.memref_slice %arg3[%add3A_98] : memref<86016xi32, #tpu.memory_space<hbm>> -> memref<128xi32, #tpu.memory_space<hbm>>
      %dma_wait3A_662 = arith.constant 0 : i32
      %dma_wait3A_663 = tpu.memref_slice %arg5[%run_scoped3A_99, %dma_wait3A_662] : memref<21x128xi32, #tpu.memory_space<vmem>> -> memref<1x128xi32, #tpu.memory_space<vmem>>
      %dma_wait3A_664 = tpu.memref_squeeze %dma_wait3A_663 : memref<1x128xi32, #tpu.memory_space<vmem>> -> memref<128xi32, #tpu.memory_space<vmem>>
      %dma_wait3A_665 = tpu.memref_slice %arg3[%add3A_98] : memref<86016xi32, #tpu.memory_space<hbm>> -> memref<128xi32, #tpu.memory_space<hbm>>
      tpu.wait_dma2 semaphore(%run_scoped3A_649 : memref<!tpu.dma_semaphore, #tpu.memory_space<semaphore_mem>>) src(%dma_wait3A_665 : memref<128xi32, #tpu.memory_space<hbm>>) dst(%dma_wait3A_664 : memref<128xi32, #tpu.memory_space<vmem>>)
      tpu.yield
    }) : () -> ()
    %mul3A_100 = arith.constant 2688 : i32
    %mul3A_101 = arith.muli %add3A, %mul3A_100 : i32
    %add3A_102 = arith.constant 2560 : i32
    %add3A_103 = arith.addi %mul3A_101, %add3A_102 : i32
    %run_scoped3A_104 = arith.constant 20 : i32
    "tpu.region"() ({
      %run_scoped3A_649 = tpu.sem_alloc : memref<!tpu.dma_semaphore, #tpu.memory_space<semaphore_mem>>
      %dma_start3A_650 = arith.constant 0 : i32
      %dma_start3A_651 = tpu.memref_slice %arg5[%run_scoped3A_104, %dma_start3A_650] : memref<21x128xi32, #tpu.memory_space<vmem>> -> memref<1x128xi32, #tpu.memory_space<vmem>>
      %dma_start3A_652 = tpu.memref_squeeze %dma_start3A_651 : memref<1x128xi32, #tpu.memory_space<vmem>> -> memref<128xi32, #tpu.memory_space<vmem>>
      %dma_start3A_653 = tpu.memref_slice %arg3[%add3A_103] : memref<86016xi32, #tpu.memory_space<hbm>> -> memref<128xi32, #tpu.memory_space<hbm>>
      %dma_start3A_654 = arith.constant 0 : i32
      %dma_start3A_655 = tpu.memref_slice %arg5[%run_scoped3A_104, %dma_start3A_654] : memref<21x128xi32, #tpu.memory_space<vmem>> -> memref<1x128xi32, #tpu.memory_space<vmem>>
      %dma_start3A_656 = tpu.memref_squeeze %dma_start3A_655 : memref<1x128xi32, #tpu.memory_space<vmem>> -> memref<128xi32, #tpu.memory_space<vmem>>
      %dma_start3A_657 = tpu.memref_slice %arg3[%add3A_103] : memref<86016xi32, #tpu.memory_space<hbm>> -> memref<128xi32, #tpu.memory_space<hbm>>
      tpu.enqueue_dma source(%dma_start3A_657 : memref<128xi32, #tpu.memory_space<hbm>>) target(%dma_start3A_656 : memref<128xi32, #tpu.memory_space<vmem>>) target_semaphore(%run_scoped3A_649 : memref<!tpu.dma_semaphore, #tpu.memory_space<semaphore_mem>>)
      %dma_wait3A_658 = arith.constant 0 : i32
      %dma_wait3A_659 = tpu.memref_slice %arg5[%run_scoped3A_104, %dma_wait3A_658] : memref<21x128xi32, #tpu.memory_space<vmem>> -> memref<1x128xi32, #tpu.memory_space<vmem>>
      %dma_wait3A_660 = tpu.memref_squeeze %dma_wait3A_659 : memref<1x128xi32, #tpu.memory_space<vmem>> -> memref<128xi32, #tpu.memory_space<vmem>>
      %dma_wait3A_661 = tpu.memref_slice %arg3[%add3A_103] : memref<86016xi32, #tpu.memory_space<hbm>> -> memref<128xi32, #tpu.memory_space<hbm>>
      %dma_wait3A_662 = arith.constant 0 : i32
      %dma_wait3A_663 = tpu.memref_slice %arg5[%run_scoped3A_104, %dma_wait3A_662] : memref<21x128xi32, #tpu.memory_space<vmem>> -> memref<1x128xi32, #tpu.memory_space<vmem>>
      %dma_wait3A_664 = tpu.memref_squeeze %dma_wait3A_663 : memref<1x128xi32, #tpu.memory_space<vmem>> -> memref<128xi32, #tpu.memory_space<vmem>>
      %dma_wait3A_665 = tpu.memref_slice %arg3[%add3A_103] : memref<86016xi32, #tpu.memory_space<hbm>> -> memref<128xi32, #tpu.memory_space<hbm>>
      tpu.wait_dma2 semaphore(%run_scoped3A_649 : memref<!tpu.dma_semaphore, #tpu.memory_space<semaphore_mem>>) src(%dma_wait3A_665 : memref<128xi32, #tpu.memory_space<hbm>>) dst(%dma_wait3A_664 : memref<128xi32, #tpu.memory_space<vmem>>)
      tpu.yield
    }) : () -> ()
    %dma_start3A = arith.constant 0 : i32
    %dma_start3A_105 = arith.constant 0 : i32
    %dma_start3A_106 = tpu.memref_slice %arg5[%dma_start3A, %dma_start3A_105] : memref<21x128xi32, #tpu.memory_space<vmem>> -> memref<1x128xi32, #tpu.memory_space<vmem>>
    %dma_start3A_107 = tpu.memref_squeeze %dma_start3A_106 : memref<1x128xi32, #tpu.memory_space<vmem>> -> memref<128xi32, #tpu.memory_space<vmem>>
    %dma_start3A_108 = arith.constant 0 : i32
    %dma_start3A_109 = arith.constant 0 : i32
    %dma_start3A_110 = tpu.memref_slice %arg2[%dma_start3A_108, %dma_start3A_109] : memref<10000x144xf32, #tpu.memory_space<hbm>> -> memref<10000x144xf32, #tpu.memory_space<hbm>>
    tpu.enqueue_indirect_dma source(%dma_start3A_110 : memref<10000x144xf32, #tpu.memory_space<hbm>>) target(%arg6 : memref<128x144xf32, #tpu.memory_space<vmem>>) offsets(%dma_start3A_107 : memref<128xi32, #tpu.memory_space<vmem>>) semaphore(%arg8 : memref<!tpu.dma_semaphore, #tpu.memory_space<semaphore_mem>>)
    %dma_start3A_111 = arith.constant 1 : i32
    %dma_start3A_112 = arith.constant 0 : i32
    %dma_start3A_113 = tpu.memref_slice %arg5[%dma_start3A_111, %dma_start3A_112] : memref<21x128xi32, #tpu.memory_space<vmem>> -> memref<1x128xi32, #tpu.memory_space<vmem>>
    %dma_start3A_114 = tpu.memref_squeeze %dma_start3A_113 : memref<1x128xi32, #tpu.memory_space<vmem>> -> memref<128xi32, #tpu.memory_space<vmem>>
    %dma_start3A_115 = arith.constant 0 : i32
    %dma_start3A_116 = arith.constant 0 : i32
    %dma_start3A_117 = tpu.memref_slice %arg2[%dma_start3A_115, %dma_start3A_116] : memref<10000x144xf32, #tpu.memory_space<hbm>> -> memref<10000x144xf32, #tpu.memory_space<hbm>>
    tpu.enqueue_indirect_dma source(%dma_start3A_117 : memref<10000x144xf32, #tpu.memory_space<hbm>>) target(%arg7 : memref<128x144xf32, #tpu.memory_space<vmem>>) offsets(%dma_start3A_114 : memref<128xi32, #tpu.memory_space<vmem>>) semaphore(%arg9 : memref<!tpu.dma_semaphore, #tpu.memory_space<semaphore_mem>>)
    %dma_wait3A = arith.constant 0 : i32
    %dma_wait3A_118 = arith.constant 0 : i32
    %dma_wait3A_119 = tpu.memref_slice %arg5[%dma_wait3A, %dma_wait3A_118] : memref<21x128xi32, #tpu.memory_space<vmem>> -> memref<1x128xi32, #tpu.memory_space<vmem>>
    %dma_wait3A_120 = tpu.memref_squeeze %dma_wait3A_119 : memref<1x128xi32, #tpu.memory_space<vmem>> -> memref<128xi32, #tpu.memory_space<vmem>>
    %dma_wait3A_121 = arith.constant 0 : i32
    %dma_wait3A_122 = arith.constant 0 : i32
    %dma_wait3A_123 = tpu.memref_slice %arg2[%dma_wait3A_121, %dma_wait3A_122] : memref<10000x144xf32, #tpu.memory_space<hbm>> -> memref<10000x144xf32, #tpu.memory_space<hbm>>
    tpu.wait_indirect_dma semaphore(%arg8 : memref<!tpu.dma_semaphore, #tpu.memory_space<semaphore_mem>>) src(%dma_wait3A_123 : memref<10000x144xf32, #tpu.memory_space<hbm>>) dst(%arg6 : memref<128x144xf32, #tpu.memory_space<vmem>>)
    %mul3A_124 = arith.constant 2688 : i32
    %mul3A_125 = arith.muli %add3A, %mul3A_124 : i32
    %add3A_126 = arith.constant 0 : i32
    %add3A_127 = arith.addi %mul3A_125, %add3A_126 : i32
    %dma_start3A_128 = arith.constant 0 : i32
    %dma_start3A_129 = tpu.memref_slice %arg4[%add3A_127, %dma_start3A_128] : memref<86016x144xf32, #tpu.memory_space<hbm>> -> memref<128x144xf32, #tpu.memory_space<hbm>>
    %dma_start3A_130 = arith.constant 0 : i32
    %dma_start3A_131 = tpu.memref_slice %arg4[%add3A_127, %dma_start3A_130] : memref<86016x144xf32, #tpu.memory_space<hbm>> -> memref<128x144xf32, #tpu.memory_space<hbm>>
    tpu.enqueue_dma source(%arg6 : memref<128x144xf32, #tpu.memory_space<vmem>>) target(%dma_start3A_131 : memref<128x144xf32, #tpu.memory_space<hbm>>) target_semaphore(%arg10 : memref<!tpu.dma_semaphore, #tpu.memory_space<semaphore_mem>>)
    %dma_wait3A_132 = arith.constant 0 : i32
    %dma_wait3A_133 = tpu.memref_slice %arg4[%add3A_127, %dma_wait3A_132] : memref<86016x144xf32, #tpu.memory_space<hbm>> -> memref<128x144xf32, #tpu.memory_space<hbm>>
    %dma_wait3A_134 = arith.constant 0 : i32
    %dma_wait3A_135 = tpu.memref_slice %arg4[%add3A_127, %dma_wait3A_134] : memref<86016x144xf32, #tpu.memory_space<hbm>> -> memref<128x144xf32, #tpu.memory_space<hbm>>
    tpu.wait_dma2 semaphore(%arg10 : memref<!tpu.dma_semaphore, #tpu.memory_space<semaphore_mem>>) src(%arg6 : memref<128x144xf32, #tpu.memory_space<vmem>>) dst(%dma_wait3A_135 : memref<128x144xf32, #tpu.memory_space<hbm>>)
    %dma_start3A_136 = arith.constant 2 : i32
    %dma_start3A_137 = arith.constant 0 : i32
    %dma_start3A_138 = tpu.memref_slice %arg5[%dma_start3A_136, %dma_start3A_137] : memref<21x128xi32, #tpu.memory_space<vmem>> -> memref<1x128xi32, #tpu.memory_space<vmem>>
    %dma_start3A_139 = tpu.memref_squeeze %dma_start3A_138 : memref<1x128xi32, #tpu.memory_space<vmem>> -> memref<128xi32, #tpu.memory_space<vmem>>
    %dma_start3A_140 = arith.constant 0 : i32
    %dma_start3A_141 = arith.constant 0 : i32
    %dma_start3A_142 = tpu.memref_slice %arg2[%dma_start3A_140, %dma_start3A_141] : memref<10000x144xf32, #tpu.memory_space<hbm>> -> memref<10000x144xf32, #tpu.memory_space<hbm>>
    tpu.enqueue_indirect_dma source(%dma_start3A_142 : memref<10000x144xf32, #tpu.memory_space<hbm>>) target(%arg6 : memref<128x144xf32, #tpu.memory_space<vmem>>) offsets(%dma_start3A_139 : memref<128xi32, #tpu.memory_space<vmem>>) semaphore(%arg8 : memref<!tpu.dma_semaphore, #tpu.memory_space<semaphore_mem>>)
    %dma_wait3A_143 = arith.constant 1 : i32
    %dma_wait3A_144 = arith.constant 0 : i32
    %dma_wait3A_145 = tpu.memref_slice %arg5[%dma_wait3A_143, %dma_wait3A_144] : memref<21x128xi32, #tpu.memory_space<vmem>> -> memref<1x128xi32, #tpu.memory_space<vmem>>
    %dma_wait3A_146 = tpu.memref_squeeze %dma_wait3A_145 : memref<1x128xi32, #tpu.memory_space<vmem>> -> memref<128xi32, #tpu.memory_space<vmem>>
    %dma_wait3A_147 = arith.constant 0 : i32
    %dma_wait3A_148 = arith.constant 0 : i32
    %dma_wait3A_149 = tpu.memref_slice %arg2[%dma_wait3A_147, %dma_wait3A_148] : memref<10000x144xf32, #tpu.memory_space<hbm>> -> memref<10000x144xf32, #tpu.memory_space<hbm>>
    tpu.wait_indirect_dma semaphore(%arg9 : memref<!tpu.dma_semaphore, #tpu.memory_space<semaphore_mem>>) src(%dma_wait3A_149 : memref<10000x144xf32, #tpu.memory_space<hbm>>) dst(%arg7 : memref<128x144xf32, #tpu.memory_space<vmem>>)
    %mul3A_150 = arith.constant 2688 : i32
    %mul3A_151 = arith.muli %add3A, %mul3A_150 : i32
    %add3A_152 = arith.constant 128 : i32
    %add3A_153 = arith.addi %mul3A_151, %add3A_152 : i32
    %dma_start3A_154 = arith.constant 0 : i32
    %dma_start3A_155 = tpu.memref_slice %arg4[%add3A_153, %dma_start3A_154] : memref<86016x144xf32, #tpu.memory_space<hbm>> -> memref<128x144xf32, #tpu.memory_space<hbm>>
    %dma_start3A_156 = arith.constant 0 : i32
    %dma_start3A_157 = tpu.memref_slice %arg4[%add3A_153, %dma_start3A_156] : memref<86016x144xf32, #tpu.memory_space<hbm>> -> memref<128x144xf32, #tpu.memory_space<hbm>>
    tpu.enqueue_dma source(%arg7 : memref<128x144xf32, #tpu.memory_space<vmem>>) target(%dma_start3A_157 : memref<128x144xf32, #tpu.memory_space<hbm>>) target_semaphore(%arg11 : memref<!tpu.dma_semaphore, #tpu.memory_space<semaphore_mem>>)
    %dma_wait3A_158 = arith.constant 0 : i32
    %dma_wait3A_159 = tpu.memref_slice %arg4[%add3A_153, %dma_wait3A_158] : memref<86016x144xf32, #tpu.memory_space<hbm>> -> memref<128x144xf32, #tpu.memory_space<hbm>>
    %dma_wait3A_160 = arith.constant 0 : i32
    %dma_wait3A_161 = tpu.memref_slice %arg4[%add3A_153, %dma_wait3A_160] : memref<86016x144xf32, #tpu.memory_space<hbm>> -> memref<128x144xf32, #tpu.memory_space<hbm>>
    tpu.wait_dma2 semaphore(%arg11 : memref<!tpu.dma_semaphore, #tpu.memory_space<semaphore_mem>>) src(%arg7 : memref<128x144xf32, #tpu.memory_space<vmem>>) dst(%dma_wait3A_161 : memref<128x144xf32, #tpu.memory_space<hbm>>)
    %dma_start3A_162 = arith.constant 3 : i32
    %dma_start3A_163 = arith.constant 0 : i32
    %dma_start3A_164 = tpu.memref_slice %arg5[%dma_start3A_162, %dma_start3A_163] : memref<21x128xi32, #tpu.memory_space<vmem>> -> memref<1x128xi32, #tpu.memory_space<vmem>>
    %dma_start3A_165 = tpu.memref_squeeze %dma_start3A_164 : memref<1x128xi32, #tpu.memory_space<vmem>> -> memref<128xi32, #tpu.memory_space<vmem>>
    %dma_start3A_166 = arith.constant 0 : i32
    %dma_start3A_167 = arith.constant 0 : i32
    %dma_start3A_168 = tpu.memref_slice %arg2[%dma_start3A_166, %dma_start3A_167] : memref<10000x144xf32, #tpu.memory_space<hbm>> -> memref<10000x144xf32, #tpu.memory_space<hbm>>
    tpu.enqueue_indirect_dma source(%dma_start3A_168 : memref<10000x144xf32, #tpu.memory_space<hbm>>) target(%arg7 : memref<128x144xf32, #tpu.memory_space<vmem>>) offsets(%dma_start3A_165 : memref<128xi32, #tpu.memory_space<vmem>>) semaphore(%arg9 : memref<!tpu.dma_semaphore, #tpu.memory_space<semaphore_mem>>)
    %dma_wait3A_169 = arith.constant 2 : i32
    %dma_wait3A_170 = arith.constant 0 : i32
    %dma_wait3A_171 = tpu.memref_slice %arg5[%dma_wait3A_169, %dma_wait3A_170] : memref<21x128xi32, #tpu.memory_space<vmem>> -> memref<1x128xi32, #tpu.memory_space<vmem>>
    %dma_wait3A_172 = tpu.memref_squeeze %dma_wait3A_171 : memref<1x128xi32, #tpu.memory_space<vmem>> -> memref<128xi32, #tpu.memory_space<vmem>>
    %dma_wait3A_173 = arith.constant 0 : i32
    %dma_wait3A_174 = arith.constant 0 : i32
    %dma_wait3A_175 = tpu.memref_slice %arg2[%dma_wait3A_173, %dma_wait3A_174] : memref<10000x144xf32, #tpu.memory_space<hbm>> -> memref<10000x144xf32, #tpu.memory_space<hbm>>
    tpu.wait_indirect_dma semaphore(%arg8 : memref<!tpu.dma_semaphore, #tpu.memory_space<semaphore_mem>>) src(%dma_wait3A_175 : memref<10000x144xf32, #tpu.memory_space<hbm>>) dst(%arg6 : memref<128x144xf32, #tpu.memory_space<vmem>>)
    %mul3A_176 = arith.constant 2688 : i32
    %mul3A_177 = arith.muli %add3A, %mul3A_176 : i32
    %add3A_178 = arith.constant 256 : i32
    %add3A_179 = arith.addi %mul3A_177, %add3A_178 : i32
    %dma_start3A_180 = arith.constant 0 : i32
    %dma_start3A_181 = tpu.memref_slice %arg4[%add3A_179, %dma_start3A_180] : memref<86016x144xf32, #tpu.memory_space<hbm>> -> memref<128x144xf32, #tpu.memory_space<hbm>>
    %dma_start3A_182 = arith.constant 0 : i32
    %dma_start3A_183 = tpu.memref_slice %arg4[%add3A_179, %dma_start3A_182] : memref<86016x144xf32, #tpu.memory_space<hbm>> -> memref<128x144xf32, #tpu.memory_space<hbm>>
    tpu.enqueue_dma source(%arg6 : memref<128x144xf32, #tpu.memory_space<vmem>>) target(%dma_start3A_183 : memref<128x144xf32, #tpu.memory_space<hbm>>) target_semaphore(%arg10 : memref<!tpu.dma_semaphore, #tpu.memory_space<semaphore_mem>>)
    %dma_wait3A_184 = arith.constant 0 : i32
    %dma_wait3A_185 = tpu.memref_slice %arg4[%add3A_179, %dma_wait3A_184] : memref<86016x144xf32, #tpu.memory_space<hbm>> -> memref<128x144xf32, #tpu.memory_space<hbm>>
    %dma_wait3A_186 = arith.constant 0 : i32
    %dma_wait3A_187 = tpu.memref_slice %arg4[%add3A_179, %dma_wait3A_186] : memref<86016x144xf32, #tpu.memory_space<hbm>> -> memref<128x144xf32, #tpu.memory_space<hbm>>
    tpu.wait_dma2 semaphore(%arg10 : memref<!tpu.dma_semaphore, #tpu.memory_space<semaphore_mem>>) src(%arg6 : memref<128x144xf32, #tpu.memory_space<vmem>>) dst(%dma_wait3A_187 : memref<128x144xf32, #tpu.memory_space<hbm>>)
    %dma_start3A_188 = arith.constant 4 : i32
    %dma_start3A_189 = arith.constant 0 : i32
    %dma_start3A_190 = tpu.memref_slice %arg5[%dma_start3A_188, %dma_start3A_189] : memref<21x128xi32, #tpu.memory_space<vmem>> -> memref<1x128xi32, #tpu.memory_space<vmem>>
    %dma_start3A_191 = tpu.memref_squeeze %dma_start3A_190 : memref<1x128xi32, #tpu.memory_space<vmem>> -> memref<128xi32, #tpu.memory_space<vmem>>
    %dma_start3A_192 = arith.constant 0 : i32
    %dma_start3A_193 = arith.constant 0 : i32
    %dma_start3A_194 = tpu.memref_slice %arg2[%dma_start3A_192, %dma_start3A_193] : memref<10000x144xf32, #tpu.memory_space<hbm>> -> memref<10000x144xf32, #tpu.memory_space<hbm>>
    tpu.enqueue_indirect_dma source(%dma_start3A_194 : memref<10000x144xf32, #tpu.memory_space<hbm>>) target(%arg6 : memref<128x144xf32, #tpu.memory_space<vmem>>) offsets(%dma_start3A_191 : memref<128xi32, #tpu.memory_space<vmem>>) semaphore(%arg8 : memref<!tpu.dma_semaphore, #tpu.memory_space<semaphore_mem>>)
    %dma_wait3A_195 = arith.constant 3 : i32
    %dma_wait3A_196 = arith.constant 0 : i32
    %dma_wait3A_197 = tpu.memref_slice %arg5[%dma_wait3A_195, %dma_wait3A_196] : memref<21x128xi32, #tpu.memory_space<vmem>> -> memref<1x128xi32, #tpu.memory_space<vmem>>
    %dma_wait3A_198 = tpu.memref_squeeze %dma_wait3A_197 : memref<1x128xi32, #tpu.memory_space<vmem>> -> memref<128xi32, #tpu.memory_space<vmem>>
    %dma_wait3A_199 = arith.constant 0 : i32
    %dma_wait3A_200 = arith.constant 0 : i32
    %dma_wait3A_201 = tpu.memref_slice %arg2[%dma_wait3A_199, %dma_wait3A_200] : memref<10000x144xf32, #tpu.memory_space<hbm>> -> memref<10000x144xf32, #tpu.memory_space<hbm>>
    tpu.wait_indirect_dma semaphore(%arg9 : memref<!tpu.dma_semaphore, #tpu.memory_space<semaphore_mem>>) src(%dma_wait3A_201 : memref<10000x144xf32, #tpu.memory_space<hbm>>) dst(%arg7 : memref<128x144xf32, #tpu.memory_space<vmem>>)
    %mul3A_202 = arith.constant 2688 : i32
    %mul3A_203 = arith.muli %add3A, %mul3A_202 : i32
    %add3A_204 = arith.constant 384 : i32
    %add3A_205 = arith.addi %mul3A_203, %add3A_204 : i32
    %dma_start3A_206 = arith.constant 0 : i32
    %dma_start3A_207 = tpu.memref_slice %arg4[%add3A_205, %dma_start3A_206] : memref<86016x144xf32, #tpu.memory_space<hbm>> -> memref<128x144xf32, #tpu.memory_space<hbm>>
    %dma_start3A_208 = arith.constant 0 : i32
    %dma_start3A_209 = tpu.memref_slice %arg4[%add3A_205, %dma_start3A_208] : memref<86016x144xf32, #tpu.memory_space<hbm>> -> memref<128x144xf32, #tpu.memory_space<hbm>>
    tpu.enqueue_dma source(%arg7 : memref<128x144xf32, #tpu.memory_space<vmem>>) target(%dma_start3A_209 : memref<128x144xf32, #tpu.memory_space<hbm>>) target_semaphore(%arg11 : memref<!tpu.dma_semaphore, #tpu.memory_space<semaphore_mem>>)
    %dma_wait3A_210 = arith.constant 0 : i32
    %dma_wait3A_211 = tpu.memref_slice %arg4[%add3A_205, %dma_wait3A_210] : memref<86016x144xf32, #tpu.memory_space<hbm>> -> memref<128x144xf32, #tpu.memory_space<hbm>>
    %dma_wait3A_212 = arith.constant 0 : i32
    %dma_wait3A_213 = tpu.memref_slice %arg4[%add3A_205, %dma_wait3A_212] : memref<86016x144xf32, #tpu.memory_space<hbm>> -> memref<128x144xf32, #tpu.memory_space<hbm>>
    tpu.wait_dma2 semaphore(%arg11 : memref<!tpu.dma_semaphore, #tpu.memory_space<semaphore_mem>>) src(%arg7 : memref<128x144xf32, #tpu.memory_space<vmem>>) dst(%dma_wait3A_213 : memref<128x144xf32, #tpu.memory_space<hbm>>)
    %dma_start3A_214 = arith.constant 5 : i32
    %dma_start3A_215 = arith.constant 0 : i32
    %dma_start3A_216 = tpu.memref_slice %arg5[%dma_start3A_214, %dma_start3A_215] : memref<21x128xi32, #tpu.memory_space<vmem>> -> memref<1x128xi32, #tpu.memory_space<vmem>>
    %dma_start3A_217 = tpu.memref_squeeze %dma_start3A_216 : memref<1x128xi32, #tpu.memory_space<vmem>> -> memref<128xi32, #tpu.memory_space<vmem>>
    %dma_start3A_218 = arith.constant 0 : i32
    %dma_start3A_219 = arith.constant 0 : i32
    %dma_start3A_220 = tpu.memref_slice %arg2[%dma_start3A_218, %dma_start3A_219] : memref<10000x144xf32, #tpu.memory_space<hbm>> -> memref<10000x144xf32, #tpu.memory_space<hbm>>
    tpu.enqueue_indirect_dma source(%dma_start3A_220 : memref<10000x144xf32, #tpu.memory_space<hbm>>) target(%arg7 : memref<128x144xf32, #tpu.memory_space<vmem>>) offsets(%dma_start3A_217 : memref<128xi32, #tpu.memory_space<vmem>>) semaphore(%arg9 : memref<!tpu.dma_semaphore, #tpu.memory_space<semaphore_mem>>)
    %dma_wait3A_221 = arith.constant 4 : i32
    %dma_wait3A_222 = arith.constant 0 : i32
    %dma_wait3A_223 = tpu.memref_slice %arg5[%dma_wait3A_221, %dma_wait3A_222] : memref<21x128xi32, #tpu.memory_space<vmem>> -> memref<1x128xi32, #tpu.memory_space<vmem>>
    %dma_wait3A_224 = tpu.memref_squeeze %dma_wait3A_223 : memref<1x128xi32, #tpu.memory_space<vmem>> -> memref<128xi32, #tpu.memory_space<vmem>>
    %dma_wait3A_225 = arith.constant 0 : i32
    %dma_wait3A_226 = arith.constant 0 : i32
    %dma_wait3A_227 = tpu.memref_slice %arg2[%dma_wait3A_225, %dma_wait3A_226] : memref<10000x144xf32, #tpu.memory_space<hbm>> -> memref<10000x144xf32, #tpu.memory_space<hbm>>
    tpu.wait_indirect_dma semaphore(%arg8 : memref<!tpu.dma_semaphore, #tpu.memory_space<semaphore_mem>>) src(%dma_wait3A_227 : memref<10000x144xf32, #tpu.memory_space<hbm>>) dst(%arg6 : memref<128x144xf32, #tpu.memory_space<vmem>>)
    %mul3A_228 = arith.constant 2688 : i32
    %mul3A_229 = arith.muli %add3A, %mul3A_228 : i32
    %add3A_230 = arith.constant 512 : i32
    %add3A_231 = arith.addi %mul3A_229, %add3A_230 : i32
    %dma_start3A_232 = arith.constant 0 : i32
    %dma_start3A_233 = tpu.memref_slice %arg4[%add3A_231, %dma_start3A_232] : memref<86016x144xf32, #tpu.memory_space<hbm>> -> memref<128x144xf32, #tpu.memory_space<hbm>>
    %dma_start3A_234 = arith.constant 0 : i32
    %dma_start3A_235 = tpu.memref_slice %arg4[%add3A_231, %dma_start3A_234] : memref<86016x144xf32, #tpu.memory_space<hbm>> -> memref<128x144xf32, #tpu.memory_space<hbm>>
    tpu.enqueue_dma source(%arg6 : memref<128x144xf32, #tpu.memory_space<vmem>>) target(%dma_start3A_235 : memref<128x144xf32, #tpu.memory_space<hbm>>) target_semaphore(%arg10 : memref<!tpu.dma_semaphore, #tpu.memory_space<semaphore_mem>>)
    %dma_wait3A_236 = arith.constant 0 : i32
    %dma_wait3A_237 = tpu.memref_slice %arg4[%add3A_231, %dma_wait3A_236] : memref<86016x144xf32, #tpu.memory_space<hbm>> -> memref<128x144xf32, #tpu.memory_space<hbm>>
    %dma_wait3A_238 = arith.constant 0 : i32
    %dma_wait3A_239 = tpu.memref_slice %arg4[%add3A_231, %dma_wait3A_238] : memref<86016x144xf32, #tpu.memory_space<hbm>> -> memref<128x144xf32, #tpu.memory_space<hbm>>
    tpu.wait_dma2 semaphore(%arg10 : memref<!tpu.dma_semaphore, #tpu.memory_space<semaphore_mem>>) src(%arg6 : memref<128x144xf32, #tpu.memory_space<vmem>>) dst(%dma_wait3A_239 : memref<128x144xf32, #tpu.memory_space<hbm>>)
    %dma_start3A_240 = arith.constant 6 : i32
    %dma_start3A_241 = arith.constant 0 : i32
    %dma_start3A_242 = tpu.memref_slice %arg5[%dma_start3A_240, %dma_start3A_241] : memref<21x128xi32, #tpu.memory_space<vmem>> -> memref<1x128xi32, #tpu.memory_space<vmem>>
    %dma_start3A_243 = tpu.memref_squeeze %dma_start3A_242 : memref<1x128xi32, #tpu.memory_space<vmem>> -> memref<128xi32, #tpu.memory_space<vmem>>
    %dma_start3A_244 = arith.constant 0 : i32
    %dma_start3A_245 = arith.constant 0 : i32
    %dma_start3A_246 = tpu.memref_slice %arg2[%dma_start3A_244, %dma_start3A_245] : memref<10000x144xf32, #tpu.memory_space<hbm>> -> memref<10000x144xf32, #tpu.memory_space<hbm>>
    tpu.enqueue_indirect_dma source(%dma_start3A_246 : memref<10000x144xf32, #tpu.memory_space<hbm>>) target(%arg6 : memref<128x144xf32, #tpu.memory_space<vmem>>) offsets(%dma_start3A_243 : memref<128xi32, #tpu.memory_space<vmem>>) semaphore(%arg8 : memref<!tpu.dma_semaphore, #tpu.memory_space<semaphore_mem>>)
    %dma_wait3A_247 = arith.constant 5 : i32
    %dma_wait3A_248 = arith.constant 0 : i32
    %dma_wait3A_249 = tpu.memref_slice %arg5[%dma_wait3A_247, %dma_wait3A_248] : memref<21x128xi32, #tpu.memory_space<vmem>> -> memref<1x128xi32, #tpu.memory_space<vmem>>
    %dma_wait3A_250 = tpu.memref_squeeze %dma_wait3A_249 : memref<1x128xi32, #tpu.memory_space<vmem>> -> memref<128xi32, #tpu.memory_space<vmem>>
    %dma_wait3A_251 = arith.constant 0 : i32
    %dma_wait3A_252 = arith.constant 0 : i32
    %dma_wait3A_253 = tpu.memref_slice %arg2[%dma_wait3A_251, %dma_wait3A_252] : memref<10000x144xf32, #tpu.memory_space<hbm>> -> memref<10000x144xf32, #tpu.memory_space<hbm>>
    tpu.wait_indirect_dma semaphore(%arg9 : memref<!tpu.dma_semaphore, #tpu.memory_space<semaphore_mem>>) src(%dma_wait3A_253 : memref<10000x144xf32, #tpu.memory_space<hbm>>) dst(%arg7 : memref<128x144xf32, #tpu.memory_space<vmem>>)
    %mul3A_254 = arith.constant 2688 : i32
    %mul3A_255 = arith.muli %add3A, %mul3A_254 : i32
    %add3A_256 = arith.constant 640 : i32
    %add3A_257 = arith.addi %mul3A_255, %add3A_256 : i32
    %dma_start3A_258 = arith.constant 0 : i32
    %dma_start3A_259 = tpu.memref_slice %arg4[%add3A_257, %dma_start3A_258] : memref<86016x144xf32, #tpu.memory_space<hbm>> -> memref<128x144xf32, #tpu.memory_space<hbm>>
    %dma_start3A_260 = arith.constant 0 : i32
    %dma_start3A_261 = tpu.memref_slice %arg4[%add3A_257, %dma_start3A_260] : memref<86016x144xf32, #tpu.memory_space<hbm>> -> memref<128x144xf32, #tpu.memory_space<hbm>>
    tpu.enqueue_dma source(%arg7 : memref<128x144xf32, #tpu.memory_space<vmem>>) target(%dma_start3A_261 : memref<128x144xf32, #tpu.memory_space<hbm>>) target_semaphore(%arg11 : memref<!tpu.dma_semaphore, #tpu.memory_space<semaphore_mem>>)
    %dma_wait3A_262 = arith.constant 0 : i32
    %dma_wait3A_263 = tpu.memref_slice %arg4[%add3A_257, %dma_wait3A_262] : memref<86016x144xf32, #tpu.memory_space<hbm>> -> memref<128x144xf32, #tpu.memory_space<hbm>>
    %dma_wait3A_264 = arith.constant 0 : i32
    %dma_wait3A_265 = tpu.memref_slice %arg4[%add3A_257, %dma_wait3A_264] : memref<86016x144xf32, #tpu.memory_space<hbm>> -> memref<128x144xf32, #tpu.memory_space<hbm>>
    tpu.wait_dma2 semaphore(%arg11 : memref<!tpu.dma_semaphore, #tpu.memory_space<semaphore_mem>>) src(%arg7 : memref<128x144xf32, #tpu.memory_space<vmem>>) dst(%dma_wait3A_265 : memref<128x144xf32, #tpu.memory_space<hbm>>)
    %dma_start3A_266 = arith.constant 7 : i32
    %dma_start3A_267 = arith.constant 0 : i32
    %dma_start3A_268 = tpu.memref_slice %arg5[%dma_start3A_266, %dma_start3A_267] : memref<21x128xi32, #tpu.memory_space<vmem>> -> memref<1x128xi32, #tpu.memory_space<vmem>>
    %dma_start3A_269 = tpu.memref_squeeze %dma_start3A_268 : memref<1x128xi32, #tpu.memory_space<vmem>> -> memref<128xi32, #tpu.memory_space<vmem>>
    %dma_start3A_270 = arith.constant 0 : i32
    %dma_start3A_271 = arith.constant 0 : i32
    %dma_start3A_272 = tpu.memref_slice %arg2[%dma_start3A_270, %dma_start3A_271] : memref<10000x144xf32, #tpu.memory_space<hbm>> -> memref<10000x144xf32, #tpu.memory_space<hbm>>
    tpu.enqueue_indirect_dma source(%dma_start3A_272 : memref<10000x144xf32, #tpu.memory_space<hbm>>) target(%arg7 : memref<128x144xf32, #tpu.memory_space<vmem>>) offsets(%dma_start3A_269 : memref<128xi32, #tpu.memory_space<vmem>>) semaphore(%arg9 : memref<!tpu.dma_semaphore, #tpu.memory_space<semaphore_mem>>)
    %dma_wait3A_273 = arith.constant 6 : i32
    %dma_wait3A_274 = arith.constant 0 : i32
    %dma_wait3A_275 = tpu.memref_slice %arg5[%dma_wait3A_273, %dma_wait3A_274] : memref<21x128xi32, #tpu.memory_space<vmem>> -> memref<1x128xi32, #tpu.memory_space<vmem>>
    %dma_wait3A_276 = tpu.memref_squeeze %dma_wait3A_275 : memref<1x128xi32, #tpu.memory_space<vmem>> -> memref<128xi32, #tpu.memory_space<vmem>>
    %dma_wait3A_277 = arith.constant 0 : i32
    %dma_wait3A_278 = arith.constant 0 : i32
    %dma_wait3A_279 = tpu.memref_slice %arg2[%dma_wait3A_277, %dma_wait3A_278] : memref<10000x144xf32, #tpu.memory_space<hbm>> -> memref<10000x144xf32, #tpu.memory_space<hbm>>
    tpu.wait_indirect_dma semaphore(%arg8 : memref<!tpu.dma_semaphore, #tpu.memory_space<semaphore_mem>>) src(%dma_wait3A_279 : memref<10000x144xf32, #tpu.memory_space<hbm>>) dst(%arg6 : memref<128x144xf32, #tpu.memory_space<vmem>>)
    %mul3A_280 = arith.constant 2688 : i32
    %mul3A_281 = arith.muli %add3A, %mul3A_280 : i32
    %add3A_282 = arith.constant 768 : i32
    %add3A_283 = arith.addi %mul3A_281, %add3A_282 : i32
    %dma_start3A_284 = arith.constant 0 : i32
    %dma_start3A_285 = tpu.memref_slice %arg4[%add3A_283, %dma_start3A_284] : memref<86016x144xf32, #tpu.memory_space<hbm>> -> memref<128x144xf32, #tpu.memory_space<hbm>>
    %dma_start3A_286 = arith.constant 0 : i32
    %dma_start3A_287 = tpu.memref_slice %arg4[%add3A_283, %dma_start3A_286] : memref<86016x144xf32, #tpu.memory_space<hbm>> -> memref<128x144xf32, #tpu.memory_space<hbm>>
    tpu.enqueue_dma source(%arg6 : memref<128x144xf32, #tpu.memory_space<vmem>>) target(%dma_start3A_287 : memref<128x144xf32, #tpu.memory_space<hbm>>) target_semaphore(%arg10 : memref<!tpu.dma_semaphore, #tpu.memory_space<semaphore_mem>>)
    %dma_wait3A_288 = arith.constant 0 : i32
    %dma_wait3A_289 = tpu.memref_slice %arg4[%add3A_283, %dma_wait3A_288] : memref<86016x144xf32, #tpu.memory_space<hbm>> -> memref<128x144xf32, #tpu.memory_space<hbm>>
    %dma_wait3A_290 = arith.constant 0 : i32
    %dma_wait3A_291 = tpu.memref_slice %arg4[%add3A_283, %dma_wait3A_290] : memref<86016x144xf32, #tpu.memory_space<hbm>> -> memref<128x144xf32, #tpu.memory_space<hbm>>
    tpu.wait_dma2 semaphore(%arg10 : memref<!tpu.dma_semaphore, #tpu.memory_space<semaphore_mem>>) src(%arg6 : memref<128x144xf32, #tpu.memory_space<vmem>>) dst(%dma_wait3A_291 : memref<128x144xf32, #tpu.memory_space<hbm>>)
    %dma_start3A_292 = arith.constant 8 : i32
    %dma_start3A_293 = arith.constant 0 : i32
    %dma_start3A_294 = tpu.memref_slice %arg5[%dma_start3A_292, %dma_start3A_293] : memref<21x128xi32, #tpu.memory_space<vmem>> -> memref<1x128xi32, #tpu.memory_space<vmem>>
    %dma_start3A_295 = tpu.memref_squeeze %dma_start3A_294 : memref<1x128xi32, #tpu.memory_space<vmem>> -> memref<128xi32, #tpu.memory_space<vmem>>
    %dma_start3A_296 = arith.constant 0 : i32
    %dma_start3A_297 = arith.constant 0 : i32
    %dma_start3A_298 = tpu.memref_slice %arg2[%dma_start3A_296, %dma_start3A_297] : memref<10000x144xf32, #tpu.memory_space<hbm>> -> memref<10000x144xf32, #tpu.memory_space<hbm>>
    tpu.enqueue_indirect_dma source(%dma_start3A_298 : memref<10000x144xf32, #tpu.memory_space<hbm>>) target(%arg6 : memref<128x144xf32, #tpu.memory_space<vmem>>) offsets(%dma_start3A_295 : memref<128xi32, #tpu.memory_space<vmem>>) semaphore(%arg8 : memref<!tpu.dma_semaphore, #tpu.memory_space<semaphore_mem>>)
    %dma_wait3A_299 = arith.constant 7 : i32
    %dma_wait3A_300 = arith.constant 0 : i32
    %dma_wait3A_301 = tpu.memref_slice %arg5[%dma_wait3A_299, %dma_wait3A_300] : memref<21x128xi32, #tpu.memory_space<vmem>> -> memref<1x128xi32, #tpu.memory_space<vmem>>
    %dma_wait3A_302 = tpu.memref_squeeze %dma_wait3A_301 : memref<1x128xi32, #tpu.memory_space<vmem>> -> memref<128xi32, #tpu.memory_space<vmem>>
    %dma_wait3A_303 = arith.constant 0 : i32
    %dma_wait3A_304 = arith.constant 0 : i32
    %dma_wait3A_305 = tpu.memref_slice %arg2[%dma_wait3A_303, %dma_wait3A_304] : memref<10000x144xf32, #tpu.memory_space<hbm>> -> memref<10000x144xf32, #tpu.memory_space<hbm>>
    tpu.wait_indirect_dma semaphore(%arg9 : memref<!tpu.dma_semaphore, #tpu.memory_space<semaphore_mem>>) src(%dma_wait3A_305 : memref<10000x144xf32, #tpu.memory_space<hbm>>) dst(%arg7 : memref<128x144xf32, #tpu.memory_space<vmem>>)
    %mul3A_306 = arith.constant 2688 : i32
    %mul3A_307 = arith.muli %add3A, %mul3A_306 : i32
    %add3A_308 = arith.constant 896 : i32
    %add3A_309 = arith.addi %mul3A_307, %add3A_308 : i32
    %dma_start3A_310 = arith.constant 0 : i32
    %dma_start3A_311 = tpu.memref_slice %arg4[%add3A_309, %dma_start3A_310] : memref<86016x144xf32, #tpu.memory_space<hbm>> -> memref<128x144xf32, #tpu.memory_space<hbm>>
    %dma_start3A_312 = arith.constant 0 : i32
    %dma_start3A_313 = tpu.memref_slice %arg4[%add3A_309, %dma_start3A_312] : memref<86016x144xf32, #tpu.memory_space<hbm>> -> memref<128x144xf32, #tpu.memory_space<hbm>>
    tpu.enqueue_dma source(%arg7 : memref<128x144xf32, #tpu.memory_space<vmem>>) target(%dma_start3A_313 : memref<128x144xf32, #tpu.memory_space<hbm>>) target_semaphore(%arg11 : memref<!tpu.dma_semaphore, #tpu.memory_space<semaphore_mem>>)
    %dma_wait3A_314 = arith.constant 0 : i32
    %dma_wait3A_315 = tpu.memref_slice %arg4[%add3A_309, %dma_wait3A_314] : memref<86016x144xf32, #tpu.memory_space<hbm>> -> memref<128x144xf32, #tpu.memory_space<hbm>>
    %dma_wait3A_316 = arith.constant 0 : i32
    %dma_wait3A_317 = tpu.memref_slice %arg4[%add3A_309, %dma_wait3A_316] : memref<86016x144xf32, #tpu.memory_space<hbm>> -> memref<128x144xf32, #tpu.memory_space<hbm>>
    tpu.wait_dma2 semaphore(%arg11 : memref<!tpu.dma_semaphore, #tpu.memory_space<semaphore_mem>>) src(%arg7 : memref<128x144xf32, #tpu.memory_space<vmem>>) dst(%dma_wait3A_317 : memref<128x144xf32, #tpu.memory_space<hbm>>)
    %dma_start3A_318 = arith.constant 9 : i32
    %dma_start3A_319 = arith.constant 0 : i32
    %dma_start3A_320 = tpu.memref_slice %arg5[%dma_start3A_318, %dma_start3A_319] : memref<21x128xi32, #tpu.memory_space<vmem>> -> memref<1x128xi32, #tpu.memory_space<vmem>>
    %dma_start3A_321 = tpu.memref_squeeze %dma_start3A_320 : memref<1x128xi32, #tpu.memory_space<vmem>> -> memref<128xi32, #tpu.memory_space<vmem>>
    %dma_start3A_322 = arith.constant 0 : i32
    %dma_start3A_323 = arith.constant 0 : i32
    %dma_start3A_324 = tpu.memref_slice %arg2[%dma_start3A_322, %dma_start3A_323] : memref<10000x144xf32, #tpu.memory_space<hbm>> -> memref<10000x144xf32, #tpu.memory_space<hbm>>
    tpu.enqueue_indirect_dma source(%dma_start3A_324 : memref<10000x144xf32, #tpu.memory_space<hbm>>) target(%arg7 : memref<128x144xf32, #tpu.memory_space<vmem>>) offsets(%dma_start3A_321 : memref<128xi32, #tpu.memory_space<vmem>>) semaphore(%arg9 : memref<!tpu.dma_semaphore, #tpu.memory_space<semaphore_mem>>)
    %dma_wait3A_325 = arith.constant 8 : i32
    %dma_wait3A_326 = arith.constant 0 : i32
    %dma_wait3A_327 = tpu.memref_slice %arg5[%dma_wait3A_325, %dma_wait3A_326] : memref<21x128xi32, #tpu.memory_space<vmem>> -> memref<1x128xi32, #tpu.memory_space<vmem>>
    %dma_wait3A_328 = tpu.memref_squeeze %dma_wait3A_327 : memref<1x128xi32, #tpu.memory_space<vmem>> -> memref<128xi32, #tpu.memory_space<vmem>>
    %dma_wait3A_329 = arith.constant 0 : i32
    %dma_wait3A_330 = arith.constant 0 : i32
    %dma_wait3A_331 = tpu.memref_slice %arg2[%dma_wait3A_329, %dma_wait3A_330] : memref<10000x144xf32, #tpu.memory_space<hbm>> -> memref<10000x144xf32, #tpu.memory_space<hbm>>
    tpu.wait_indirect_dma semaphore(%arg8 : memref<!tpu.dma_semaphore, #tpu.memory_space<semaphore_mem>>) src(%dma_wait3A_331 : memref<10000x144xf32, #tpu.memory_space<hbm>>) dst(%arg6 : memref<128x144xf32, #tpu.memory_space<vmem>>)
    %mul3A_332 = arith.constant 2688 : i32
    %mul3A_333 = arith.muli %add3A, %mul3A_332 : i32
    %add3A_334 = arith.constant 1024 : i32
    %add3A_335 = arith.addi %mul3A_333, %add3A_334 : i32
    %dma_start3A_336 = arith.constant 0 : i32
    %dma_start3A_337 = tpu.memref_slice %arg4[%add3A_335, %dma_start3A_336] : memref<86016x144xf32, #tpu.memory_space<hbm>> -> memref<128x144xf32, #tpu.memory_space<hbm>>
    %dma_start3A_338 = arith.constant 0 : i32
    %dma_start3A_339 = tpu.memref_slice %arg4[%add3A_335, %dma_start3A_338] : memref<86016x144xf32, #tpu.memory_space<hbm>> -> memref<128x144xf32, #tpu.memory_space<hbm>>
    tpu.enqueue_dma source(%arg6 : memref<128x144xf32, #tpu.memory_space<vmem>>) target(%dma_start3A_339 : memref<128x144xf32, #tpu.memory_space<hbm>>) target_semaphore(%arg10 : memref<!tpu.dma_semaphore, #tpu.memory_space<semaphore_mem>>)
    %dma_wait3A_340 = arith.constant 0 : i32
    %dma_wait3A_341 = tpu.memref_slice %arg4[%add3A_335, %dma_wait3A_340] : memref<86016x144xf32, #tpu.memory_space<hbm>> -> memref<128x144xf32, #tpu.memory_space<hbm>>
    %dma_wait3A_342 = arith.constant 0 : i32
    %dma_wait3A_343 = tpu.memref_slice %arg4[%add3A_335, %dma_wait3A_342] : memref<86016x144xf32, #tpu.memory_space<hbm>> -> memref<128x144xf32, #tpu.memory_space<hbm>>
    tpu.wait_dma2 semaphore(%arg10 : memref<!tpu.dma_semaphore, #tpu.memory_space<semaphore_mem>>) src(%arg6 : memref<128x144xf32, #tpu.memory_space<vmem>>) dst(%dma_wait3A_343 : memref<128x144xf32, #tpu.memory_space<hbm>>)
    %dma_start3A_344 = arith.constant 10 : i32
    %dma_start3A_345 = arith.constant 0 : i32
    %dma_start3A_346 = tpu.memref_slice %arg5[%dma_start3A_344, %dma_start3A_345] : memref<21x128xi32, #tpu.memory_space<vmem>> -> memref<1x128xi32, #tpu.memory_space<vmem>>
    %dma_start3A_347 = tpu.memref_squeeze %dma_start3A_346 : memref<1x128xi32, #tpu.memory_space<vmem>> -> memref<128xi32, #tpu.memory_space<vmem>>
    %dma_start3A_348 = arith.constant 0 : i32
    %dma_start3A_349 = arith.constant 0 : i32
    %dma_start3A_350 = tpu.memref_slice %arg2[%dma_start3A_348, %dma_start3A_349] : memref<10000x144xf32, #tpu.memory_space<hbm>> -> memref<10000x144xf32, #tpu.memory_space<hbm>>
    tpu.enqueue_indirect_dma source(%dma_start3A_350 : memref<10000x144xf32, #tpu.memory_space<hbm>>) target(%arg6 : memref<128x144xf32, #tpu.memory_space<vmem>>) offsets(%dma_start3A_347 : memref<128xi32, #tpu.memory_space<vmem>>) semaphore(%arg8 : memref<!tpu.dma_semaphore, #tpu.memory_space<semaphore_mem>>)
    %dma_wait3A_351 = arith.constant 9 : i32
    %dma_wait3A_352 = arith.constant 0 : i32
    %dma_wait3A_353 = tpu.memref_slice %arg5[%dma_wait3A_351, %dma_wait3A_352] : memref<21x128xi32, #tpu.memory_space<vmem>> -> memref<1x128xi32, #tpu.memory_space<vmem>>
    %dma_wait3A_354 = tpu.memref_squeeze %dma_wait3A_353 : memref<1x128xi32, #tpu.memory_space<vmem>> -> memref<128xi32, #tpu.memory_space<vmem>>
    %dma_wait3A_355 = arith.constant 0 : i32
    %dma_wait3A_356 = arith.constant 0 : i32
    %dma_wait3A_357 = tpu.memref_slice %arg2[%dma_wait3A_355, %dma_wait3A_356] : memref<10000x144xf32, #tpu.memory_space<hbm>> -> memref<10000x144xf32, #tpu.memory_space<hbm>>
    tpu.wait_indirect_dma semaphore(%arg9 : memref<!tpu.dma_semaphore, #tpu.memory_space<semaphore_mem>>) src(%dma_wait3A_357 : memref<10000x144xf32, #tpu.memory_space<hbm>>) dst(%arg7 : memref<128x144xf32, #tpu.memory_space<vmem>>)
    %mul3A_358 = arith.constant 2688 : i32
    %mul3A_359 = arith.muli %add3A, %mul3A_358 : i32
    %add3A_360 = arith.constant 1152 : i32
    %add3A_361 = arith.addi %mul3A_359, %add3A_360 : i32
    %dma_start3A_362 = arith.constant 0 : i32
    %dma_start3A_363 = tpu.memref_slice %arg4[%add3A_361, %dma_start3A_362] : memref<86016x144xf32, #tpu.memory_space<hbm>> -> memref<128x144xf32, #tpu.memory_space<hbm>>
    %dma_start3A_364 = arith.constant 0 : i32
    %dma_start3A_365 = tpu.memref_slice %arg4[%add3A_361, %dma_start3A_364] : memref<86016x144xf32, #tpu.memory_space<hbm>> -> memref<128x144xf32, #tpu.memory_space<hbm>>
    tpu.enqueue_dma source(%arg7 : memref<128x144xf32, #tpu.memory_space<vmem>>) target(%dma_start3A_365 : memref<128x144xf32, #tpu.memory_space<hbm>>) target_semaphore(%arg11 : memref<!tpu.dma_semaphore, #tpu.memory_space<semaphore_mem>>)
    %dma_wait3A_366 = arith.constant 0 : i32
    %dma_wait3A_367 = tpu.memref_slice %arg4[%add3A_361, %dma_wait3A_366] : memref<86016x144xf32, #tpu.memory_space<hbm>> -> memref<128x144xf32, #tpu.memory_space<hbm>>
    %dma_wait3A_368 = arith.constant 0 : i32
    %dma_wait3A_369 = tpu.memref_slice %arg4[%add3A_361, %dma_wait3A_368] : memref<86016x144xf32, #tpu.memory_space<hbm>> -> memref<128x144xf32, #tpu.memory_space<hbm>>
    tpu.wait_dma2 semaphore(%arg11 : memref<!tpu.dma_semaphore, #tpu.memory_space<semaphore_mem>>) src(%arg7 : memref<128x144xf32, #tpu.memory_space<vmem>>) dst(%dma_wait3A_369 : memref<128x144xf32, #tpu.memory_space<hbm>>)
    %dma_start3A_370 = arith.constant 11 : i32
    %dma_start3A_371 = arith.constant 0 : i32
    %dma_start3A_372 = tpu.memref_slice %arg5[%dma_start3A_370, %dma_start3A_371] : memref<21x128xi32, #tpu.memory_space<vmem>> -> memref<1x128xi32, #tpu.memory_space<vmem>>
    %dma_start3A_373 = tpu.memref_squeeze %dma_start3A_372 : memref<1x128xi32, #tpu.memory_space<vmem>> -> memref<128xi32, #tpu.memory_space<vmem>>
    %dma_start3A_374 = arith.constant 0 : i32
    %dma_start3A_375 = arith.constant 0 : i32
    %dma_start3A_376 = tpu.memref_slice %arg2[%dma_start3A_374, %dma_start3A_375] : memref<10000x144xf32, #tpu.memory_space<hbm>> -> memref<10000x144xf32, #tpu.memory_space<hbm>>
    tpu.enqueue_indirect_dma source(%dma_start3A_376 : memref<10000x144xf32, #tpu.memory_space<hbm>>) target(%arg7 : memref<128x144xf32, #tpu.memory_space<vmem>>) offsets(%dma_start3A_373 : memref<128xi32, #tpu.memory_space<vmem>>) semaphore(%arg9 : memref<!tpu.dma_semaphore, #tpu.memory_space<semaphore_mem>>)
    %dma_wait3A_377 = arith.constant 10 : i32
    %dma_wait3A_378 = arith.constant 0 : i32
    %dma_wait3A_379 = tpu.memref_slice %arg5[%dma_wait3A_377, %dma_wait3A_378] : memref<21x128xi32, #tpu.memory_space<vmem>> -> memref<1x128xi32, #tpu.memory_space<vmem>>
    %dma_wait3A_380 = tpu.memref_squeeze %dma_wait3A_379 : memref<1x128xi32, #tpu.memory_space<vmem>> -> memref<128xi32, #tpu.memory_space<vmem>>
    %dma_wait3A_381 = arith.constant 0 : i32
    %dma_wait3A_382 = arith.constant 0 : i32
    %dma_wait3A_383 = tpu.memref_slice %arg2[%dma_wait3A_381, %dma_wait3A_382] : memref<10000x144xf32, #tpu.memory_space<hbm>> -> memref<10000x144xf32, #tpu.memory_space<hbm>>
    tpu.wait_indirect_dma semaphore(%arg8 : memref<!tpu.dma_semaphore, #tpu.memory_space<semaphore_mem>>) src(%dma_wait3A_383 : memref<10000x144xf32, #tpu.memory_space<hbm>>) dst(%arg6 : memref<128x144xf32, #tpu.memory_space<vmem>>)
    %mul3A_384 = arith.constant 2688 : i32
    %mul3A_385 = arith.muli %add3A, %mul3A_384 : i32
    %add3A_386 = arith.constant 1280 : i32
    %add3A_387 = arith.addi %mul3A_385, %add3A_386 : i32
    %dma_start3A_388 = arith.constant 0 : i32
    %dma_start3A_389 = tpu.memref_slice %arg4[%add3A_387, %dma_start3A_388] : memref<86016x144xf32, #tpu.memory_space<hbm>> -> memref<128x144xf32, #tpu.memory_space<hbm>>
    %dma_start3A_390 = arith.constant 0 : i32
    %dma_start3A_391 = tpu.memref_slice %arg4[%add3A_387, %dma_start3A_390] : memref<86016x144xf32, #tpu.memory_space<hbm>> -> memref<128x144xf32, #tpu.memory_space<hbm>>
    tpu.enqueue_dma source(%arg6 : memref<128x144xf32, #tpu.memory_space<vmem>>) target(%dma_start3A_391 : memref<128x144xf32, #tpu.memory_space<hbm>>) target_semaphore(%arg10 : memref<!tpu.dma_semaphore, #tpu.memory_space<semaphore_mem>>)
    %dma_wait3A_392 = arith.constant 0 : i32
    %dma_wait3A_393 = tpu.memref_slice %arg4[%add3A_387, %dma_wait3A_392] : memref<86016x144xf32, #tpu.memory_space<hbm>> -> memref<128x144xf32, #tpu.memory_space<hbm>>
    %dma_wait3A_394 = arith.constant 0 : i32
    %dma_wait3A_395 = tpu.memref_slice %arg4[%add3A_387, %dma_wait3A_394] : memref<86016x144xf32, #tpu.memory_space<hbm>> -> memref<128x144xf32, #tpu.memory_space<hbm>>
    tpu.wait_dma2 semaphore(%arg10 : memref<!tpu.dma_semaphore, #tpu.memory_space<semaphore_mem>>) src(%arg6 : memref<128x144xf32, #tpu.memory_space<vmem>>) dst(%dma_wait3A_395 : memref<128x144xf32, #tpu.memory_space<hbm>>)
    %dma_start3A_396 = arith.constant 12 : i32
    %dma_start3A_397 = arith.constant 0 : i32
    %dma_start3A_398 = tpu.memref_slice %arg5[%dma_start3A_396, %dma_start3A_397] : memref<21x128xi32, #tpu.memory_space<vmem>> -> memref<1x128xi32, #tpu.memory_space<vmem>>
    %dma_start3A_399 = tpu.memref_squeeze %dma_start3A_398 : memref<1x128xi32, #tpu.memory_space<vmem>> -> memref<128xi32, #tpu.memory_space<vmem>>
    %dma_start3A_400 = arith.constant 0 : i32
    %dma_start3A_401 = arith.constant 0 : i32
    %dma_start3A_402 = tpu.memref_slice %arg2[%dma_start3A_400, %dma_start3A_401] : memref<10000x144xf32, #tpu.memory_space<hbm>> -> memref<10000x144xf32, #tpu.memory_space<hbm>>
    tpu.enqueue_indirect_dma source(%dma_start3A_402 : memref<10000x144xf32, #tpu.memory_space<hbm>>) target(%arg6 : memref<128x144xf32, #tpu.memory_space<vmem>>) offsets(%dma_start3A_399 : memref<128xi32, #tpu.memory_space<vmem>>) semaphore(%arg8 : memref<!tpu.dma_semaphore, #tpu.memory_space<semaphore_mem>>)
    %dma_wait3A_403 = arith.constant 11 : i32
    %dma_wait3A_404 = arith.constant 0 : i32
    %dma_wait3A_405 = tpu.memref_slice %arg5[%dma_wait3A_403, %dma_wait3A_404] : memref<21x128xi32, #tpu.memory_space<vmem>> -> memref<1x128xi32, #tpu.memory_space<vmem>>
    %dma_wait3A_406 = tpu.memref_squeeze %dma_wait3A_405 : memref<1x128xi32, #tpu.memory_space<vmem>> -> memref<128xi32, #tpu.memory_space<vmem>>
    %dma_wait3A_407 = arith.constant 0 : i32
    %dma_wait3A_408 = arith.constant 0 : i32
    %dma_wait3A_409 = tpu.memref_slice %arg2[%dma_wait3A_407, %dma_wait3A_408] : memref<10000x144xf32, #tpu.memory_space<hbm>> -> memref<10000x144xf32, #tpu.memory_space<hbm>>
    tpu.wait_indirect_dma semaphore(%arg9 : memref<!tpu.dma_semaphore, #tpu.memory_space<semaphore_mem>>) src(%dma_wait3A_409 : memref<10000x144xf32, #tpu.memory_space<hbm>>) dst(%arg7 : memref<128x144xf32, #tpu.memory_space<vmem>>)
    %mul3A_410 = arith.constant 2688 : i32
    %mul3A_411 = arith.muli %add3A, %mul3A_410 : i32
    %add3A_412 = arith.constant 1408 : i32
    %add3A_413 = arith.addi %mul3A_411, %add3A_412 : i32
    %dma_start3A_414 = arith.constant 0 : i32
    %dma_start3A_415 = tpu.memref_slice %arg4[%add3A_413, %dma_start3A_414] : memref<86016x144xf32, #tpu.memory_space<hbm>> -> memref<128x144xf32, #tpu.memory_space<hbm>>
    %dma_start3A_416 = arith.constant 0 : i32
    %dma_start3A_417 = tpu.memref_slice %arg4[%add3A_413, %dma_start3A_416] : memref<86016x144xf32, #tpu.memory_space<hbm>> -> memref<128x144xf32, #tpu.memory_space<hbm>>
    tpu.enqueue_dma source(%arg7 : memref<128x144xf32, #tpu.memory_space<vmem>>) target(%dma_start3A_417 : memref<128x144xf32, #tpu.memory_space<hbm>>) target_semaphore(%arg11 : memref<!tpu.dma_semaphore, #tpu.memory_space<semaphore_mem>>)
    %dma_wait3A_418 = arith.constant 0 : i32
    %dma_wait3A_419 = tpu.memref_slice %arg4[%add3A_413, %dma_wait3A_418] : memref<86016x144xf32, #tpu.memory_space<hbm>> -> memref<128x144xf32, #tpu.memory_space<hbm>>
    %dma_wait3A_420 = arith.constant 0 : i32
    %dma_wait3A_421 = tpu.memref_slice %arg4[%add3A_413, %dma_wait3A_420] : memref<86016x144xf32, #tpu.memory_space<hbm>> -> memref<128x144xf32, #tpu.memory_space<hbm>>
    tpu.wait_dma2 semaphore(%arg11 : memref<!tpu.dma_semaphore, #tpu.memory_space<semaphore_mem>>) src(%arg7 : memref<128x144xf32, #tpu.memory_space<vmem>>) dst(%dma_wait3A_421 : memref<128x144xf32, #tpu.memory_space<hbm>>)
    %dma_start3A_422 = arith.constant 13 : i32
    %dma_start3A_423 = arith.constant 0 : i32
    %dma_start3A_424 = tpu.memref_slice %arg5[%dma_start3A_422, %dma_start3A_423] : memref<21x128xi32, #tpu.memory_space<vmem>> -> memref<1x128xi32, #tpu.memory_space<vmem>>
    %dma_start3A_425 = tpu.memref_squeeze %dma_start3A_424 : memref<1x128xi32, #tpu.memory_space<vmem>> -> memref<128xi32, #tpu.memory_space<vmem>>
    %dma_start3A_426 = arith.constant 0 : i32
    %dma_start3A_427 = arith.constant 0 : i32
    %dma_start3A_428 = tpu.memref_slice %arg2[%dma_start3A_426, %dma_start3A_427] : memref<10000x144xf32, #tpu.memory_space<hbm>> -> memref<10000x144xf32, #tpu.memory_space<hbm>>
    tpu.enqueue_indirect_dma source(%dma_start3A_428 : memref<10000x144xf32, #tpu.memory_space<hbm>>) target(%arg7 : memref<128x144xf32, #tpu.memory_space<vmem>>) offsets(%dma_start3A_425 : memref<128xi32, #tpu.memory_space<vmem>>) semaphore(%arg9 : memref<!tpu.dma_semaphore, #tpu.memory_space<semaphore_mem>>)
    %dma_wait3A_429 = arith.constant 12 : i32
    %dma_wait3A_430 = arith.constant 0 : i32
    %dma_wait3A_431 = tpu.memref_slice %arg5[%dma_wait3A_429, %dma_wait3A_430] : memref<21x128xi32, #tpu.memory_space<vmem>> -> memref<1x128xi32, #tpu.memory_space<vmem>>
    %dma_wait3A_432 = tpu.memref_squeeze %dma_wait3A_431 : memref<1x128xi32, #tpu.memory_space<vmem>> -> memref<128xi32, #tpu.memory_space<vmem>>
    %dma_wait3A_433 = arith.constant 0 : i32
    %dma_wait3A_434 = arith.constant 0 : i32
    %dma_wait3A_435 = tpu.memref_slice %arg2[%dma_wait3A_433, %dma_wait3A_434] : memref<10000x144xf32, #tpu.memory_space<hbm>> -> memref<10000x144xf32, #tpu.memory_space<hbm>>
    tpu.wait_indirect_dma semaphore(%arg8 : memref<!tpu.dma_semaphore, #tpu.memory_space<semaphore_mem>>) src(%dma_wait3A_435 : memref<10000x144xf32, #tpu.memory_space<hbm>>) dst(%arg6 : memref<128x144xf32, #tpu.memory_space<vmem>>)
    %mul3A_436 = arith.constant 2688 : i32
    %mul3A_437 = arith.muli %add3A, %mul3A_436 : i32
    %add3A_438 = arith.constant 1536 : i32
    %add3A_439 = arith.addi %mul3A_437, %add3A_438 : i32
    %dma_start3A_440 = arith.constant 0 : i32
    %dma_start3A_441 = tpu.memref_slice %arg4[%add3A_439, %dma_start3A_440] : memref<86016x144xf32, #tpu.memory_space<hbm>> -> memref<128x144xf32, #tpu.memory_space<hbm>>
    %dma_start3A_442 = arith.constant 0 : i32
    %dma_start3A_443 = tpu.memref_slice %arg4[%add3A_439, %dma_start3A_442] : memref<86016x144xf32, #tpu.memory_space<hbm>> -> memref<128x144xf32, #tpu.memory_space<hbm>>
    tpu.enqueue_dma source(%arg6 : memref<128x144xf32, #tpu.memory_space<vmem>>) target(%dma_start3A_443 : memref<128x144xf32, #tpu.memory_space<hbm>>) target_semaphore(%arg10 : memref<!tpu.dma_semaphore, #tpu.memory_space<semaphore_mem>>)
    %dma_wait3A_444 = arith.constant 0 : i32
    %dma_wait3A_445 = tpu.memref_slice %arg4[%add3A_439, %dma_wait3A_444] : memref<86016x144xf32, #tpu.memory_space<hbm>> -> memref<128x144xf32, #tpu.memory_space<hbm>>
    %dma_wait3A_446 = arith.constant 0 : i32
    %dma_wait3A_447 = tpu.memref_slice %arg4[%add3A_439, %dma_wait3A_446] : memref<86016x144xf32, #tpu.memory_space<hbm>> -> memref<128x144xf32, #tpu.memory_space<hbm>>
    tpu.wait_dma2 semaphore(%arg10 : memref<!tpu.dma_semaphore, #tpu.memory_space<semaphore_mem>>) src(%arg6 : memref<128x144xf32, #tpu.memory_space<vmem>>) dst(%dma_wait3A_447 : memref<128x144xf32, #tpu.memory_space<hbm>>)
    %dma_start3A_448 = arith.constant 14 : i32
    %dma_start3A_449 = arith.constant 0 : i32
    %dma_start3A_450 = tpu.memref_slice %arg5[%dma_start3A_448, %dma_start3A_449] : memref<21x128xi32, #tpu.memory_space<vmem>> -> memref<1x128xi32, #tpu.memory_space<vmem>>
    %dma_start3A_451 = tpu.memref_squeeze %dma_start3A_450 : memref<1x128xi32, #tpu.memory_space<vmem>> -> memref<128xi32, #tpu.memory_space<vmem>>
    %dma_start3A_452 = arith.constant 0 : i32
    %dma_start3A_453 = arith.constant 0 : i32
    %dma_start3A_454 = tpu.memref_slice %arg2[%dma_start3A_452, %dma_start3A_453] : memref<10000x144xf32, #tpu.memory_space<hbm>> -> memref<10000x144xf32, #tpu.memory_space<hbm>>
    tpu.enqueue_indirect_dma source(%dma_start3A_454 : memref<10000x144xf32, #tpu.memory_space<hbm>>) target(%arg6 : memref<128x144xf32, #tpu.memory_space<vmem>>) offsets(%dma_start3A_451 : memref<128xi32, #tpu.memory_space<vmem>>) semaphore(%arg8 : memref<!tpu.dma_semaphore, #tpu.memory_space<semaphore_mem>>)
    %dma_wait3A_455 = arith.constant 13 : i32
    %dma_wait3A_456 = arith.constant 0 : i32
    %dma_wait3A_457 = tpu.memref_slice %arg5[%dma_wait3A_455, %dma_wait3A_456] : memref<21x128xi32, #tpu.memory_space<vmem>> -> memref<1x128xi32, #tpu.memory_space<vmem>>
    %dma_wait3A_458 = tpu.memref_squeeze %dma_wait3A_457 : memref<1x128xi32, #tpu.memory_space<vmem>> -> memref<128xi32, #tpu.memory_space<vmem>>
    %dma_wait3A_459 = arith.constant 0 : i32
    %dma_wait3A_460 = arith.constant 0 : i32
    %dma_wait3A_461 = tpu.memref_slice %arg2[%dma_wait3A_459, %dma_wait3A_460] : memref<10000x144xf32, #tpu.memory_space<hbm>> -> memref<10000x144xf32, #tpu.memory_space<hbm>>
    tpu.wait_indirect_dma semaphore(%arg9 : memref<!tpu.dma_semaphore, #tpu.memory_space<semaphore_mem>>) src(%dma_wait3A_461 : memref<10000x144xf32, #tpu.memory_space<hbm>>) dst(%arg7 : memref<128x144xf32, #tpu.memory_space<vmem>>)
    %mul3A_462 = arith.constant 2688 : i32
    %mul3A_463 = arith.muli %add3A, %mul3A_462 : i32
    %add3A_464 = arith.constant 1664 : i32
    %add3A_465 = arith.addi %mul3A_463, %add3A_464 : i32
    %dma_start3A_466 = arith.constant 0 : i32
    %dma_start3A_467 = tpu.memref_slice %arg4[%add3A_465, %dma_start3A_466] : memref<86016x144xf32, #tpu.memory_space<hbm>> -> memref<128x144xf32, #tpu.memory_space<hbm>>
    %dma_start3A_468 = arith.constant 0 : i32
    %dma_start3A_469 = tpu.memref_slice %arg4[%add3A_465, %dma_start3A_468] : memref<86016x144xf32, #tpu.memory_space<hbm>> -> memref<128x144xf32, #tpu.memory_space<hbm>>
    tpu.enqueue_dma source(%arg7 : memref<128x144xf32, #tpu.memory_space<vmem>>) target(%dma_start3A_469 : memref<128x144xf32, #tpu.memory_space<hbm>>) target_semaphore(%arg11 : memref<!tpu.dma_semaphore, #tpu.memory_space<semaphore_mem>>)
    %dma_wait3A_470 = arith.constant 0 : i32
    %dma_wait3A_471 = tpu.memref_slice %arg4[%add3A_465, %dma_wait3A_470] : memref<86016x144xf32, #tpu.memory_space<hbm>> -> memref<128x144xf32, #tpu.memory_space<hbm>>
    %dma_wait3A_472 = arith.constant 0 : i32
    %dma_wait3A_473 = tpu.memref_slice %arg4[%add3A_465, %dma_wait3A_472] : memref<86016x144xf32, #tpu.memory_space<hbm>> -> memref<128x144xf32, #tpu.memory_space<hbm>>
    tpu.wait_dma2 semaphore(%arg11 : memref<!tpu.dma_semaphore, #tpu.memory_space<semaphore_mem>>) src(%arg7 : memref<128x144xf32, #tpu.memory_space<vmem>>) dst(%dma_wait3A_473 : memref<128x144xf32, #tpu.memory_space<hbm>>)
    %dma_start3A_474 = arith.constant 15 : i32
    %dma_start3A_475 = arith.constant 0 : i32
    %dma_start3A_476 = tpu.memref_slice %arg5[%dma_start3A_474, %dma_start3A_475] : memref<21x128xi32, #tpu.memory_space<vmem>> -> memref<1x128xi32, #tpu.memory_space<vmem>>
    %dma_start3A_477 = tpu.memref_squeeze %dma_start3A_476 : memref<1x128xi32, #tpu.memory_space<vmem>> -> memref<128xi32, #tpu.memory_space<vmem>>
    %dma_start3A_478 = arith.constant 0 : i32
    %dma_start3A_479 = arith.constant 0 : i32
    %dma_start3A_480 = tpu.memref_slice %arg2[%dma_start3A_478, %dma_start3A_479] : memref<10000x144xf32, #tpu.memory_space<hbm>> -> memref<10000x144xf32, #tpu.memory_space<hbm>>
    tpu.enqueue_indirect_dma source(%dma_start3A_480 : memref<10000x144xf32, #tpu.memory_space<hbm>>) target(%arg7 : memref<128x144xf32, #tpu.memory_space<vmem>>) offsets(%dma_start3A_477 : memref<128xi32, #tpu.memory_space<vmem>>) semaphore(%arg9 : memref<!tpu.dma_semaphore, #tpu.memory_space<semaphore_mem>>)
    %dma_wait3A_481 = arith.constant 14 : i32
    %dma_wait3A_482 = arith.constant 0 : i32
    %dma_wait3A_483 = tpu.memref_slice %arg5[%dma_wait3A_481, %dma_wait3A_482] : memref<21x128xi32, #tpu.memory_space<vmem>> -> memref<1x128xi32, #tpu.memory_space<vmem>>
    %dma_wait3A_484 = tpu.memref_squeeze %dma_wait3A_483 : memref<1x128xi32, #tpu.memory_space<vmem>> -> memref<128xi32, #tpu.memory_space<vmem>>
    %dma_wait3A_485 = arith.constant 0 : i32
    %dma_wait3A_486 = arith.constant 0 : i32
    %dma_wait3A_487 = tpu.memref_slice %arg2[%dma_wait3A_485, %dma_wait3A_486] : memref<10000x144xf32, #tpu.memory_space<hbm>> -> memref<10000x144xf32, #tpu.memory_space<hbm>>
    tpu.wait_indirect_dma semaphore(%arg8 : memref<!tpu.dma_semaphore, #tpu.memory_space<semaphore_mem>>) src(%dma_wait3A_487 : memref<10000x144xf32, #tpu.memory_space<hbm>>) dst(%arg6 : memref<128x144xf32, #tpu.memory_space<vmem>>)
    %mul3A_488 = arith.constant 2688 : i32
    %mul3A_489 = arith.muli %add3A, %mul3A_488 : i32
    %add3A_490 = arith.constant 1792 : i32
    %add3A_491 = arith.addi %mul3A_489, %add3A_490 : i32
    %dma_start3A_492 = arith.constant 0 : i32
    %dma_start3A_493 = tpu.memref_slice %arg4[%add3A_491, %dma_start3A_492] : memref<86016x144xf32, #tpu.memory_space<hbm>> -> memref<128x144xf32, #tpu.memory_space<hbm>>
    %dma_start3A_494 = arith.constant 0 : i32
    %dma_start3A_495 = tpu.memref_slice %arg4[%add3A_491, %dma_start3A_494] : memref<86016x144xf32, #tpu.memory_space<hbm>> -> memref<128x144xf32, #tpu.memory_space<hbm>>
    tpu.enqueue_dma source(%arg6 : memref<128x144xf32, #tpu.memory_space<vmem>>) target(%dma_start3A_495 : memref<128x144xf32, #tpu.memory_space<hbm>>) target_semaphore(%arg10 : memref<!tpu.dma_semaphore, #tpu.memory_space<semaphore_mem>>)
    %dma_wait3A_496 = arith.constant 0 : i32
    %dma_wait3A_497 = tpu.memref_slice %arg4[%add3A_491, %dma_wait3A_496] : memref<86016x144xf32, #tpu.memory_space<hbm>> -> memref<128x144xf32, #tpu.memory_space<hbm>>
    %dma_wait3A_498 = arith.constant 0 : i32
    %dma_wait3A_499 = tpu.memref_slice %arg4[%add3A_491, %dma_wait3A_498] : memref<86016x144xf32, #tpu.memory_space<hbm>> -> memref<128x144xf32, #tpu.memory_space<hbm>>
    tpu.wait_dma2 semaphore(%arg10 : memref<!tpu.dma_semaphore, #tpu.memory_space<semaphore_mem>>) src(%arg6 : memref<128x144xf32, #tpu.memory_space<vmem>>) dst(%dma_wait3A_499 : memref<128x144xf32, #tpu.memory_space<hbm>>)
    %dma_start3A_500 = arith.constant 16 : i32
    %dma_start3A_501 = arith.constant 0 : i32
    %dma_start3A_502 = tpu.memref_slice %arg5[%dma_start3A_500, %dma_start3A_501] : memref<21x128xi32, #tpu.memory_space<vmem>> -> memref<1x128xi32, #tpu.memory_space<vmem>>
    %dma_start3A_503 = tpu.memref_squeeze %dma_start3A_502 : memref<1x128xi32, #tpu.memory_space<vmem>> -> memref<128xi32, #tpu.memory_space<vmem>>
    %dma_start3A_504 = arith.constant 0 : i32
    %dma_start3A_505 = arith.constant 0 : i32
    %dma_start3A_506 = tpu.memref_slice %arg2[%dma_start3A_504, %dma_start3A_505] : memref<10000x144xf32, #tpu.memory_space<hbm>> -> memref<10000x144xf32, #tpu.memory_space<hbm>>
    tpu.enqueue_indirect_dma source(%dma_start3A_506 : memref<10000x144xf32, #tpu.memory_space<hbm>>) target(%arg6 : memref<128x144xf32, #tpu.memory_space<vmem>>) offsets(%dma_start3A_503 : memref<128xi32, #tpu.memory_space<vmem>>) semaphore(%arg8 : memref<!tpu.dma_semaphore, #tpu.memory_space<semaphore_mem>>)
    %dma_wait3A_507 = arith.constant 15 : i32
    %dma_wait3A_508 = arith.constant 0 : i32
    %dma_wait3A_509 = tpu.memref_slice %arg5[%dma_wait3A_507, %dma_wait3A_508] : memref<21x128xi32, #tpu.memory_space<vmem>> -> memref<1x128xi32, #tpu.memory_space<vmem>>
    %dma_wait3A_510 = tpu.memref_squeeze %dma_wait3A_509 : memref<1x128xi32, #tpu.memory_space<vmem>> -> memref<128xi32, #tpu.memory_space<vmem>>
    %dma_wait3A_511 = arith.constant 0 : i32
    %dma_wait3A_512 = arith.constant 0 : i32
    %dma_wait3A_513 = tpu.memref_slice %arg2[%dma_wait3A_511, %dma_wait3A_512] : memref<10000x144xf32, #tpu.memory_space<hbm>> -> memref<10000x144xf32, #tpu.memory_space<hbm>>
    tpu.wait_indirect_dma semaphore(%arg9 : memref<!tpu.dma_semaphore, #tpu.memory_space<semaphore_mem>>) src(%dma_wait3A_513 : memref<10000x144xf32, #tpu.memory_space<hbm>>) dst(%arg7 : memref<128x144xf32, #tpu.memory_space<vmem>>)
    %mul3A_514 = arith.constant 2688 : i32
    %mul3A_515 = arith.muli %add3A, %mul3A_514 : i32
    %add3A_516 = arith.constant 1920 : i32
    %add3A_517 = arith.addi %mul3A_515, %add3A_516 : i32
    %dma_start3A_518 = arith.constant 0 : i32
    %dma_start3A_519 = tpu.memref_slice %arg4[%add3A_517, %dma_start3A_518] : memref<86016x144xf32, #tpu.memory_space<hbm>> -> memref<128x144xf32, #tpu.memory_space<hbm>>
    %dma_start3A_520 = arith.constant 0 : i32
    %dma_start3A_521 = tpu.memref_slice %arg4[%add3A_517, %dma_start3A_520] : memref<86016x144xf32, #tpu.memory_space<hbm>> -> memref<128x144xf32, #tpu.memory_space<hbm>>
    tpu.enqueue_dma source(%arg7 : memref<128x144xf32, #tpu.memory_space<vmem>>) target(%dma_start3A_521 : memref<128x144xf32, #tpu.memory_space<hbm>>) target_semaphore(%arg11 : memref<!tpu.dma_semaphore, #tpu.memory_space<semaphore_mem>>)
    %dma_wait3A_522 = arith.constant 0 : i32
    %dma_wait3A_523 = tpu.memref_slice %arg4[%add3A_517, %dma_wait3A_522] : memref<86016x144xf32, #tpu.memory_space<hbm>> -> memref<128x144xf32, #tpu.memory_space<hbm>>
    %dma_wait3A_524 = arith.constant 0 : i32
    %dma_wait3A_525 = tpu.memref_slice %arg4[%add3A_517, %dma_wait3A_524] : memref<86016x144xf32, #tpu.memory_space<hbm>> -> memref<128x144xf32, #tpu.memory_space<hbm>>
    tpu.wait_dma2 semaphore(%arg11 : memref<!tpu.dma_semaphore, #tpu.memory_space<semaphore_mem>>) src(%arg7 : memref<128x144xf32, #tpu.memory_space<vmem>>) dst(%dma_wait3A_525 : memref<128x144xf32, #tpu.memory_space<hbm>>)
    %dma_start3A_526 = arith.constant 17 : i32
    %dma_start3A_527 = arith.constant 0 : i32
    %dma_start3A_528 = tpu.memref_slice %arg5[%dma_start3A_526, %dma_start3A_527] : memref<21x128xi32, #tpu.memory_space<vmem>> -> memref<1x128xi32, #tpu.memory_space<vmem>>
    %dma_start3A_529 = tpu.memref_squeeze %dma_start3A_528 : memref<1x128xi32, #tpu.memory_space<vmem>> -> memref<128xi32, #tpu.memory_space<vmem>>
    %dma_start3A_530 = arith.constant 0 : i32
    %dma_start3A_531 = arith.constant 0 : i32
    %dma_start3A_532 = tpu.memref_slice %arg2[%dma_start3A_530, %dma_start3A_531] : memref<10000x144xf32, #tpu.memory_space<hbm>> -> memref<10000x144xf32, #tpu.memory_space<hbm>>
    tpu.enqueue_indirect_dma source(%dma_start3A_532 : memref<10000x144xf32, #tpu.memory_space<hbm>>) target(%arg7 : memref<128x144xf32, #tpu.memory_space<vmem>>) offsets(%dma_start3A_529 : memref<128xi32, #tpu.memory_space<vmem>>) semaphore(%arg9 : memref<!tpu.dma_semaphore, #tpu.memory_space<semaphore_mem>>)
    %dma_wait3A_533 = arith.constant 16 : i32
    %dma_wait3A_534 = arith.constant 0 : i32
    %dma_wait3A_535 = tpu.memref_slice %arg5[%dma_wait3A_533, %dma_wait3A_534] : memref<21x128xi32, #tpu.memory_space<vmem>> -> memref<1x128xi32, #tpu.memory_space<vmem>>
    %dma_wait3A_536 = tpu.memref_squeeze %dma_wait3A_535 : memref<1x128xi32, #tpu.memory_space<vmem>> -> memref<128xi32, #tpu.memory_space<vmem>>
    %dma_wait3A_537 = arith.constant 0 : i32
    %dma_wait3A_538 = arith.constant 0 : i32
    %dma_wait3A_539 = tpu.memref_slice %arg2[%dma_wait3A_537, %dma_wait3A_538] : memref<10000x144xf32, #tpu.memory_space<hbm>> -> memref<10000x144xf32, #tpu.memory_space<hbm>>
    tpu.wait_indirect_dma semaphore(%arg8 : memref<!tpu.dma_semaphore, #tpu.memory_space<semaphore_mem>>) src(%dma_wait3A_539 : memref<10000x144xf32, #tpu.memory_space<hbm>>) dst(%arg6 : memref<128x144xf32, #tpu.memory_space<vmem>>)
    %mul3A_540 = arith.constant 2688 : i32
    %mul3A_541 = arith.muli %add3A, %mul3A_540 : i32
    %add3A_542 = arith.constant 2048 : i32
    %add3A_543 = arith.addi %mul3A_541, %add3A_542 : i32
    %dma_start3A_544 = arith.constant 0 : i32
    %dma_start3A_545 = tpu.memref_slice %arg4[%add3A_543, %dma_start3A_544] : memref<86016x144xf32, #tpu.memory_space<hbm>> -> memref<128x144xf32, #tpu.memory_space<hbm>>
    %dma_start3A_546 = arith.constant 0 : i32
    %dma_start3A_547 = tpu.memref_slice %arg4[%add3A_543, %dma_start3A_546] : memref<86016x144xf32, #tpu.memory_space<hbm>> -> memref<128x144xf32, #tpu.memory_space<hbm>>
    tpu.enqueue_dma source(%arg6 : memref<128x144xf32, #tpu.memory_space<vmem>>) target(%dma_start3A_547 : memref<128x144xf32, #tpu.memory_space<hbm>>) target_semaphore(%arg10 : memref<!tpu.dma_semaphore, #tpu.memory_space<semaphore_mem>>)
    %dma_wait3A_548 = arith.constant 0 : i32
    %dma_wait3A_549 = tpu.memref_slice %arg4[%add3A_543, %dma_wait3A_548] : memref<86016x144xf32, #tpu.memory_space<hbm>> -> memref<128x144xf32, #tpu.memory_space<hbm>>
    %dma_wait3A_550 = arith.constant 0 : i32
    %dma_wait3A_551 = tpu.memref_slice %arg4[%add3A_543, %dma_wait3A_550] : memref<86016x144xf32, #tpu.memory_space<hbm>> -> memref<128x144xf32, #tpu.memory_space<hbm>>
    tpu.wait_dma2 semaphore(%arg10 : memref<!tpu.dma_semaphore, #tpu.memory_space<semaphore_mem>>) src(%arg6 : memref<128x144xf32, #tpu.memory_space<vmem>>) dst(%dma_wait3A_551 : memref<128x144xf32, #tpu.memory_space<hbm>>)
    %dma_start3A_552 = arith.constant 18 : i32
    %dma_start3A_553 = arith.constant 0 : i32
    %dma_start3A_554 = tpu.memref_slice %arg5[%dma_start3A_552, %dma_start3A_553] : memref<21x128xi32, #tpu.memory_space<vmem>> -> memref<1x128xi32, #tpu.memory_space<vmem>>
    %dma_start3A_555 = tpu.memref_squeeze %dma_start3A_554 : memref<1x128xi32, #tpu.memory_space<vmem>> -> memref<128xi32, #tpu.memory_space<vmem>>
    %dma_start3A_556 = arith.constant 0 : i32
    %dma_start3A_557 = arith.constant 0 : i32
    %dma_start3A_558 = tpu.memref_slice %arg2[%dma_start3A_556, %dma_start3A_557] : memref<10000x144xf32, #tpu.memory_space<hbm>> -> memref<10000x144xf32, #tpu.memory_space<hbm>>
    tpu.enqueue_indirect_dma source(%dma_start3A_558 : memref<10000x144xf32, #tpu.memory_space<hbm>>) target(%arg6 : memref<128x144xf32, #tpu.memory_space<vmem>>) offsets(%dma_start3A_555 : memref<128xi32, #tpu.memory_space<vmem>>) semaphore(%arg8 : memref<!tpu.dma_semaphore, #tpu.memory_space<semaphore_mem>>)
    %dma_wait3A_559 = arith.constant 17 : i32
    %dma_wait3A_560 = arith.constant 0 : i32
    %dma_wait3A_561 = tpu.memref_slice %arg5[%dma_wait3A_559, %dma_wait3A_560] : memref<21x128xi32, #tpu.memory_space<vmem>> -> memref<1x128xi32, #tpu.memory_space<vmem>>
    %dma_wait3A_562 = tpu.memref_squeeze %dma_wait3A_561 : memref<1x128xi32, #tpu.memory_space<vmem>> -> memref<128xi32, #tpu.memory_space<vmem>>
    %dma_wait3A_563 = arith.constant 0 : i32
    %dma_wait3A_564 = arith.constant 0 : i32
    %dma_wait3A_565 = tpu.memref_slice %arg2[%dma_wait3A_563, %dma_wait3A_564] : memref<10000x144xf32, #tpu.memory_space<hbm>> -> memref<10000x144xf32, #tpu.memory_space<hbm>>
    tpu.wait_indirect_dma semaphore(%arg9 : memref<!tpu.dma_semaphore, #tpu.memory_space<semaphore_mem>>) src(%dma_wait3A_565 : memref<10000x144xf32, #tpu.memory_space<hbm>>) dst(%arg7 : memref<128x144xf32, #tpu.memory_space<vmem>>)
    %mul3A_566 = arith.constant 2688 : i32
    %mul3A_567 = arith.muli %add3A, %mul3A_566 : i32
    %add3A_568 = arith.constant 2176 : i32
    %add3A_569 = arith.addi %mul3A_567, %add3A_568 : i32
    %dma_start3A_570 = arith.constant 0 : i32
    %dma_start3A_571 = tpu.memref_slice %arg4[%add3A_569, %dma_start3A_570] : memref<86016x144xf32, #tpu.memory_space<hbm>> -> memref<128x144xf32, #tpu.memory_space<hbm>>
    %dma_start3A_572 = arith.constant 0 : i32
    %dma_start3A_573 = tpu.memref_slice %arg4[%add3A_569, %dma_start3A_572] : memref<86016x144xf32, #tpu.memory_space<hbm>> -> memref<128x144xf32, #tpu.memory_space<hbm>>
    tpu.enqueue_dma source(%arg7 : memref<128x144xf32, #tpu.memory_space<vmem>>) target(%dma_start3A_573 : memref<128x144xf32, #tpu.memory_space<hbm>>) target_semaphore(%arg11 : memref<!tpu.dma_semaphore, #tpu.memory_space<semaphore_mem>>)
    %dma_wait3A_574 = arith.constant 0 : i32
    %dma_wait3A_575 = tpu.memref_slice %arg4[%add3A_569, %dma_wait3A_574] : memref<86016x144xf32, #tpu.memory_space<hbm>> -> memref<128x144xf32, #tpu.memory_space<hbm>>
    %dma_wait3A_576 = arith.constant 0 : i32
    %dma_wait3A_577 = tpu.memref_slice %arg4[%add3A_569, %dma_wait3A_576] : memref<86016x144xf32, #tpu.memory_space<hbm>> -> memref<128x144xf32, #tpu.memory_space<hbm>>
    tpu.wait_dma2 semaphore(%arg11 : memref<!tpu.dma_semaphore, #tpu.memory_space<semaphore_mem>>) src(%arg7 : memref<128x144xf32, #tpu.memory_space<vmem>>) dst(%dma_wait3A_577 : memref<128x144xf32, #tpu.memory_space<hbm>>)
    %dma_start3A_578 = arith.constant 19 : i32
    %dma_start3A_579 = arith.constant 0 : i32
    %dma_start3A_580 = tpu.memref_slice %arg5[%dma_start3A_578, %dma_start3A_579] : memref<21x128xi32, #tpu.memory_space<vmem>> -> memref<1x128xi32, #tpu.memory_space<vmem>>
    %dma_start3A_581 = tpu.memref_squeeze %dma_start3A_580 : memref<1x128xi32, #tpu.memory_space<vmem>> -> memref<128xi32, #tpu.memory_space<vmem>>
    %dma_start3A_582 = arith.constant 0 : i32
    %dma_start3A_583 = arith.constant 0 : i32
    %dma_start3A_584 = tpu.memref_slice %arg2[%dma_start3A_582, %dma_start3A_583] : memref<10000x144xf32, #tpu.memory_space<hbm>> -> memref<10000x144xf32, #tpu.memory_space<hbm>>
    tpu.enqueue_indirect_dma source(%dma_start3A_584 : memref<10000x144xf32, #tpu.memory_space<hbm>>) target(%arg7 : memref<128x144xf32, #tpu.memory_space<vmem>>) offsets(%dma_start3A_581 : memref<128xi32, #tpu.memory_space<vmem>>) semaphore(%arg9 : memref<!tpu.dma_semaphore, #tpu.memory_space<semaphore_mem>>)
    %dma_wait3A_585 = arith.constant 18 : i32
    %dma_wait3A_586 = arith.constant 0 : i32
    %dma_wait3A_587 = tpu.memref_slice %arg5[%dma_wait3A_585, %dma_wait3A_586] : memref<21x128xi32, #tpu.memory_space<vmem>> -> memref<1x128xi32, #tpu.memory_space<vmem>>
    %dma_wait3A_588 = tpu.memref_squeeze %dma_wait3A_587 : memref<1x128xi32, #tpu.memory_space<vmem>> -> memref<128xi32, #tpu.memory_space<vmem>>
    %dma_wait3A_589 = arith.constant 0 : i32
    %dma_wait3A_590 = arith.constant 0 : i32
    %dma_wait3A_591 = tpu.memref_slice %arg2[%dma_wait3A_589, %dma_wait3A_590] : memref<10000x144xf32, #tpu.memory_space<hbm>> -> memref<10000x144xf32, #tpu.memory_space<hbm>>
    tpu.wait_indirect_dma semaphore(%arg8 : memref<!tpu.dma_semaphore, #tpu.memory_space<semaphore_mem>>) src(%dma_wait3A_591 : memref<10000x144xf32, #tpu.memory_space<hbm>>) dst(%arg6 : memref<128x144xf32, #tpu.memory_space<vmem>>)
    %mul3A_592 = arith.constant 2688 : i32
    %mul3A_593 = arith.muli %add3A, %mul3A_592 : i32
    %add3A_594 = arith.constant 2304 : i32
    %add3A_595 = arith.addi %mul3A_593, %add3A_594 : i32
    %dma_start3A_596 = arith.constant 0 : i32
    %dma_start3A_597 = tpu.memref_slice %arg4[%add3A_595, %dma_start3A_596] : memref<86016x144xf32, #tpu.memory_space<hbm>> -> memref<128x144xf32, #tpu.memory_space<hbm>>
    %dma_start3A_598 = arith.constant 0 : i32
    %dma_start3A_599 = tpu.memref_slice %arg4[%add3A_595, %dma_start3A_598] : memref<86016x144xf32, #tpu.memory_space<hbm>> -> memref<128x144xf32, #tpu.memory_space<hbm>>
    tpu.enqueue_dma source(%arg6 : memref<128x144xf32, #tpu.memory_space<vmem>>) target(%dma_start3A_599 : memref<128x144xf32, #tpu.memory_space<hbm>>) target_semaphore(%arg10 : memref<!tpu.dma_semaphore, #tpu.memory_space<semaphore_mem>>)
    %dma_wait3A_600 = arith.constant 0 : i32
    %dma_wait3A_601 = tpu.memref_slice %arg4[%add3A_595, %dma_wait3A_600] : memref<86016x144xf32, #tpu.memory_space<hbm>> -> memref<128x144xf32, #tpu.memory_space<hbm>>
    %dma_wait3A_602 = arith.constant 0 : i32
    %dma_wait3A_603 = tpu.memref_slice %arg4[%add3A_595, %dma_wait3A_602] : memref<86016x144xf32, #tpu.memory_space<hbm>> -> memref<128x144xf32, #tpu.memory_space<hbm>>
    tpu.wait_dma2 semaphore(%arg10 : memref<!tpu.dma_semaphore, #tpu.memory_space<semaphore_mem>>) src(%arg6 : memref<128x144xf32, #tpu.memory_space<vmem>>) dst(%dma_wait3A_603 : memref<128x144xf32, #tpu.memory_space<hbm>>)
    %dma_start3A_604 = arith.constant 20 : i32
    %dma_start3A_605 = arith.constant 0 : i32
    %dma_start3A_606 = tpu.memref_slice %arg5[%dma_start3A_604, %dma_start3A_605] : memref<21x128xi32, #tpu.memory_space<vmem>> -> memref<1x128xi32, #tpu.memory_space<vmem>>
    %dma_start3A_607 = tpu.memref_squeeze %dma_start3A_606 : memref<1x128xi32, #tpu.memory_space<vmem>> -> memref<128xi32, #tpu.memory_space<vmem>>
    %dma_start3A_608 = arith.constant 0 : i32
    %dma_start3A_609 = arith.constant 0 : i32
    %dma_start3A_610 = tpu.memref_slice %arg2[%dma_start3A_608, %dma_start3A_609] : memref<10000x144xf32, #tpu.memory_space<hbm>> -> memref<10000x144xf32, #tpu.memory_space<hbm>>
    tpu.enqueue_indirect_dma source(%dma_start3A_610 : memref<10000x144xf32, #tpu.memory_space<hbm>>) target(%arg6 : memref<128x144xf32, #tpu.memory_space<vmem>>) offsets(%dma_start3A_607 : memref<128xi32, #tpu.memory_space<vmem>>) semaphore(%arg8 : memref<!tpu.dma_semaphore, #tpu.memory_space<semaphore_mem>>)
    %dma_wait3A_611 = arith.constant 19 : i32
    %dma_wait3A_612 = arith.constant 0 : i32
    %dma_wait3A_613 = tpu.memref_slice %arg5[%dma_wait3A_611, %dma_wait3A_612] : memref<21x128xi32, #tpu.memory_space<vmem>> -> memref<1x128xi32, #tpu.memory_space<vmem>>
    %dma_wait3A_614 = tpu.memref_squeeze %dma_wait3A_613 : memref<1x128xi32, #tpu.memory_space<vmem>> -> memref<128xi32, #tpu.memory_space<vmem>>
    %dma_wait3A_615 = arith.constant 0 : i32
    %dma_wait3A_616 = arith.constant 0 : i32
    %dma_wait3A_617 = tpu.memref_slice %arg2[%dma_wait3A_615, %dma_wait3A_616] : memref<10000x144xf32, #tpu.memory_space<hbm>> -> memref<10000x144xf32, #tpu.memory_space<hbm>>
    tpu.wait_indirect_dma semaphore(%arg9 : memref<!tpu.dma_semaphore, #tpu.memory_space<semaphore_mem>>) src(%dma_wait3A_617 : memref<10000x144xf32, #tpu.memory_space<hbm>>) dst(%arg7 : memref<128x144xf32, #tpu.memory_space<vmem>>)
    %mul3A_618 = arith.constant 2688 : i32
    %mul3A_619 = arith.muli %add3A, %mul3A_618 : i32
    %add3A_620 = arith.constant 2432 : i32
    %add3A_621 = arith.addi %mul3A_619, %add3A_620 : i32
    %dma_start3A_622 = arith.constant 0 : i32
    %dma_start3A_623 = tpu.memref_slice %arg4[%add3A_621, %dma_start3A_622] : memref<86016x144xf32, #tpu.memory_space<hbm>> -> memref<128x144xf32, #tpu.memory_space<hbm>>
    %dma_start3A_624 = arith.constant 0 : i32
    %dma_start3A_625 = tpu.memref_slice %arg4[%add3A_621, %dma_start3A_624] : memref<86016x144xf32, #tpu.memory_space<hbm>> -> memref<128x144xf32, #tpu.memory_space<hbm>>
    tpu.enqueue_dma source(%arg7 : memref<128x144xf32, #tpu.memory_space<vmem>>) target(%dma_start3A_625 : memref<128x144xf32, #tpu.memory_space<hbm>>) target_semaphore(%arg11 : memref<!tpu.dma_semaphore, #tpu.memory_space<semaphore_mem>>)
    %dma_wait3A_626 = arith.constant 20 : i32
    %dma_wait3A_627 = arith.constant 0 : i32
    %dma_wait3A_628 = tpu.memref_slice %arg5[%dma_wait3A_626, %dma_wait3A_627] : memref<21x128xi32, #tpu.memory_space<vmem>> -> memref<1x128xi32, #tpu.memory_space<vmem>>
    %dma_wait3A_629 = tpu.memref_squeeze %dma_wait3A_628 : memref<1x128xi32, #tpu.memory_space<vmem>> -> memref<128xi32, #tpu.memory_space<vmem>>
    %dma_wait3A_630 = arith.constant 0 : i32
    %dma_wait3A_631 = arith.constant 0 : i32
    %dma_wait3A_632 = tpu.memref_slice %arg2[%dma_wait3A_630, %dma_wait3A_631] : memref<10000x144xf32, #tpu.memory_space<hbm>> -> memref<10000x144xf32, #tpu.memory_space<hbm>>
    tpu.wait_indirect_dma semaphore(%arg8 : memref<!tpu.dma_semaphore, #tpu.memory_space<semaphore_mem>>) src(%dma_wait3A_632 : memref<10000x144xf32, #tpu.memory_space<hbm>>) dst(%arg6 : memref<128x144xf32, #tpu.memory_space<vmem>>)
    %mul3A_633 = arith.constant 2688 : i32
    %mul3A_634 = arith.muli %add3A, %mul3A_633 : i32
    %add3A_635 = arith.constant 2560 : i32
    %add3A_636 = arith.addi %mul3A_634, %add3A_635 : i32
    %dma_start3A_637 = arith.constant 0 : i32
    %dma_start3A_638 = tpu.memref_slice %arg4[%add3A_636, %dma_start3A_637] : memref<86016x144xf32, #tpu.memory_space<hbm>> -> memref<128x144xf32, #tpu.memory_space<hbm>>
    %dma_start3A_639 = arith.constant 0 : i32
    %dma_start3A_640 = tpu.memref_slice %arg4[%add3A_636, %dma_start3A_639] : memref<86016x144xf32, #tpu.memory_space<hbm>> -> memref<128x144xf32, #tpu.memory_space<hbm>>
    tpu.enqueue_dma source(%arg6 : memref<128x144xf32, #tpu.memory_space<vmem>>) target(%dma_start3A_640 : memref<128x144xf32, #tpu.memory_space<hbm>>) target_semaphore(%arg10 : memref<!tpu.dma_semaphore, #tpu.memory_space<semaphore_mem>>)
    %dma_wait3A_641 = arith.constant 0 : i32
    %dma_wait3A_642 = tpu.memref_slice %arg4[%add3A_621, %dma_wait3A_641] : memref<86016x144xf32, #tpu.memory_space<hbm>> -> memref<128x144xf32, #tpu.memory_space<hbm>>
    %dma_wait3A_643 = arith.constant 0 : i32
    %dma_wait3A_644 = tpu.memref_slice %arg4[%add3A_621, %dma_wait3A_643] : memref<86016x144xf32, #tpu.memory_space<hbm>> -> memref<128x144xf32, #tpu.memory_space<hbm>>
    tpu.wait_dma2 semaphore(%arg11 : memref<!tpu.dma_semaphore, #tpu.memory_space<semaphore_mem>>) src(%arg7 : memref<128x144xf32, #tpu.memory_space<vmem>>) dst(%dma_wait3A_644 : memref<128x144xf32, #tpu.memory_space<hbm>>)
    %dma_wait3A_645 = arith.constant 0 : i32
    %dma_wait3A_646 = tpu.memref_slice %arg4[%add3A_636, %dma_wait3A_645] : memref<86016x144xf32, #tpu.memory_space<hbm>> -> memref<128x144xf32, #tpu.memory_space<hbm>>
    %dma_wait3A_647 = arith.constant 0 : i32
    %dma_wait3A_648 = tpu.memref_slice %arg4[%add3A_636, %dma_wait3A_647] : memref<86016x144xf32, #tpu.memory_space<hbm>> -> memref<128x144xf32, #tpu.memory_space<hbm>>
    tpu.wait_dma2 semaphore(%arg10 : memref<!tpu.dma_semaphore, #tpu.memory_space<semaphore_mem>>) src(%arg6 : memref<128x144xf32, #tpu.memory_space<vmem>>) dst(%dma_wait3A_648 : memref<128x144xf32, #tpu.memory_space<hbm>>)
    return
  }
}

module attributes {stable_mosaic.version = 14 : i64} {
  func.func @_fps_body(%arg0: memref<8x1280xf32, #tpu.memory_space<vmem>>, %arg1: memref<8x1280xf32, #tpu.memory_space<vmem>>, %arg2: memref<8x1280xf32, #tpu.memory_space<vmem>>, %arg3: memref<24x128xi32, #tpu.memory_space<vmem>>) attributes {dimension_semantics = [], scalar_prefetch = 0 : i64, scratch_operands = 0 : i64, tpu.core_type = #tpu.core_type<tc>} {
    %iota3A = tpu.iota {dimensions = array<i32: 0>} : vector<8x1280xi32>
    %iota3A_0 = tpu.iota {dimensions = array<i32: 1>} : vector<8x1280xi32>
    %mul3A = arith.constant 1280 : i32
    %mul3A_1 = vector.broadcast %mul3A : i32 to vector<8x1280xi32>
    %mul3A_2 = arith.muli %iota3A, %mul3A_1 : vector<8x1280xi32>
    %add3A = arith.addi %mul3A_2, %iota3A_0 : vector<8x1280xi32>
    %lt3A = arith.constant 10000 : i32
    %lt3A_3 = vector.broadcast %lt3A : i32 to vector<8x1280xi32>
    %lt3A_4 = arith.cmpi slt, %add3A, %lt3A_3 : vector<8x1280xi32>
    %jit3A = arith.constant 0x7F800000 : f32
    %jit3A_5 = arith.constant 0xFF800000 : f32
    %broadcast_in_dim3A = vector.broadcast %jit3A : f32 to vector<8x1280xf32>
    %broadcast_in_dim3A_6 = vector.broadcast %jit3A_5 : f32 to vector<8x1280xf32>
    %select_n3A = arith.select %lt3A_4, %broadcast_in_dim3A, %broadcast_in_dim3A_6 : vector<8x1280xi1>, vector<8x1280xf32>
    %iota3A_7 = tpu.iota {dimensions = array<i32: 0>} : vector<24x128xi32>
    %iota3A_8 = tpu.iota {dimensions = array<i32: 1>} : vector<24x128xi32>
    %mul3A_9 = arith.constant 128 : i32
    %mul3A_10 = vector.broadcast %mul3A_9 : i32 to vector<24x128xi32>
    %mul3A_11 = arith.muli %iota3A_7, %mul3A_10 : vector<24x128xi32>
    %add3A_12 = arith.addi %mul3A_11, %iota3A_8 : vector<24x128xi32>
    %broadcast_in_dim3A_13 = arith.constant 0 : i32
    %broadcast_in_dim3A_14 = vector.broadcast %broadcast_in_dim3A_13 : i32 to vector<24x128xi32>
    %eq3A = arith.constant 0 : i32
    %eq3A_15 = vector.broadcast %eq3A : i32 to vector<8x1280xi32>
    %eq3A_16 = arith.cmpi eq, %add3A, %eq3A_15 : vector<8x1280xi32>
    %get3A = arith.constant 0 : index
    %get3A_17 = arith.constant 0 : index
    %get3A_18 = vector.load %arg0[%get3A, %get3A_17] : memref<8x1280xf32, #tpu.memory_space<vmem>>, vector<8x1280xf32>
    %jit3A_19 = arith.constant 0.000000e+00 : f32
    %broadcast_in_dim3A_20 = vector.broadcast %jit3A_19 : f32 to vector<8x1280xf32>
    %select_n3A_21 = arith.select %eq3A_16, %get3A_18, %broadcast_in_dim3A_20 : vector<8x1280xi1>, vector<8x1280xf32>
    %reduce_sum3A = vector.shape_cast %select_n3A_21 : vector<8x1280xf32> to vector<1x8x1280xf32>
    %reduce_sum3A_22 = arith.constant dense<0.000000e+00> : vector<1xf32>
    %reduce_sum3A_23 = vector.multi_reduction <add>, %reduce_sum3A, %reduce_sum3A_22 [1, 2] : vector<1x8x1280xf32> to vector<1xf32>
    %reduce_sum3A_24 = vector.shape_cast %reduce_sum3A_23 : vector<1xf32> to vector<1x1x1xf32>
    %reduce_sum3A_25 = vector.extract %reduce_sum3A_24[0, 0, 0] : f32 from vector<1x1x1xf32>
    %get3A_26 = arith.constant 0 : index
    %get3A_27 = arith.constant 0 : index
    %get3A_28 = vector.load %arg1[%get3A_26, %get3A_27] : memref<8x1280xf32, #tpu.memory_space<vmem>>, vector<8x1280xf32>
    %jit3A_29 = arith.constant 0.000000e+00 : f32
    %broadcast_in_dim3A_30 = vector.broadcast %jit3A_29 : f32 to vector<8x1280xf32>
    %select_n3A_31 = arith.select %eq3A_16, %get3A_28, %broadcast_in_dim3A_30 : vector<8x1280xi1>, vector<8x1280xf32>
    %reduce_sum3A_32 = vector.shape_cast %select_n3A_31 : vector<8x1280xf32> to vector<1x8x1280xf32>
    %reduce_sum3A_33 = arith.constant dense<0.000000e+00> : vector<1xf32>
    %reduce_sum3A_34 = vector.multi_reduction <add>, %reduce_sum3A_32, %reduce_sum3A_33 [1, 2] : vector<1x8x1280xf32> to vector<1xf32>
    %reduce_sum3A_35 = vector.shape_cast %reduce_sum3A_34 : vector<1xf32> to vector<1x1x1xf32>
    %reduce_sum3A_36 = vector.extract %reduce_sum3A_35[0, 0, 0] : f32 from vector<1x1x1xf32>
    %get3A_37 = arith.constant 0 : index
    %get3A_38 = arith.constant 0 : index
    %get3A_39 = vector.load %arg2[%get3A_37, %get3A_38] : memref<8x1280xf32, #tpu.memory_space<vmem>>, vector<8x1280xf32>
    %jit3A_40 = arith.constant 0.000000e+00 : f32
    %broadcast_in_dim3A_41 = vector.broadcast %jit3A_40 : f32 to vector<8x1280xf32>
    %select_n3A_42 = arith.select %eq3A_16, %get3A_39, %broadcast_in_dim3A_41 : vector<8x1280xi1>, vector<8x1280xf32>
    %reduce_sum3A_43 = vector.shape_cast %select_n3A_42 : vector<8x1280xf32> to vector<1x8x1280xf32>
    %reduce_sum3A_44 = arith.constant dense<0.000000e+00> : vector<1xf32>
    %reduce_sum3A_45 = vector.multi_reduction <add>, %reduce_sum3A_43, %reduce_sum3A_44 [1, 2] : vector<1x8x1280xf32> to vector<1xf32>
    %reduce_sum3A_46 = vector.shape_cast %reduce_sum3A_45 : vector<1xf32> to vector<1x1x1xf32>
    %reduce_sum3A_47 = vector.extract %reduce_sum3A_46[0, 0, 0] : f32 from vector<1x1x1xf32>
    %scan3A = arith.constant 1 : i32
    %scan3A_48 = arith.constant 2499 : i32
    %scan3A_49 = arith.addi %scan3A, %scan3A_48 : i32
    %scan3A_50 = arith.constant 1 : i32
    %scan3A_51:5 = scf.for %scan3A_55 = %scan3A to %scan3A_49 step %scan3A_50 iter_args(%scan3A_56 = %select_n3A, %scan3A_57 = %broadcast_in_dim3A_14, %scan3A_58 = %reduce_sum3A_25, %scan3A_59 = %reduce_sum3A_36, %scan3A_60 = %reduce_sum3A_47) -> (vector<8x1280xf32>, vector<24x128xi32>, f32, f32, f32)  : i32 {
      %get3A_61 = arith.constant 0 : index
      %get3A_62 = arith.constant 0 : index
      %get3A_63 = vector.load %arg0[%get3A_61, %get3A_62] : memref<8x1280xf32, #tpu.memory_space<vmem>>, vector<8x1280xf32>
      %sub3A = vector.broadcast %scan3A_58 : f32 to vector<8x1280xf32>
      %sub3A_64 = arith.subf %get3A_63, %sub3A : vector<8x1280xf32>
      %get3A_65 = arith.constant 0 : index
      %get3A_66 = arith.constant 0 : index
      %get3A_67 = vector.load %arg1[%get3A_65, %get3A_66] : memref<8x1280xf32, #tpu.memory_space<vmem>>, vector<8x1280xf32>
      %sub3A_68 = vector.broadcast %scan3A_59 : f32 to vector<8x1280xf32>
      %sub3A_69 = arith.subf %get3A_67, %sub3A_68 : vector<8x1280xf32>
      %get3A_70 = arith.constant 0 : index
      %get3A_71 = arith.constant 0 : index
      %get3A_72 = vector.load %arg2[%get3A_70, %get3A_71] : memref<8x1280xf32, #tpu.memory_space<vmem>>, vector<8x1280xf32>
      %sub3A_73 = vector.broadcast %scan3A_60 : f32 to vector<8x1280xf32>
      %sub3A_74 = arith.subf %get3A_72, %sub3A_73 : vector<8x1280xf32>
      %mul3A_75 = arith.mulf %sub3A_64, %sub3A_64 : vector<8x1280xf32>
      %mul3A_76 = arith.mulf %sub3A_74, %sub3A_74 : vector<8x1280xf32>
      %add3A_77 = arith.addf %mul3A_75, %mul3A_76 : vector<8x1280xf32>
      %mul3A_78 = arith.mulf %sub3A_69, %sub3A_69 : vector<8x1280xf32>
      %add3A_79 = arith.addf %add3A_77, %mul3A_78 : vector<8x1280xf32>
      %min3A = arith.minimumf %scan3A_56, %add3A_79 : vector<8x1280xf32>
      %reduce_max3A = vector.shape_cast %min3A : vector<8x1280xf32> to vector<1x8x1280xf32>
      %reduce_max3A_80 = arith.constant dense<0xFF800000> : vector<1xf32>
      %reduce_max3A_81 = vector.multi_reduction <maximumf>, %reduce_max3A, %reduce_max3A_80 [1, 2] : vector<1x8x1280xf32> to vector<1xf32>
      %reduce_max3A_82 = vector.shape_cast %reduce_max3A_81 : vector<1xf32> to vector<1x1x1xf32>
      %reduce_max3A_83 = vector.extract %reduce_max3A_82[0, 0, 0] : f32 from vector<1x1x1xf32>
      %eq3A_84 = vector.broadcast %reduce_max3A_83 : f32 to vector<8x1280xf32>
      %eq3A_85 = arith.cmpf oeq, %min3A, %eq3A_84 : vector<8x1280xf32>
      %jit3A_86 = arith.constant 1073741824 : i32
      %broadcast_in_dim3A_87 = vector.broadcast %jit3A_86 : i32 to vector<8x1280xi32>
      %select_n3A_88 = arith.select %eq3A_85, %add3A, %broadcast_in_dim3A_87 : vector<8x1280xi1>, vector<8x1280xi32>
      %reduce_min3A = vector.shape_cast %select_n3A_88 : vector<8x1280xi32> to vector<1x8x1280xi32>
      %reduce_min3A_89 = arith.constant dense<2147483647> : vector<1xi32>
      %reduce_min3A_90 = vector.multi_reduction <minsi>, %reduce_min3A, %reduce_min3A_89 [1, 2] : vector<1x8x1280xi32> to vector<1xi32>
      %reduce_min3A_91 = vector.shape_cast %reduce_min3A_90 : vector<1xi32> to vector<1x1x1xi32>
      %reduce_min3A_92 = vector.extract %reduce_min3A_91[0, 0, 0] : i32 from vector<1x1x1xi32>
      %eq3A_93 = vector.broadcast %reduce_min3A_92 : i32 to vector<8x1280xi32>
      %eq3A_94 = arith.cmpi eq, %add3A, %eq3A_93 : vector<8x1280xi32>
      %get3A_95 = arith.constant 0 : index
      %get3A_96 = arith.constant 0 : index
      %get3A_97 = vector.load %arg0[%get3A_95, %get3A_96] : memref<8x1280xf32, #tpu.memory_space<vmem>>, vector<8x1280xf32>
      %jit3A_98 = arith.constant 0.000000e+00 : f32
      %broadcast_in_dim3A_99 = vector.broadcast %jit3A_98 : f32 to vector<8x1280xf32>
      %select_n3A_100 = arith.select %eq3A_94, %get3A_97, %broadcast_in_dim3A_99 : vector<8x1280xi1>, vector<8x1280xf32>
      %reduce_sum3A_101 = vector.shape_cast %select_n3A_100 : vector<8x1280xf32> to vector<1x8x1280xf32>
      %reduce_sum3A_102 = arith.constant dense<0.000000e+00> : vector<1xf32>
      %reduce_sum3A_103 = vector.multi_reduction <add>, %reduce_sum3A_101, %reduce_sum3A_102 [1, 2] : vector<1x8x1280xf32> to vector<1xf32>
      %reduce_sum3A_104 = vector.shape_cast %reduce_sum3A_103 : vector<1xf32> to vector<1x1x1xf32>
      %reduce_sum3A_105 = vector.extract %reduce_sum3A_104[0, 0, 0] : f32 from vector<1x1x1xf32>
      %get3A_106 = arith.constant 0 : index
      %get3A_107 = arith.constant 0 : index
      %get3A_108 = vector.load %arg1[%get3A_106, %get3A_107] : memref<8x1280xf32, #tpu.memory_space<vmem>>, vector<8x1280xf32>
      %jit3A_109 = arith.constant 0.000000e+00 : f32
      %broadcast_in_dim3A_110 = vector.broadcast %jit3A_109 : f32 to vector<8x1280xf32>
      %select_n3A_111 = arith.select %eq3A_94, %get3A_108, %broadcast_in_dim3A_110 : vector<8x1280xi1>, vector<8x1280xf32>
      %reduce_sum3A_112 = vector.shape_cast %select_n3A_111 : vector<8x1280xf32> to vector<1x8x1280xf32>
      %reduce_sum3A_113 = arith.constant dense<0.000000e+00> : vector<1xf32>
      %reduce_sum3A_114 = vector.multi_reduction <add>, %reduce_sum3A_112, %reduce_sum3A_113 [1, 2] : vector<1x8x1280xf32> to vector<1xf32>
      %reduce_sum3A_115 = vector.shape_cast %reduce_sum3A_114 : vector<1xf32> to vector<1x1x1xf32>
      %reduce_sum3A_116 = vector.extract %reduce_sum3A_115[0, 0, 0] : f32 from vector<1x1x1xf32>
      %get3A_117 = arith.constant 0 : index
      %get3A_118 = arith.constant 0 : index
      %get3A_119 = vector.load %arg2[%get3A_117, %get3A_118] : memref<8x1280xf32, #tpu.memory_space<vmem>>, vector<8x1280xf32>
      %jit3A_120 = arith.constant 0.000000e+00 : f32
      %broadcast_in_dim3A_121 = vector.broadcast %jit3A_120 : f32 to vector<8x1280xf32>
      %select_n3A_122 = arith.select %eq3A_94, %get3A_119, %broadcast_in_dim3A_121 : vector<8x1280xi1>, vector<8x1280xf32>
      %reduce_sum3A_123 = vector.shape_cast %select_n3A_122 : vector<8x1280xf32> to vector<1x8x1280xf32>
      %reduce_sum3A_124 = arith.constant dense<0.000000e+00> : vector<1xf32>
      %reduce_sum3A_125 = vector.multi_reduction <add>, %reduce_sum3A_123, %reduce_sum3A_124 [1, 2] : vector<1x8x1280xf32> to vector<1xf32>
      %reduce_sum3A_126 = vector.shape_cast %reduce_sum3A_125 : vector<1xf32> to vector<1x1x1xf32>
      %reduce_sum3A_127 = vector.extract %reduce_sum3A_126[0, 0, 0] : f32 from vector<1x1x1xf32>
      %eq3A_128 = vector.broadcast %scan3A_55 : i32 to vector<24x128xi32>
      %eq3A_129 = arith.cmpi eq, %add3A_12, %eq3A_128 : vector<24x128xi32>
      %broadcast_in_dim3A_130 = vector.broadcast %reduce_min3A_92 : i32 to vector<24x128xi32>
      %select_n3A_131 = arith.select %eq3A_129, %broadcast_in_dim3A_130, %scan3A_57 : vector<24x128xi1>, vector<24x128xi32>
      scf.yield %min3A, %select_n3A_131, %reduce_sum3A_105, %reduce_sum3A_116, %reduce_sum3A_127 : vector<8x1280xf32>, vector<24x128xi32>, f32, f32, f32
    }
    %scan3A_52 = arith.constant 2499 : i32
    %swap3A = arith.constant 0 : index
    %swap3A_53 = arith.constant 0 : index
    %swap3A_54 = vector.load %arg3[%swap3A, %swap3A_53] : memref<24x128xi32, #tpu.memory_space<vmem>>, vector<24x128xi32>
    tpu.vector_store %arg3[%swap3A, %swap3A_53], %scan3A_51#1 {strides = array<i32>} : memref<24x128xi32, #tpu.memory_space<vmem>>, vector<24x128xi32>,
    return
  }
}

module attributes {stable_mosaic.version = 14 : i64} {
  func.func @_mlp_body(%arg0: i32, %arg1: memref<2048x144xf32, #tpu.memory_space<vmem>>, %arg2: memref<64x160xf32, #tpu.memory_space<vmem>>, %arg3: memref<128x144xf32, #tpu.memory_space<vmem>>, %arg4: memref<8x144xf32, #tpu.memory_space<vmem>>, %arg5: memref<1x144xf32, #tpu.memory_space<vmem>>, %arg6: memref<144x144xf32, #tpu.memory_space<vmem>>, %arg7: memref<1x144xf32, #tpu.memory_space<vmem>>, %arg8: memref<144x128xf32, #tpu.memory_space<vmem>>, %arg9: memref<1x128xf32, #tpu.memory_space<vmem>>, %arg10: memref<64x128xf32, #tpu.memory_space<vmem>>) attributes {dimension_semantics = [#tpu.dimension_semantics<arbitrary>], iteration_bounds = array<i64: 40>, scalar_prefetch = 0 : i64, scratch_operands = 0 : i64, tpu.core_type = #tpu.core_type<tc>, window_params = [{transform_indices = @transform_0, window_bounds = array<i64: 2048, 144>}, {transform_indices = @transform_1, window_bounds = array<i64: 64, 160>}, {pipeline_mode = #tpu.pipeline_mode<synchronous>, transform_indices = @transform_2, window_bounds = array<i64: 128, 144>}, {pipeline_mode = #tpu.pipeline_mode<synchronous>, transform_indices = @transform_3, window_bounds = array<i64: 8, 144>}, {pipeline_mode = #tpu.pipeline_mode<synchronous>, transform_indices = @transform_4, window_bounds = array<i64: 1, 144>}, {pipeline_mode = #tpu.pipeline_mode<synchronous>, transform_indices = @transform_5, window_bounds = array<i64: 144, 144>}, {pipeline_mode = #tpu.pipeline_mode<synchronous>, transform_indices = @transform_6, window_bounds = array<i64: 1, 144>}, {pipeline_mode = #tpu.pipeline_mode<synchronous>, transform_indices = @transform_7, window_bounds = array<i64: 144, 128>}, {pipeline_mode = #tpu.pipeline_mode<synchronous>, transform_indices = @transform_8, window_bounds = array<i64: 1, 128>}, {transform_indices = @transform_9, window_bounds = array<i64: 64, 128>}]} {
    %get3A = arith.constant 0 : index
    %get3A_0 = arith.constant 0 : index
    %get3A_1 = vector.load %arg1[%get3A, %get3A_0] : memref<2048x144xf32, #tpu.memory_space<vmem>>, vector<2048x144xf32>
    %get3A_2 = arith.constant 0 : index
    %get3A_3 = arith.constant 0 : index
    %get3A_4 = vector.load %arg2[%get3A_2, %get3A_3] : memref<64x160xf32, #tpu.memory_space<vmem>>, vector<64x160xf32>
    %iota3A = tpu.iota {dimensions = array<i32: 0>} : vector<2048x64xi32>
    %iota3A_5 = tpu.iota {dimensions = array<i32: 1>} : vector<2048x64xi32>
    %jit3A = arith.constant 32 : i32
    %div3A = vector.broadcast %jit3A : i32 to vector<2048x64xi32>
    %div3A_6 = arith.divsi %iota3A, %div3A : vector<2048x64xi32>
    %sign3A = arith.constant 0 : i32
    %sign3A_7 = vector.broadcast %sign3A : i32 to vector<2048x64xi32>
    %sign3A_8 = arith.cmpi sgt, %iota3A, %sign3A_7 : vector<2048x64xi32>
    %sign3A_9 = arith.extui %sign3A_8 : vector<2048x64xi1> to vector<2048x64xi32>
    %sign3A_10 = arith.constant 0 : i32
    %sign3A_11 = vector.broadcast %sign3A_10 : i32 to vector<2048x64xi32>
    %sign3A_12 = arith.cmpi slt, %iota3A, %sign3A_11 : vector<2048x64xi32>
    %sign3A_13 = arith.extui %sign3A_12 : vector<2048x64xi1> to vector<2048x64xi32>
    %sign3A_14 = arith.subi %sign3A_9, %sign3A_13 : vector<2048x64xi32>
    %sign3A_15 = arith.constant 0 : i32
    %sign3A_16 = arith.cmpi sgt, %jit3A, %sign3A_15 : i32
    %sign3A_17 = arith.extui %sign3A_16 : i1 to i32
    %sign3A_18 = arith.constant 0 : i32
    %sign3A_19 = arith.cmpi slt, %jit3A, %sign3A_18 : i32
    %sign3A_20 = arith.extui %sign3A_19 : i1 to i32
    %sign3A_21 = arith.subi %sign3A_17, %sign3A_20 : i32
    %ne3A = vector.broadcast %sign3A_21 : i32 to vector<2048x64xi32>
    %ne3A_22 = arith.cmpi ne, %sign3A_14, %ne3A : vector<2048x64xi32>
    %rem3A = vector.broadcast %jit3A : i32 to vector<2048x64xi32>
    %rem3A_23 = arith.remsi %iota3A, %rem3A : vector<2048x64xi32>
    %ne3A_24 = arith.constant 0 : i32
    %ne3A_25 = vector.broadcast %ne3A_24 : i32 to vector<2048x64xi32>
    %ne3A_26 = arith.cmpi ne, %rem3A_23, %ne3A_25 : vector<2048x64xi32>
    %and3A = arith.andi %ne3A_22, %ne3A_26 : vector<2048x64xi1>
    %sub3A = arith.constant 1 : i32
    %sub3A_27 = vector.broadcast %sub3A : i32 to vector<2048x64xi32>
    %sub3A_28 = arith.subi %div3A_6, %sub3A_27 : vector<2048x64xi32>
    %select_n3A = arith.select %and3A, %sub3A_28, %div3A_6 : vector<2048x64xi1>, vector<2048x64xi32>
    %eq3A = arith.cmpi eq, %select_n3A, %iota3A_5 : vector<2048x64xi32>
    %convert_element_type3A = arith.extui %eq3A : vector<2048x64xi1> to vector<2048x64xi32>
    %convert_element_type3A_29 = arith.sitofp %convert_element_type3A : vector<2048x64xi32> to vector<2048x64xf32>
    %dot_general3A = arith.constant dense<0.000000e+00> : vector<2048x160xf32>
    %dot_general3A_30 = tpu.matmul %convert_element_type3A_29, %get3A_4, %dot_general3A {dimension_numbers = #tpu.dot_dimension_numbers<[1], [0], [0], [1], [0, 0, 1, 1], [], []>, precision = #tpu.contract_precision<fp32>, transpose_lhs_hint = false} : vector<2048x64xf32>, vector<64x160xf32>, vector<2048x160xf32> -> vector<2048x160xf32>
    %slice3A = vector.extract_strided_slice %get3A_1 {offsets = [0, 128], sizes = [2048, 1], strides = [1, 1]} : vector<2048x144xf32> to vector<2048x1xf32>
    %slice3A_31 = vector.extract_strided_slice %get3A_1 {offsets = [0, 129], sizes = [2048, 1], strides = [1, 1]} : vector<2048x144xf32> to vector<2048x1xf32>
    %slice3A_32 = vector.extract_strided_slice %get3A_1 {offsets = [0, 130], sizes = [2048, 1], strides = [1, 1]} : vector<2048x144xf32> to vector<2048x1xf32>
    %slice3A_33 = vector.extract_strided_slice %get3A_1 {offsets = [0, 131], sizes = [2048, 1], strides = [1, 1]} : vector<2048x144xf32> to vector<2048x1xf32>
    %slice3A_34 = vector.extract_strided_slice %get3A_1 {offsets = [0, 132], sizes = [2048, 1], strides = [1, 1]} : vector<2048x144xf32> to vector<2048x1xf32>
    %slice3A_35 = vector.extract_strided_slice %get3A_1 {offsets = [0, 133], sizes = [2048, 1], strides = [1, 1]} : vector<2048x144xf32> to vector<2048x1xf32>
    %slice3A_36 = vector.extract_strided_slice %dot_general3A_30 {offsets = [0, 128], sizes = [2048, 1], strides = [1, 1]} : vector<2048x160xf32> to vector<2048x1xf32>
    %slice3A_37 = vector.extract_strided_slice %dot_general3A_30 {offsets = [0, 129], sizes = [2048, 1], strides = [1, 1]} : vector<2048x160xf32> to vector<2048x1xf32>
    %slice3A_38 = vector.extract_strided_slice %dot_general3A_30 {offsets = [0, 130], sizes = [2048, 1], strides = [1, 1]} : vector<2048x160xf32> to vector<2048x1xf32>
    %slice3A_39 = vector.extract_strided_slice %dot_general3A_30 {offsets = [0, 131], sizes = [2048, 1], strides = [1, 1]} : vector<2048x160xf32> to vector<2048x1xf32>
    %slice3A_40 = vector.extract_strided_slice %dot_general3A_30 {offsets = [0, 132], sizes = [2048, 1], strides = [1, 1]} : vector<2048x160xf32> to vector<2048x1xf32>
    %slice3A_41 = vector.extract_strided_slice %dot_general3A_30 {offsets = [0, 133], sizes = [2048, 1], strides = [1, 1]} : vector<2048x160xf32> to vector<2048x1xf32>
    %slice3A_42 = vector.extract_strided_slice %dot_general3A_30 {offsets = [0, 144], sizes = [2048, 1], strides = [1, 1]} : vector<2048x160xf32> to vector<2048x1xf32>
    %sub3A_43 = arith.subf %slice3A, %slice3A_36 : vector<2048x1xf32>
    %sub3A_44 = arith.subf %slice3A_31, %slice3A_37 : vector<2048x1xf32>
    %sub3A_45 = arith.subf %slice3A_32, %slice3A_38 : vector<2048x1xf32>
    %mul3A = arith.mulf %sub3A_43, %sub3A_43 : vector<2048x1xf32>
    %mul3A_46 = arith.mulf %sub3A_44, %sub3A_44 : vector<2048x1xf32>
    %add3A = arith.addf %mul3A, %mul3A_46 : vector<2048x1xf32>
    %mul3A_47 = arith.mulf %sub3A_45, %sub3A_45 : vector<2048x1xf32>
    %add3A_48 = arith.addf %add3A, %mul3A_47 : vector<2048x1xf32>
    %add3A_49 = arith.constant 9.99999996E-13 : f32
    %add3A_50 = vector.broadcast %add3A_49 : f32 to vector<2048x1xf32>
    %add3A_51 = arith.addf %add3A_48, %add3A_50 : vector<2048x1xf32>
    %sqrt3A = math.sqrt %add3A_51 : vector<2048x1xf32>
    %mul3A_52 = arith.mulf %slice3A_40, %sub3A_45 : vector<2048x1xf32>
    %mul3A_53 = arith.mulf %slice3A_41, %sub3A_44 : vector<2048x1xf32>
    %sub3A_54 = arith.subf %mul3A_52, %mul3A_53 : vector<2048x1xf32>
    %mul3A_55 = arith.mulf %slice3A_41, %sub3A_43 : vector<2048x1xf32>
    %mul3A_56 = arith.mulf %slice3A_39, %sub3A_45 : vector<2048x1xf32>
    %sub3A_57 = arith.subf %mul3A_55, %mul3A_56 : vector<2048x1xf32>
    %mul3A_58 = arith.mulf %slice3A_39, %sub3A_44 : vector<2048x1xf32>
    %mul3A_59 = arith.mulf %slice3A_40, %sub3A_43 : vector<2048x1xf32>
    %sub3A_60 = arith.subf %mul3A_58, %mul3A_59 : vector<2048x1xf32>
    %mul3A_61 = arith.mulf %sub3A_54, %sub3A_54 : vector<2048x1xf32>
    %mul3A_62 = arith.mulf %sub3A_57, %sub3A_57 : vector<2048x1xf32>
    %add3A_63 = arith.addf %mul3A_61, %mul3A_62 : vector<2048x1xf32>
    %mul3A_64 = arith.mulf %sub3A_60, %sub3A_60 : vector<2048x1xf32>
    %add3A_65 = arith.addf %add3A_63, %mul3A_64 : vector<2048x1xf32>
    %add3A_66 = arith.constant 9.99999996E-13 : f32
    %add3A_67 = vector.broadcast %add3A_66 : f32 to vector<2048x1xf32>
    %add3A_68 = arith.addf %add3A_65, %add3A_67 : vector<2048x1xf32>
    %sqrt3A_69 = math.sqrt %add3A_68 : vector<2048x1xf32>
    %mul3A_70 = arith.mulf %slice3A_39, %sub3A_43 : vector<2048x1xf32>
    %mul3A_71 = arith.mulf %slice3A_40, %sub3A_44 : vector<2048x1xf32>
    %add3A_72 = arith.addf %mul3A_70, %mul3A_71 : vector<2048x1xf32>
    %mul3A_73 = arith.mulf %slice3A_41, %sub3A_45 : vector<2048x1xf32>
    %add3A_74 = arith.addf %add3A_72, %mul3A_73 : vector<2048x1xf32>
    %atan23A = math.atan2 %sqrt3A_69, %add3A_74 : vector<2048x1xf32>
    %mul3A_75 = arith.mulf %slice3A_34, %sub3A_45 : vector<2048x1xf32>
    %mul3A_76 = arith.mulf %slice3A_35, %sub3A_44 : vector<2048x1xf32>
    %sub3A_77 = arith.subf %mul3A_75, %mul3A_76 : vector<2048x1xf32>
    %mul3A_78 = arith.mulf %slice3A_35, %sub3A_43 : vector<2048x1xf32>
    %mul3A_79 = arith.mulf %slice3A_33, %sub3A_45 : vector<2048x1xf32>
    %sub3A_80 = arith.subf %mul3A_78, %mul3A_79 : vector<2048x1xf32>
    %mul3A_81 = arith.mulf %slice3A_33, %sub3A_44 : vector<2048x1xf32>
    %mul3A_82 = arith.mulf %slice3A_34, %sub3A_43 : vector<2048x1xf32>
    %sub3A_83 = arith.subf %mul3A_81, %mul3A_82 : vector<2048x1xf32>
    %mul3A_84 = arith.mulf %sub3A_77, %sub3A_77 : vector<2048x1xf32>
    %mul3A_85 = arith.mulf %sub3A_80, %sub3A_80 : vector<2048x1xf32>
    %add3A_86 = arith.addf %mul3A_84, %mul3A_85 : vector<2048x1xf32>
    %mul3A_87 = arith.mulf %sub3A_83, %sub3A_83 : vector<2048x1xf32>
    %add3A_88 = arith.addf %add3A_86, %mul3A_87 : vector<2048x1xf32>
    %add3A_89 = arith.constant 9.99999996E-13 : f32
    %add3A_90 = vector.broadcast %add3A_89 : f32 to vector<2048x1xf32>
    %add3A_91 = arith.addf %add3A_88, %add3A_90 : vector<2048x1xf32>
    %sqrt3A_92 = math.sqrt %add3A_91 : vector<2048x1xf32>
    %mul3A_93 = arith.mulf %slice3A_33, %sub3A_43 : vector<2048x1xf32>
    %mul3A_94 = arith.mulf %slice3A_34, %sub3A_44 : vector<2048x1xf32>
    %add3A_95 = arith.addf %mul3A_93, %mul3A_94 : vector<2048x1xf32>
    %mul3A_96 = arith.mulf %slice3A_35, %sub3A_45 : vector<2048x1xf32>
    %add3A_97 = arith.addf %add3A_95, %mul3A_96 : vector<2048x1xf32>
    %atan23A_98 = math.atan2 %sqrt3A_92, %add3A_97 : vector<2048x1xf32>
    %mul3A_99 = arith.mulf %slice3A_40, %slice3A_35 : vector<2048x1xf32>
    %mul3A_100 = arith.mulf %slice3A_41, %slice3A_34 : vector<2048x1xf32>
    %sub3A_101 = arith.subf %mul3A_99, %mul3A_100 : vector<2048x1xf32>
    %mul3A_102 = arith.mulf %slice3A_41, %slice3A_33 : vector<2048x1xf32>
    %mul3A_103 = arith.mulf %slice3A_39, %slice3A_35 : vector<2048x1xf32>
    %sub3A_104 = arith.subf %mul3A_102, %mul3A_103 : vector<2048x1xf32>
    %mul3A_105 = arith.mulf %slice3A_39, %slice3A_34 : vector<2048x1xf32>
    %mul3A_106 = arith.mulf %slice3A_40, %slice3A_33 : vector<2048x1xf32>
    %sub3A_107 = arith.subf %mul3A_105, %mul3A_106 : vector<2048x1xf32>
    %mul3A_108 = arith.mulf %sub3A_101, %sub3A_101 : vector<2048x1xf32>
    %mul3A_109 = arith.mulf %sub3A_104, %sub3A_104 : vector<2048x1xf32>
    %add3A_110 = arith.addf %mul3A_108, %mul3A_109 : vector<2048x1xf32>
    %mul3A_111 = arith.mulf %sub3A_107, %sub3A_107 : vector<2048x1xf32>
    %add3A_112 = arith.addf %add3A_110, %mul3A_111 : vector<2048x1xf32>
    %add3A_113 = arith.constant 9.99999996E-13 : f32
    %add3A_114 = vector.broadcast %add3A_113 : f32 to vector<2048x1xf32>
    %add3A_115 = arith.addf %add3A_112, %add3A_114 : vector<2048x1xf32>
    %sqrt3A_116 = math.sqrt %add3A_115 : vector<2048x1xf32>
    %mul3A_117 = arith.mulf %slice3A_39, %slice3A_33 : vector<2048x1xf32>
    %mul3A_118 = arith.mulf %slice3A_40, %slice3A_34 : vector<2048x1xf32>
    %add3A_119 = arith.addf %mul3A_117, %mul3A_118 : vector<2048x1xf32>
    %mul3A_120 = arith.mulf %slice3A_41, %slice3A_35 : vector<2048x1xf32>
    %add3A_121 = arith.addf %add3A_119, %mul3A_120 : vector<2048x1xf32>
    %atan23A_122 = math.atan2 %sqrt3A_116, %add3A_121 : vector<2048x1xf32>
    %get3A_123 = arith.constant 0 : index
    %get3A_124 = arith.constant 0 : index
    %get3A_125 = vector.load %arg4[%get3A_123, %get3A_124] : memref<8x144xf32, #tpu.memory_space<vmem>>, vector<8x144xf32>
    %slice3A_126 = vector.extract_strided_slice %get3A_1 {offsets = [0, 0], sizes = [2048, 128], strides = [1, 1]} : vector<2048x144xf32> to vector<2048x128xf32>
    %get3A_127 = arith.constant 0 : index
    %get3A_128 = arith.constant 0 : index
    %get3A_129 = vector.load %arg3[%get3A_127, %get3A_128] : memref<128x144xf32, #tpu.memory_space<vmem>>, vector<128x144xf32>
    %dot_general3A_130 = arith.constant dense<0.000000e+00> : vector<2048x144xf32>
    %dot_general3A_131 = tpu.matmul %slice3A_126, %get3A_129, %dot_general3A_130 {dimension_numbers = #tpu.dot_dimension_numbers<[1], [0], [0], [1], [0, 0, 1, 1], [], []>, precision = #tpu.contract_precision<fp32>, transpose_lhs_hint = false} : vector<2048x128xf32>, vector<128x144xf32>, vector<2048x144xf32> -> vector<2048x144xf32>
    %slice3A_132 = vector.extract_strided_slice %get3A_125 {offsets = [0, 0], sizes = [1, 144], strides = [1, 1]} : vector<8x144xf32> to vector<1x144xf32>
    %mul3A_133 = vector.broadcast %sqrt3A : vector<2048x1xf32> to vector<2048x144xf32>
    %mul3A_134 = vector.broadcast %slice3A_132 : vector<1x144xf32> to vector<2048x144xf32>
    %mul3A_135 = arith.mulf %mul3A_133, %mul3A_134 : vector<2048x144xf32>
    %add3A_136 = arith.addf %dot_general3A_131, %mul3A_135 : vector<2048x144xf32>
    %slice3A_137 = vector.extract_strided_slice %get3A_125 {offsets = [1, 0], sizes = [1, 144], strides = [1, 1]} : vector<8x144xf32> to vector<1x144xf32>
    %mul3A_138 = vector.broadcast %atan23A : vector<2048x1xf32> to vector<2048x144xf32>
    %mul3A_139 = vector.broadcast %slice3A_137 : vector<1x144xf32> to vector<2048x144xf32>
    %mul3A_140 = arith.mulf %mul3A_138, %mul3A_139 : vector<2048x144xf32>
    %add3A_141 = arith.addf %add3A_136, %mul3A_140 : vector<2048x144xf32>
    %slice3A_142 = vector.extract_strided_slice %get3A_125 {offsets = [2, 0], sizes = [1, 144], strides = [1, 1]} : vector<8x144xf32> to vector<1x144xf32>
    %mul3A_143 = vector.broadcast %atan23A_98 : vector<2048x1xf32> to vector<2048x144xf32>
    %mul3A_144 = vector.broadcast %slice3A_142 : vector<1x144xf32> to vector<2048x144xf32>
    %mul3A_145 = arith.mulf %mul3A_143, %mul3A_144 : vector<2048x144xf32>
    %add3A_146 = arith.addf %add3A_141, %mul3A_145 : vector<2048x144xf32>
    %slice3A_147 = vector.extract_strided_slice %get3A_125 {offsets = [3, 0], sizes = [1, 144], strides = [1, 1]} : vector<8x144xf32> to vector<1x144xf32>
    %mul3A_148 = vector.broadcast %atan23A_122 : vector<2048x1xf32> to vector<2048x144xf32>
    %mul3A_149 = vector.broadcast %slice3A_147 : vector<1x144xf32> to vector<2048x144xf32>
    %mul3A_150 = arith.mulf %mul3A_148, %mul3A_149 : vector<2048x144xf32>
    %add3A_151 = arith.addf %add3A_146, %mul3A_150 : vector<2048x144xf32>
    %get3A_152 = arith.constant 0 : index
    %get3A_153 = arith.constant 0 : index
    %get3A_154 = vector.load %arg5[%get3A_152, %get3A_153] : memref<1x144xf32, #tpu.memory_space<vmem>>, vector<1x144xf32>
    %add3A_155 = vector.broadcast %get3A_154 : vector<1x144xf32> to vector<2048x144xf32>
    %add3A_156 = arith.addf %add3A_151, %add3A_155 : vector<2048x144xf32>
    %max3A = arith.constant 0.000000e+00 : f32
    %max3A_157 = vector.broadcast %max3A : f32 to vector<2048x144xf32>
    %max3A_158 = arith.maximumf %add3A_156, %max3A_157 : vector<2048x144xf32>
    %get3A_159 = arith.constant 0 : index
    %get3A_160 = arith.constant 0 : index
    %get3A_161 = vector.load %arg6[%get3A_159, %get3A_160] : memref<144x144xf32, #tpu.memory_space<vmem>>, vector<144x144xf32>
    %dot_general3A_162 = arith.constant dense<0.000000e+00> : vector<2048x144xf32>
    %dot_general3A_163 = tpu.matmul %max3A_158, %get3A_161, %dot_general3A_162 {dimension_numbers = #tpu.dot_dimension_numbers<[1], [0], [0], [1], [0, 0, 1, 1], [], []>, precision = #tpu.contract_precision<fp32>, transpose_lhs_hint = false} : vector<2048x144xf32>, vector<144x144xf32>, vector<2048x144xf32> -> vector<2048x144xf32>
    %get3A_164 = arith.constant 0 : index
    %get3A_165 = arith.constant 0 : index
    %get3A_166 = vector.load %arg7[%get3A_164, %get3A_165] : memref<1x144xf32, #tpu.memory_space<vmem>>, vector<1x144xf32>
    %add3A_167 = vector.broadcast %get3A_166 : vector<1x144xf32> to vector<2048x144xf32>
    %add3A_168 = arith.addf %dot_general3A_163, %add3A_167 : vector<2048x144xf32>
    %max3A_169 = arith.constant 0.000000e+00 : f32
    %max3A_170 = vector.broadcast %max3A_169 : f32 to vector<2048x144xf32>
    %max3A_171 = arith.maximumf %add3A_168, %max3A_170 : vector<2048x144xf32>
    %slice3A_172 = vector.extract_strided_slice %iota3A {offsets = [0, 0], sizes = [2048, 1], strides = [1, 1]} : vector<2048x64xi32> to vector<2048x1xi32>
    %jit3A_173 = arith.constant 32 : i32
    %eq3A_174 = arith.constant 0 : i32
    %eq3A_175 = arith.cmpi eq, %jit3A_173, %eq3A_174 : i32
    %jit3A_176 = arith.constant 1 : i32
    %select_n3A_177 = arith.select %eq3A_175, %jit3A_176, %jit3A_173 : i32
    %rem3A_178 = vector.broadcast %select_n3A_177 : i32 to vector<2048x1xi32>
    %rem3A_179 = arith.remsi %slice3A_172, %rem3A_178 : vector<2048x1xi32>
    %ne3A_180 = arith.constant 0 : i32
    %ne3A_181 = vector.broadcast %ne3A_180 : i32 to vector<2048x1xi32>
    %ne3A_182 = arith.cmpi ne, %rem3A_179, %ne3A_181 : vector<2048x1xi32>
    %lt3A = arith.constant 0 : i32
    %lt3A_183 = vector.broadcast %lt3A : i32 to vector<2048x1xi32>
    %lt3A_184 = arith.cmpi slt, %rem3A_179, %lt3A_183 : vector<2048x1xi32>
    %lt3A_185 = arith.constant 0 : i32
    %lt3A_186 = arith.cmpi slt, %select_n3A_177, %lt3A_185 : i32
    %ne3A_187 = vector.broadcast %lt3A_186 : i1 to vector<2048x1xi1>
    %ne3A_188 = vector.broadcast %ne3A_187 : vector<2048x1xi1> to vector<2048x1xi1>
    %ne3A_189 = arith.xori %lt3A_184, %ne3A_188 : vector<2048x1xi1>
    %and3A_190 = arith.andi %ne3A_189, %ne3A_182 : vector<2048x1xi1>
    %add3A_191 = vector.broadcast %select_n3A_177 : i32 to vector<2048x1xi32>
    %add3A_192 = arith.addi %rem3A_179, %add3A_191 : vector<2048x1xi32>
    %select_n3A_193 = arith.select %and3A_190, %add3A_192, %rem3A_179 : vector<2048x1xi1>, vector<2048x1xi32>
    %convert_element_type3A_194 = arith.fptosi %slice3A_42 : vector<2048x1xf32> to vector<2048x1xi32>
    %lt3A_195 = arith.cmpi slt, %select_n3A_193, %convert_element_type3A_194 : vector<2048x1xi32>
    %convert_element_type3A_196 = arith.extui %lt3A_195 : vector<2048x1xi1> to vector<2048x1xi32>
    %convert_element_type3A_197 = arith.sitofp %convert_element_type3A_196 : vector<2048x1xi32> to vector<2048x1xf32>
    %mul3A_198 = vector.broadcast %convert_element_type3A_197 : vector<2048x1xf32> to vector<2048x144xf32>
    %mul3A_199 = arith.mulf %max3A_171, %mul3A_198 : vector<2048x144xf32>
    %reshape3A = vector.shape_cast %mul3A_199 : vector<2048x144xf32> to vector<64x32x144xf32>
    %reduce_sum3A = arith.constant dense<0.000000e+00> : vector<64x144xf32>
    %reduce_sum3A_200 = vector.multi_reduction <add>, %reshape3A, %reduce_sum3A [1] : vector<64x32x144xf32> to vector<64x144xf32>
    %slice3A_201 = vector.extract_strided_slice %get3A_4 {offsets = [0, 144], sizes = [64, 1], strides = [1, 1]} : vector<64x160xf32> to vector<64x1xf32>
    %max3A_202 = arith.constant 1.000000e+00 : f32
    %max3A_203 = vector.broadcast %max3A_202 : f32 to vector<64x1xf32>
    %max3A_204 = arith.maximumf %slice3A_201, %max3A_203 : vector<64x1xf32>
    %div3A_205 = vector.broadcast %max3A_204 : vector<64x1xf32> to vector<64x144xf32>
    %div3A_206 = arith.divf %reduce_sum3A_200, %div3A_205 : vector<64x144xf32>
    %get3A_207 = arith.constant 0 : index
    %get3A_208 = arith.constant 0 : index
    %get3A_209 = vector.load %arg8[%get3A_207, %get3A_208] : memref<144x128xf32, #tpu.memory_space<vmem>>, vector<144x128xf32>
    %dot_general3A_210 = arith.constant dense<0.000000e+00> : vector<64x128xf32>
    %dot_general3A_211 = tpu.matmul %div3A_206, %get3A_209, %dot_general3A_210 {dimension_numbers = #tpu.dot_dimension_numbers<[1], [0], [0], [1], [0, 0, 1, 1], [], []>, precision = #tpu.contract_precision<fp32>, transpose_lhs_hint = false} : vector<64x144xf32>, vector<144x128xf32>, vector<64x128xf32> -> vector<64x128xf32>
    %get3A_212 = arith.constant 0 : index
    %get3A_213 = arith.constant 0 : index
    %get3A_214 = vector.load %arg9[%get3A_212, %get3A_213] : memref<1x128xf32, #tpu.memory_space<vmem>>, vector<1x128xf32>
    %add3A_215 = vector.broadcast %get3A_214 : vector<1x128xf32> to vector<64x128xf32>
    %add3A_216 = arith.addf %dot_general3A_211, %add3A_215 : vector<64x128xf32>
    %max3A_217 = arith.constant 0.000000e+00 : f32
    %max3A_218 = vector.broadcast %max3A_217 : f32 to vector<64x128xf32>
    %max3A_219 = arith.maximumf %add3A_216, %max3A_218 : vector<64x128xf32>
    %swap3A = arith.constant 0 : index
    %swap3A_220 = arith.constant 0 : index
    %swap3A_221 = vector.load %arg10[%swap3A, %swap3A_220] : memref<64x128xf32, #tpu.memory_space<vmem>>, vector<64x128xf32>
    tpu.vector_store %arg10[%swap3A, %swap3A_220], %max3A_219 {strides = array<i32>} : memref<64x128xf32, #tpu.memory_space<vmem>>, vector<64x128xf32>,
    return
  }
  func.func @transform_0(%arg0: i32) -> (i32, i32) {
    %c0_i32 = arith.constant 0 : i32
    %c0_i32_0 = arith.constant 0 : i32
    return %arg0, %c0_i32 : i32, i32
  }
  func.func @transform_1(%arg0: i32) -> (i32, i32) {
    %c0_i32 = arith.constant 0 : i32
    %c0_i32_0 = arith.constant 0 : i32
    return %arg0, %c0_i32 : i32, i32
  }
  func.func @transform_2(%arg0: i32) -> (i32, i32) {
    %c0_i32 = arith.constant 0 : i32
    %c0_i32_0 = arith.constant 0 : i32
    %c0_i32_1 = arith.constant 0 : i32
    return %c0_i32, %c0_i32_0 : i32, i32
  }
  func.func @transform_3(%arg0: i32) -> (i32, i32) {
    %c0_i32 = arith.constant 0 : i32
    %c0_i32_0 = arith.constant 0 : i32
    %c0_i32_1 = arith.constant 0 : i32
    return %c0_i32, %c0_i32_0 : i32, i32
  }
  func.func @transform_4(%arg0: i32) -> (i32, i32) {
    %c0_i32 = arith.constant 0 : i32
    %c0_i32_0 = arith.constant 0 : i32
    %c0_i32_1 = arith.constant 0 : i32
    return %c0_i32, %c0_i32_0 : i32, i32
  }
  func.func @transform_5(%arg0: i32) -> (i32, i32) {
    %c0_i32 = arith.constant 0 : i32
    %c0_i32_0 = arith.constant 0 : i32
    %c0_i32_1 = arith.constant 0 : i32
    return %c0_i32, %c0_i32_0 : i32, i32
  }
  func.func @transform_6(%arg0: i32) -> (i32, i32) {
    %c0_i32 = arith.constant 0 : i32
    %c0_i32_0 = arith.constant 0 : i32
    %c0_i32_1 = arith.constant 0 : i32
    return %c0_i32, %c0_i32_0 : i32, i32
  }
  func.func @transform_7(%arg0: i32) -> (i32, i32) {
    %c0_i32 = arith.constant 0 : i32
    %c0_i32_0 = arith.constant 0 : i32
    %c0_i32_1 = arith.constant 0 : i32
    return %c0_i32, %c0_i32_0 : i32, i32
  }
  func.func @transform_8(%arg0: i32) -> (i32, i32) {
    %c0_i32 = arith.constant 0 : i32
    %c0_i32_0 = arith.constant 0 : i32
    %c0_i32_1 = arith.constant 0 : i32
    return %c0_i32, %c0_i32_0 : i32, i32
  }
  func.func @transform_9(%arg0: i32) -> (i32, i32) {
    %c0_i32 = arith.constant 0 : i32
    %c0_i32_0 = arith.constant 0 : i32
    return %arg0, %c0_i32 : i32, i32
  }
}

</mosaic_0001>

<sc_bundles>
// kernel: gather_offload_async_start
scs
__scs_entry_jumppad:
0x0: {  	(pc) =	sbr.rel $0x88, $3  }
0x1: {  	(tag) =	ssettag $0x0;
	lr =	simm.s32 $0x1  }
0x2: {  	[smem:$0x3F97] =	sst lr;
	_ =	strace $0xD0000000  }
0x3: {  	_ = 	snop  }
0x4: {  	_ = 	snop  }
0x5: {  	_ = 	snop  }
0x6: {  	_ = 	snop  }
0x7: {  	_ = 	snop  }
__scs_overlays_trampoline_lowered:
0x8: {  	[smem:$0x3FA6] =	sst s0  }
0x9: {  	[smem:$0x3FA7] =	sst s1  }
0xa: {  	[smem:$0x3FA8] =	sst s2  }
0xb: {  	[smem:$0x3FA9] =	sst s3  }
0xc: {  	[smem:$0x3FAA] =	sst s4  }
0xd: {  	[smem:$0x3FAB] =	sst s5  }
0xe: {  	[smem:$0x3FAC] =	sst s6  }
0xf: {  	[smem:$0x3FAD] =	sst s7  }
0x10: {  	[smem:$0x3FAE] =	sst s8  }
0x11: {  	[smem:$0x3FAF] =	sst s9;
	s0 =	simm.s32 @!p0 $0x0  }
0x12: {  	s1 =	sld [smem:$0x3F95];
	s0 =	simm.s32 @p0 $0x1  }
0x13: {  	[smem:$0x3FB0] =	sst s0;
	s0 =	simm.s32 @!p1 $0x0  }
0x14: {  	s2 =	sld [smem:$0x3F94];
	s0 =	simm.s32 @p1 $0x1  }
0x15: {  	[smem:$0x3FB1] =	sst s0;
	s0 =	simm.s32 @!p2 $0x0  }
0x16: {  	s3 =	sld [smem:$0x3FDB];
	s0 =	simm.s32 @p2 $0x1  }
0x17: {  	s4 =	simm.s32 $0x1BF5;
	[smem:$0x3FB3] =	sst s0  }
0x18: {  	s0 =	sld [smem:$0x3F96];
	_ =	swait.ge [sflag:s4], $0x0  }
0x19: {  	s7 =	sld [smem:$0x3F97]  }
0x1a: {  	s8 =	sadd.s32 $0xFFFFE003, lr  }
0x1b: {  	s9 =	sadd.s32 $0xFFFFFEF7, lr;
	s5 =	simm.s32 $0xFFFFFFFF;
	p2 =	slt.u32 s8, $0xFFFFF086  }
0x1c: {  	p1 =	slt.u32 s9, $0xF7A;
	s5 =	simm.s32 @!p2 $0x0  }
0x1d: {  	s5 =	simm.s32 @p1 $0x1;
	p0 =	seq.s32 s7, s2  }
0x1e: {  	s7 =	smul.u32 @!p0 $0xF7A, s2;
	p2 =	seq.s32 @!p0 s5, $0x0  }
0x1f: {  	s9 =	smul.u32 $0xF7A, s1;
	s8 =	simm.s32 @!p0 $0x1BF5;
	p2 =	por !p2, p0  }
0x20: {  	[sflag:s8] =	ssyncset.s32 @!p0 $0xFFFFF086;
	s6 =	sadd.s32 @!p0 s3, s7;
	s7 =	simm.s32 @!p0 $0x108  }
0x21: {  	s3 =	sadd.s32 s3, s9;
	s6 =	sadd.s32 @!p0 $0x88, s6;
	s7 =	simm.s32 @p2 $0x1082  }
0x22: {  	[simem:s7], [sflag:s8] =	dma.local @!p0 [hbm:s6], $0xF7A  }
0x23: {  	s9 =	sor.u32 $0xD0000000, s2;
	s6 =	simm.s32 $0x108;
	_ =	swait.ge @!p0 [sflag:s8], $0x0  }
0x24: {  	s3 =	sadd.s32 $0x88, s3;
	s6 =	simm.s32 @!p1 $0x1082;
	[sflag:s4] =	ssyncset.s32 $0xFFFFF086  }
0x25: {  	[simem:s6], [sflag:s4] =	dma.local [hbm:s3], $0xF7A  }
0x26: {  	[smem:$0x3F97] =	sst s1;
	(tag) =	ssettag s2;
	_ =	strace s9  }
0x27: {  	s1 =	sld [smem:$0x3FA7]  }
0x28: {  	s2 =	sld [smem:$0x3FA8]  }
0x29: {  	s4 =	sld [smem:$0x3FAA]  }
0x2a: {  	p0 =	seq.s32 s5, $0x0;
	s5 =	sld [smem:$0x3FAB]  }
0x2b: {  	s6 =	sld [smem:$0x3FAC]  }
0x2c: {  	s7 =	sld [smem:$0x3FAD]  }
0x2d: {  	s3 =	simm.s32 $0x108;
	s8 =	sld [smem:$0x3FAE]  }
0x2e: {  	s3 =	simm.s32 @!p0 $0x1082;
	s9 =	sld [smem:$0x3FAF]  }
0x2f: {  	lr =	sadd.s32 s0, s3;
	s0 =	sld [smem:$0x3FA6]  }
0x30: {  	s3 =	sld [smem:$0x3FA9]  }
0x31: {  	[smem:$0x3FB2] =	sst s10  }
0x32: {  	s10 =	sld [smem:$0x3FB0];
	_ =	sdelay $0x3  }
0x33: {  	p0 =	seq.s32 s10, $0x1;
	s10 =	sld [smem:$0x3FB2];
	_ =	sdelay $0x3  }
0x34: {  	[smem:$0x3FB2] =	sst s10  }
0x35: {  	s10 =	sld [smem:$0x3FB1];
	_ =	sdelay $0x3  }
0x36: {  	p1 =	seq.s32 s10, $0x1;
	s10 =	sld [smem:$0x3FB2];
	_ =	sdelay $0x3  }
0x37: {  	[smem:$0x3FB2] =	sst s10  }
0x38: {  	s10 =	sld [smem:$0x3FB3]  }
0x39: {  	_ = 	snop;
	(pc) =	sbr.ind lr, $3  }
0x3a: {  	_ = 	snop  }
0x3b: {  	_ = 	snop  }
0x3c: {  	p2 =	seq.s32 s10, $0x1;
	s10 =	sld [smem:$0x3FB2]  }
0x3d: {  	_ =	shalt  }
0x3e: {  	_ =	shalt  }
0x3f: {  	_ =	shalt  }
0x40: {  	_ =	shalt  }
0x41: {  	_ =	shalt  }
0x42: {  	_ =	shalt  }
0x43: {  	_ =	shalt  }
0x44: {  	_ =	shalt  }
0x45: {  	_ =	shalt  }
0x46: {  	_ =	shalt  }
0x47: {  	_ =	shalt  }
0x48: {  	_ =	shalt  }
0x49: {  	_ =	shalt  }
0x4a: {  	_ =	shalt  }
0x4b: {  	_ =	shalt  }
0x4c: {  	_ =	shalt  }
0x4d: {  	_ =	shalt  }
0x4e: {  	_ =	shalt  }
0x4f: {  	_ =	shalt  }
0x50: {  	_ =	shalt  }
0x51: {  	_ =	shalt  }
0x52: {  	_ =	shalt  }
0x53: {  	_ =	shalt  }
0x54: {  	_ =	shalt  }
0x55: {  	_ =	shalt  }
0x56: {  	_ =	shalt  }
0x57: {  	_ =	shalt  }
0x58: {  	_ =	shalt  }
0x59: {  	_ =	shalt  }
0x5a: {  	_ =	shalt  }
0x5b: {  	_ =	shalt  }
0x5c: {  	_ =	shalt  }
0x5d: {  	_ =	shalt  }
0x5e: {  	_ =	shalt  }
0x5f: {  	_ =	shalt  }
0x60: {  	_ =	shalt  }
0x61: {  	_ =	shalt  }
0x62: {  	_ =	shalt  }
0x63: {  	_ =	shalt  }
0x64: {  	_ =	shalt  }
0x65: {  	_ =	shalt  }
0x66: {  	_ =	shalt  }
0x67: {  	_ =	shalt  }
0x68: {  	_ =	shalt  }
0x69: {  	_ =	shalt  }
0x6a: {  	_ =	shalt  }
0x6b: {  	_ =	shalt  }
0x6c: {  	_ =	shalt  }
0x6d: {  	_ =	shalt  }
0x6e: {  	_ =	shalt  }
0x6f: {  	_ =	shalt  }
0x70: {  	_ =	shalt  }
0x71: {  	_ =	shalt  }
0x72: {  	_ =	shalt  }
0x73: {  	_ =	shalt  }
0x74: {  	_ =	shalt  }
0x75: {  	_ =	shalt  }
0x76: {  	_ =	shalt  }
0x77: {  	_ =	shalt  }
0x78: {  	_ =	shalt  }
0x79: {  	_ =	shalt  }
0x7a: {  	_ =	shalt  }
0x7b: {  	_ =	shalt  }
0x7c: {  	_ =	shalt  }
0x7d: {  	_ =	shalt  }
0x7e: {  	_ =	shalt  }
0x7f: {  	_ =	shalt  }
0x80: {  	_ =	shalt  }
0x81: {  	_ =	shalt  }
0x82: {  	_ =	shalt  }
0x83: {  	_ =	shalt  }
0x84: {  	_ =	shalt  }
0x85: {  	_ =	shalt  }
0x86: {  	_ =	shalt  }
0x87: {  	_ =	shalt  }
.Lfunc_end0:
.L_simem_size_0:
called_computation_lowered:
.L_overlay_start_0:
0x88: {  	s2 =	sld [smem:$0x3FD9]  }
0x89: {  	s3 =	sld [smem:$0x3FFE];
	_ =	sdelay $0x1  }
0x8a: {  	s1 =	srdreg.scid  }
0x8b: {  	s0 =	sand.u32 $0x1, s1  }
0x8c: {  	s14 =	sshll.u32 s0, $0xA;
	s2 =	sadd.s32 s3, s2  }
0x8d: {  	s2 =	sadd.s32 s2, s14  }
0x8e: {  	[smem:$0x3FBE] =	sst s2  }
0x8f: {  	_ = 	snop  }
0x90: {  	s2 =	sld [smem:$0x3FD0];
	_ =	sdelay $0x2  }
0x91: {  	s15 =	simm.s32 $0xA;
	s4 =	simm.s32 $0x10  }
0x92: {  	[smem:s4], [sflag:s15] =	dma.local [hbm:s2], $0x1  }
0x93: {  	_ =	swait.eq [sflag:s15], $0x1  }
0x94: {  	[sflag:s15] =	ssyncset.done $0x0  }
0x95: {  	[sflag:s15] =	ssyncadd.s32 $0xFFFFFFFF  }
0x96: {  	s16 =	sld [smem:$0x12];
	(tm) =	ssettm $0x1  }
0x97: {  	s17 =	sld [smem:$0x3FFB];
	_ =	sdelay $0x3  }
0x98: {  	_ =	strace s17  }
0x99: {  	s3 =	sld [smem:$0x3FFC];
	_ =	sdelay $0x3  }
0x9a: {  	_ =	strace s3  }
0x9b: {  	s3 =	sld [smem:$0x3FFD];
	_ =	sdelay $0x3  }
0x9c: {  	_ =	strace s3  }
0x9d: {  	_ =	strace $0x8FFFFFFF  }
0x9e: {  	s18 =	sld [smem:$0x3FDB];
	_ =	sdelay $0x1  }
0x9f: {  	s19 =	simm.s32 $_scs_section_size  }
0xa0: {  	s5 =	simm.s32 $_size__tile_overlayer_lowered;
	s6 =	simm.s32 $_tile_overlayer_lowered  }
0xa1: {  	s22 =	simm.s32 $0x1BFF;
	s21 =	sshll.u32 s6, $0x1;
	s3 =	sadd.s32 s19, s18  }
0xa2: {  	s7 =	simm.s32 $0x0;
	s20 =	sshll.u32 s5, $0x1;
	s5 =	sadd.s32 s21, s3  }
0xa3: {  	[timem:s7], [sflag:s22] =	dma.local [hbm:s5], s20  }
0xa4: {  	_ =	swait.ge [sflag:s22], s20  }
0xa5: {  	s4 =	ssub.s32 $0x0, s20;
	[sflag:s22] =	ssyncset.done $0x0  }
0xa6: {  	[sflag:s22] =	ssyncadd.s32 s4;
	_ =	sdelay $0x1  }
0xa7: {  	s23 =	simm.s32 $0x1B8B  }
0xa8: {  	_ =	swait.ge [sflag:s23], $0x1  }
0xa9: {  	[sflag:s23] =	ssyncset.done $0x0  }
0xaa: {  	s25 =	simm.s32 $0x1B8E;
	s24 =	sld [smem:$0x3FFE];
	[sflag:s23] =	ssyncadd.s32 $0xFFFFFFFF  }
0xab: {  	s26 =	simm.s32 $execute0_lowered;
	[smem:$0x3FD2] =	sst s25  }
0xac: {  	s5 =	sshll.u32 s26, $0x1;
	_ =	strace $0x80000046;
	[dreg:$0x1] =	wrdreg $0xFFFFFFFF  }
0xad: {  	s28 =	simm.s32 $_size_execute0_lowered;
	s3 =	sadd.s32 s3, s5;
	[dreg:$0x0] =	wrdreg $0x0  }
0xae: {  	s5 =	sshll.u32 s28, $0x1;
	[dreg:$0x2] =	wrdreg s3  }
0xaf: {  	[dreg:$0x3] =	wrdreg s5  }
0xb0: {  	[dreg:$0x4] =	wrdreg $0xC0  }
0xb1: {  	_ =	task [dreg:s7], $0x5FFFF  }
0xb2: {  	[dreg:$0x1] =	wrdreg $0xFFFFFFFF  }
0xb3: {  	[dreg:$0x0] =	wrdreg $0x60  }
0xb4: {  	[dreg:$0x2] =	wrdreg s24  }
0xb5: {  	[dreg:$0x3] =	wrdreg s16  }
0xb6: {  	[dreg:$0x4] =	wrdreg $0x9  }
0xb7: {  	_ =	task.clear_ibuf [dreg:s7], $0x5FFFF;
	_ =	strace $0x90000046  }
0xb8: {  	s29 =	simm.s32 $0x9;
	_ =	strace $0x80000048  }
0xb9: {  	_ =	swait.ge [sflag:s29], $0x1  }
0xba: {  	[sflag:s29] =	ssyncadd.s32 $0xFFFFFFFF  }
0xbb: {  	_ =	strace $0x90000048  }
0xbc: {  	_ =	sfence  }
0xbd: {  	s30 =	sld [smem:$0x0];
	_ =	sdelay $0x2  }
0xbe: {  	s31 =	sshll.u32 s1, $0xD;
	s1 =	sshrl.u32 s1, $0x2  }
0xbf: {  	s3 =	sand.u32 $0x4000, s31;
	s1 =	sadd.s32 s1, s30  }
0xc0: {  	s0 =	sor.u32 s3, s0;
	s1 =	sshll.u32 s1, $0x11  }
0xc1: {  	s0 =	sor.u32 s1, s0  }
0xc2: {  	s0 =	sadd.s32 $0x8F2B, s0  }
0xc3: {  	[sflag:s0] =	ssyncadd.remote.s32 $0x1  }
0xc4: {  	_ =	sfence.sel $0xFFFF  }
0xc5: {  	[dreg:$0x0] =	wrdreg $0xFFFFFFFF;
	(pc) =	sbr.abs _section_cstart, $3  }
0xc6: {  	[dreg:$0x1] =	wrdreg $0xFFFFFFFF  }
0xc7: {  	_ =	task.clear_ibuf [dreg:s7], $0x2FFFF;
	_ =	strace $0x9FFFFFFF  }
0xc8: {  	(tm) =	ssettm $0x7FFFFFFF  }
0xc9: {  	_ =	shalt  }
tec
execute0_lowered:
.L_overlay_start_1:
0x0: {  	(tag) =	ssettag $0x1  }
0x1: {  	s0 =	srdreg.scid  }
0x2: {  	s1 =	sshll.u32 s0, $0x4  }
0x3: {  	s0 =	stileid.u32;
	s1 =	sand.u32 $0x10, s1  }
0x4: {  	s9 =	rddreg [dreg:$0x0];
	s1 =	sor.u32 s0, s1  }
0x5: {  	s3 =	rddreg [dreg:$0x1];
	s2 =	smin.u32 s1, $0x8  }
0x6: {  	p0 =	slt.u32 s1, $0x8;
	s2 =	sadd.s32 s1, s2;
	s1 =	simm.s32 $0x80  }
0x7: {  	s6 =	simm.s32 $0x1;
	s2 =	sshll.u32 s2, $0x6;
	s1 =	simm.s32 @!p0 $0x40  }
0x8: {  	s7 =	simm.s32 $0x2;
	s10 =	simm.s32 $0x3;
	s4 =	sadd.s32 s1, s2  }
0x9: {  	s13 =	simm.s32 $0x0;
	s12 =	simm.s32 $0x0;
	s4 =	smin.u32 s4, $0xA00  }
.Ltmp0:
0xa: {  	s5 =	sadd.s32 $0x1C00, s9;
	s8 =	ssub.s32 s4, s2;
	(pc) =	sbr.rel .LBB2_1-.Ltmp0, $4  }
0xb: {  	s1 =	rddreg [dreg:$0x2];
	_ =	strace $0x80000047;
	p0 =	sgt.s32 s8, $0x0  }
0xc: {  	s9 =	sadd.s32 $0x29C00, s9;
	[sflag:s6] =	ssyncpa.u1 $0x0;
	s8 =	simm.s32 @!p0 $0x0  }
0xd: {  	s11 =	smov.u32 s2;
	[sflag:s7] =	ssyncpa.u1 $0x0;
	s8 =	sshrl.u32 s8, $0x6  }
0xe: {  	vm0 =	vmmov $0xff;
	vm1 =	vcmask $0x3F20;
	[sflag:s10] =	ssyncpa.u1 $0x0;
	p0 =	por $0x0, $0x0;
	s10 =	sadd.s32 $0x1, s8  }
.LBB2_6:
0xf: {  	[hbm:s17] =	stream.linear.scatter [tilespmem:s14], [sflag:$0x3], $0x400, $0x38;
	[tilespmem:$0x4080] =	vst v63  }
.LBB2_7:
0x10: {  	s13 =	sadd.s32 $0x40, s11  }
0x11: {  	s15 =	smov.u32 s2;
	p2 =	slt.s32 s13, s4  }
0x12: {  	s15 =	smov.u32 @p2 s13;
	p2 =	sne.s32 s12, s10  }
.Ltmp1:
0x13: {  	p1 =	slt.u32 s12, $0x2;
	(pc) =	sbr.rel @!p2 .LBB2_8-.Ltmp1, $4  }
0x14: {  	s14 =	simm.s32 @!p1 $0x3  }
0x15: {  	s16 =	sadd.s32 $0x1, s12;
	_ =	swait.ge @!p1 [sflag:s14], $0x2000  }
0x16: {  	p0 =	por !p0, !p0;
	s13 =	smov.u32 s11;
	[sflag:s14] =	ssyncset.done @!p1 $0x0  }
0x17: {  	s12 =	smov.u32 s16;
	s11 =	smov.u32 s15;
	[sflag:s14] =	ssyncadd.s32 @!p1 $0xFFFFE000  }
.LBB2_1:
0x18: {  	p1 =	sge.u32 s12, s8  }
0x19: {  	s14 =	sxor.u32 @!p1 $0xFFFFFFFF, s12  }
0x1a: {  	s31 =	sadd.s32 $0xFFFFFFFF, s12;
	s15 =	sshrl.u32 @!p1 s11, $0x3;
	s14 =	sshll.u32 @!p1 s14, $0x6  }
0x1b: {  	s16 =	sand.u32 @!p1 $0x7, s11;
	s15 =	sadd.s32 @!p1 s3, s15;
	s14 =	sand.u32 @!p1 $0x40, s14  }
0x1c: {  	[tilespmem:s14], [sflag:$0x2] =	stream.linear.gather @!p1 [hbm4b:s15+s16], $0x40, $0x38;
	[tilespmem:$0x4080] =	vst v63  }
0x1d: {  	p1 =	sge.u32 s31, s8  }
.Ltmp2:
0x1e: {  	_ = 	snop;
	(pc) =	sbr.rel @p1 .LBB2_7-.Ltmp2, $1  }
0x1f: {  	_ =	sdelay $0x3  }
0x20: {  	s14 =	simm.s32 $0x1  }
0x21: {  	_ =	swait.ge [sflag:s7], $0x40;
	s14 =	simm.s32 @!p0 $0x0  }
0x22: {  	[sflag:s7] =	ssyncset.done $0x0;
	s16 =	sshll.u32 s14, $0x6  }
0x23: {  	[sflag:s7] =	ssyncadd.s32 $0xFFFFFFC0;
	s15 =	sadd.s32 $0x0, s16  }
0x24: {  	v0 =	vld.msk [tilespmem:s15+$0x0 ss:$0x1], $0xffff;
	_ =	sdelay $0x4  }
0x25: {  	vm2 =	vgt.s32 v0, $0x0  }
0x26: {  	v0 =	vnsel vm2, $0x0, v0  }
0x27: {  	v0 =	vmin.u32 v0, $0x27FF  }
0x28: {  	v0 =	vshll.u32 v0, $0x4;
	_ =	sdelay $0x2  }
0x29: {  	s14 =	sshll.u32 s14, $0xD  }
0x2a: {  	s14 =	sor.u32 $0x80, s14  }
0x2b: {  	[tilespmem:s14], [sflag:$0x1] =	stream.indirect_vreg.gather [hbm:s5], $0x80, v0, vm0, $0x38;
	[tilespmem:$0x4080] =	vst v63  }
0x2c: {  	s17 =	sadd.s32 $0x10, s16;
	s15 =	sadd.s32 $0x400, s14  }
0x2d: {  	[tilespmem:s15], [sflag:$0x1] =	stream.indirect_vreg.gather [hbm:s5], $0x80, v0, vm1, $0x38;
	[tilespmem:$0x4080] =	vst v63  }
0x2e: {  	s18 =	simm.s32 $0x80;
	v0 =	vld.msk [tilespmem:s17+$0x0 ss:$0x1], $0xffff;
	s17 =	smov.u32 s14  }
.LBB2_3:
0x2f: {  	p1 =	sne.s32 s18, $0xC0;
	_ =	sdelay $0x4  }
0x30: {  	vm2 =	vgt.s32 v0, $0x0  }
0x31: {  	v0 =	vnsel vm2, $0x0, v0  }
0x32: {  	v0 =	vmin.u32 v0, $0x27FF  }
0x33: {  	v0 =	vshll.u32 v0, $0x4;
	_ =	sdelay $0x3  }
.Ltmp3:
0x34: {  	s19 =	sshra.s32 s18, $0x2;
	s17 =	sadd.s32 $0x800, s17;
	(pc) =	sbr.rel @p1 .LBB2_3-.Ltmp3, $4  }
0x35: {  	[tilespmem:s17], [sflag:$0x1] =	stream.indirect_vreg.gather [hbm:s5], $0x80, v0, vm0, $0x38;
	[tilespmem:$0x4080] =	vst v63  }
0x36: {  	s19 =	sadd.s32 s19, s16;
	s20 =	sadd.s32 $0x400, s17  }
0x37: {  	[tilespmem:s20], [sflag:$0x1] =	stream.indirect_vreg.gather [hbm:s5], $0x80, v0, vm1, $0x38;
	[tilespmem:$0x4080] =	vst v63  }
0x38: {  	s18 =	sadd.s32 $0x40, s18;
	v0 =	vld.msk [tilespmem:s19+$0x0 ss:$0x1], $0xffff  }
0x39: {  	_ =	sdelay $0x3  }
0x3a: {  	vm2 =	vgt.s32 v0, $0x0  }
0x3b: {  	v0 =	vnsel vm2, $0x0, v0  }
0x3c: {  	v0 =	vmin.u32 v0, $0x27FF  }
0x3d: {  	v0 =	vshll.u32 v0, $0x4;
	_ =	sdelay $0x3  }
0x3e: {  	s16 =	sadd.s32 $0x800, s17  }
0x3f: {  	[tilespmem:s16], [sflag:$0x1] =	stream.indirect_vreg.gather [hbm:s5], $0x80, v0, vm0, $0x38;
	[tilespmem:$0x4080] =	vst v63  }
0x40: {  	s16 =	sadd.s32 $0x400, s16  }
0x41: {  	[tilespmem:s16], [sflag:$0x1] =	stream.indirect_vreg.gather [hbm:s5], $0x80, v0, vm1, $0x38;
	[tilespmem:$0x4080] =	vst v63  }
0x42: {  	s13 =	sshll.u32 s13, $0x4;
	_ =	swait.ge [sflag:s6], $0x2000  }
0x43: {  	s13 =	sadd.s32 s13, s9;
	[sflag:s6] =	ssyncset.done $0x0  }
0x44: {  	s17 =	sadd.s32 $0x0, s13;
	s16 =	simm.s32 $0x80;
	[sflag:s6] =	ssyncadd.s32 $0xFFFFE000  }
.LBB2_5:
0x45: {  	[hbm:s17] =	stream.linear.scatter [tilespmem:s14], [sflag:$0x3], $0x400, $0x38;
	[tilespmem:$0x4080] =	vst v63  }
0x46: {  	s17 =	smov.u32 s16;
	s14 =	smov.u32 s15;
	p1 =	sne.s32 s16, $0x380  }
.Ltmp4:
0x47: {  	s16 =	sadd.s32 $0x80, s16;
	(pc) =	sbr.rel @p1 .LBB2_5-.Ltmp4, $2  }
0x48: {  	_ =	sdelay $0x2  }
0x49: {  	s15 =	sadd.s32 $0x400, s15;
	s17 =	sadd.s32 s17, s13  }
.Ltmp5:
0x4a: {  	_ = 	snop;
	(pc) =	sbr.rel .LBB2_6-.Ltmp5, $1  }
0x4b: {  	_ =	sdelay $0x3  }
.LBB2_8:
0x4c: {  	_ =	sfence.sel $0x180000  }
0x4d: {  	s2 =	simm.s32 $0x2;
	[bflag:$0x0] =	sbarrier.arrive $0xFFFF  }
0x4e: {  	s30 =	simm.s32 $0x3;
	[sflag:s2] =	ssyncpa.u1 $0x1  }
0x4f: {  	s31 =	simm.s32 $0x1;
	[sflag:s30] =	ssyncpa.u1 $0x1  }
0x50: {  	[sflag:s31] =	ssyncpa.u1 $0x1  }
0x51: {  	p0 =	sne.s32 s0, $0x0;
	_ =	strace $0x90000047  }
0x52: {  	s0 =	sadd.s32 @!p0 $0x100000, s1;
	[bflag:$0x2] =	sbarrier.arrive $0xFFFF  }
0x53: {  	[sflag:s0] =	ssyncadd.tile.s32 @!p0 $0x1;
	_ =	shalt  }
.Lfunc_end2:
_tile_overlayer_lowered:
.L_overlay_start_2:
0x54: {  	(tag) =	ssettag $0x2  }
0x55: {  	s0 =	rddreg [dreg:$0x0];
	s2 =	stileid.u32  }
0x56: {  	s1 =	rddreg [dreg:$0x1];
	p0 =	sne.s32 s2, $0x0  }
0x57: {  	s3 =	rddreg [dreg:$0x2];
	[bflag:$0x3] =	sbarrier.arrive $0xFFFF;
	s2 =	simm.s32 @!p0 $0x1C01  }
0x58: {  	[timem:s3], [sflag:s2] =	dma.local @!p0 [hbm:s0], s1  }
0x59: {  	s0 =	simm.s32 @!p0 $0x1  }
0x5a: {  	_ =	swait.ge @!p0 [sflag:s0], s1  }
0x5b: {  	s1 =	ssub.s32 @!p0 $0x0, s1;
	[sflag:s0] =	ssyncset.done @!p0 $0x0  }
0x5c: {  	[sflag:s0] =	ssyncadd.s32 @!p0 s1  }
0x5d: {  	[bflag:$0x3] =	sbarrier.arrive $0xFFFF  }
0x5e: {  	_ =	shalt  }

// kernel: kernel.6.cloned.1.call-start
scs
__scs_entry_jumppad:
0x0: {  	(pc) =	sbr.rel $0x88, $3  }
0x1: {  	(tag) =	ssettag $0x0;
	lr =	simm.s32 $0x1  }
0x2: {  	[smem:$0x3F97] =	sst lr;
	_ =	strace $0xD0000000  }
0x3: {  	_ = 	snop  }
0x4: {  	_ = 	snop  }
0x5: {  	_ = 	snop  }
0x6: {  	_ = 	snop  }
0x7: {  	_ = 	snop  }
__scs_overlays_trampoline_lowered:
0x8: {  	[smem:$0x3FA6] =	sst s0  }
0x9: {  	[smem:$0x3FA7] =	sst s1  }
0xa: {  	[smem:$0x3FA8] =	sst s2  }
0xb: {  	[smem:$0x3FA9] =	sst s3  }
0xc: {  	[smem:$0x3FAA] =	sst s4  }
0xd: {  	[smem:$0x3FAB] =	sst s5  }
0xe: {  	[smem:$0x3FAC] =	sst s6  }
0xf: {  	[smem:$0x3FAD] =	sst s7  }
0x10: {  	[smem:$0x3FAE] =	sst s8  }
0x11: {  	[smem:$0x3FAF] =	sst s9;
	s0 =	simm.s32 @!p0 $0x0  }
0x12: {  	s1 =	sld [smem:$0x3F95];
	s0 =	simm.s32 @p0 $0x1  }
0x13: {  	[smem:$0x3FB0] =	sst s0;
	s0 =	simm.s32 @!p1 $0x0  }
0x14: {  	s2 =	sld [smem:$0x3F94];
	s0 =	simm.s32 @p1 $0x1  }
0x15: {  	[smem:$0x3FB1] =	sst s0;
	s0 =	simm.s32 @!p2 $0x0  }
0x16: {  	s3 =	sld [smem:$0x3FDB];
	s0 =	simm.s32 @p2 $0x1  }
0x17: {  	s4 =	simm.s32 $0x1BF5;
	[smem:$0x3FB3] =	sst s0  }
0x18: {  	s0 =	sld [smem:$0x3F96];
	_ =	swait.ge [sflag:s4], $0x0  }
0x19: {  	s7 =	sld [smem:$0x3F97]  }
0x1a: {  	s8 =	sadd.s32 $0xFFFFE003, lr  }
0x1b: {  	s9 =	sadd.s32 $0xFFFFFEF7, lr;
	s5 =	simm.s32 $0xFFFFFFFF;
	p2 =	slt.u32 s8, $0xFFFFF086  }
0x1c: {  	p1 =	slt.u32 s9, $0xF7A;
	s5 =	simm.s32 @!p2 $0x0  }
0x1d: {  	s5 =	simm.s32 @p1 $0x1;
	p0 =	seq.s32 s7, s2  }
0x1e: {  	s7 =	smul.u32 @!p0 $0xF7A, s2;
	p2 =	seq.s32 @!p0 s5, $0x0  }
0x1f: {  	s9 =	smul.u32 $0xF7A, s1;
	s8 =	simm.s32 @!p0 $0x1BF5;
	p2 =	por !p2, p0  }
0x20: {  	[sflag:s8] =	ssyncset.s32 @!p0 $0xFFFFF086;
	s6 =	sadd.s32 @!p0 s3, s7;
	s7 =	simm.s32 @!p0 $0x108  }
0x21: {  	s3 =	sadd.s32 s3, s9;
	s6 =	sadd.s32 @!p0 $0x88, s6;
	s7 =	simm.s32 @p2 $0x1082  }
0x22: {  	[simem:s7], [sflag:s8] =	dma.local @!p0 [hbm:s6], $0xF7A  }
0x23: {  	s9 =	sor.u32 $0xD0000000, s2;
	s6 =	simm.s32 $0x108;
	_ =	swait.ge @!p0 [sflag:s8], $0x0  }
0x24: {  	s3 =	sadd.s32 $0x88, s3;
	s6 =	simm.s32 @!p1 $0x1082;
	[sflag:s4] =	ssyncset.s32 $0xFFFFF086  }
0x25: {  	[simem:s6], [sflag:s4] =	dma.local [hbm:s3], $0xF7A  }
0x26: {  	[smem:$0x3F97] =	sst s1;
	(tag) =	ssettag s2;
	_ =	strace s9  }
0x27: {  	s1 =	sld [smem:$0x3FA7]  }
0x28: {  	s2 =	sld [smem:$0x3FA8]  }
0x29: {  	s4 =	sld [smem:$0x3FAA]  }
0x2a: {  	p0 =	seq.s32 s5, $0x0;
	s5 =	sld [smem:$0x3FAB]  }
0x2b: {  	s6 =	sld [smem:$0x3FAC]  }
0x2c: {  	s7 =	sld [smem:$0x3FAD]  }
0x2d: {  	s3 =	simm.s32 $0x108;
	s8 =	sld [smem:$0x3FAE]  }
0x2e: {  	s3 =	simm.s32 @!p0 $0x1082;
	s9 =	sld [smem:$0x3FAF]  }
0x2f: {  	lr =	sadd.s32 s0, s3;
	s0 =	sld [smem:$0x3FA6]  }
0x30: {  	s3 =	sld [smem:$0x3FA9]  }
0x31: {  	[smem:$0x3FB2] =	sst s10  }
0x32: {  	s10 =	sld [smem:$0x3FB0];
	_ =	sdelay $0x3  }
0x33: {  	p0 =	seq.s32 s10, $0x1;
	s10 =	sld [smem:$0x3FB2];
	_ =	sdelay $0x3  }
0x34: {  	[smem:$0x3FB2] =	sst s10  }
0x35: {  	s10 =	sld [smem:$0x3FB1];
	_ =	sdelay $0x3  }
0x36: {  	p1 =	seq.s32 s10, $0x1;
	s10 =	sld [smem:$0x3FB2];
	_ =	sdelay $0x3  }
0x37: {  	[smem:$0x3FB2] =	sst s10  }
0x38: {  	s10 =	sld [smem:$0x3FB3]  }
0x39: {  	_ = 	snop;
	(pc) =	sbr.ind lr, $3  }
0x3a: {  	_ = 	snop  }
0x3b: {  	_ = 	snop  }
0x3c: {  	p2 =	seq.s32 s10, $0x1;
	s10 =	sld [smem:$0x3FB2]  }
0x3d: {  	_ =	shalt  }
0x3e: {  	_ =	shalt  }
0x3f: {  	_ =	shalt  }
0x40: {  	_ =	shalt  }
0x41: {  	_ =	shalt  }
0x42: {  	_ =	shalt  }
0x43: {  	_ =	shalt  }
0x44: {  	_ =	shalt  }
0x45: {  	_ =	shalt  }
0x46: {  	_ =	shalt  }
0x47: {  	_ =	shalt  }
0x48: {  	_ =	shalt  }
0x49: {  	_ =	shalt  }
0x4a: {  	_ =	shalt  }
0x4b: {  	_ =	shalt  }
0x4c: {  	_ =	shalt  }
0x4d: {  	_ =	shalt  }
0x4e: {  	_ =	shalt  }
0x4f: {  	_ =	shalt  }
0x50: {  	_ =	shalt  }
0x51: {  	_ =	shalt  }
0x52: {  	_ =	shalt  }
0x53: {  	_ =	shalt  }
0x54: {  	_ =	shalt  }
0x55: {  	_ =	shalt  }
0x56: {  	_ =	shalt  }
0x57: {  	_ =	shalt  }
0x58: {  	_ =	shalt  }
0x59: {  	_ =	shalt  }
0x5a: {  	_ =	shalt  }
0x5b: {  	_ =	shalt  }
0x5c: {  	_ =	shalt  }
0x5d: {  	_ =	shalt  }
0x5e: {  	_ =	shalt  }
0x5f: {  	_ =	shalt  }
0x60: {  	_ =	shalt  }
0x61: {  	_ =	shalt  }
0x62: {  	_ =	shalt  }
0x63: {  	_ =	shalt  }
0x64: {  	_ =	shalt  }
0x65: {  	_ =	shalt  }
0x66: {  	_ =	shalt  }
0x67: {  	_ =	shalt  }
0x68: {  	_ =	shalt  }
0x69: {  	_ =	shalt  }
0x6a: {  	_ =	shalt  }
0x6b: {  	_ =	shalt  }
0x6c: {  	_ =	shalt  }
0x6d: {  	_ =	shalt  }
0x6e: {  	_ =	shalt  }
0x6f: {  	_ =	shalt  }
0x70: {  	_ =	shalt  }
0x71: {  	_ =	shalt  }
0x72: {  	_ =	shalt  }
0x73: {  	_ =	shalt  }
0x74: {  	_ =	shalt  }
0x75: {  	_ =	shalt  }
0x76: {  	_ =	shalt  }
0x77: {  	_ =	shalt  }
0x78: {  	_ =	shalt  }
0x79: {  	_ =	shalt  }
0x7a: {  	_ =	shalt  }
0x7b: {  	_ =	shalt  }
0x7c: {  	_ =	shalt  }
0x7d: {  	_ =	shalt  }
0x7e: {  	_ =	shalt  }
0x7f: {  	_ =	shalt  }
0x80: {  	_ =	shalt  }
0x81: {  	_ =	shalt  }
0x82: {  	_ =	shalt  }
0x83: {  	_ =	shalt  }
0x84: {  	_ =	shalt  }
0x85: {  	_ =	shalt  }
0x86: {  	_ =	shalt  }
0x87: {  	_ =	shalt  }
.Lfunc_end0:
.L_simem_size_0:
called_computation.1_lowered:
.L_overlay_start_0:
0x88: {  	s2 =	sld [smem:$0x3FD9]  }
0x89: {  	s3 =	sld [smem:$0x3FFE];
	_ =	sdelay $0x1  }
0x8a: {  	s1 =	srdreg.scid  }
0x8b: {  	s0 =	sand.u32 $0x1, s1  }
0x8c: {  	s14 =	sshll.u32 s0, $0xA;
	s2 =	sadd.s32 s3, s2  }
0x8d: {  	s2 =	sadd.s32 s2, s14  }
0x8e: {  	[smem:$0x3FBE] =	sst s2  }
0x8f: {  	_ = 	snop  }
0x90: {  	s2 =	sld [smem:$0x3FD0];
	_ =	sdelay $0x2  }
0x91: {  	s15 =	simm.s32 $0xA;
	s4 =	simm.s32 $0x10  }
0x92: {  	[smem:s4], [sflag:s15] =	dma.local [hbm:s2], $0x1  }
0x93: {  	_ =	swait.eq [sflag:s15], $0x1  }
0x94: {  	s16 =	sld [smem:$0x10]  }
0x95: {  	s17 =	sld [smem:$0x11];
	[sflag:s15] =	ssyncset.done $0x0  }
0x96: {  	s5 =	sld [smem:$0x12];
	[sflag:s15] =	ssyncadd.s32 $0xFFFFFFFF  }
0x97: {  	s18 =	sld [smem:$0x13];
	(tm) =	ssettm $0x1  }
0x98: {  	s6 =	sld [smem:$0x3FFB];
	_ =	sdelay $0x3  }
0x99: {  	_ =	strace s6  }
0x9a: {  	s6 =	sld [smem:$0x3FFC];
	_ =	sdelay $0x3  }
0x9b: {  	_ =	strace s6  }
0x9c: {  	s6 =	sld [smem:$0x3FFD];
	_ =	sdelay $0x3  }
0x9d: {  	_ =	strace s6  }
0x9e: {  	_ =	strace $0x8FFFFFFF  }
0x9f: {  	s19 =	sld [smem:$0x3FDB];
	_ =	sdelay $0x1  }
0xa0: {  	s7 =	simm.s32 $_scs_section_size  }
0xa1: {  	s8 =	simm.s32 $_size__tile_overlayer_lowered;
	s9 =	simm.s32 $_tile_overlayer_lowered  }
0xa2: {  	s22 =	simm.s32 $0x1BFF;
	s21 =	sshll.u32 s9, $0x1;
	s6 =	sadd.s32 s7, s19  }
0xa3: {  	s10 =	simm.s32 $0x0;
	s20 =	sshll.u32 s8, $0x1;
	s8 =	sadd.s32 s21, s6  }
0xa4: {  	[timem:s10], [sflag:s22] =	dma.local [hbm:s8], s20  }
0xa5: {  	_ =	swait.ge [sflag:s22], s20  }
0xa6: {  	s7 =	ssub.s32 $0x0, s20;
	[sflag:s22] =	ssyncset.done $0x0  }
0xa7: {  	[sflag:s22] =	ssyncadd.s32 s7;
	_ =	sdelay $0x1  }
0xa8: {  	s23 =	simm.s32 $0x1B8B  }
0xa9: {  	_ =	swait.ge [sflag:s23], $0x1  }
0xaa: {  	[sflag:s23] =	ssyncset.done $0x0  }
0xab: {  	s25 =	simm.s32 $0x1B8E;
	s24 =	sld [smem:$0x3FFE];
	[sflag:s23] =	ssyncadd.s32 $0xFFFFFFFF  }
0xac: {  	s26 =	simm.s32 $execute0_lowered;
	[smem:$0x3FD2] =	sst s25  }
0xad: {  	s8 =	sshll.u32 s26, $0x1;
	_ =	strace $0x80000049;
	[dreg:$0x1] =	wrdreg $0xFFFFFFFF  }
0xae: {  	s28 =	simm.s32 $_size_execute0_lowered;
	s6 =	sadd.s32 s6, s8;
	[dreg:$0x0] =	wrdreg $0x0  }
0xaf: {  	s8 =	sshll.u32 s28, $0x1;
	[dreg:$0x2] =	wrdreg s6  }
0xb0: {  	[dreg:$0x3] =	wrdreg s8  }
0xb1: {  	[dreg:$0x4] =	wrdreg $0xC0  }
0xb2: {  	_ =	task [dreg:s10], $0x5FFFF  }
0xb3: {  	[dreg:$0x1] =	wrdreg $0xFFFFFFFF  }
0xb4: {  	[dreg:$0x0] =	wrdreg $0x60  }
0xb5: {  	[dreg:$0x2] =	wrdreg s17  }
0xb6: {  	[dreg:$0x3] =	wrdreg s16  }
0xb7: {  	[dreg:$0x4] =	wrdreg s24  }
0xb8: {  	[dreg:$0x5] =	wrdreg s18  }
0xb9: {  	[dreg:$0x6] =	wrdreg s5  }
0xba: {  	[dreg:$0x7] =	wrdreg $0x9  }
0xbb: {  	_ =	task.clear_ibuf [dreg:s10], $0x8FFFF;
	_ =	strace $0x90000049  }
0xbc: {  	s29 =	simm.s32 $0x9;
	_ =	strace $0x8000004B  }
0xbd: {  	_ =	swait.ge [sflag:s29], $0x1  }
0xbe: {  	[sflag:s29] =	ssyncadd.s32 $0xFFFFFFFF  }
0xbf: {  	_ =	strace $0x9000004B  }
0xc0: {  	_ =	sfence  }
0xc1: {  	s30 =	sld [smem:$0x0];
	_ =	sdelay $0x2  }
0xc2: {  	s31 =	sshll.u32 s1, $0xD;
	s1 =	sshrl.u32 s1, $0x2  }
0xc3: {  	s3 =	sand.u32 $0x4000, s31;
	s1 =	sadd.s32 s1, s30  }
0xc4: {  	s0 =	sor.u32 s3, s0;
	s1 =	sshll.u32 s1, $0x11  }
0xc5: {  	s0 =	sor.u32 s1, s0  }
0xc6: {  	s0 =	sadd.s32 $0x8F2B, s0  }
0xc7: {  	[sflag:s0] =	ssyncadd.remote.s32 $0x1  }
0xc8: {  	_ =	sfence.sel $0xFFFF  }
0xc9: {  	[dreg:$0x0] =	wrdreg $0xFFFFFFFF;
	(pc) =	sbr.abs _section_cstart, $3  }
0xca: {  	[dreg:$0x1] =	wrdreg $0xFFFFFFFF  }
0xcb: {  	_ =	task.clear_ibuf [dreg:s10], $0x2FFFF;
	_ =	strace $0x9FFFFFFF  }
0xcc: {  	(tm) =	ssettm $0x7FFFFFFF  }
0xcd: {  	_ =	shalt  }
tec
execute0_lowered:
.L_overlay_start_1:
0x0: {  	(tag) =	ssettag $0x1  }
0x1: {  	s0 =	rddreg [dreg:$0x2]  }
0x2: {  	s1 =	srdreg.scid;
	s2 =	rddreg [dreg:$0x3]  }
0x3: {  	s3 =	stileid.u32;
	s5 =	rddreg [dreg:$0x4]  }
0x4: {  	s4 =	simm.s32 $0x0;
	s1 =	sand.u32 $0x1, s1;
	s3 =	sshll.u32 s3, $0x1  }
0x5: {  	s12 =	simm.s32 $0x1;
	s18 =	simm.s32 $0x7980;
	s3 =	sor.u32 s1, s3  }
0x6: {  	s20 =	simm.s32 $0x0;
	[smem:$0x7FF] =	sst s4;
	s6 =	smul.u32 $0x140, s3  }
0x7: {  	v0 =	vimm.s32 $0x0;
	s7 =	sadd.s32 $0x1600, s0;
	s1 =	ssub.s32 $0x2, s1;
	s3 =	smul.u32 $0xA, s3  }
0x8: {  	vm0 =	vmmov $0x1;
	v1 =	vlaneseq.u32;
	vm2 =	vcmask $0x70C;
	_ =	strace $0x8000004A;
	[dreg:$0x6] =	wrdreg s7;
	s29 =	sshrl.u32 s1, $0x1  }
0x9: {  	vm3 =	vcmask $0xB10;
	vm4 =	vcmask $0xF14;
	vm5 =	vcmask $0x1318;
	s1 =	ssub.s32 s1, s29;
	s6 =	sadd.s32 s6, s0;
	s2 =	sadd.s32 s2, s3  }
0xa: {  	vm6 =	vcmask $0x171C;
	vm7 =	vcmask $0x1B20;
	vm8 =	vcmask $0x1F24;
	s0 =	sadd.s32 s3, s0;
	s31 =	sadd.s32 s5, s3;
	[dreg:$0x8] =	wrdreg s2  }
0xb: {  	vm9 =	vcmask $0x2328;
	vm10 =	vcmask $0x272C;
	vm11 =	vcmask $0x2B30;
	s11 =	smax.u32 s1, $0x1;
	s30 =	sadd.s32 $0x1C00, s0;
	[dreg:$0x9] =	wrdreg s31  }
0xc: {  	vm12 =	vcmask $0x2F34;
	vm13 =	vcmask $0x3338;
	vm14 =	vcmask $0x373C;
	s9 =	sadd.s32 $0x1E00, s6;
	s10 =	sadd.s32 $0x4600, s0;
	[dreg:$0x7] =	wrdreg s30  }
.LBB2_1:
0xd: {  	s0 =	rddreg [dreg:$0x0]  }
0xe: {  	[tilespmem:s4], [sflag:$0x1] =	stream.linear.gather [hbm4b:s0+s4], $0x2800, $0x38;
	[tilespmem:$0x8400] =	vst v63  }
0xf: {  	_ =	swait.ge [sflag:s12], $0x2800  }
0x10: {  	[sflag:s12] =	ssyncset.done $0x0  }
0x11: {  	[sflag:s12] =	ssyncadd.s32 $0xFFFFD800  }
0x12: {  	s1 =	simm.s32 $0x2800;
	s22 =	rddreg [dreg:$0x1]  }
0x13: {  	[tilespmem:s1], [sflag:$0x1] =	stream.linear.gather [hbm4b:s22+s4], $0x2800, $0x38;
	[tilespmem:$0x8400] =	vst v63  }
0x14: {  	_ =	swait.ge [sflag:s12], $0x2800  }
0x15: {  	[sflag:s12] =	ssyncset.done $0x0  }
0x16: {  	s24 =	simm.s32 $0x5000;
	s23 =	rddreg [dreg:$0x6];
	[sflag:s12] =	ssyncadd.s32 $0xFFFFD800  }
0x17: {  	[tilespmem:s24], [sflag:$0x1] =	stream.linear.gather [hbm4b:s23+s4], $0x2800, $0x38;
	[tilespmem:$0x8400] =	vst v63  }
0x18: {  	_ =	swait.ge [sflag:s12], $0x2800  }
0x19: {  	[sflag:s12] =	ssyncset.done $0x0  }
0x1a: {  	s26 =	simm.s32 $0x7800;
	s25 =	rddreg [dreg:$0x7];
	[sflag:s12] =	ssyncadd.s32 $0xFFFFD800  }
0x1b: {  	[tilespmem:s26], [sflag:$0x1] =	stream.linear.gather [hbm4b:s25+s4], $0x50, $0x38;
	[tilespmem:$0x8400] =	vst v63  }
0x1c: {  	_ =	swait.ge [sflag:s12], $0x50  }
0x1d: {  	[sflag:s12] =	ssyncset.done $0x0  }
0x1e: {  	s29 =	simm.s32 $0x7880;
	s28 =	rddreg [dreg:$0x8];
	[sflag:s12] =	ssyncadd.s32 $0xFFFFFFB0  }
0x1f: {  	[tilespmem:s29], [sflag:$0x1] =	stream.linear.gather [hbm4b:s28+s4], $0x50, $0x38;
	[tilespmem:$0x8400] =	vst v63  }
0x20: {  	_ =	swait.ge [sflag:s12], $0x50  }
0x21: {  	[sflag:s12] =	ssyncset.done $0x0  }
0x22: {  	s31 =	simm.s32 $0x7900;
	s30 =	rddreg [dreg:$0x9];
	[sflag:s12] =	ssyncadd.s32 $0xFFFFFFB0  }
0x23: {  	[tilespmem:s31], [sflag:$0x1] =	stream.linear.gather [hbm4b:s30+s4], $0x50, $0x38;
	[tilespmem:$0x8400] =	vst v63  }
0x24: {  	_ =	swait.ge [sflag:s12], $0x50  }
0x25: {  	[sflag:s12] =	ssyncset.done $0x0  }
0x26: {  	s0 =	simm.s32 $0x40;
	s1 =	simm.s32 $0x0;
	[sflag:s12] =	ssyncadd.s32 $0xFFFFFFB0  }
.LBB2_2:
0x27: {  	p0 =	sne.s32 s0, $0x27C0;
	[tilespmem:s1+$0x7980] =	vst v0;
	s1 =	smov.u32 s0;
	s0 =	sadd.s32 $0x40, s0  }
.Ltmp0:
0x28: {  	(pc) =	sbr.rel @p0 .LBB2_2-.Ltmp0, $2  }
0x29: {  	_ =	sdelay $0x2  }
0x2a: {  	s1 =	sshra.s32 s1, $0x2  }
0x2b: {  	[tilespmem:s1+$0x7980] =	vst v0;
	s21 =	simm.s32 $0x0  }
.LBB2_4:
0x2c: {  	s22 =	sshll.u32 s21, $0x4  }
0x2d: {  	v4 =	vld [tilespmem:s22+$0x7800]  }
0x2e: {  	v3 =	vld [tilespmem:s22+$0x7880]  }
0x2f: {  	v2 =	vld [tilespmem:s22+$0x7900];
	_ =	sdelay $0x2  }
0x30: {  	v5 =	vnsel vm0, $0x0, v4  }
0x31: {  	(xrf2) =	vadd.scan.msk.f32 $0xffff, v5;
	v5 =	vnsel vm0, $0x0, v3  }
0x32: {  	(xrf2) =	vadd.scan.msk.f32 $0xffff, v5;
	v5 =	vnsel vm0, $0x0, v2  }
0x33: {  	(xrf2) =	vadd.scan.msk.f32 $0xffff, v5;
	_ =	sdelay $0x7  }
0x34: {  	v5, _, _ =	vpop (xrf2)  }
0x35: {  	s24 =	sshll.u32 s21, $0x9;
	v6, _, _ =	vpop (xrf2)  }
0x36: {  	s0 =	simm.s32 $0x10;
	s1 =	simm.s32 $0x2810;
	s2 =	simm.s32 $0x5010;
	v5 =	vbroadcast v5, $0xF;
	v7, _, _ =	vpop (xrf2)  }
0x37: {  	s3 =	simm.s32 $0x10;
	s23 =	simm.s32 $0x0;
	s5 =	simm.s32 $0x0;
	v8 =	vmov s24;
	v6 =	vbroadcast v6, $0xF;
	v7 =	vbroadcast v7, $0xF  }
.LBB2_5:
0x38: {  	v9 =	vld [tilespmem:s3+$0xFFFFFFF0]  }
0x39: {  	v10 =	vld [tilespmem:s2+$0xFFFFFFF0];
	_ =	sdelay $0x1  }
0x3a: {  	v11 =	vld [tilespmem:s1+$0xFFFFFFF0];
	_ =	sdelay $0x2  }
0x3b: {  	v9 =	vsub.f32 v9, v5;
	v10 =	vsub.f32 v10, v7;
	_ =	sdelay $0x1  }
0x3c: {  	v11 =	vsub.f32 v11, v6;
	v9 =	vmul.f32 v9, v9;
	v10 =	vmul.f32 v10, v10;
	_ =	sdelay $0x1  }
0x3d: {  	v9 =	vadd.f32 v10, v9;
	v10 =	vmul.f32 v11, v11;
	_ =	sdelay $0x1  }
0x3e: {  	v9 =	vadd.f32 v9, v10;
	_ =	sdelay $0x1  }
0x3f: {  	vm15 =	vle.f32 v9, $2.500000000e-01  }
0x40: {  	v9 =	vsel vm15, $0x1, v0  }
0x41: {  	(xrf0) =	vadd.scan.msk.s32 $0xffff, v9;
	_ =	sdelay $0x5  }
0x42: {  	s6 =	sadd.s32 $0xFFFFFFFF, s23;
	v9, _, _ =	vpop (xrf0)  }
0x43: {  	v10 =	vadd.s32 s6, v9  }
0x44: {  	vm1 =	vlt.s32 v10, $0x20  }
0x45: {  	vm1 =	vmand vm15, vm1  }
0x46: {  	v10 =	vadd.s32 v8, v10;
	_ =	sdelay $0x2  }
0x47: {  	s29 =	sadd.s32 $0xFFFFFFF0, s0  }
0x48: {  	v11 =	vor.u32 s29, v1  }
0x49: {  	[tilespmem:v10+s18+$0x0] =	vst.idx.msk vm1, v11  }
0x4a: {  	v10 =	vld [tilespmem:s3+$0x0]  }
0x4b: {  	v11 =	vld [tilespmem:s2+$0x0];
	_ =	sdelay $0x1  }
0x4c: {  	v12 =	vld [tilespmem:s1+$0x0];
	_ =	sdelay $0x2  }
0x4d: {  	v10 =	vsub.f32 v10, v5;
	v11 =	vsub.f32 v11, v7;
	_ =	sdelay $0x1  }
0x4e: {  	v12 =	vsub.f32 v12, v6;
	v10 =	vmul.f32 v10, v10;
	v11 =	vmul.f32 v11, v11;
	_ =	sdelay $0x1  }
0x4f: {  	v10 =	vadd.f32 v11, v10;
	v11 =	vmul.f32 v12, v12;
	_ =	sdelay $0x1  }
0x50: {  	v10 =	vadd.f32 v10, v11;
	_ =	sdelay $0x1  }
0x51: {  	vm1 =	vle.f32 v10, $2.500000000e-01  }
0x52: {  	v10 =	vsel vm1, $0x1, v0  }
0x53: {  	(xrf0) =	vadd.scan.msk.s32 $0xffff, v10;
	_ =	sdelay $0x3  }
0x54: {  	(v2sf) =	vpush v9, $0xF;
	_ =	sdelay $0x1  }
0x55: {  	v9, _, _ =	vpop (xrf0)  }
0x56: {  	(v2sf) =	vpush v9, $0xF;
	_ =	sdelay $0xb  }
0x57: {  	s30 =	spop (v2sf)  }
0x58: {  	s6 =	sadd.s32 s23, s30  }
0x59: {  	s7 =	sadd.s32 $0xFFFFFFFF, s6  }
0x5a: {  	v9 =	vadd.s32 s7, v9;
	s31 =	spop (v2sf)  }
0x5b: {  	p0 =	sgt.u32 s5, $0x13E;
	vm15 =	vlt.s32 v9, $0x20;
	s23 =	sadd.s32 s6, s31  }
0x5c: {  	vm1 =	vmand vm1, vm15;
	p1 =	slt.s32 @!p0 s23, $0x20  }
0x5d: {  	v9 =	vadd.s32 v8, v9;
	p0 =	por p0, !p1  }
.Ltmp1:
0x5e: {  	_ = 	snop;
	(pc) =	sbr.rel @!p0 .LBB2_5-.Ltmp1, $3  }
0x5f: {  	_ =	sdelay $0x1  }
0x60: {  	s5 =	sadd.s32 $0x1, s5;
	s3 =	sadd.s32 $0x20, s3;
	v10 =	vor.u32 s0, v1  }
0x61: {  	s1 =	sadd.s32 $0x20, s1;
	s2 =	sadd.s32 $0x20, s2;
	s0 =	sadd.s32 $0x20, s0;
	[tilespmem:v9+s18+$0x0] =	vst.idx.msk vm1, v10  }
0x62: {  	vm1 =	vcmask $0x308  }
0x63: {  	v5 =	vsel vm1, $0x0, v4  }
0x64: {  	(xrf2) =	vadd.scan.msk.f32 $0xffff, v5;
	v5 =	vsel vm1, $0x0, v3  }
0x65: {  	(xrf2) =	vadd.scan.msk.f32 $0xffff, v5;
	v5 =	vsel vm1, $0x0, v2  }
0x66: {  	(xrf2) =	vadd.scan.msk.f32 $0xffff, v5;
	_ =	sdelay $0x7  }
0x67: {  	v5, _, _ =	vpop (xrf2)  }
0x68: {  	s2 =	sor.u32 $0x20, s24;
	v6, _, _ =	vpop (xrf2)  }
0x69: {  	s25 =	simm.s32 $0x0;
	s0 =	simm.s32 $0x10;
	s1 =	simm.s32 $0x2810;
	v5 =	vbroadcast v5, $0xF;
	v7, _, _ =	vpop (xrf2)  }
0x6a: {  	s3 =	simm.s32 $0x10;
	s5 =	simm.s32 $0x0;
	v8 =	vmov s2;
	s2 =	simm.s32 $0x5010;
	v6 =	vbroadcast v6, $0xF;
	v7 =	vbroadcast v7, $0xF  }
.LBB2_7:
0x6b: {  	v9 =	vld [tilespmem:s3+$0xFFFFFFF0]  }
0x6c: {  	v10 =	vld [tilespmem:s2+$0xFFFFFFF0];
	_ =	sdelay $0x1  }
0x6d: {  	v11 =	vld [tilespmem:s1+$0xFFFFFFF0];
	_ =	sdelay $0x2  }
0x6e: {  	v9 =	vsub.f32 v9, v5;
	v10 =	vsub.f32 v10, v7;
	_ =	sdelay $0x1  }
0x6f: {  	v11 =	vsub.f32 v11, v6;
	v9 =	vmul.f32 v9, v9;
	v10 =	vmul.f32 v10, v10;
	_ =	sdelay $0x1  }
0x70: {  	v9 =	vadd.f32 v10, v9;
	v10 =	vmul.f32 v11, v11;
	_ =	sdelay $0x1  }
0x71: {  	v9 =	vadd.f32 v9, v10;
	_ =	sdelay $0x1  }
0x72: {  	vm1 =	vle.f32 v9, $2.500000000e-01  }
0x73: {  	v9 =	vsel vm1, $0x1, v0  }
0x74: {  	(xrf0) =	vadd.scan.msk.s32 $0xffff, v9;
	_ =	sdelay $0x5  }
0x75: {  	s6 =	sadd.s32 $0xFFFFFFFF, s25;
	v9, _, _ =	vpop (xrf0)  }
0x76: {  	v10 =	vadd.s32 s6, v9  }
0x77: {  	vm15 =	vlt.s32 v10, $0x20  }
0x78: {  	vm1 =	vmand vm1, vm15  }
0x79: {  	v10 =	vadd.s32 v8, v10;
	_ =	sdelay $0x2  }
0x7a: {  	s29 =	sadd.s32 $0xFFFFFFF0, s0  }
0x7b: {  	v11 =	vor.u32 s29, v1  }
0x7c: {  	[tilespmem:v10+s18+$0x0] =	vst.idx.msk vm1, v11  }
0x7d: {  	v10 =	vld [tilespmem:s3+$0x0]  }
0x7e: {  	v11 =	vld [tilespmem:s2+$0x0];
	_ =	sdelay $0x1  }
0x7f: {  	v12 =	vld [tilespmem:s1+$0x0];
	_ =	sdelay $0x2  }
0x80: {  	v10 =	vsub.f32 v10, v5;
	v11 =	vsub.f32 v11, v7;
	_ =	sdelay $0x1  }
0x81: {  	v12 =	vsub.f32 v12, v6;
	v10 =	vmul.f32 v10, v10;
	v11 =	vmul.f32 v11, v11;
	_ =	sdelay $0x1  }
0x82: {  	v10 =	vadd.f32 v11, v10;
	v11 =	vmul.f32 v12, v12;
	_ =	sdelay $0x1  }
0x83: {  	v10 =	vadd.f32 v10, v11;
	_ =	sdelay $0x1  }
0x84: {  	vm1 =	vle.f32 v10, $2.500000000e-01  }
0x85: {  	v10 =	vsel vm1, $0x1, v0  }
0x86: {  	(xrf0) =	vadd.scan.msk.s32 $0xffff, v10;
	_ =	sdelay $0x3  }
0x87: {  	(v2sf) =	vpush v9, $0xF;
	_ =	sdelay $0x1  }
0x88: {  	v9, _, _ =	vpop (xrf0)  }
0x89: {  	(v2sf) =	vpush v9, $0xF;
	_ =	sdelay $0xb  }
0x8a: {  	s30 =	spop (v2sf)  }
0x8b: {  	s6 =	sadd.s32 s25, s30  }
0x8c: {  	s7 =	sadd.s32 $0xFFFFFFFF, s6  }
0x8d: {  	v9 =	vadd.s32 s7, v9;
	s31 =	spop (v2sf)  }
0x8e: {  	p0 =	sgt.u32 s5, $0x13E;
	vm15 =	vlt.s32 v9, $0x20;
	s25 =	sadd.s32 s6, s31  }
0x8f: {  	vm1 =	vmand vm1, vm15;
	p1 =	slt.s32 @!p0 s25, $0x20  }
0x90: {  	v9 =	vadd.s32 v8, v9;
	p0 =	por p0, !p1  }
.Ltmp2:
0x91: {  	_ = 	snop;
	(pc) =	sbr.rel @!p0 .LBB2_7-.Ltmp2, $3  }
0x92: {  	_ =	sdelay $0x1  }
0x93: {  	s5 =	sadd.s32 $0x1, s5;
	s3 =	sadd.s32 $0x20, s3;
	v10 =	vor.u32 s0, v1  }
0x94: {  	s1 =	sadd.s32 $0x20, s1;
	s2 =	sadd.s32 $0x20, s2;
	s0 =	sadd.s32 $0x20, s0;
	[tilespmem:v9+s18+$0x0] =	vst.idx.msk vm1, v10  }
0x95: {  	v5 =	vsel vm2, $0x0, v4  }
0x96: {  	(xrf2) =	vadd.scan.msk.f32 $0xffff, v5;
	v5 =	vsel vm2, $0x0, v3  }
0x97: {  	(xrf2) =	vadd.scan.msk.f32 $0xffff, v5;
	v5 =	vsel vm2, $0x0, v2  }
0x98: {  	(xrf2) =	vadd.scan.msk.f32 $0xffff, v5;
	_ =	sdelay $0x7  }
0x99: {  	v5, _, _ =	vpop (xrf2)  }
0x9a: {  	s2 =	sor.u32 $0x40, s24;
	v6, _, _ =	vpop (xrf2)  }
0x9b: {  	s26 =	simm.s32 $0x0;
	s0 =	simm.s32 $0x10;
	s1 =	simm.s32 $0x2810;
	v5 =	vbroadcast v5, $0xF;
	v7, _, _ =	vpop (xrf2)  }
0x9c: {  	s3 =	simm.s32 $0x10;
	s5 =	simm.s32 $0x0;
	v8 =	vmov s2;
	s2 =	simm.s32 $0x5010;
	v6 =	vbroadcast v6, $0xF;
	v7 =	vbroadcast v7, $0xF  }
.LBB2_9:
0x9d: {  	v9 =	vld [tilespmem:s3+$0xFFFFFFF0]  }
0x9e: {  	v10 =	vld [tilespmem:s2+$0xFFFFFFF0];
	_ =	sdelay $0x1  }
0x9f: {  	v11 =	vld [tilespmem:s1+$0xFFFFFFF0];
	_ =	sdelay $0x2  }
0xa0: {  	v9 =	vsub.f32 v9, v5;
	v10 =	vsub.f32 v10, v7;
	_ =	sdelay $0x1  }
0xa1: {  	v11 =	vsub.f32 v11, v6;
	v9 =	vmul.f32 v9, v9;
	v10 =	vmul.f32 v10, v10;
	_ =	sdelay $0x1  }
0xa2: {  	v9 =	vadd.f32 v10, v9;
	v10 =	vmul.f32 v11, v11;
	_ =	sdelay $0x1  }
0xa3: {  	v9 =	vadd.f32 v9, v10;
	_ =	sdelay $0x1  }
0xa4: {  	vm1 =	vle.f32 v9, $2.500000000e-01  }
0xa5: {  	v9 =	vsel vm1, $0x1, v0  }
0xa6: {  	(xrf0) =	vadd.scan.msk.s32 $0xffff, v9;
	_ =	sdelay $0x5  }
0xa7: {  	s6 =	sadd.s32 $0xFFFFFFFF, s26;
	v9, _, _ =	vpop (xrf0)  }
0xa8: {  	v10 =	vadd.s32 s6, v9  }
0xa9: {  	vm15 =	vlt.s32 v10, $0x20  }
0xaa: {  	vm1 =	vmand vm1, vm15  }
0xab: {  	v10 =	vadd.s32 v8, v10;
	_ =	sdelay $0x2  }
0xac: {  	s29 =	sadd.s32 $0xFFFFFFF0, s0  }
0xad: {  	v11 =	vor.u32 s29, v1  }
0xae: {  	[tilespmem:v10+s18+$0x0] =	vst.idx.msk vm1, v11  }
0xaf: {  	v10 =	vld [tilespmem:s3+$0x0]  }
0xb0: {  	v11 =	vld [tilespmem:s2+$0x0];
	_ =	sdelay $0x1  }
0xb1: {  	v12 =	vld [tilespmem:s1+$0x0];
	_ =	sdelay $0x2  }
0xb2: {  	v10 =	vsub.f32 v10, v5;
	v11 =	vsub.f32 v11, v7;
	_ =	sdelay $0x1  }
0xb3: {  	v12 =	vsub.f32 v12, v6;
	v10 =	vmul.f32 v10, v10;
	v11 =	vmul.f32 v11, v11;
	_ =	sdelay $0x1  }
0xb4: {  	v10 =	vadd.f32 v11, v10;
	v11 =	vmul.f32 v12, v12;
	_ =	sdelay $0x1  }
0xb5: {  	v10 =	vadd.f32 v10, v11;
	_ =	sdelay $0x1  }
0xb6: {  	vm1 =	vle.f32 v10, $2.500000000e-01  }
0xb7: {  	v10 =	vsel vm1, $0x1, v0  }
0xb8: {  	(xrf0) =	vadd.scan.msk.s32 $0xffff, v10;
	_ =	sdelay $0x3  }
0xb9: {  	(v2sf) =	vpush v9, $0xF;
	_ =	sdelay $0x1  }
0xba: {  	v9, _, _ =	vpop (xrf0)  }
0xbb: {  	(v2sf) =	vpush v9, $0xF;
	_ =	sdelay $0xb  }
0xbc: {  	s30 =	spop (v2sf)  }
0xbd: {  	s6 =	sadd.s32 s26, s30  }
0xbe: {  	s7 =	sadd.s32 $0xFFFFFFFF, s6  }
0xbf: {  	v9 =	vadd.s32 s7, v9;
	s31 =	spop (v2sf)  }
0xc0: {  	p0 =	sgt.u32 s5, $0x13E;
	vm15 =	vlt.s32 v9, $0x20;
	s26 =	sadd.s32 s6, s31  }
0xc1: {  	vm1 =	vmand vm1, vm15;
	p1 =	slt.s32 @!p0 s26, $0x20  }
0xc2: {  	v9 =	vadd.s32 v8, v9;
	p0 =	por p0, !p1  }
.Ltmp3:
0xc3: {  	_ = 	snop;
	(pc) =	sbr.rel @!p0 .LBB2_9-.Ltmp3, $3  }
0xc4: {  	_ =	sdelay $0x1  }
0xc5: {  	s5 =	sadd.s32 $0x1, s5;
	s3 =	sadd.s32 $0x20, s3;
	v10 =	vor.u32 s0, v1  }
0xc6: {  	s1 =	sadd.s32 $0x20, s1;
	s2 =	sadd.s32 $0x20, s2;
	s0 =	sadd.s32 $0x20, s0;
	[tilespmem:v9+s18+$0x0] =	vst.idx.msk vm1, v10  }
0xc7: {  	v5 =	vsel vm3, $0x0, v4  }
0xc8: {  	(xrf2) =	vadd.scan.msk.f32 $0xffff, v5;
	v5 =	vsel vm3, $0x0, v3  }
0xc9: {  	(xrf2) =	vadd.scan.msk.f32 $0xffff, v5;
	v5 =	vsel vm3, $0x0, v2  }
0xca: {  	(xrf2) =	vadd.scan.msk.f32 $0xffff, v5;
	_ =	sdelay $0x7  }
0xcb: {  	v5, _, _ =	vpop (xrf2)  }
0xcc: {  	s2 =	sor.u32 $0x60, s24;
	v6, _, _ =	vpop (xrf2)  }
0xcd: {  	s28 =	simm.s32 $0x0;
	s0 =	simm.s32 $0x10;
	s1 =	simm.s32 $0x2810;
	v5 =	vbroadcast v5, $0xF;
	v7, _, _ =	vpop (xrf2)  }
0xce: {  	s3 =	simm.s32 $0x10;
	s5 =	simm.s32 $0x0;
	v8 =	vmov s2;
	s2 =	simm.s32 $0x5010;
	v6 =	vbroadcast v6, $0xF;
	v7 =	vbroadcast v7, $0xF  }
.LBB2_11:
0xcf: {  	v9 =	vld [tilespmem:s3+$0xFFFFFFF0]  }
0xd0: {  	v10 =	vld [tilespmem:s2+$0xFFFFFFF0];
	_ =	sdelay $0x1  }
0xd1: {  	v11 =	vld [tilespmem:s1+$0xFFFFFFF0];
	_ =	sdelay $0x2  }
0xd2: {  	v9 =	vsub.f32 v9, v5;
	v10 =	vsub.f32 v10, v7;
	_ =	sdelay $0x1  }
0xd3: {  	v11 =	vsub.f32 v11, v6;
	v9 =	vmul.f32 v9, v9;
	v10 =	vmul.f32 v10, v10;
	_ =	sdelay $0x1  }
0xd4: {  	v9 =	vadd.f32 v10, v9;
	v10 =	vmul.f32 v11, v11;
	_ =	sdelay $0x1  }
0xd5: {  	v9 =	vadd.f32 v9, v10;
	_ =	sdelay $0x1  }
0xd6: {  	vm1 =	vle.f32 v9, $2.500000000e-01  }
0xd7: {  	v9 =	vsel vm1, $0x1, v0  }
0xd8: {  	(xrf0) =	vadd.scan.msk.s32 $0xffff, v9;
	_ =	sdelay $0x5  }
0xd9: {  	s6 =	sadd.s32 $0xFFFFFFFF, s28;
	v9, _, _ =	vpop (xrf0)  }
0xda: {  	v10 =	vadd.s32 s6, v9  }
0xdb: {  	vm15 =	vlt.s32 v10, $0x20  }
0xdc: {  	vm1 =	vmand vm1, vm15  }
0xdd: {  	v10 =	vadd.s32 v8, v10;
	_ =	sdelay $0x2  }
0xde: {  	s29 =	sadd.s32 $0xFFFFFFF0, s0  }
0xdf: {  	v11 =	vor.u32 s29, v1  }
0xe0: {  	[tilespmem:v10+s18+$0x0] =	vst.idx.msk vm1, v11  }
0xe1: {  	v10 =	vld [tilespmem:s3+$0x0]  }
0xe2: {  	v11 =	vld [tilespmem:s2+$0x0];
	_ =	sdelay $0x1  }
0xe3: {  	v12 =	vld [tilespmem:s1+$0x0];
	_ =	sdelay $0x2  }
0xe4: {  	v10 =	vsub.f32 v10, v5;
	v11 =	vsub.f32 v11, v7;
	_ =	sdelay $0x1  }
0xe5: {  	v12 =	vsub.f32 v12, v6;
	v10 =	vmul.f32 v10, v10;
	v11 =	vmul.f32 v11, v11;
	_ =	sdelay $0x1  }
0xe6: {  	v10 =	vadd.f32 v11, v10;
	v11 =	vmul.f32 v12, v12;
	_ =	sdelay $0x1  }
0xe7: {  	v10 =	vadd.f32 v10, v11;
	_ =	sdelay $0x1  }
0xe8: {  	vm1 =	vle.f32 v10, $2.500000000e-01  }
0xe9: {  	v10 =	vsel vm1, $0x1, v0  }
0xea: {  	(xrf0) =	vadd.scan.msk.s32 $0xffff, v10;
	_ =	sdelay $0x3  }
0xeb: {  	(v2sf) =	vpush v9, $0xF;
	_ =	sdelay $0x1  }
0xec: {  	v9, _, _ =	vpop (xrf0)  }
0xed: {  	(v2sf) =	vpush v9, $0xF;
	_ =	sdelay $0xb  }
0xee: {  	s30 =	spop (v2sf)  }
0xef: {  	s6 =	sadd.s32 s28, s30  }
0xf0: {  	s7 =	sadd.s32 $0xFFFFFFFF, s6  }
0xf1: {  	v9 =	vadd.s32 s7, v9;
	s31 =	spop (v2sf)  }
0xf2: {  	p0 =	sgt.u32 s5, $0x13E;
	vm15 =	vlt.s32 v9, $0x20;
	s28 =	sadd.s32 s6, s31  }
0xf3: {  	vm1 =	vmand vm1, vm15;
	p1 =	slt.s32 @!p0 s28, $0x20  }
0xf4: {  	v9 =	vadd.s32 v8, v9;
	p0 =	por p0, !p1  }
.Ltmp4:
0xf5: {  	_ = 	snop;
	(pc) =	sbr.rel @!p0 .LBB2_11-.Ltmp4, $3  }
0xf6: {  	_ =	sdelay $0x1  }
0xf7: {  	s5 =	sadd.s32 $0x1, s5;
	s3 =	sadd.s32 $0x20, s3;
	v10 =	vor.u32 s0, v1  }
0xf8: {  	s1 =	sadd.s32 $0x20, s1;
	s2 =	sadd.s32 $0x20, s2;
	s0 =	sadd.s32 $0x20, s0;
	[tilespmem:v9+s18+$0x0] =	vst.idx.msk vm1, v10  }
0xf9: {  	v5 =	vsel vm4, $0x0, v4  }
0xfa: {  	(xrf2) =	vadd.scan.msk.f32 $0xffff, v5;
	v5 =	vsel vm4, $0x0, v3  }
0xfb: {  	(xrf2) =	vadd.scan.msk.f32 $0xffff, v5;
	v5 =	vsel vm4, $0x0, v2  }
0xfc: {  	(xrf2) =	vadd.scan.msk.f32 $0xffff, v5;
	_ =	sdelay $0x7  }
0xfd: {  	v5, _, _ =	vpop (xrf2)  }
0xfe: {  	s2 =	sor.u32 $0x80, s24;
	v6, _, _ =	vpop (xrf2)  }
0xff: {  	s29 =	simm.s32 $0x0;
	s0 =	simm.s32 $0x10;
	s1 =	simm.s32 $0x2810;
	v5 =	vbroadcast v5, $0xF;
	v7, _, _ =	vpop (xrf2)  }
0x100: {  	s3 =	simm.s32 $0x10;
	s5 =	simm.s32 $0x0;
	v8 =	vmov s2;
	s2 =	simm.s32 $0x5010;
	v6 =	vbroadcast v6, $0xF;
	v7 =	vbroadcast v7, $0xF  }
.LBB2_13:
0x101: {  	v9 =	vld [tilespmem:s3+$0xFFFFFFF0]  }
0x102: {  	v10 =	vld [tilespmem:s2+$0xFFFFFFF0];
	_ =	sdelay $0x1  }
0x103: {  	v11 =	vld [tilespmem:s1+$0xFFFFFFF0];
	_ =	sdelay $0x2  }
0x104: {  	v9 =	vsub.f32 v9, v5;
	v10 =	vsub.f32 v10, v7;
	_ =	sdelay $0x1  }
0x105: {  	v11 =	vsub.f32 v11, v6;
	v9 =	vmul.f32 v9, v9;
	v10 =	vmul.f32 v10, v10;
	_ =	sdelay $0x1  }
0x106: {  	v9 =	vadd.f32 v10, v9;
	v10 =	vmul.f32 v11, v11;
	_ =	sdelay $0x1  }
0x107: {  	v9 =	vadd.f32 v9, v10;
	_ =	sdelay $0x1  }
0x108: {  	vm1 =	vle.f32 v9, $2.500000000e-01  }
0x109: {  	v9 =	vsel vm1, $0x1, v0  }
0x10a: {  	(xrf0) =	vadd.scan.msk.s32 $0xffff, v9;
	_ =	sdelay $0x5  }
0x10b: {  	s6 =	sadd.s32 $0xFFFFFFFF, s29;
	v9, _, _ =	vpop (xrf0)  }
0x10c: {  	v10 =	vadd.s32 s6, v9  }
0x10d: {  	vm15 =	vlt.s32 v10, $0x20  }
0x10e: {  	vm1 =	vmand vm1, vm15  }
0x10f: {  	v10 =	vadd.s32 v8, v10;
	_ =	sdelay $0x2  }
0x110: {  	s19 =	sadd.s32 $0xFFFFFFF0, s0  }
0x111: {  	v11 =	vor.u32 s19, v1  }
0x112: {  	[tilespmem:v10+s18+$0x0] =	vst.idx.msk vm1, v11  }
0x113: {  	v10 =	vld [tilespmem:s3+$0x0]  }
0x114: {  	v11 =	vld [tilespmem:s2+$0x0];
	_ =	sdelay $0x1  }
0x115: {  	v12 =	vld [tilespmem:s1+$0x0];
	_ =	sdelay $0x2  }
0x116: {  	v10 =	vsub.f32 v10, v5;
	v11 =	vsub.f32 v11, v7;
	_ =	sdelay $0x1  }
0x117: {  	v12 =	vsub.f32 v12, v6;
	v10 =	vmul.f32 v10, v10;
	v11 =	vmul.f32 v11, v11;
	_ =	sdelay $0x1  }
0x118: {  	v10 =	vadd.f32 v11, v10;
	v11 =	vmul.f32 v12, v12;
	_ =	sdelay $0x1  }
0x119: {  	v10 =	vadd.f32 v10, v11;
	_ =	sdelay $0x1  }
0x11a: {  	vm1 =	vle.f32 v10, $2.500000000e-01  }
0x11b: {  	v10 =	vsel vm1, $0x1, v0  }
0x11c: {  	(xrf0) =	vadd.scan.msk.s32 $0xffff, v10;
	_ =	sdelay $0x3  }
0x11d: {  	(v2sf) =	vpush v9, $0xF;
	_ =	sdelay $0x1  }
0x11e: {  	v9, _, _ =	vpop (xrf0)  }
0x11f: {  	(v2sf) =	vpush v9, $0xF;
	_ =	sdelay $0xb  }
0x120: {  	s30 =	spop (v2sf)  }
0x121: {  	s6 =	sadd.s32 s29, s30  }
0x122: {  	s7 =	sadd.s32 $0xFFFFFFFF, s6  }
0x123: {  	v9 =	vadd.s32 s7, v9;
	s31 =	spop (v2sf)  }
0x124: {  	p0 =	sgt.u32 s5, $0x13E;
	vm15 =	vlt.s32 v9, $0x20;
	s29 =	sadd.s32 s6, s31  }
0x125: {  	vm1 =	vmand vm1, vm15;
	p1 =	slt.s32 @!p0 s29, $0x20  }
0x126: {  	v9 =	vadd.s32 v8, v9;
	p0 =	por p0, !p1  }
.Ltmp5:
0x127: {  	_ = 	snop;
	(pc) =	sbr.rel @!p0 .LBB2_13-.Ltmp5, $3  }
0x128: {  	_ =	sdelay $0x1  }
0x129: {  	s5 =	sadd.s32 $0x1, s5;
	s3 =	sadd.s32 $0x20, s3;
	v10 =	vor.u32 s0, v1  }
0x12a: {  	s1 =	sadd.s32 $0x20, s1;
	s2 =	sadd.s32 $0x20, s2;
	s0 =	sadd.s32 $0x20, s0;
	[tilespmem:v9+s18+$0x0] =	vst.idx.msk vm1, v10  }
0x12b: {  	v5 =	vsel vm5, $0x0, v4  }
0x12c: {  	(xrf2) =	vadd.scan.msk.f32 $0xffff, v5;
	v5 =	vsel vm5, $0x0, v3  }
0x12d: {  	(xrf2) =	vadd.scan.msk.f32 $0xffff, v5;
	v5 =	vsel vm5, $0x0, v2  }
0x12e: {  	(xrf2) =	vadd.scan.msk.f32 $0xffff, v5;
	_ =	sdelay $0x7  }
0x12f: {  	v5, _, _ =	vpop (xrf2)  }
0x130: {  	s2 =	sor.u32 $0xA0, s24;
	v6, _, _ =	vpop (xrf2)  }
0x131: {  	s30 =	simm.s32 $0x0;
	s0 =	simm.s32 $0x10;
	s1 =	simm.s32 $0x2810;
	v5 =	vbroadcast v5, $0xF;
	v7, _, _ =	vpop (xrf2)  }
0x132: {  	s3 =	simm.s32 $0x10;
	s5 =	simm.s32 $0x0;
	v8 =	vmov s2;
	s2 =	simm.s32 $0x5010;
	v6 =	vbroadcast v6, $0xF;
	v7 =	vbroadcast v7, $0xF  }
.LBB2_15:
0x133: {  	v9 =	vld [tilespmem:s3+$0xFFFFFFF0]  }
0x134: {  	v10 =	vld [tilespmem:s2+$0xFFFFFFF0];
	_ =	sdelay $0x1  }
0x135: {  	v11 =	vld [tilespmem:s1+$0xFFFFFFF0];
	_ =	sdelay $0x2  }
0x136: {  	v9 =	vsub.f32 v9, v5;
	v10 =	vsub.f32 v10, v7;
	_ =	sdelay $0x1  }
0x137: {  	v11 =	vsub.f32 v11, v6;
	v9 =	vmul.f32 v9, v9;
	v10 =	vmul.f32 v10, v10;
	_ =	sdelay $0x1  }
0x138: {  	v9 =	vadd.f32 v10, v9;
	v10 =	vmul.f32 v11, v11;
	_ =	sdelay $0x1  }
0x139: {  	v9 =	vadd.f32 v9, v10;
	_ =	sdelay $0x1  }
0x13a: {  	vm1 =	vle.f32 v9, $2.500000000e-01  }
0x13b: {  	v9 =	vsel vm1, $0x1, v0  }
0x13c: {  	(xrf0) =	vadd.scan.msk.s32 $0xffff, v9;
	_ =	sdelay $0x5  }
0x13d: {  	s6 =	sadd.s32 $0xFFFFFFFF, s30;
	v9, _, _ =	vpop (xrf0)  }
0x13e: {  	v10 =	vadd.s32 s6, v9  }
0x13f: {  	vm15 =	vlt.s32 v10, $0x20  }
0x140: {  	vm1 =	vmand vm1, vm15  }
0x141: {  	v10 =	vadd.s32 v8, v10;
	_ =	sdelay $0x2  }
0x142: {  	s17 =	sadd.s32 $0xFFFFFFF0, s0  }
0x143: {  	v11 =	vor.u32 s17, v1  }
0x144: {  	[tilespmem:v10+s18+$0x0] =	vst.idx.msk vm1, v11  }
0x145: {  	v10 =	vld [tilespmem:s3+$0x0]  }
0x146: {  	v11 =	vld [tilespmem:s2+$0x0];
	_ =	sdelay $0x1  }
0x147: {  	v12 =	vld [tilespmem:s1+$0x0];
	_ =	sdelay $0x2  }
0x148: {  	v10 =	vsub.f32 v10, v5;
	v11 =	vsub.f32 v11, v7;
	_ =	sdelay $0x1  }
0x149: {  	v12 =	vsub.f32 v12, v6;
	v10 =	vmul.f32 v10, v10;
	v11 =	vmul.f32 v11, v11;
	_ =	sdelay $0x1  }
0x14a: {  	v10 =	vadd.f32 v11, v10;
	v11 =	vmul.f32 v12, v12;
	_ =	sdelay $0x1  }
0x14b: {  	v10 =	vadd.f32 v10, v11;
	_ =	sdelay $0x1  }
0x14c: {  	vm1 =	vle.f32 v10, $2.500000000e-01  }
0x14d: {  	v10 =	vsel vm1, $0x1, v0  }
0x14e: {  	(xrf0) =	vadd.scan.msk.s32 $0xffff, v10;
	_ =	sdelay $0x3  }
0x14f: {  	(v2sf) =	vpush v9, $0xF;
	_ =	sdelay $0x1  }
0x150: {  	v9, _, _ =	vpop (xrf0)  }
0x151: {  	(v2sf) =	vpush v9, $0xF;
	_ =	sdelay $0xb  }
0x152: {  	s19 =	spop (v2sf)  }
0x153: {  	s6 =	sadd.s32 s30, s19  }
0x154: {  	s7 =	sadd.s32 $0xFFFFFFFF, s6  }
0x155: {  	v9 =	vadd.s32 s7, v9;
	s31 =	spop (v2sf)  }
0x156: {  	p0 =	sgt.u32 s5, $0x13E;
	vm15 =	vlt.s32 v9, $0x20;
	s30 =	sadd.s32 s6, s31  }
0x157: {  	vm1 =	vmand vm1, vm15;
	p1 =	slt.s32 @!p0 s30, $0x20  }
0x158: {  	v9 =	vadd.s32 v8, v9;
	p0 =	por p0, !p1  }
.Ltmp6:
0x159: {  	_ = 	snop;
	(pc) =	sbr.rel @!p0 .LBB2_15-.Ltmp6, $3  }
0x15a: {  	_ =	sdelay $0x1  }
0x15b: {  	s5 =	sadd.s32 $0x1, s5;
	s3 =	sadd.s32 $0x20, s3;
	v10 =	vor.u32 s0, v1  }
0x15c: {  	s1 =	sadd.s32 $0x20, s1;
	s2 =	sadd.s32 $0x20, s2;
	s0 =	sadd.s32 $0x20, s0;
	[tilespmem:v9+s18+$0x0] =	vst.idx.msk vm1, v10  }
0x15d: {  	v5 =	vsel vm6, $0x0, v4  }
0x15e: {  	(xrf2) =	vadd.scan.msk.f32 $0xffff, v5;
	v5 =	vsel vm6, $0x0, v3  }
0x15f: {  	(xrf2) =	vadd.scan.msk.f32 $0xffff, v5;
	v5 =	vsel vm6, $0x0, v2  }
0x160: {  	(xrf2) =	vadd.scan.msk.f32 $0xffff, v5;
	_ =	sdelay $0x7  }
0x161: {  	v5, _, _ =	vpop (xrf2)  }
0x162: {  	s2 =	sor.u32 $0xC0, s24;
	v6, _, _ =	vpop (xrf2)  }
0x163: {  	s31 =	simm.s32 $0x0;
	s0 =	simm.s32 $0x10;
	s1 =	simm.s32 $0x2810;
	v5 =	vbroadcast v5, $0xF;
	v7, _, _ =	vpop (xrf2)  }
0x164: {  	s3 =	simm.s32 $0x10;
	s5 =	simm.s32 $0x0;
	v8 =	vmov s2;
	s2 =	simm.s32 $0x5010;
	v6 =	vbroadcast v6, $0xF;
	v7 =	vbroadcast v7, $0xF  }
.LBB2_17:
0x165: {  	v9 =	vld [tilespmem:s3+$0xFFFFFFF0]  }
0x166: {  	v10 =	vld [tilespmem:s2+$0xFFFFFFF0];
	_ =	sdelay $0x1  }
0x167: {  	v11 =	vld [tilespmem:s1+$0xFFFFFFF0];
	_ =	sdelay $0x2  }
0x168: {  	v9 =	vsub.f32 v9, v5;
	v10 =	vsub.f32 v10, v7;
	_ =	sdelay $0x1  }
0x169: {  	v11 =	vsub.f32 v11, v6;
	v9 =	vmul.f32 v9, v9;
	v10 =	vmul.f32 v10, v10;
	_ =	sdelay $0x1  }
0x16a: {  	v9 =	vadd.f32 v10, v9;
	v10 =	vmul.f32 v11, v11;
	_ =	sdelay $0x1  }
0x16b: {  	v9 =	vadd.f32 v9, v10;
	_ =	sdelay $0x1  }
0x16c: {  	vm1 =	vle.f32 v9, $2.500000000e-01  }
0x16d: {  	v9 =	vsel vm1, $0x1, v0  }
0x16e: {  	(xrf0) =	vadd.scan.msk.s32 $0xffff, v9;
	_ =	sdelay $0x5  }
0x16f: {  	s6 =	sadd.s32 $0xFFFFFFFF, s31;
	v9, _, _ =	vpop (xrf0)  }
0x170: {  	v10 =	vadd.s32 s6, v9  }
0x171: {  	vm15 =	vlt.s32 v10, $0x20  }
0x172: {  	vm1 =	vmand vm1, vm15  }
0x173: {  	v10 =	vadd.s32 v8, v10;
	_ =	sdelay $0x2  }
0x174: {  	s16 =	sadd.s32 $0xFFFFFFF0, s0  }
0x175: {  	v11 =	vor.u32 s16, v1  }
0x176: {  	[tilespmem:v10+s18+$0x0] =	vst.idx.msk vm1, v11  }
0x177: {  	v10 =	vld [tilespmem:s3+$0x0]  }
0x178: {  	v11 =	vld [tilespmem:s2+$0x0];
	_ =	sdelay $0x1  }
0x179: {  	v12 =	vld [tilespmem:s1+$0x0];
	_ =	sdelay $0x2  }
0x17a: {  	v10 =	vsub.f32 v10, v5;
	v11 =	vsub.f32 v11, v7;
	_ =	sdelay $0x1  }
0x17b: {  	v12 =	vsub.f32 v12, v6;
	v10 =	vmul.f32 v10, v10;
	v11 =	vmul.f32 v11, v11;
	_ =	sdelay $0x1  }
0x17c: {  	v10 =	vadd.f32 v11, v10;
	v11 =	vmul.f32 v12, v12;
	_ =	sdelay $0x1  }
0x17d: {  	v10 =	vadd.f32 v10, v11;
	_ =	sdelay $0x1  }
0x17e: {  	vm1 =	vle.f32 v10, $2.500000000e-01  }
0x17f: {  	v10 =	vsel vm1, $0x1, v0  }
0x180: {  	(xrf0) =	vadd.scan.msk.s32 $0xffff, v10;
	_ =	sdelay $0x3  }
0x181: {  	(v2sf) =	vpush v9, $0xF;
	_ =	sdelay $0x1  }
0x182: {  	v9, _, _ =	vpop (xrf0)  }
0x183: {  	(v2sf) =	vpush v9, $0xF;
	_ =	sdelay $0xb  }
0x184: {  	s17 =	spop (v2sf)  }
0x185: {  	s6 =	sadd.s32 s31, s17  }
0x186: {  	s7 =	sadd.s32 $0xFFFFFFFF, s6  }
0x187: {  	v9 =	vadd.s32 s7, v9;
	s19 =	spop (v2sf)  }
0x188: {  	p0 =	sgt.u32 s5, $0x13E;
	vm15 =	vlt.s32 v9, $0x20;
	s31 =	sadd.s32 s6, s19  }
0x189: {  	vm1 =	vmand vm1, vm15;
	p1 =	slt.s32 @!p0 s31, $0x20  }
0x18a: {  	v9 =	vadd.s32 v8, v9;
	p0 =	por p0, !p1  }
.Ltmp7:
0x18b: {  	_ = 	snop;
	(pc) =	sbr.rel @!p0 .LBB2_17-.Ltmp7, $3  }
0x18c: {  	_ =	sdelay $0x1  }
0x18d: {  	s5 =	sadd.s32 $0x1, s5;
	s3 =	sadd.s32 $0x20, s3;
	v10 =	vor.u32 s0, v1  }
0x18e: {  	s1 =	sadd.s32 $0x20, s1;
	s2 =	sadd.s32 $0x20, s2;
	s0 =	sadd.s32 $0x20, s0;
	[tilespmem:v9+s18+$0x0] =	vst.idx.msk vm1, v10  }
0x18f: {  	v5 =	vsel vm7, $0x0, v4  }
0x190: {  	(xrf2) =	vadd.scan.msk.f32 $0xffff, v5;
	v5 =	vsel vm7, $0x0, v3  }
0x191: {  	(xrf2) =	vadd.scan.msk.f32 $0xffff, v5;
	v5 =	vsel vm7, $0x0, v2  }
0x192: {  	(xrf2) =	vadd.scan.msk.f32 $0xffff, v5;
	_ =	sdelay $0x7  }
0x193: {  	v5, _, _ =	vpop (xrf2)  }
0x194: {  	s2 =	sor.u32 $0xE0, s24;
	v6, _, _ =	vpop (xrf2)  }
0x195: {  	s3 =	simm.s32 $0x0;
	s0 =	simm.s32 $0x10;
	s1 =	simm.s32 $0x2810;
	v5 =	vbroadcast v5, $0xF;
	v7, _, _ =	vpop (xrf2)  }
0x196: {  	s5 =	simm.s32 $0x10;
	s6 =	simm.s32 $0x0;
	v8 =	vmov s2;
	s2 =	simm.s32 $0x5010;
	v6 =	vbroadcast v6, $0xF;
	v7 =	vbroadcast v7, $0xF  }
.LBB2_19:
0x197: {  	v9 =	vld [tilespmem:s5+$0xFFFFFFF0]  }
0x198: {  	v10 =	vld [tilespmem:s2+$0xFFFFFFF0];
	_ =	sdelay $0x1  }
0x199: {  	v11 =	vld [tilespmem:s1+$0xFFFFFFF0];
	_ =	sdelay $0x2  }
0x19a: {  	v9 =	vsub.f32 v9, v5;
	v10 =	vsub.f32 v10, v7;
	_ =	sdelay $0x1  }
0x19b: {  	v11 =	vsub.f32 v11, v6;
	v9 =	vmul.f32 v9, v9;
	v10 =	vmul.f32 v10, v10;
	_ =	sdelay $0x1  }
0x19c: {  	v9 =	vadd.f32 v10, v9;
	v10 =	vmul.f32 v11, v11;
	_ =	sdelay $0x1  }
0x19d: {  	v9 =	vadd.f32 v9, v10;
	_ =	sdelay $0x1  }
0x19e: {  	vm1 =	vle.f32 v9, $2.500000000e-01  }
0x19f: {  	v9 =	vsel vm1, $0x1, v0  }
0x1a0: {  	(xrf0) =	vadd.scan.msk.s32 $0xffff, v9;
	_ =	sdelay $0x5  }
0x1a1: {  	s7 =	sadd.s32 $0xFFFFFFFF, s3;
	v9, _, _ =	vpop (xrf0)  }
0x1a2: {  	v10 =	vadd.s32 s7, v9  }
0x1a3: {  	vm15 =	vlt.s32 v10, $0x20  }
0x1a4: {  	vm1 =	vmand vm1, vm15  }
0x1a5: {  	v10 =	vadd.s32 v8, v10;
	_ =	sdelay $0x2  }
0x1a6: {  	s15 =	sadd.s32 $0xFFFFFFF0, s0  }
0x1a7: {  	v11 =	vor.u32 s15, v1  }
0x1a8: {  	[tilespmem:v10+s18+$0x0] =	vst.idx.msk vm1, v11  }
0x1a9: {  	v10 =	vld [tilespmem:s5+$0x0]  }
0x1aa: {  	v11 =	vld [tilespmem:s2+$0x0];
	_ =	sdelay $0x1  }
0x1ab: {  	v12 =	vld [tilespmem:s1+$0x0];
	_ =	sdelay $0x2  }
0x1ac: {  	v10 =	vsub.f32 v10, v5;
	v11 =	vsub.f32 v11, v7;
	_ =	sdelay $0x1  }
0x1ad: {  	v12 =	vsub.f32 v12, v6;
	v10 =	vmul.f32 v10, v10;
	v11 =	vmul.f32 v11, v11;
	_ =	sdelay $0x1  }
0x1ae: {  	v10 =	vadd.f32 v11, v10;
	v11 =	vmul.f32 v12, v12;
	_ =	sdelay $0x1  }
0x1af: {  	v10 =	vadd.f32 v10, v11;
	_ =	sdelay $0x1  }
0x1b0: {  	vm1 =	vle.f32 v10, $2.500000000e-01  }
0x1b1: {  	v10 =	vsel vm1, $0x1, v0  }
0x1b2: {  	(xrf0) =	vadd.scan.msk.s32 $0xffff, v10;
	_ =	sdelay $0x3  }
0x1b3: {  	(v2sf) =	vpush v9, $0xF;
	_ =	sdelay $0x1  }
0x1b4: {  	v9, _, _ =	vpop (xrf0)  }
0x1b5: {  	(v2sf) =	vpush v9, $0xF;
	_ =	sdelay $0xb  }
0x1b6: {  	s16 =	spop (v2sf)  }
0x1b7: {  	s17 =	sadd.s32 s3, s16  }
0x1b8: {  	s7 =	sadd.s32 $0xFFFFFFFF, s17  }
0x1b9: {  	v9 =	vadd.s32 s7, v9;
	s19 =	spop (v2sf)  }
0x1ba: {  	p0 =	sgt.u32 s6, $0x13E;
	vm15 =	vlt.s32 v9, $0x20;
	s3 =	sadd.s32 s17, s19  }
0x1bb: {  	vm1 =	vmand vm1, vm15;
	p1 =	slt.s32 @!p0 s3, $0x20  }
0x1bc: {  	v9 =	vadd.s32 v8, v9;
	p0 =	por p0, !p1  }
.Ltmp8:
0x1bd: {  	_ = 	snop;
	(pc) =	sbr.rel @!p0 .LBB2_19-.Ltmp8, $3  }
0x1be: {  	_ =	sdelay $0x1  }
0x1bf: {  	s6 =	sadd.s32 $0x1, s6;
	s5 =	sadd.s32 $0x20, s5;
	v10 =	vor.u32 s0, v1  }
0x1c0: {  	s1 =	sadd.s32 $0x20, s1;
	s2 =	sadd.s32 $0x20, s2;
	s0 =	sadd.s32 $0x20, s0;
	[tilespmem:v9+s18+$0x0] =	vst.idx.msk vm1, v10  }
0x1c1: {  	v5 =	vsel vm8, $0x0, v4  }
0x1c2: {  	(xrf2) =	vadd.scan.msk.f32 $0xffff, v5;
	v5 =	vsel vm8, $0x0, v3  }
0x1c3: {  	(xrf2) =	vadd.scan.msk.f32 $0xffff, v5;
	v5 =	vsel vm8, $0x0, v2  }
0x1c4: {  	(xrf2) =	vadd.scan.msk.f32 $0xffff, v5;
	_ =	sdelay $0x7  }
0x1c5: {  	v5, _, _ =	vpop (xrf2)  }
0x1c6: {  	s5 =	sor.u32 $0x100, s24;
	v6, _, _ =	vpop (xrf2)  }
0x1c7: {  	s0 =	simm.s32 $0x0;
	s1 =	simm.s32 $0x10;
	s2 =	simm.s32 $0x2810;
	v5 =	vbroadcast v5, $0xF;
	v7, _, _ =	vpop (xrf2)  }
0x1c8: {  	s13 =	simm.s32 $0x5010;
	s6 =	simm.s32 $0x0;
	v8 =	vmov s5;
	s5 =	simm.s32 $0x10;
	v6 =	vbroadcast v6, $0xF;
	v7 =	vbroadcast v7, $0xF  }
.LBB2_21:
0x1c9: {  	v9 =	vld [tilespmem:s5+$0xFFFFFFF0]  }
0x1ca: {  	v10 =	vld [tilespmem:s13+$0xFFFFFFF0];
	_ =	sdelay $0x1  }
0x1cb: {  	v11 =	vld [tilespmem:s2+$0xFFFFFFF0];
	_ =	sdelay $0x2  }
0x1cc: {  	v9 =	vsub.f32 v9, v5;
	v10 =	vsub.f32 v10, v7;
	_ =	sdelay $0x1  }
0x1cd: {  	v11 =	vsub.f32 v11, v6;
	v9 =	vmul.f32 v9, v9;
	v10 =	vmul.f32 v10, v10;
	_ =	sdelay $0x1  }
0x1ce: {  	v9 =	vadd.f32 v10, v9;
	v10 =	vmul.f32 v11, v11;
	_ =	sdelay $0x1  }
0x1cf: {  	v9 =	vadd.f32 v9, v10;
	_ =	sdelay $0x1  }
0x1d0: {  	vm1 =	vle.f32 v9, $2.500000000e-01  }
0x1d1: {  	v9 =	vsel vm1, $0x1, v0  }
0x1d2: {  	(xrf0) =	vadd.scan.msk.s32 $0xffff, v9;
	_ =	sdelay $0x5  }
0x1d3: {  	s7 =	sadd.s32 $0xFFFFFFFF, s0;
	v9, _, _ =	vpop (xrf0)  }
0x1d4: {  	v10 =	vadd.s32 s7, v9  }
0x1d5: {  	vm15 =	vlt.s32 v10, $0x20  }
0x1d6: {  	vm1 =	vmand vm1, vm15  }
0x1d7: {  	v10 =	vadd.s32 v8, v10;
	_ =	sdelay $0x2  }
0x1d8: {  	s15 =	sadd.s32 $0xFFFFFFF0, s1  }
0x1d9: {  	v11 =	vor.u32 s15, v1  }
0x1da: {  	[tilespmem:v10+s18+$0x0] =	vst.idx.msk vm1, v11  }
0x1db: {  	v10 =	vld [tilespmem:s5+$0x0]  }
0x1dc: {  	v11 =	vld [tilespmem:s13+$0x0];
	_ =	sdelay $0x1  }
0x1dd: {  	v12 =	vld [tilespmem:s2+$0x0];
	_ =	sdelay $0x2  }
0x1de: {  	v10 =	vsub.f32 v10, v5;
	v11 =	vsub.f32 v11, v7;
	_ =	sdelay $0x1  }
0x1df: {  	v12 =	vsub.f32 v12, v6;
	v10 =	vmul.f32 v10, v10;
	v11 =	vmul.f32 v11, v11;
	_ =	sdelay $0x1  }
0x1e0: {  	v10 =	vadd.f32 v11, v10;
	v11 =	vmul.f32 v12, v12;
	_ =	sdelay $0x1  }
0x1e1: {  	v10 =	vadd.f32 v10, v11;
	_ =	sdelay $0x1  }
0x1e2: {  	vm1 =	vle.f32 v10, $2.500000000e-01  }
0x1e3: {  	v10 =	vsel vm1, $0x1, v0  }
0x1e4: {  	(xrf0) =	vadd.scan.msk.s32 $0xffff, v10;
	_ =	sdelay $0x3  }
0x1e5: {  	(v2sf) =	vpush v9, $0xF;
	_ =	sdelay $0x1  }
0x1e6: {  	v9, _, _ =	vpop (xrf0)  }
0x1e7: {  	(v2sf) =	vpush v9, $0xF;
	_ =	sdelay $0xb  }
0x1e8: {  	s16 =	spop (v2sf)  }
0x1e9: {  	s17 =	sadd.s32 s0, s16  }
0x1ea: {  	s7 =	sadd.s32 $0xFFFFFFFF, s17  }
0x1eb: {  	v9 =	vadd.s32 s7, v9;
	s19 =	spop (v2sf)  }
0x1ec: {  	p0 =	sgt.u32 s6, $0x13E;
	vm15 =	vlt.s32 v9, $0x20;
	s0 =	sadd.s32 s17, s19  }
0x1ed: {  	vm1 =	vmand vm1, vm15;
	p1 =	slt.s32 @!p0 s0, $0x20  }
0x1ee: {  	v9 =	vadd.s32 v8, v9;
	p0 =	por p0, !p1  }
.Ltmp9:
0x1ef: {  	_ = 	snop;
	(pc) =	sbr.rel @!p0 .LBB2_21-.Ltmp9, $3  }
0x1f0: {  	_ =	sdelay $0x1  }
0x1f1: {  	s6 =	sadd.s32 $0x1, s6;
	s5 =	sadd.s32 $0x20, s5;
	v10 =	vor.u32 s1, v1  }
0x1f2: {  	s2 =	sadd.s32 $0x20, s2;
	s13 =	sadd.s32 $0x20, s13;
	s1 =	sadd.s32 $0x20, s1;
	[tilespmem:v9+s18+$0x0] =	vst.idx.msk vm1, v10  }
0x1f3: {  	v5 =	vsel vm9, $0x0, v4  }
0x1f4: {  	(xrf2) =	vadd.scan.msk.f32 $0xffff, v5;
	v5 =	vsel vm9, $0x0, v3  }
0x1f5: {  	(xrf2) =	vadd.scan.msk.f32 $0xffff, v5;
	v5 =	vsel vm9, $0x0, v2  }
0x1f6: {  	(xrf2) =	vadd.scan.msk.f32 $0xffff, v5;
	_ =	sdelay $0x7  }
0x1f7: {  	v5, _, _ =	vpop (xrf2)  }
0x1f8: {  	s5 =	sor.u32 $0x120, s24;
	v6, _, _ =	vpop (xrf2)  }
0x1f9: {  	s1 =	simm.s32 $0x0;
	s2 =	simm.s32 $0x10;
	s13 =	simm.s32 $0x2810;
	v5 =	vbroadcast v5, $0xF;
	v7, _, _ =	vpop (xrf2)  }
0x1fa: {  	s14 =	simm.s32 $0x5010;
	s6 =	simm.s32 $0x0;
	v8 =	vmov s5;
	s5 =	simm.s32 $0x10;
	v6 =	vbroadcast v6, $0xF;
	v7 =	vbroadcast v7, $0xF  }
.LBB2_23:
0x1fb: {  	v9 =	vld [tilespmem:s5+$0xFFFFFFF0]  }
0x1fc: {  	v10 =	vld [tilespmem:s14+$0xFFFFFFF0];
	_ =	sdelay $0x1  }
0x1fd: {  	v11 =	vld [tilespmem:s13+$0xFFFFFFF0];
	_ =	sdelay $0x2  }
0x1fe: {  	v9 =	vsub.f32 v9, v5;
	v10 =	vsub.f32 v10, v7;
	_ =	sdelay $0x1  }
0x1ff: {  	v11 =	vsub.f32 v11, v6;
	v9 =	vmul.f32 v9, v9;
	v10 =	vmul.f32 v10, v10;
	_ =	sdelay $0x1  }
0x200: {  	v9 =	vadd.f32 v10, v9;
	v10 =	vmul.f32 v11, v11;
	_ =	sdelay $0x1  }
0x201: {  	v9 =	vadd.f32 v9, v10;
	_ =	sdelay $0x1  }
0x202: {  	vm1 =	vle.f32 v9, $2.500000000e-01  }
0x203: {  	v9 =	vsel vm1, $0x1, v0  }
0x204: {  	(xrf0) =	vadd.scan.msk.s32 $0xffff, v9;
	_ =	sdelay $0x5  }
0x205: {  	s7 =	sadd.s32 $0xFFFFFFFF, s1;
	v9, _, _ =	vpop (xrf0)  }
0x206: {  	v10 =	vadd.s32 s7, v9  }
0x207: {  	vm15 =	vlt.s32 v10, $0x20  }
0x208: {  	vm1 =	vmand vm1, vm15  }
0x209: {  	v10 =	vadd.s32 v8, v10;
	_ =	sdelay $0x2  }
0x20a: {  	s15 =	sadd.s32 $0xFFFFFFF0, s2  }
0x20b: {  	v11 =	vor.u32 s15, v1  }
0x20c: {  	[tilespmem:v10+s18+$0x0] =	vst.idx.msk vm1, v11  }
0x20d: {  	v10 =	vld [tilespmem:s5+$0x0]  }
0x20e: {  	v11 =	vld [tilespmem:s14+$0x0];
	_ =	sdelay $0x1  }
0x20f: {  	v12 =	vld [tilespmem:s13+$0x0];
	_ =	sdelay $0x2  }
0x210: {  	v10 =	vsub.f32 v10, v5;
	v11 =	vsub.f32 v11, v7;
	_ =	sdelay $0x1  }
0x211: {  	v12 =	vsub.f32 v12, v6;
	v10 =	vmul.f32 v10, v10;
	v11 =	vmul.f32 v11, v11;
	_ =	sdelay $0x1  }
0x212: {  	v10 =	vadd.f32 v11, v10;
	v11 =	vmul.f32 v12, v12;
	_ =	sdelay $0x1  }
0x213: {  	v10 =	vadd.f32 v10, v11;
	_ =	sdelay $0x1  }
0x214: {  	vm1 =	vle.f32 v10, $2.500000000e-01  }
0x215: {  	v10 =	vsel vm1, $0x1, v0  }
0x216: {  	(xrf0) =	vadd.scan.msk.s32 $0xffff, v10;
	_ =	sdelay $0x3  }
0x217: {  	(v2sf) =	vpush v9, $0xF;
	_ =	sdelay $0x1  }
0x218: {  	v9, _, _ =	vpop (xrf0)  }
0x219: {  	(v2sf) =	vpush v9, $0xF;
	_ =	sdelay $0xb  }
0x21a: {  	s16 =	spop (v2sf)  }
0x21b: {  	s17 =	sadd.s32 s1, s16  }
0x21c: {  	s7 =	sadd.s32 $0xFFFFFFFF, s17  }
0x21d: {  	v9 =	vadd.s32 s7, v9;
	s19 =	spop (v2sf)  }
0x21e: {  	p0 =	sgt.u32 s6, $0x13E;
	vm15 =	vlt.s32 v9, $0x20;
	s1 =	sadd.s32 s17, s19  }
0x21f: {  	vm1 =	vmand vm1, vm15;
	p1 =	slt.s32 @!p0 s1, $0x20  }
0x220: {  	v9 =	vadd.s32 v8, v9;
	p0 =	por p0, !p1  }
.Ltmp10:
0x221: {  	_ = 	snop;
	(pc) =	sbr.rel @!p0 .LBB2_23-.Ltmp10, $3  }
0x222: {  	_ =	sdelay $0x1  }
0x223: {  	s6 =	sadd.s32 $0x1, s6;
	s5 =	sadd.s32 $0x20, s5;
	v10 =	vor.u32 s2, v1  }
0x224: {  	s13 =	sadd.s32 $0x20, s13;
	s14 =	sadd.s32 $0x20, s14;
	s2 =	sadd.s32 $0x20, s2;
	[tilespmem:v9+s18+$0x0] =	vst.idx.msk vm1, v10  }
0x225: {  	v5 =	vsel vm10, $0x0, v4  }
0x226: {  	(xrf2) =	vadd.scan.msk.f32 $0xffff, v5;
	v5 =	vsel vm10, $0x0, v3  }
0x227: {  	(xrf2) =	vadd.scan.msk.f32 $0xffff, v5;
	v5 =	vsel vm10, $0x0, v2  }
0x228: {  	(xrf2) =	vadd.scan.msk.f32 $0xffff, v5;
	_ =	sdelay $0x7  }
0x229: {  	v5, _, _ =	vpop (xrf2)  }
0x22a: {  	s5 =	sor.u32 $0x140, s24;
	v6, _, _ =	vpop (xrf2)  }
0x22b: {  	s2 =	simm.s32 $0x0;
	s13 =	simm.s32 $0x10;
	s14 =	simm.s32 $0x2810;
	v5 =	vbroadcast v5, $0xF;
	v7, _, _ =	vpop (xrf2)  }
0x22c: {  	s15 =	simm.s32 $0x5010;
	s6 =	simm.s32 $0x0;
	v8 =	vmov s5;
	s5 =	simm.s32 $0x10;
	v6 =	vbroadcast v6, $0xF;
	v7 =	vbroadcast v7, $0xF  }
.LBB2_25:
0x22d: {  	v9 =	vld [tilespmem:s5+$0xFFFFFFF0]  }
0x22e: {  	v10 =	vld [tilespmem:s15+$0xFFFFFFF0];
	_ =	sdelay $0x1  }
0x22f: {  	v11 =	vld [tilespmem:s14+$0xFFFFFFF0];
	_ =	sdelay $0x2  }
0x230: {  	v9 =	vsub.f32 v9, v5;
	v10 =	vsub.f32 v10, v7;
	_ =	sdelay $0x1  }
0x231: {  	v11 =	vsub.f32 v11, v6;
	v9 =	vmul.f32 v9, v9;
	v10 =	vmul.f32 v10, v10;
	_ =	sdelay $0x1  }
0x232: {  	v9 =	vadd.f32 v10, v9;
	v10 =	vmul.f32 v11, v11;
	_ =	sdelay $0x1  }
0x233: {  	v9 =	vadd.f32 v9, v10;
	_ =	sdelay $0x1  }
0x234: {  	vm1 =	vle.f32 v9, $2.500000000e-01  }
0x235: {  	v9 =	vsel vm1, $0x1, v0  }
0x236: {  	(xrf0) =	vadd.scan.msk.s32 $0xffff, v9;
	_ =	sdelay $0x5  }
0x237: {  	s7 =	sadd.s32 $0xFFFFFFFF, s2;
	v9, _, _ =	vpop (xrf0)  }
0x238: {  	v10 =	vadd.s32 s7, v9  }
0x239: {  	vm15 =	vlt.s32 v10, $0x20  }
0x23a: {  	vm1 =	vmand vm1, vm15  }
0x23b: {  	v10 =	vadd.s32 v8, v10;
	_ =	sdelay $0x2  }
0x23c: {  	s8 =	sadd.s32 $0xFFFFFFF0, s13  }
0x23d: {  	v11 =	vor.u32 s8, v1  }
0x23e: {  	[tilespmem:v10+s18+$0x0] =	vst.idx.msk vm1, v11  }
0x23f: {  	v10 =	vld [tilespmem:s5+$0x0]  }
0x240: {  	v11 =	vld [tilespmem:s15+$0x0];
	_ =	sdelay $0x1  }
0x241: {  	v12 =	vld [tilespmem:s14+$0x0];
	_ =	sdelay $0x2  }
0x242: {  	v10 =	vsub.f32 v10, v5;
	v11 =	vsub.f32 v11, v7;
	_ =	sdelay $0x1  }
0x243: {  	v12 =	vsub.f32 v12, v6;
	v10 =	vmul.f32 v10, v10;
	v11 =	vmul.f32 v11, v11;
	_ =	sdelay $0x1  }
0x244: {  	v10 =	vadd.f32 v11, v10;
	v11 =	vmul.f32 v12, v12;
	_ =	sdelay $0x1  }
0x245: {  	v10 =	vadd.f32 v10, v11;
	_ =	sdelay $0x1  }
0x246: {  	vm1 =	vle.f32 v10, $2.500000000e-01  }
0x247: {  	v10 =	vsel vm1, $0x1, v0  }
0x248: {  	(xrf0) =	vadd.scan.msk.s32 $0xffff, v10;
	_ =	sdelay $0x3  }
0x249: {  	(v2sf) =	vpush v9, $0xF;
	_ =	sdelay $0x1  }
0x24a: {  	v9, _, _ =	vpop (xrf0)  }
0x24b: {  	(v2sf) =	vpush v9, $0xF;
	_ =	sdelay $0xb  }
0x24c: {  	s16 =	spop (v2sf)  }
0x24d: {  	s17 =	sadd.s32 s2, s16  }
0x24e: {  	s7 =	sadd.s32 $0xFFFFFFFF, s17  }
0x24f: {  	v9 =	vadd.s32 s7, v9;
	s19 =	spop (v2sf)  }
0x250: {  	p0 =	sgt.u32 s6, $0x13E;
	vm15 =	vlt.s32 v9, $0x20;
	s2 =	sadd.s32 s17, s19  }
0x251: {  	vm1 =	vmand vm1, vm15;
	p1 =	slt.s32 @!p0 s2, $0x20  }
0x252: {  	v9 =	vadd.s32 v8, v9;
	p0 =	por p0, !p1  }
.Ltmp11:
0x253: {  	_ = 	snop;
	(pc) =	sbr.rel @!p0 .LBB2_25-.Ltmp11, $3  }
0x254: {  	_ =	sdelay $0x1  }
0x255: {  	s6 =	sadd.s32 $0x1, s6;
	s5 =	sadd.s32 $0x20, s5;
	v10 =	vor.u32 s13, v1  }
0x256: {  	s14 =	sadd.s32 $0x20, s14;
	s15 =	sadd.s32 $0x20, s15;
	s13 =	sadd.s32 $0x20, s13;
	[tilespmem:v9+s18+$0x0] =	vst.idx.msk vm1, v10  }
0x257: {  	v5 =	vsel vm11, $0x0, v4  }
0x258: {  	(xrf2) =	vadd.scan.msk.f32 $0xffff, v5;
	v5 =	vsel vm11, $0x0, v3  }
0x259: {  	(xrf2) =	vadd.scan.msk.f32 $0xffff, v5;
	v5 =	vsel vm11, $0x0, v2  }
0x25a: {  	(xrf2) =	vadd.scan.msk.f32 $0xffff, v5;
	_ =	sdelay $0x7  }
0x25b: {  	v5, _, _ =	vpop (xrf2)  }
0x25c: {  	s5 =	sor.u32 $0x160, s24;
	v6, _, _ =	vpop (xrf2)  }
0x25d: {  	s13 =	simm.s32 $0x0;
	s14 =	simm.s32 $0x10;
	s15 =	simm.s32 $0x2810;
	v5 =	vbroadcast v5, $0xF;
	v7, _, _ =	vpop (xrf2)  }
0x25e: {  	s16 =	simm.s32 $0x5010;
	s6 =	simm.s32 $0x0;
	v8 =	vmov s5;
	s5 =	simm.s32 $0x10;
	v6 =	vbroadcast v6, $0xF;
	v7 =	vbroadcast v7, $0xF  }
.LBB2_27:
0x25f: {  	v9 =	vld [tilespmem:s5+$0xFFFFFFF0]  }
0x260: {  	v10 =	vld [tilespmem:s16+$0xFFFFFFF0];
	_ =	sdelay $0x1  }
0x261: {  	v11 =	vld [tilespmem:s15+$0xFFFFFFF0];
	_ =	sdelay $0x2  }
0x262: {  	v9 =	vsub.f32 v9, v5;
	v10 =	vsub.f32 v10, v7;
	_ =	sdelay $0x1  }
0x263: {  	v11 =	vsub.f32 v11, v6;
	v9 =	vmul.f32 v9, v9;
	v10 =	vmul.f32 v10, v10;
	_ =	sdelay $0x1  }
0x264: {  	v9 =	vadd.f32 v10, v9;
	v10 =	vmul.f32 v11, v11;
	_ =	sdelay $0x1  }
0x265: {  	v9 =	vadd.f32 v9, v10;
	_ =	sdelay $0x1  }
0x266: {  	vm1 =	vle.f32 v9, $2.500000000e-01  }
0x267: {  	v9 =	vsel vm1, $0x1, v0  }
0x268: {  	(xrf0) =	vadd.scan.msk.s32 $0xffff, v9;
	_ =	sdelay $0x5  }
0x269: {  	s7 =	sadd.s32 $0xFFFFFFFF, s13;
	v9, _, _ =	vpop (xrf0)  }
0x26a: {  	v10 =	vadd.s32 s7, v9  }
0x26b: {  	vm15 =	vlt.s32 v10, $0x20  }
0x26c: {  	vm1 =	vmand vm1, vm15  }
0x26d: {  	v10 =	vadd.s32 v8, v10;
	_ =	sdelay $0x2  }
0x26e: {  	s8 =	sadd.s32 $0xFFFFFFF0, s14  }
0x26f: {  	v11 =	vor.u32 s8, v1  }
0x270: {  	[tilespmem:v10+s18+$0x0] =	vst.idx.msk vm1, v11  }
0x271: {  	v10 =	vld [tilespmem:s5+$0x0]  }
0x272: {  	v11 =	vld [tilespmem:s16+$0x0];
	_ =	sdelay $0x1  }
0x273: {  	v12 =	vld [tilespmem:s15+$0x0];
	_ =	sdelay $0x2  }
0x274: {  	v10 =	vsub.f32 v10, v5;
	v11 =	vsub.f32 v11, v7;
	_ =	sdelay $0x1  }
0x275: {  	v12 =	vsub.f32 v12, v6;
	v10 =	vmul.f32 v10, v10;
	v11 =	vmul.f32 v11, v11;
	_ =	sdelay $0x1  }
0x276: {  	v10 =	vadd.f32 v11, v10;
	v11 =	vmul.f32 v12, v12;
	_ =	sdelay $0x1  }
0x277: {  	v10 =	vadd.f32 v10, v11;
	_ =	sdelay $0x1  }
0x278: {  	vm1 =	vle.f32 v10, $2.500000000e-01  }
0x279: {  	v10 =	vsel vm1, $0x1, v0  }
0x27a: {  	(xrf0) =	vadd.scan.msk.s32 $0xffff, v10;
	_ =	sdelay $0x3  }
0x27b: {  	(v2sf) =	vpush v9, $0xF;
	_ =	sdelay $0x1  }
0x27c: {  	v9, _, _ =	vpop (xrf0)  }
0x27d: {  	(v2sf) =	vpush v9, $0xF;
	_ =	sdelay $0xb  }
0x27e: {  	s17 =	spop (v2sf)  }
0x27f: {  	s7 =	sadd.s32 s13, s17  }
0x280: {  	s13 =	sadd.s32 $0xFFFFFFFF, s7  }
0x281: {  	v9 =	vadd.s32 s13, v9;
	s19 =	spop (v2sf)  }
0x282: {  	p0 =	sgt.u32 s6, $0x13E;
	vm15 =	vlt.s32 v9, $0x20;
	s13 =	sadd.s32 s7, s19  }
0x283: {  	vm1 =	vmand vm1, vm15;
	p1 =	slt.s32 @!p0 s13, $0x20  }
0x284: {  	v9 =	vadd.s32 v8, v9;
	p0 =	por p0, !p1  }
.Ltmp12:
0x285: {  	_ = 	snop;
	(pc) =	sbr.rel @!p0 .LBB2_27-.Ltmp12, $3  }
0x286: {  	_ =	sdelay $0x1  }
0x287: {  	s6 =	sadd.s32 $0x1, s6;
	s5 =	sadd.s32 $0x20, s5;
	v10 =	vor.u32 s14, v1  }
0x288: {  	s15 =	sadd.s32 $0x20, s15;
	s16 =	sadd.s32 $0x20, s16;
	s14 =	sadd.s32 $0x20, s14;
	[tilespmem:v9+s18+$0x0] =	vst.idx.msk vm1, v10  }
0x289: {  	v5 =	vsel vm12, $0x0, v4  }
0x28a: {  	(xrf2) =	vadd.scan.msk.f32 $0xffff, v5;
	v5 =	vsel vm12, $0x0, v3  }
0x28b: {  	(xrf2) =	vadd.scan.msk.f32 $0xffff, v5;
	v5 =	vsel vm12, $0x0, v2  }
0x28c: {  	(xrf2) =	vadd.scan.msk.f32 $0xffff, v5;
	_ =	sdelay $0x7  }
0x28d: {  	v5, _, _ =	vpop (xrf2)  }
0x28e: {  	s5 =	sor.u32 $0x180, s24;
	v6, _, _ =	vpop (xrf2)  }
0x28f: {  	s14 =	simm.s32 $0x0;
	s15 =	simm.s32 $0x10;
	s16 =	simm.s32 $0x2810;
	v5 =	vbroadcast v5, $0xF;
	v7, _, _ =	vpop (xrf2)  }
0x290: {  	s17 =	simm.s32 $0x5010;
	s6 =	simm.s32 $0x0;
	v8 =	vmov s5;
	s5 =	simm.s32 $0x10;
	v6 =	vbroadcast v6, $0xF;
	v7 =	vbroadcast v7, $0xF  }
.LBB2_29:
0x291: {  	v9 =	vld [tilespmem:s5+$0xFFFFFFF0]  }
0x292: {  	v10 =	vld [tilespmem:s17+$0xFFFFFFF0];
	_ =	sdelay $0x1  }
0x293: {  	v11 =	vld [tilespmem:s16+$0xFFFFFFF0];
	_ =	sdelay $0x2  }
0x294: {  	v9 =	vsub.f32 v9, v5;
	v10 =	vsub.f32 v10, v7;
	_ =	sdelay $0x1  }
0x295: {  	v11 =	vsub.f32 v11, v6;
	v9 =	vmul.f32 v9, v9;
	v10 =	vmul.f32 v10, v10;
	_ =	sdelay $0x1  }
0x296: {  	v9 =	vadd.f32 v10, v9;
	v10 =	vmul.f32 v11, v11;
	_ =	sdelay $0x1  }
0x297: {  	v9 =	vadd.f32 v9, v10;
	_ =	sdelay $0x1  }
0x298: {  	vm1 =	vle.f32 v9, $2.500000000e-01  }
0x299: {  	v9 =	vsel vm1, $0x1, v0  }
0x29a: {  	(xrf0) =	vadd.scan.msk.s32 $0xffff, v9;
	_ =	sdelay $0x5  }
0x29b: {  	s7 =	sadd.s32 $0xFFFFFFFF, s14;
	v9, _, _ =	vpop (xrf0)  }
0x29c: {  	v10 =	vadd.s32 s7, v9  }
0x29d: {  	vm15 =	vlt.s32 v10, $0x20  }
0x29e: {  	vm1 =	vmand vm1, vm15  }
0x29f: {  	v10 =	vadd.s32 v8, v10;
	_ =	sdelay $0x2  }
0x2a0: {  	s19 =	sadd.s32 $0xFFFFFFF0, s15  }
0x2a1: {  	v11 =	vor.u32 s19, v1  }
0x2a2: {  	[tilespmem:v10+s18+$0x0] =	vst.idx.msk vm1, v11  }
0x2a3: {  	v10 =	vld [tilespmem:s5+$0x0]  }
0x2a4: {  	v11 =	vld [tilespmem:s17+$0x0];
	_ =	sdelay $0x1  }
0x2a5: {  	v12 =	vld [tilespmem:s16+$0x0];
	_ =	sdelay $0x2  }
0x2a6: {  	v10 =	vsub.f32 v10, v5;
	v11 =	vsub.f32 v11, v7;
	_ =	sdelay $0x1  }
0x2a7: {  	v12 =	vsub.f32 v12, v6;
	v10 =	vmul.f32 v10, v10;
	v11 =	vmul.f32 v11, v11;
	_ =	sdelay $0x1  }
0x2a8: {  	v10 =	vadd.f32 v11, v10;
	v11 =	vmul.f32 v12, v12;
	_ =	sdelay $0x1  }
0x2a9: {  	v10 =	vadd.f32 v10, v11;
	_ =	sdelay $0x1  }
0x2aa: {  	vm1 =	vle.f32 v10, $2.500000000e-01  }
0x2ab: {  	v10 =	vsel vm1, $0x1, v0  }
0x2ac: {  	(xrf0) =	vadd.scan.msk.s32 $0xffff, v10;
	_ =	sdelay $0x3  }
0x2ad: {  	(v2sf) =	vpush v9, $0xF;
	_ =	sdelay $0x1  }
0x2ae: {  	v9, _, _ =	vpop (xrf0)  }
0x2af: {  	(v2sf) =	vpush v9, $0xF;
	_ =	sdelay $0xb  }
0x2b0: {  	s8 =	spop (v2sf)  }
0x2b1: {  	s7 =	sadd.s32 s14, s8  }
0x2b2: {  	s14 =	sadd.s32 $0xFFFFFFFF, s7  }
0x2b3: {  	v9 =	vadd.s32 s14, v9;
	s19 =	spop (v2sf)  }
0x2b4: {  	p0 =	sgt.u32 s6, $0x13E;
	vm15 =	vlt.s32 v9, $0x20;
	s14 =	sadd.s32 s7, s19  }
0x2b5: {  	vm1 =	vmand vm1, vm15;
	p1 =	slt.s32 @!p0 s14, $0x20  }
0x2b6: {  	v9 =	vadd.s32 v8, v9;
	p0 =	por p0, !p1  }
.Ltmp13:
0x2b7: {  	_ = 	snop;
	(pc) =	sbr.rel @!p0 .LBB2_29-.Ltmp13, $3  }
0x2b8: {  	_ =	sdelay $0x1  }
0x2b9: {  	s6 =	sadd.s32 $0x1, s6;
	s5 =	sadd.s32 $0x20, s5;
	v10 =	vor.u32 s15, v1  }
0x2ba: {  	s16 =	sadd.s32 $0x20, s16;
	s17 =	sadd.s32 $0x20, s17;
	s15 =	sadd.s32 $0x20, s15;
	[tilespmem:v9+s18+$0x0] =	vst.idx.msk vm1, v10  }
0x2bb: {  	v5 =	vsel vm13, $0x0, v4  }
0x2bc: {  	(xrf2) =	vadd.scan.msk.f32 $0xffff, v5;
	v5 =	vsel vm13, $0x0, v3  }
0x2bd: {  	(xrf2) =	vadd.scan.msk.f32 $0xffff, v5;
	v5 =	vsel vm13, $0x0, v2  }
0x2be: {  	(xrf2) =	vadd.scan.msk.f32 $0xffff, v5;
	_ =	sdelay $0x7  }
0x2bf: {  	v5, _, _ =	vpop (xrf2)  }
0x2c0: {  	s5 =	sor.u32 $0x1A0, s24;
	v6, _, _ =	vpop (xrf2)  }
0x2c1: {  	s15 =	simm.s32 $0x0;
	s16 =	simm.s32 $0x10;
	s17 =	simm.s32 $0x2810;
	v5 =	vbroadcast v5, $0xF;
	v7, _, _ =	vpop (xrf2)  }
0x2c2: {  	s19 =	simm.s32 $0x5010;
	s6 =	simm.s32 $0x0;
	v8 =	vmov s5;
	s5 =	simm.s32 $0x10;
	v6 =	vbroadcast v6, $0xF;
	v7 =	vbroadcast v7, $0xF  }
.LBB2_31:
0x2c3: {  	v9 =	vld [tilespmem:s5+$0xFFFFFFF0]  }
0x2c4: {  	v10 =	vld [tilespmem:s19+$0xFFFFFFF0];
	_ =	sdelay $0x1  }
0x2c5: {  	v11 =	vld [tilespmem:s17+$0xFFFFFFF0];
	_ =	sdelay $0x2  }
0x2c6: {  	v9 =	vsub.f32 v9, v5;
	v10 =	vsub.f32 v10, v7;
	_ =	sdelay $0x1  }
0x2c7: {  	v11 =	vsub.f32 v11, v6;
	v9 =	vmul.f32 v9, v9;
	v10 =	vmul.f32 v10, v10;
	_ =	sdelay $0x1  }
0x2c8: {  	v9 =	vadd.f32 v10, v9;
	v10 =	vmul.f32 v11, v11;
	_ =	sdelay $0x1  }
0x2c9: {  	v9 =	vadd.f32 v9, v10;
	_ =	sdelay $0x1  }
0x2ca: {  	vm1 =	vle.f32 v9, $2.500000000e-01  }
0x2cb: {  	v9 =	vsel vm1, $0x1, v0  }
0x2cc: {  	(xrf0) =	vadd.scan.msk.s32 $0xffff, v9;
	_ =	sdelay $0x5  }
0x2cd: {  	s7 =	sadd.s32 $0xFFFFFFFF, s15;
	v9, _, _ =	vpop (xrf0)  }
0x2ce: {  	v10 =	vadd.s32 s7, v9  }
0x2cf: {  	vm15 =	vlt.s32 v10, $0x20  }
0x2d0: {  	vm1 =	vmand vm1, vm15  }
0x2d1: {  	v10 =	vadd.s32 v8, v10;
	_ =	sdelay $0x2  }
0x2d2: {  	s8 =	sadd.s32 $0xFFFFFFF0, s16  }
0x2d3: {  	v11 =	vor.u32 s8, v1  }
0x2d4: {  	[tilespmem:v10+s18+$0x0] =	vst.idx.msk vm1, v11  }
0x2d5: {  	v10 =	vld [tilespmem:s5+$0x0]  }
0x2d6: {  	v11 =	vld [tilespmem:s19+$0x0];
	_ =	sdelay $0x1  }
0x2d7: {  	v12 =	vld [tilespmem:s17+$0x0];
	_ =	sdelay $0x2  }
0x2d8: {  	v10 =	vsub.f32 v10, v5;
	v11 =	vsub.f32 v11, v7;
	_ =	sdelay $0x1  }
0x2d9: {  	v12 =	vsub.f32 v12, v6;
	v10 =	vmul.f32 v10, v10;
	v11 =	vmul.f32 v11, v11;
	_ =	sdelay $0x1  }
0x2da: {  	v10 =	vadd.f32 v11, v10;
	v11 =	vmul.f32 v12, v12;
	_ =	sdelay $0x1  }
0x2db: {  	v10 =	vadd.f32 v10, v11;
	_ =	sdelay $0x1  }
0x2dc: {  	vm1 =	vle.f32 v10, $2.500000000e-01  }
0x2dd: {  	v10 =	vsel vm1, $0x1, v0  }
0x2de: {  	(xrf0) =	vadd.scan.msk.s32 $0xffff, v10;
	_ =	sdelay $0x3  }
0x2df: {  	(v2sf) =	vpush v9, $0xF;
	_ =	sdelay $0x1  }
0x2e0: {  	v9, _, _ =	vpop (xrf0)  }
0x2e1: {  	(v2sf) =	vpush v9, $0xF;
	_ =	sdelay $0xb  }
0x2e2: {  	s8 =	spop (v2sf)  }
0x2e3: {  	s7 =	sadd.s32 s15, s8  }
0x2e4: {  	s15 =	sadd.s32 $0xFFFFFFFF, s7  }
0x2e5: {  	v9 =	vadd.s32 s15, v9;
	s8 =	spop (v2sf)  }
0x2e6: {  	p0 =	sgt.u32 s6, $0x13E;
	vm15 =	vlt.s32 v9, $0x20;
	s15 =	sadd.s32 s7, s8  }
0x2e7: {  	vm1 =	vmand vm1, vm15;
	p1 =	slt.s32 @!p0 s15, $0x20  }
0x2e8: {  	v9 =	vadd.s32 v8, v9;
	p0 =	por p0, !p1  }
.Ltmp14:
0x2e9: {  	_ = 	snop;
	(pc) =	sbr.rel @!p0 .LBB2_31-.Ltmp14, $3  }
0x2ea: {  	_ =	sdelay $0x1  }
0x2eb: {  	s6 =	sadd.s32 $0x1, s6;
	s5 =	sadd.s32 $0x20, s5;
	v10 =	vor.u32 s16, v1  }
0x2ec: {  	s17 =	sadd.s32 $0x20, s17;
	s19 =	sadd.s32 $0x20, s19;
	s16 =	sadd.s32 $0x20, s16;
	[tilespmem:v9+s18+$0x0] =	vst.idx.msk vm1, v10  }
0x2ed: {  	v5 =	vsel vm14, $0x0, v4  }
0x2ee: {  	(xrf2) =	vadd.scan.msk.f32 $0xffff, v5;
	v5 =	vsel vm14, $0x0, v3  }
0x2ef: {  	(xrf2) =	vadd.scan.msk.f32 $0xffff, v5;
	v5 =	vsel vm14, $0x0, v2  }
0x2f0: {  	(xrf2) =	vadd.scan.msk.f32 $0xffff, v5;
	_ =	sdelay $0x7  }
0x2f1: {  	v5, _, _ =	vpop (xrf2)  }
0x2f2: {  	s5 =	sor.u32 $0x1C0, s24;
	v6, _, _ =	vpop (xrf2)  }
0x2f3: {  	s16 =	simm.s32 $0x0;
	s17 =	simm.s32 $0x10;
	s19 =	simm.s32 $0x2810;
	v5 =	vbroadcast v5, $0xF;
	v7, _, _ =	vpop (xrf2)  }
0x2f4: {  	s6 =	simm.s32 $0x10;
	s7 =	simm.s32 $0x0;
	v8 =	vmov s5;
	s5 =	simm.s32 $0x5010;
	v6 =	vbroadcast v6, $0xF;
	v7 =	vbroadcast v7, $0xF  }
.LBB2_33:
0x2f5: {  	v9 =	vld [tilespmem:s6+$0xFFFFFFF0]  }
0x2f6: {  	v10 =	vld [tilespmem:s5+$0xFFFFFFF0];
	_ =	sdelay $0x1  }
0x2f7: {  	v11 =	vld [tilespmem:s19+$0xFFFFFFF0];
	_ =	sdelay $0x2  }
0x2f8: {  	v9 =	vsub.f32 v9, v5;
	v10 =	vsub.f32 v10, v7;
	_ =	sdelay $0x1  }
0x2f9: {  	v11 =	vsub.f32 v11, v6;
	v9 =	vmul.f32 v9, v9;
	v10 =	vmul.f32 v10, v10;
	_ =	sdelay $0x1  }
0x2fa: {  	v9 =	vadd.f32 v10, v9;
	v10 =	vmul.f32 v11, v11;
	_ =	sdelay $0x1  }
0x2fb: {  	v9 =	vadd.f32 v9, v10;
	_ =	sdelay $0x1  }
0x2fc: {  	vm1 =	vle.f32 v9, $2.500000000e-01  }
0x2fd: {  	v9 =	vsel vm1, $0x1, v0  }
0x2fe: {  	(xrf0) =	vadd.scan.msk.s32 $0xffff, v9;
	_ =	sdelay $0x5  }
0x2ff: {  	s8 =	sadd.s32 $0xFFFFFFFF, s16;
	v9, _, _ =	vpop (xrf0)  }
0x300: {  	v10 =	vadd.s32 s8, v9  }
0x301: {  	vm15 =	vlt.s32 v10, $0x20  }
0x302: {  	vm1 =	vmand vm1, vm15  }
0x303: {  	v10 =	vadd.s32 v8, v10;
	_ =	sdelay $0x2  }
0x304: {  	s8 =	sadd.s32 $0xFFFFFFF0, s17  }
0x305: {  	v11 =	vor.u32 s8, v1  }
0x306: {  	[tilespmem:v10+s18+$0x0] =	vst.idx.msk vm1, v11  }
0x307: {  	v10 =	vld [tilespmem:s6+$0x0]  }
0x308: {  	v11 =	vld [tilespmem:s5+$0x0];
	_ =	sdelay $0x1  }
0x309: {  	v12 =	vld [tilespmem:s19+$0x0];
	_ =	sdelay $0x2  }
0x30a: {  	v10 =	vsub.f32 v10, v5;
	v11 =	vsub.f32 v11, v7;
	_ =	sdelay $0x1  }
0x30b: {  	v12 =	vsub.f32 v12, v6;
	v10 =	vmul.f32 v10, v10;
	v11 =	vmul.f32 v11, v11;
	_ =	sdelay $0x1  }
0x30c: {  	v10 =	vadd.f32 v11, v10;
	v11 =	vmul.f32 v12, v12;
	_ =	sdelay $0x1  }
0x30d: {  	v10 =	vadd.f32 v10, v11;
	_ =	sdelay $0x1  }
0x30e: {  	vm1 =	vle.f32 v10, $2.500000000e-01  }
0x30f: {  	v10 =	vsel vm1, $0x1, v0  }
0x310: {  	(xrf0) =	vadd.scan.msk.s32 $0xffff, v10;
	_ =	sdelay $0x3  }
0x311: {  	(v2sf) =	vpush v9, $0xF;
	_ =	sdelay $0x1  }
0x312: {  	v9, _, _ =	vpop (xrf0)  }
0x313: {  	(v2sf) =	vpush v9, $0xF;
	_ =	sdelay $0xb  }
0x314: {  	s8 =	spop (v2sf)  }
0x315: {  	s8 =	sadd.s32 s16, s8  }
0x316: {  	s16 =	sadd.s32 $0xFFFFFFFF, s8  }
0x317: {  	v9 =	vadd.s32 s16, v9;
	s16 =	spop (v2sf)  }
0x318: {  	p0 =	sgt.u32 s7, $0x13E;
	vm15 =	vlt.s32 v9, $0x20;
	s16 =	sadd.s32 s8, s16  }
0x319: {  	vm1 =	vmand vm1, vm15;
	p1 =	slt.s32 @!p0 s16, $0x20  }
0x31a: {  	v9 =	vadd.s32 v8, v9;
	p0 =	por p0, !p1  }
.Ltmp15:
0x31b: {  	_ = 	snop;
	(pc) =	sbr.rel @!p0 .LBB2_33-.Ltmp15, $3  }
0x31c: {  	_ =	sdelay $0x1  }
0x31d: {  	s7 =	sadd.s32 $0x1, s7;
	s6 =	sadd.s32 $0x20, s6;
	v10 =	vor.u32 s17, v1  }
0x31e: {  	s19 =	sadd.s32 $0x20, s19;
	s5 =	sadd.s32 $0x20, s5;
	s17 =	sadd.s32 $0x20, s17;
	[tilespmem:v9+s18+$0x0] =	vst.idx.msk vm1, v10  }
0x31f: {  	vm1 =	vmmov $0x7fff  }
0x320: {  	v4 =	vsel vm1, $0x0, v4  }
0x321: {  	v3 =	vsel vm1, $0x0, v3;
	(xrf2) =	vadd.scan.msk.f32 $0xffff, v4  }
0x322: {  	v2 =	vsel vm1, $0x0, v2;
	(xrf2) =	vadd.scan.msk.f32 $0xffff, v3  }
0x323: {  	(xrf2) =	vadd.scan.msk.f32 $0xffff, v2;
	_ =	sdelay $0x7  }
0x324: {  	v2, _, _ =	vpop (xrf2)  }
0x325: {  	s5 =	sor.u32 $0x1E0, s24;
	v3, _, _ =	vpop (xrf2)  }
0x326: {  	s24 =	simm.s32 $0x0;
	s17 =	simm.s32 $0x10;
	s19 =	simm.s32 $0x2810;
	v2 =	vbroadcast v2, $0xF;
	v4, _, _ =	vpop (xrf2)  }
0x327: {  	s6 =	simm.s32 $0x10;
	s7 =	simm.s32 $0x0;
	v5 =	vmov s5;
	s5 =	simm.s32 $0x5010;
	v3 =	vbroadcast v3, $0xF;
	v4 =	vbroadcast v4, $0xF  }
.LBB2_35:
0x328: {  	v6 =	vld [tilespmem:s6+$0xFFFFFFF0]  }
0x329: {  	v7 =	vld [tilespmem:s5+$0xFFFFFFF0];
	_ =	sdelay $0x1  }
0x32a: {  	v8 =	vld [tilespmem:s19+$0xFFFFFFF0];
	_ =	sdelay $0x2  }
0x32b: {  	v6 =	vsub.f32 v6, v2;
	v7 =	vsub.f32 v7, v4;
	_ =	sdelay $0x1  }
0x32c: {  	v8 =	vsub.f32 v8, v3;
	v6 =	vmul.f32 v6, v6;
	v7 =	vmul.f32 v7, v7;
	_ =	sdelay $0x1  }
0x32d: {  	v6 =	vadd.f32 v7, v6;
	v7 =	vmul.f32 v8, v8;
	_ =	sdelay $0x1  }
0x32e: {  	v6 =	vadd.f32 v6, v7;
	_ =	sdelay $0x1  }
0x32f: {  	vm1 =	vle.f32 v6, $2.500000000e-01  }
0x330: {  	v6 =	vsel vm1, $0x1, v0  }
0x331: {  	(xrf0) =	vadd.scan.msk.s32 $0xffff, v6;
	_ =	sdelay $0x5  }
0x332: {  	s8 =	sadd.s32 $0xFFFFFFFF, s24;
	v6, _, _ =	vpop (xrf0)  }
0x333: {  	v7 =	vadd.s32 s8, v6  }
0x334: {  	vm15 =	vlt.s32 v7, $0x20  }
0x335: {  	vm1 =	vmand vm1, vm15  }
0x336: {  	v7 =	vadd.s32 v5, v7;
	_ =	sdelay $0x2  }
0x337: {  	s8 =	sadd.s32 $0xFFFFFFF0, s17  }
0x338: {  	v62 =	vor.u32 s8, v1  }
0x339: {  	[tilespmem:v7+s18+$0x0] =	vst.idx.msk vm1, v62  }
0x33a: {  	v7 =	vld [tilespmem:s6+$0x0]  }
0x33b: {  	v8 =	vld [tilespmem:s5+$0x0];
	_ =	sdelay $0x1  }
0x33c: {  	v9 =	vld [tilespmem:s19+$0x0];
	_ =	sdelay $0x2  }
0x33d: {  	v7 =	vsub.f32 v7, v2;
	v8 =	vsub.f32 v8, v4;
	_ =	sdelay $0x1  }
0x33e: {  	v9 =	vsub.f32 v9, v3;
	v7 =	vmul.f32 v7, v7;
	v8 =	vmul.f32 v8, v8;
	_ =	sdelay $0x1  }
0x33f: {  	v63 =	vmul.f32 v9, v9;
	v7 =	vadd.f32 v8, v7;
	_ =	sdelay $0x1  }
0x340: {  	v7 =	vadd.f32 v7, v63;
	_ =	sdelay $0x1  }
0x341: {  	vm1 =	vle.f32 v7, $2.500000000e-01  }
0x342: {  	v7 =	vsel vm1, $0x1, v0  }
0x343: {  	(xrf0) =	vadd.scan.msk.s32 $0xffff, v7;
	_ =	sdelay $0x3  }
0x344: {  	(v2sf) =	vpush v6, $0xF;
	_ =	sdelay $0x1  }
0x345: {  	v6, _, _ =	vpop (xrf0)  }
0x346: {  	(v2sf) =	vpush v6, $0xF;
	_ =	sdelay $0xb  }
0x347: {  	s8 =	spop (v2sf)  }
0x348: {  	s8 =	sadd.s32 s24, s8  }
0x349: {  	s24 =	sadd.s32 $0xFFFFFFFF, s8  }
0x34a: {  	v6 =	vadd.s32 s24, v6;
	s24 =	spop (v2sf)  }
0x34b: {  	p0 =	sgt.u32 s7, $0x13E;
	vm15 =	vlt.s32 v6, $0x20;
	s24 =	sadd.s32 s8, s24  }
0x34c: {  	vm1 =	vmand vm1, vm15;
	p1 =	slt.s32 @!p0 s24, $0x20  }
0x34d: {  	v6 =	vadd.s32 v5, v6;
	p0 =	por p0, !p1  }
.Ltmp16:
0x34e: {  	_ = 	snop;
	(pc) =	sbr.rel @!p0 .LBB2_35-.Ltmp16, $3  }
0x34f: {  	_ =	sdelay $0x1  }
0x350: {  	s7 =	sadd.s32 $0x1, s7;
	s6 =	sadd.s32 $0x20, s6;
	v7 =	vor.u32 s17, v1  }
0x351: {  	s19 =	sadd.s32 $0x20, s19;
	s5 =	sadd.s32 $0x20, s5;
	s17 =	sadd.s32 $0x20, s17;
	[tilespmem:v6+s18+$0x0] =	vst.idx.msk vm1, v7  }
0x352: {  	p0 =	slt.s32 s24, $0x20  }
0x353: {  	s24 =	simm.s32 @!p0 $0x20;
	p0 =	slt.s32 s23, $0x20  }
0x354: {  	s23 =	simm.s32 @!p0 $0x20;
	p0 =	slt.s32 s25, $0x20  }
0x355: {  	s25 =	simm.s32 @!p0 $0x20;
	p0 =	slt.s32 s26, $0x20  }
0x356: {  	s26 =	simm.s32 @!p0 $0x20;
	p0 =	slt.s32 s28, $0x20  }
0x357: {  	vm1 =	vcmask $0x300;
	v2 =	vmov s24;
	s28 =	simm.s32 @!p0 $0x20;
	p0 =	slt.s32 s29, $0x20  }
0x358: {  	v2 =	vsel vm1, s23, v2;
	vm1 =	vcmask $0x704;
	s29 =	simm.s32 @!p0 $0x20;
	p0 =	slt.s32 s30, $0x20  }
0x359: {  	v2 =	vsel vm1, s25, v2;
	vm1 =	vcmask $0xB08;
	s30 =	simm.s32 @!p0 $0x20;
	p0 =	slt.s32 s31, $0x20  }
0x35a: {  	v2 =	vsel vm1, s26, v2;
	vm1 =	vcmask $0xF0C;
	s31 =	simm.s32 @!p0 $0x20;
	p0 =	slt.s32 s3, $0x20  }
0x35b: {  	v2 =	vsel vm1, s28, v2;
	vm1 =	vcmask $0x1310;
	s3 =	simm.s32 @!p0 $0x20;
	p0 =	slt.s32 s0, $0x20  }
0x35c: {  	v2 =	vsel vm1, s29, v2;
	vm1 =	vcmask $0x1714;
	s0 =	simm.s32 @!p0 $0x20;
	p0 =	slt.s32 s1, $0x20  }
0x35d: {  	v2 =	vsel vm1, s30, v2;
	vm1 =	vcmask $0x1B18;
	s1 =	simm.s32 @!p0 $0x20;
	p0 =	slt.s32 s2, $0x20  }
0x35e: {  	v2 =	vsel vm1, s31, v2;
	vm1 =	vcmask $0x1F1C;
	s2 =	simm.s32 @!p0 $0x20;
	p0 =	slt.s32 s13, $0x20  }
0x35f: {  	v2 =	vsel vm1, s3, v2;
	vm1 =	vcmask $0x2320;
	s13 =	simm.s32 @!p0 $0x20;
	p0 =	slt.s32 s14, $0x20  }
0x360: {  	v2 =	vsel vm1, s0, v2;
	vm1 =	vcmask $0x2724;
	s14 =	simm.s32 @!p0 $0x20;
	p0 =	slt.s32 s15, $0x20  }
0x361: {  	s21 =	sadd.s32 $0x1, s21;
	v2 =	vsel vm1, s1, v2;
	vm1 =	vcmask $0x2B28;
	s15 =	simm.s32 @!p0 $0x20;
	p0 =	slt.s32 s16, $0x20  }
0x362: {  	v2 =	vsel vm1, s2, v2;
	vm1 =	vcmask $0x2F2C;
	s16 =	simm.s32 @!p0 $0x20;
	p0 =	sne.s32 s21, $0x5  }
.Ltmp17:
0x363: {  	v2 =	vsel vm1, s13, v2;
	vm1 =	vcmask $0x3330;
	(pc) =	sbr.rel @p0 .LBB2_4-.Ltmp17, $4  }
0x364: {  	v2 =	vsel vm1, s14, v2;
	vm1 =	vcmask $0x3734  }
0x365: {  	v2 =	vsel vm1, s15, v2;
	vm1 =	vcmask $0x3B38  }
0x366: {  	v2 =	vsel vm1, s16, v2  }
0x367: {  	[tilespmem:s22+$0x8380] =	vst v2  }
0x368: {  	[hbm4b:s9+s4] =	stream.linear.scatter [tilespmem:s18], [sflag:$0x1], $0xA00, $0x38;
	[tilespmem:$0x8400] =	vst v63  }
0x369: {  	s20 =	sadd.s32 $0x1, s20;
	_ =	swait.ge [sflag:s12], $0xA00  }
0x36a: {  	p0 =	sne.s32 s20, s11;
	[sflag:s12] =	ssyncset.done $0x0  }
.Ltmp18:
0x36b: {  	s0 =	simm.s32 $0x8380;
	[sflag:s12] =	ssyncadd.s32 $0xFFFFF600;
	(pc) =	sbr.rel @p0 .LBB2_1-.Ltmp18, $4  }
0x36c: {  	[hbm4b:s10+s4] =	stream.linear.scatter [tilespmem:s0], [sflag:$0x1], $0x50, $0x38;
	[tilespmem:$0x8400] =	vst v63  }
0x36d: {  	_ =	swait.ge [sflag:s12], $0x50  }
0x36e: {  	[sflag:s12] =	ssyncset.done $0x0  }
0x36f: {  	[sflag:s12] =	ssyncadd.s32 $0xFFFFFFB0  }
0x370: {  	_ =	sfence.sel $0x180000  }
0x371: {  	[bflag:$0x0] =	sbarrier.arrive $0xFFFF  }
0x372: {  	_ =	strace $0x9000004A  }
0x373: {  	s0 =	stileid.u32;
	[bflag:$0x2] =	sbarrier.arrive $0xFFFF  }
0x374: {  	p0 =	sne.s32 s0, $0x0;
	s0 =	rddreg [dreg:$0x5]  }
0x375: {  	s0 =	sadd.s32 @!p0 $0x100000, s0  }
0x376: {  	[sflag:s0] =	ssyncadd.tile.s32 @!p0 $0x1;
	_ =	shalt  }
.Lfunc_end2:
_tile_overlayer_lowered:
.L_overlay_start_2:
0x377: {  	(tag) =	ssettag $0x2  }
0x378: {  	s0 =	rddreg [dreg:$0x0];
	s2 =	stileid.u32  }
0x379: {  	s1 =	rddreg [dreg:$0x1];
	p0 =	sne.s32 s2, $0x0  }
0x37a: {  	s3 =	rddreg [dreg:$0x2];
	[bflag:$0x3] =	sbarrier.arrive $0xFFFF;
	s2 =	simm.s32 @!p0 $0x1C01  }
0x37b: {  	[timem:s3], [sflag:s2] =	dma.local @!p0 [hbm:s0], s1  }
0x37c: {  	s0 =	simm.s32 @!p0 $0x1  }
0x37d: {  	_ =	swait.ge @!p0 [sflag:s0], s1  }
0x37e: {  	s1 =	ssub.s32 @!p0 $0x0, s1;
	[sflag:s0] =	ssyncset.done @!p0 $0x0  }
0x37f: {  	[sflag:s0] =	ssyncadd.s32 @!p0 s1  }
0x380: {  	[bflag:$0x3] =	sbarrier.arrive $0xFFFF  }
0x381: {  	_ =	shalt  }

// kernel: kernel.9.cloned.1.call-start
scs
__scs_entry_jumppad:
0x0: {  	(pc) =	sbr.rel $0x88, $3  }
0x1: {  	(tag) =	ssettag $0x0;
	lr =	simm.s32 $0x1  }
0x2: {  	[smem:$0x3F97] =	sst lr;
	_ =	strace $0xD0000000  }
0x3: {  	_ = 	snop  }
0x4: {  	_ = 	snop  }
0x5: {  	_ = 	snop  }
0x6: {  	_ = 	snop  }
0x7: {  	_ = 	snop  }
__scs_overlays_trampoline_lowered:
0x8: {  	[smem:$0x3FA6] =	sst s0  }
0x9: {  	[smem:$0x3FA7] =	sst s1  }
0xa: {  	[smem:$0x3FA8] =	sst s2  }
0xb: {  	[smem:$0x3FA9] =	sst s3  }
0xc: {  	[smem:$0x3FAA] =	sst s4  }
0xd: {  	[smem:$0x3FAB] =	sst s5  }
0xe: {  	[smem:$0x3FAC] =	sst s6  }
0xf: {  	[smem:$0x3FAD] =	sst s7  }
0x10: {  	[smem:$0x3FAE] =	sst s8  }
0x11: {  	[smem:$0x3FAF] =	sst s9;
	s0 =	simm.s32 @!p0 $0x0  }
0x12: {  	s1 =	sld [smem:$0x3F95];
	s0 =	simm.s32 @p0 $0x1  }
0x13: {  	[smem:$0x3FB0] =	sst s0;
	s0 =	simm.s32 @!p1 $0x0  }
0x14: {  	s2 =	sld [smem:$0x3F94];
	s0 =	simm.s32 @p1 $0x1  }
0x15: {  	[smem:$0x3FB1] =	sst s0;
	s0 =	simm.s32 @!p2 $0x0  }
0x16: {  	s3 =	sld [smem:$0x3FDB];
	s0 =	simm.s32 @p2 $0x1  }
0x17: {  	s4 =	simm.s32 $0x1BF5;
	[smem:$0x3FB3] =	sst s0  }
0x18: {  	s0 =	sld [smem:$0x3F96];
	_ =	swait.ge [sflag:s4], $0x0  }
0x19: {  	s7 =	sld [smem:$0x3F97]  }
0x1a: {  	s8 =	sadd.s32 $0xFFFFE003, lr  }
0x1b: {  	s9 =	sadd.s32 $0xFFFFFEF7, lr;
	s5 =	simm.s32 $0xFFFFFFFF;
	p2 =	slt.u32 s8, $0xFFFFF086  }
0x1c: {  	p1 =	slt.u32 s9, $0xF7A;
	s5 =	simm.s32 @!p2 $0x0  }
0x1d: {  	s5 =	simm.s32 @p1 $0x1;
	p0 =	seq.s32 s7, s2  }
0x1e: {  	s7 =	smul.u32 @!p0 $0xF7A, s2;
	p2 =	seq.s32 @!p0 s5, $0x0  }
0x1f: {  	s9 =	smul.u32 $0xF7A, s1;
	s8 =	simm.s32 @!p0 $0x1BF5;
	p2 =	por !p2, p0  }
0x20: {  	[sflag:s8] =	ssyncset.s32 @!p0 $0xFFFFF086;
	s6 =	sadd.s32 @!p0 s3, s7;
	s7 =	simm.s32 @!p0 $0x108  }
0x21: {  	s3 =	sadd.s32 s3, s9;
	s6 =	sadd.s32 @!p0 $0x88, s6;
	s7 =	simm.s32 @p2 $0x1082  }
0x22: {  	[simem:s7], [sflag:s8] =	dma.local @!p0 [hbm:s6], $0xF7A  }
0x23: {  	s9 =	sor.u32 $0xD0000000, s2;
	s6 =	simm.s32 $0x108;
	_ =	swait.ge @!p0 [sflag:s8], $0x0  }
0x24: {  	s3 =	sadd.s32 $0x88, s3;
	s6 =	simm.s32 @!p1 $0x1082;
	[sflag:s4] =	ssyncset.s32 $0xFFFFF086  }
0x25: {  	[simem:s6], [sflag:s4] =	dma.local [hbm:s3], $0xF7A  }
0x26: {  	[smem:$0x3F97] =	sst s1;
	(tag) =	ssettag s2;
	_ =	strace s9  }
0x27: {  	s1 =	sld [smem:$0x3FA7]  }
0x28: {  	s2 =	sld [smem:$0x3FA8]  }
0x29: {  	s4 =	sld [smem:$0x3FAA]  }
0x2a: {  	p0 =	seq.s32 s5, $0x0;
	s5 =	sld [smem:$0x3FAB]  }
0x2b: {  	s6 =	sld [smem:$0x3FAC]  }
0x2c: {  	s7 =	sld [smem:$0x3FAD]  }
0x2d: {  	s3 =	simm.s32 $0x108;
	s8 =	sld [smem:$0x3FAE]  }
0x2e: {  	s3 =	simm.s32 @!p0 $0x1082;
	s9 =	sld [smem:$0x3FAF]  }
0x2f: {  	lr =	sadd.s32 s0, s3;
	s0 =	sld [smem:$0x3FA6]  }
0x30: {  	s3 =	sld [smem:$0x3FA9]  }
0x31: {  	[smem:$0x3FB2] =	sst s10  }
0x32: {  	s10 =	sld [smem:$0x3FB0];
	_ =	sdelay $0x3  }
0x33: {  	p0 =	seq.s32 s10, $0x1;
	s10 =	sld [smem:$0x3FB2];
	_ =	sdelay $0x3  }
0x34: {  	[smem:$0x3FB2] =	sst s10  }
0x35: {  	s10 =	sld [smem:$0x3FB1];
	_ =	sdelay $0x3  }
0x36: {  	p1 =	seq.s32 s10, $0x1;
	s10 =	sld [smem:$0x3FB2];
	_ =	sdelay $0x3  }
0x37: {  	[smem:$0x3FB2] =	sst s10  }
0x38: {  	s10 =	sld [smem:$0x3FB3]  }
0x39: {  	_ = 	snop;
	(pc) =	sbr.ind lr, $3  }
0x3a: {  	_ = 	snop  }
0x3b: {  	_ = 	snop  }
0x3c: {  	p2 =	seq.s32 s10, $0x1;
	s10 =	sld [smem:$0x3FB2]  }
0x3d: {  	_ =	shalt  }
0x3e: {  	_ =	shalt  }
0x3f: {  	_ =	shalt  }
0x40: {  	_ =	shalt  }
0x41: {  	_ =	shalt  }
0x42: {  	_ =	shalt  }
0x43: {  	_ =	shalt  }
0x44: {  	_ =	shalt  }
0x45: {  	_ =	shalt  }
0x46: {  	_ =	shalt  }
0x47: {  	_ =	shalt  }
0x48: {  	_ =	shalt  }
0x49: {  	_ =	shalt  }
0x4a: {  	_ =	shalt  }
0x4b: {  	_ =	shalt  }
0x4c: {  	_ =	shalt  }
0x4d: {  	_ =	shalt  }
0x4e: {  	_ =	shalt  }
0x4f: {  	_ =	shalt  }
0x50: {  	_ =	shalt  }
0x51: {  	_ =	shalt  }
0x52: {  	_ =	shalt  }
0x53: {  	_ =	shalt  }
0x54: {  	_ =	shalt  }
0x55: {  	_ =	shalt  }
0x56: {  	_ =	shalt  }
0x57: {  	_ =	shalt  }
0x58: {  	_ =	shalt  }
0x59: {  	_ =	shalt  }
0x5a: {  	_ =	shalt  }
0x5b: {  	_ =	shalt  }
0x5c: {  	_ =	shalt  }
0x5d: {  	_ =	shalt  }
0x5e: {  	_ =	shalt  }
0x5f: {  	_ =	shalt  }
0x60: {  	_ =	shalt  }
0x61: {  	_ =	shalt  }
0x62: {  	_ =	shalt  }
0x63: {  	_ =	shalt  }
0x64: {  	_ =	shalt  }
0x65: {  	_ =	shalt  }
0x66: {  	_ =	shalt  }
0x67: {  	_ =	shalt  }
0x68: {  	_ =	shalt  }
0x69: {  	_ =	shalt  }
0x6a: {  	_ =	shalt  }
0x6b: {  	_ =	shalt  }
0x6c: {  	_ =	shalt  }
0x6d: {  	_ =	shalt  }
0x6e: {  	_ =	shalt  }
0x6f: {  	_ =	shalt  }
0x70: {  	_ =	shalt  }
0x71: {  	_ =	shalt  }
0x72: {  	_ =	shalt  }
0x73: {  	_ =	shalt  }
0x74: {  	_ =	shalt  }
0x75: {  	_ =	shalt  }
0x76: {  	_ =	shalt  }
0x77: {  	_ =	shalt  }
0x78: {  	_ =	shalt  }
0x79: {  	_ =	shalt  }
0x7a: {  	_ =	shalt  }
0x7b: {  	_ =	shalt  }
0x7c: {  	_ =	shalt  }
0x7d: {  	_ =	shalt  }
0x7e: {  	_ =	shalt  }
0x7f: {  	_ =	shalt  }
0x80: {  	_ =	shalt  }
0x81: {  	_ =	shalt  }
0x82: {  	_ =	shalt  }
0x83: {  	_ =	shalt  }
0x84: {  	_ =	shalt  }
0x85: {  	_ =	shalt  }
0x86: {  	_ =	shalt  }
0x87: {  	_ =	shalt  }
.Lfunc_end0:
.L_simem_size_0:
called_computation.2_lowered:
.L_overlay_start_0:
0x88: {  	s2 =	sld [smem:$0x3FD9]  }
0x89: {  	s3 =	sld [smem:$0x3FFE];
	_ =	sdelay $0x1  }
0x8a: {  	s1 =	srdreg.scid  }
0x8b: {  	s0 =	sand.u32 $0x1, s1  }
0x8c: {  	s14 =	sshll.u32 s0, $0xA;
	s2 =	sadd.s32 s3, s2  }
0x8d: {  	s2 =	sadd.s32 s2, s14  }
0x8e: {  	[smem:$0x3FBE] =	sst s2  }
0x8f: {  	_ = 	snop  }
0x90: {  	s2 =	sld [smem:$0x3FD0];
	_ =	sdelay $0x2  }
0x91: {  	s15 =	simm.s32 $0xA;
	s4 =	simm.s32 $0x10  }
0x92: {  	[smem:s4], [sflag:s15] =	dma.local [hbm:s2], $0x1  }
0x93: {  	_ =	swait.eq [sflag:s15], $0x1  }
0x94: {  	[sflag:s15] =	ssyncset.done $0x0  }
0x95: {  	[sflag:s15] =	ssyncadd.s32 $0xFFFFFFFF  }
0x96: {  	s16 =	sld [smem:$0x10];
	(tm) =	ssettm $0x1  }
0x97: {  	s17 =	sld [smem:$0x3FFB];
	_ =	sdelay $0x3  }
0x98: {  	_ =	strace s17  }
0x99: {  	s3 =	sld [smem:$0x3FFC];
	_ =	sdelay $0x3  }
0x9a: {  	_ =	strace s3  }
0x9b: {  	s3 =	sld [smem:$0x3FFD];
	_ =	sdelay $0x3  }
0x9c: {  	_ =	strace s3  }
0x9d: {  	_ =	strace $0x8FFFFFFF  }
0x9e: {  	s18 =	sld [smem:$0x3FDB];
	_ =	sdelay $0x1  }
0x9f: {  	s19 =	simm.s32 $_scs_section_size  }
0xa0: {  	s5 =	simm.s32 $_size__tile_overlayer_lowered;
	s6 =	simm.s32 $_tile_overlayer_lowered  }
0xa1: {  	s22 =	simm.s32 $0x1BFF;
	s21 =	sshll.u32 s6, $0x1;
	s3 =	sadd.s32 s19, s18  }
0xa2: {  	s7 =	simm.s32 $0x0;
	s20 =	sshll.u32 s5, $0x1;
	s5 =	sadd.s32 s21, s3  }
0xa3: {  	[timem:s7], [sflag:s22] =	dma.local [hbm:s5], s20  }
0xa4: {  	_ =	swait.ge [sflag:s22], s20  }
0xa5: {  	s4 =	ssub.s32 $0x0, s20;
	[sflag:s22] =	ssyncset.done $0x0  }
0xa6: {  	[sflag:s22] =	ssyncadd.s32 s4;
	_ =	sdelay $0x1  }
0xa7: {  	s23 =	simm.s32 $0x1B8B  }
0xa8: {  	_ =	swait.ge [sflag:s23], $0x1  }
0xa9: {  	[sflag:s23] =	ssyncset.done $0x0  }
0xaa: {  	s25 =	simm.s32 $0x1B8E;
	s24 =	sld [smem:$0x3FFE];
	[sflag:s23] =	ssyncadd.s32 $0xFFFFFFFF  }
0xab: {  	s26 =	simm.s32 $execute0_lowered;
	[smem:$0x3FD2] =	sst s25  }
0xac: {  	s5 =	sshll.u32 s26, $0x1;
	_ =	strace $0x8000004C;
	[dreg:$0x1] =	wrdreg $0xFFFFFFFF  }
0xad: {  	s28 =	simm.s32 $_size_execute0_lowered;
	s3 =	sadd.s32 s3, s5;
	[dreg:$0x0] =	wrdreg $0x0  }
0xae: {  	s5 =	sshll.u32 s28, $0x1;
	[dreg:$0x2] =	wrdreg s3  }
0xaf: {  	[dreg:$0x3] =	wrdreg s5  }
0xb0: {  	[dreg:$0x4] =	wrdreg $0xC0  }
0xb1: {  	_ =	task [dreg:s7], $0x5FFFF  }
0xb2: {  	[dreg:$0x1] =	wrdreg $0xFFFFFFFF  }
0xb3: {  	[dreg:$0x0] =	wrdreg $0x60  }
0xb4: {  	[dreg:$0x2] =	wrdreg s24  }
0xb5: {  	[dreg:$0x3] =	wrdreg s16  }
0xb6: {  	[dreg:$0x4] =	wrdreg $0x9  }
0xb7: {  	_ =	task.clear_ibuf [dreg:s7], $0x5FFFF;
	_ =	strace $0x9000004C  }
0xb8: {  	s29 =	simm.s32 $0x9;
	_ =	strace $0x8000004E  }
0xb9: {  	_ =	swait.ge [sflag:s29], $0x1  }
0xba: {  	[sflag:s29] =	ssyncadd.s32 $0xFFFFFFFF  }
0xbb: {  	_ =	strace $0x9000004E  }
0xbc: {  	_ =	sfence  }
0xbd: {  	s30 =	sld [smem:$0x0];
	_ =	sdelay $0x2  }
0xbe: {  	s31 =	sshll.u32 s1, $0xD;
	s1 =	sshrl.u32 s1, $0x2  }
0xbf: {  	s3 =	sand.u32 $0x4000, s31;
	s1 =	sadd.s32 s1, s30  }
0xc0: {  	s0 =	sor.u32 s3, s0;
	s1 =	sshll.u32 s1, $0x11  }
0xc1: {  	s0 =	sor.u32 s1, s0  }
0xc2: {  	s0 =	sadd.s32 $0x8F2B, s0  }
0xc3: {  	[sflag:s0] =	ssyncadd.remote.s32 $0x1  }
0xc4: {  	_ =	sfence.sel $0xFFFF  }
0xc5: {  	[dreg:$0x0] =	wrdreg $0xFFFFFFFF;
	(pc) =	sbr.abs _section_cstart, $3  }
0xc6: {  	[dreg:$0x1] =	wrdreg $0xFFFFFFFF  }
0xc7: {  	_ =	task.clear_ibuf [dreg:s7], $0x2FFFF;
	_ =	strace $0x9FFFFFFF  }
0xc8: {  	(tm) =	ssettm $0x7FFFFFFF  }
0xc9: {  	_ =	shalt  }
tec
execute0_lowered:
.L_overlay_start_1:
0x0: {  	(tag) =	ssettag $0x1  }
0x1: {  	s0 =	srdreg.scid;
	s1 =	stileid.u32  }
0x2: {  	s25 =	sand.u32 $0x1, s0;
	s7 =	sshll.u32 s1, $0x1  }
0x3: {  	s1 =	sor.u32 s25, s7  }
0x4: {  	s4 =	smul.u32 $0xA80, s1  }
0x5: {  	s5 =	rddreg [dreg:$0x1];
	s2 =	simm.s32 $0x0  }
0x6: {  	s0 =	rddreg [dreg:$0x0];
	s6 =	sadd.s32 $0x80, s4;
	s4 =	sshrl.u32 s4, $0x3  }
0x7: {  	[smem:$0x7FF] =	sst s2;
	s7 =	sshrl.u32 s6, $0x3;
	s3 =	sadd.s32 s5, s4  }
0x8: {  	_ =	strace $0x8000004D;
	s8 =	sadd.s32 s5, s7;
	[smem:$0x7F1] =	sst s3  }
0x9: {  	[tilespmem:s2], [sflag:$0x5] =	stream.linear.gather [hbm4b:s3+s2], $0x80, $0x38;
	[tilespmem:$0x9A80] =	vst v63  }
0xa: {  	s9 =	sadd.s32 $0x20, s3;
	[dreg:$0x3] =	wrdreg s8  }
0xb: {  	s10 =	sadd.s32 $0x30, s3;
	[dreg:$0x4] =	wrdreg s9  }
0xc: {  	s11 =	sadd.s32 $0x40, s3;
	[dreg:$0x5] =	wrdreg s10  }
0xd: {  	s12 =	sadd.s32 $0x50, s3;
	[dreg:$0x6] =	wrdreg s11  }
0xe: {  	s13 =	sadd.s32 $0x60, s3;
	[dreg:$0x7] =	wrdreg s12  }
0xf: {  	s14 =	sadd.s32 $0x70, s3;
	[dreg:$0x8] =	wrdreg s13  }
0x10: {  	s15 =	sadd.s32 $0x80, s3;
	[dreg:$0x9] =	wrdreg s14  }
0x11: {  	s16 =	sadd.s32 $0x90, s3;
	[dreg:$0xa] =	wrdreg s15  }
0x12: {  	s17 =	sadd.s32 $0xA0, s3;
	[dreg:$0xb] =	wrdreg s16  }
0x13: {  	s18 =	sadd.s32 $0xB0, s3;
	[dreg:$0xc] =	wrdreg s17  }
0x14: {  	s19 =	sadd.s32 $0xC0, s3;
	[dreg:$0xd] =	wrdreg s18  }
0x15: {  	s20 =	sadd.s32 $0xD0, s3;
	[dreg:$0xe] =	wrdreg s19  }
0x16: {  	s21 =	sadd.s32 $0xE0, s3;
	[dreg:$0xf] =	wrdreg s20  }
0x17: {  	s22 =	sadd.s32 $0xF0, s3;
	[dreg:$0x10] =	wrdreg s21  }
0x18: {  	s23 =	sadd.s32 $0x100, s3;
	[dreg:$0x11] =	wrdreg s22  }
0x19: {  	s24 =	sadd.s32 $0x110, s3;
	[dreg:$0x12] =	wrdreg s23  }
0x1a: {  	s1 =	smul.u32 $0xBD00, s1;
	s26 =	sadd.s32 $0x120, s3;
	[dreg:$0x13] =	wrdreg s24  }
0x1b: {  	s6 =	smul.u32 $0x12, s6;
	s5 =	sadd.s32 $0x130, s3;
	[dreg:$0x14] =	wrdreg s26  }
0x1c: {  	s7 =	sadd.s32 $0x30800, s0;
	[dreg:$0x15] =	wrdreg s5;
	s8 =	sadd.s32 $0x140, s3  }
0x1d: {  	s4 =	sadd.s32 s7, s1;
	s9 =	sadd.s32 s7, s6;
	[dreg:$0x16] =	wrdreg s8  }
0x1e: {  	[dreg:$0x17] =	wrdreg s9;
	s10 =	sadd.s32 $0x1200, s4  }
0x1f: {  	s11 =	sadd.s32 $0x1B00, s4;
	[dreg:$0x18] =	wrdreg s10  }
0x20: {  	s12 =	sadd.s32 $0x2400, s4;
	[dreg:$0x19] =	wrdreg s11  }
0x21: {  	s13 =	sadd.s32 $0x2D00, s4;
	[dreg:$0x1a] =	wrdreg s12  }
0x22: {  	s14 =	sadd.s32 $0x3600, s4;
	[dreg:$0x1b] =	wrdreg s13  }
0x23: {  	s15 =	sadd.s32 $0x3F00, s4;
	[dreg:$0x1c] =	wrdreg s14  }
0x24: {  	s16 =	sadd.s32 $0x4800, s4;
	[dreg:$0x1d] =	wrdreg s15  }
0x25: {  	s17 =	sadd.s32 $0x5100, s4;
	[dreg:$0x1e] =	wrdreg s16  }
0x26: {  	s18 =	sadd.s32 $0x5A00, s4;
	[dreg:$0x1f] =	wrdreg s17  }
0x27: {  	s19 =	sadd.s32 $0x6300, s4;
	[smem:$0x7F3] =	sst s18  }
0x28: {  	s20 =	sadd.s32 $0x6C00, s4;
	[smem:$0x7F4] =	sst s19  }
0x29: {  	s21 =	sadd.s32 $0x7500, s4;
	[smem:$0x7F5] =	sst s20  }
0x2a: {  	s22 =	sadd.s32 $0x7E00, s4;
	[smem:$0x7F6] =	sst s21  }
0x2b: {  	s23 =	sadd.s32 $0x8700, s4;
	[smem:$0x7F7] =	sst s22  }
0x2c: {  	s24 =	sadd.s32 $0x9000, s4;
	[smem:$0x7F8] =	sst s23  }
0x2d: {  	s26 =	sadd.s32 $0x9900, s4;
	[smem:$0x7F9] =	sst s24  }
0x2e: {  	s5 =	sadd.s32 $0xA200, s4;
	[smem:$0x7FA] =	sst s26  }
0x2f: {  	s6 =	sadd.s32 $0xAB00, s4;
	[smem:$0x7FB] =	sst s5  }
0x30: {  	s7 =	sadd.s32 $0xB400, s4;
	[smem:$0x7FC] =	sst s6  }
0x31: {  	[smem:$0x7FD] =	sst s7;
	s5 =	simm.s32 $0x5  }
0x32: {  	_ =	swait.ge [sflag:s5], $0x80  }
0x33: {  	[sflag:s5] =	ssyncset.done $0x0  }
0x34: {  	s6 =	simm.s32 $0x80;
	s8 =	rddreg [dreg:$0x3];
	[sflag:s5] =	ssyncadd.s32 $0xFFFFFF80  }
0x35: {  	[tilespmem:s6], [sflag:$0x5] =	stream.linear.gather [hbm4b:s8+s2], $0x80, $0x38;
	[tilespmem:$0x9A80] =	vst v63  }
0x36: {  	_ =	swait.ge [sflag:s5], $0x80  }
0x37: {  	[sflag:s5] =	ssyncset.done $0x0  }
0x38: {  	s3 =	simm.s32 $0x100;
	s9 =	rddreg [dreg:$0x4];
	[sflag:s5] =	ssyncadd.s32 $0xFFFFFF80  }
0x39: {  	[tilespmem:s3], [sflag:$0x5] =	stream.linear.gather [hbm4b:s9+s2], $0x80, $0x38;
	[tilespmem:$0x9A80] =	vst v63  }
0x3a: {  	_ =	swait.ge [sflag:s5], $0x80  }
0x3b: {  	[sflag:s5] =	ssyncset.done $0x0  }
0x3c: {  	s8 =	simm.s32 $0x180;
	s10 =	rddreg [dreg:$0x5];
	[sflag:s5] =	ssyncadd.s32 $0xFFFFFF80  }
0x3d: {  	[tilespmem:s8], [sflag:$0x5] =	stream.linear.gather [hbm4b:s10+s2], $0x80, $0x38;
	[tilespmem:$0x9A80] =	vst v63  }
0x3e: {  	_ =	swait.ge [sflag:s5], $0x80  }
0x3f: {  	[sflag:s5] =	ssyncset.done $0x0  }
0x40: {  	s9 =	simm.s32 $0x200;
	s11 =	rddreg [dreg:$0x6];
	[sflag:s5] =	ssyncadd.s32 $0xFFFFFF80  }
0x41: {  	[tilespmem:s9], [sflag:$0x5] =	stream.linear.gather [hbm4b:s11+s2], $0x80, $0x38;
	[tilespmem:$0x9A80] =	vst v63  }
0x42: {  	_ =	swait.ge [sflag:s5], $0x80  }
0x43: {  	[sflag:s5] =	ssyncset.done $0x0  }
0x44: {  	s10 =	simm.s32 $0x280;
	s12 =	rddreg [dreg:$0x7];
	[sflag:s5] =	ssyncadd.s32 $0xFFFFFF80  }
0x45: {  	[tilespmem:s10], [sflag:$0x5] =	stream.linear.gather [hbm4b:s12+s2], $0x80, $0x38;
	[tilespmem:$0x9A80] =	vst v63  }
0x46: {  	_ =	swait.ge [sflag:s5], $0x80  }
0x47: {  	[sflag:s5] =	ssyncset.done $0x0  }
0x48: {  	s11 =	simm.s32 $0x300;
	s13 =	rddreg [dreg:$0x8];
	[sflag:s5] =	ssyncadd.s32 $0xFFFFFF80  }
0x49: {  	[tilespmem:s11], [sflag:$0x5] =	stream.linear.gather [hbm4b:s13+s2], $0x80, $0x38;
	[tilespmem:$0x9A80] =	vst v63  }
0x4a: {  	_ =	swait.ge [sflag:s5], $0x80  }
0x4b: {  	[sflag:s5] =	ssyncset.done $0x0  }
0x4c: {  	s12 =	simm.s32 $0x380;
	s14 =	rddreg [dreg:$0x9];
	[sflag:s5] =	ssyncadd.s32 $0xFFFFFF80  }
0x4d: {  	[tilespmem:s12], [sflag:$0x5] =	stream.linear.gather [hbm4b:s14+s2], $0x80, $0x38;
	[tilespmem:$0x9A80] =	vst v63  }
0x4e: {  	_ =	swait.ge [sflag:s5], $0x80  }
0x4f: {  	[sflag:s5] =	ssyncset.done $0x0  }
0x50: {  	s13 =	simm.s32 $0x400;
	s15 =	rddreg [dreg:$0xa];
	[sflag:s5] =	ssyncadd.s32 $0xFFFFFF80  }
0x51: {  	[tilespmem:s13], [sflag:$0x5] =	stream.linear.gather [hbm4b:s15+s2], $0x80, $0x38;
	[tilespmem:$0x9A80] =	vst v63  }
0x52: {  	_ =	swait.ge [sflag:s5], $0x80  }
0x53: {  	[sflag:s5] =	ssyncset.done $0x0  }
0x54: {  	s14 =	simm.s32 $0x480;
	s16 =	rddreg [dreg:$0xb];
	[sflag:s5] =	ssyncadd.s32 $0xFFFFFF80  }
0x55: {  	[tilespmem:s14], [sflag:$0x5] =	stream.linear.gather [hbm4b:s16+s2], $0x80, $0x38;
	[tilespmem:$0x9A80] =	vst v63  }
0x56: {  	_ =	swait.ge [sflag:s5], $0x80  }
0x57: {  	[sflag:s5] =	ssyncset.done $0x0  }
0x58: {  	s15 =	simm.s32 $0x500;
	s17 =	rddreg [dreg:$0xc];
	[sflag:s5] =	ssyncadd.s32 $0xFFFFFF80  }
0x59: {  	[tilespmem:s15], [sflag:$0x5] =	stream.linear.gather [hbm4b:s17+s2], $0x80, $0x38;
	[tilespmem:$0x9A80] =	vst v63  }
0x5a: {  	_ =	swait.ge [sflag:s5], $0x80  }
0x5b: {  	[sflag:s5] =	ssyncset.done $0x0  }
0x5c: {  	s16 =	simm.s32 $0x580;
	s18 =	rddreg [dreg:$0xd];
	[sflag:s5] =	ssyncadd.s32 $0xFFFFFF80  }
0x5d: {  	[tilespmem:s16], [sflag:$0x5] =	stream.linear.gather [hbm4b:s18+s2], $0x80, $0x38;
	[tilespmem:$0x9A80] =	vst v63  }
0x5e: {  	_ =	swait.ge [sflag:s5], $0x80  }
0x5f: {  	[sflag:s5] =	ssyncset.done $0x0  }
0x60: {  	s17 =	simm.s32 $0x600;
	s19 =	rddreg [dreg:$0xe];
	[sflag:s5] =	ssyncadd.s32 $0xFFFFFF80  }
0x61: {  	[tilespmem:s17], [sflag:$0x5] =	stream.linear.gather [hbm4b:s19+s2], $0x80, $0x38;
	[tilespmem:$0x9A80] =	vst v63  }
0x62: {  	_ =	swait.ge [sflag:s5], $0x80  }
0x63: {  	[sflag:s5] =	ssyncset.done $0x0  }
0x64: {  	s18 =	simm.s32 $0x680;
	s20 =	rddreg [dreg:$0xf];
	[sflag:s5] =	ssyncadd.s32 $0xFFFFFF80  }
0x65: {  	[tilespmem:s18], [sflag:$0x5] =	stream.linear.gather [hbm4b:s20+s2], $0x80, $0x38;
	[tilespmem:$0x9A80] =	vst v63  }
0x66: {  	_ =	swait.ge [sflag:s5], $0x80  }
0x67: {  	[sflag:s5] =	ssyncset.done $0x0  }
0x68: {  	s19 =	simm.s32 $0x700;
	s21 =	rddreg [dreg:$0x10];
	[sflag:s5] =	ssyncadd.s32 $0xFFFFFF80  }
0x69: {  	[tilespmem:s19], [sflag:$0x5] =	stream.linear.gather [hbm4b:s21+s2], $0x80, $0x38;
	[tilespmem:$0x9A80] =	vst v63  }
0x6a: {  	_ =	swait.ge [sflag:s5], $0x80  }
0x6b: {  	[sflag:s5] =	ssyncset.done $0x0  }
0x6c: {  	s20 =	simm.s32 $0x780;
	s22 =	rddreg [dreg:$0x11];
	[sflag:s5] =	ssyncadd.s32 $0xFFFFFF80  }
0x6d: {  	[tilespmem:s20], [sflag:$0x5] =	stream.linear.gather [hbm4b:s22+s2], $0x80, $0x38;
	[tilespmem:$0x9A80] =	vst v63  }
0x6e: {  	_ =	swait.ge [sflag:s5], $0x80  }
0x6f: {  	[sflag:s5] =	ssyncset.done $0x0  }
0x70: {  	s21 =	simm.s32 $0x800;
	s23 =	rddreg [dreg:$0x12];
	[sflag:s5] =	ssyncadd.s32 $0xFFFFFF80  }
0x71: {  	[tilespmem:s21], [sflag:$0x5] =	stream.linear.gather [hbm4b:s23+s2], $0x80, $0x38;
	[tilespmem:$0x9A80] =	vst v63  }
0x72: {  	_ =	swait.ge [sflag:s5], $0x80  }
0x73: {  	[sflag:s5] =	ssyncset.done $0x0  }
0x74: {  	s22 =	simm.s32 $0x880;
	s24 =	rddreg [dreg:$0x13];
	[sflag:s5] =	ssyncadd.s32 $0xFFFFFF80  }
0x75: {  	[tilespmem:s22], [sflag:$0x5] =	stream.linear.gather [hbm4b:s24+s2], $0x80, $0x38;
	[tilespmem:$0x9A80] =	vst v63  }
0x76: {  	_ =	swait.ge [sflag:s5], $0x80  }
0x77: {  	[sflag:s5] =	ssyncset.done $0x0  }
0x78: {  	s23 =	simm.s32 $0x900;
	s26 =	rddreg [dreg:$0x14];
	[sflag:s5] =	ssyncadd.s32 $0xFFFFFF80  }
0x79: {  	[tilespmem:s23], [sflag:$0x5] =	stream.linear.gather [hbm4b:s26+s2], $0x80, $0x38;
	[tilespmem:$0x9A80] =	vst v63  }
0x7a: {  	_ =	swait.ge [sflag:s5], $0x80  }
0x7b: {  	[sflag:s5] =	ssyncset.done $0x0  }
0x7c: {  	s24 =	simm.s32 $0x980;
	s7 =	rddreg [dreg:$0x15];
	[sflag:s5] =	ssyncadd.s32 $0xFFFFFF80  }
0x7d: {  	[tilespmem:s24], [sflag:$0x5] =	stream.linear.gather [hbm4b:s7+s2], $0x80, $0x38;
	[tilespmem:$0x9A80] =	vst v63  }
0x7e: {  	_ =	swait.ge [sflag:s5], $0x80  }
0x7f: {  	[sflag:s5] =	ssyncset.done $0x0  }
0x80: {  	s7 =	simm.s32 $0xA00;
	s26 =	rddreg [dreg:$0x16];
	[sflag:s5] =	ssyncadd.s32 $0xFFFFFF80  }
0x81: {  	[tilespmem:s7], [sflag:$0x5] =	stream.linear.gather [hbm4b:s26+s2], $0x80, $0x38;
	[tilespmem:$0x9A80] =	vst v63  }
0x82: {  	_ =	swait.ge [sflag:s5], $0x80  }
0x83: {  	[sflag:s5] =	ssyncset.done $0x0  }
0x84: {  	s28 =	simm.s32 $0xA80;
	s26 =	sadd.s32 $0x4800, s0;
	[sflag:s5] =	ssyncadd.s32 $0xFFFFFF80  }
0x85: {  	[tilespmem:s28], [sflag:$0x1] =	stream.indirect.gather [hbm4b:s26+s6], $0x90, s2, s6, $0xb8;
	[tilespmem:$0x9A80] =	vst v63  }
0x86: {  	s29 =	simm.s32 $0x5280;
	s30 =	simm.s32 $0x1  }
0x87: {  	[tilespmem:s29], [sflag:$0x2] =	stream.indirect.gather [hbm4b:s26+s6], $0x90, s6, s6, $0xb8;
	[tilespmem:$0x9A80] =	vst v63  }
0x88: {  	_ =	swait.ge [sflag:s30], $0x4800  }
0x89: {  	[sflag:s30] =	ssyncset.done $0x0  }
0x8a: {  	s31 =	simm.s32 $0x3;
	[smem:$0x7F2] =	sst s4;
	[sflag:s30] =	ssyncadd.s32 $0xFFFFB800  }
0x8b: {  	[hbm4b:s4+s2] =	stream.linear.scatter [tilespmem:s28], [sflag:$0x3], $0x4800, $0x38;
	[tilespmem:$0x9A80] =	vst v63  }
0x8c: {  	_ =	swait.ge [sflag:s31], $0x4800  }
0x8d: {  	[sflag:s31] =	ssyncset.done $0x0  }
0x8e: {  	s1 =	simm.s32 $0x2;
	[sflag:s31] =	ssyncadd.s32 $0xFFFFB800  }
0x8f: {  	[tilespmem:s28], [sflag:$0x1] =	stream.indirect.gather [hbm4b:s26+s6], $0x90, s3, s6, $0xb8;
	[tilespmem:$0x9A80] =	vst v63  }
0x90: {  	_ =	swait.ge [sflag:s1], $0x4800  }
0x91: {  	[sflag:s1] =	ssyncset.done $0x0  }
0x92: {  	s0 =	simm.s32 $0x4;
	s4 =	rddreg [dreg:$0x17];
	[sflag:s1] =	ssyncadd.s32 $0xFFFFB800  }
0x93: {  	[hbm4b:s4+s2] =	stream.linear.scatter [tilespmem:s29], [sflag:$0x4], $0x4800, $0x38;
	[tilespmem:$0x9A80] =	vst v63  }
0x94: {  	_ =	swait.ge [sflag:s0], $0x4800  }
0x95: {  	[sflag:s0] =	ssyncset.done $0x0  }
0x96: {  	[sflag:s0] =	ssyncadd.s32 $0xFFFFB800  }
0x97: {  	[tilespmem:s29], [sflag:$0x2] =	stream.indirect.gather [hbm4b:s26+s6], $0x90, s8, s6, $0xb8;
	[tilespmem:$0x9A80] =	vst v63  }
0x98: {  	_ =	swait.ge [sflag:s30], $0x4800  }
0x99: {  	[sflag:s30] =	ssyncset.done $0x0  }
0x9a: {  	s8 =	rddreg [dreg:$0x18];
	[sflag:s30] =	ssyncadd.s32 $0xFFFFB800  }
0x9b: {  	[hbm4b:s8+s2] =	stream.linear.scatter [tilespmem:s28], [sflag:$0x3], $0x4800, $0x38;
	[tilespmem:$0x9A80] =	vst v63  }
0x9c: {  	_ =	swait.ge [sflag:s31], $0x4800  }
0x9d: {  	[sflag:s31] =	ssyncset.done $0x0  }
0x9e: {  	[sflag:s31] =	ssyncadd.s32 $0xFFFFB800  }
0x9f: {  	[tilespmem:s28], [sflag:$0x1] =	stream.indirect.gather [hbm4b:s26+s6], $0x90, s9, s6, $0xb8;
	[tilespmem:$0x9A80] =	vst v63  }
0xa0: {  	_ =	swait.ge [sflag:s1], $0x4800  }
0xa1: {  	[sflag:s1] =	ssyncset.done $0x0  }
0xa2: {  	s9 =	rddreg [dreg:$0x19];
	[sflag:s1] =	ssyncadd.s32 $0xFFFFB800  }
0xa3: {  	[hbm4b:s9+s2] =	stream.linear.scatter [tilespmem:s29], [sflag:$0x4], $0x4800, $0x38;
	[tilespmem:$0x9A80] =	vst v63  }
0xa4: {  	_ =	swait.ge [sflag:s0], $0x4800  }
0xa5: {  	[sflag:s0] =	ssyncset.done $0x0  }
0xa6: {  	[sflag:s0] =	ssyncadd.s32 $0xFFFFB800  }
0xa7: {  	[tilespmem:s29], [sflag:$0x2] =	stream.indirect.gather [hbm4b:s26+s6], $0x90, s10, s6, $0xb8;
	[tilespmem:$0x9A80] =	vst v63  }
0xa8: {  	_ =	swait.ge [sflag:s30], $0x4800  }
0xa9: {  	[sflag:s30] =	ssyncset.done $0x0  }
0xaa: {  	s4 =	rddreg [dreg:$0x1a];
	[sflag:s30] =	ssyncadd.s32 $0xFFFFB800  }
0xab: {  	[hbm4b:s4+s2] =	stream.linear.scatter [tilespmem:s28], [sflag:$0x3], $0x4800, $0x38;
	[tilespmem:$0x9A80] =	vst v63  }
0xac: {  	_ =	swait.ge [sflag:s31], $0x4800  }
0xad: {  	[sflag:s31] =	ssyncset.done $0x0  }
0xae: {  	[sflag:s31] =	ssyncadd.s32 $0xFFFFB800  }
0xaf: {  	[tilespmem:s28], [sflag:$0x1] =	stream.indirect.gather [hbm4b:s26+s6], $0x90, s11, s6, $0xb8;
	[tilespmem:$0x9A80] =	vst v63  }
0xb0: {  	_ =	swait.ge [sflag:s1], $0x4800  }
0xb1: {  	[sflag:s1] =	ssyncset.done $0x0  }
0xb2: {  	s8 =	rddreg [dreg:$0x1b];
	[sflag:s1] =	ssyncadd.s32 $0xFFFFB800  }
0xb3: {  	[hbm4b:s8+s2] =	stream.linear.scatter [tilespmem:s29], [sflag:$0x4], $0x4800, $0x38;
	[tilespmem:$0x9A80] =	vst v63  }
0xb4: {  	_ =	swait.ge [sflag:s0], $0x4800  }
0xb5: {  	[sflag:s0] =	ssyncset.done $0x0  }
0xb6: {  	[sflag:s0] =	ssyncadd.s32 $0xFFFFB800  }
0xb7: {  	[tilespmem:s29], [sflag:$0x2] =	stream.indirect.gather [hbm4b:s26+s6], $0x90, s12, s6, $0xb8;
	[tilespmem:$0x9A80] =	vst v63  }
0xb8: {  	_ =	swait.ge [sflag:s30], $0x4800  }
0xb9: {  	[sflag:s30] =	ssyncset.done $0x0  }
0xba: {  	s9 =	rddreg [dreg:$0x1c];
	[sflag:s30] =	ssyncadd.s32 $0xFFFFB800  }
0xbb: {  	[hbm4b:s9+s2] =	stream.linear.scatter [tilespmem:s28], [sflag:$0x3], $0x4800, $0x38;
	[tilespmem:$0x9A80] =	vst v63  }
0xbc: {  	_ =	swait.ge [sflag:s31], $0x4800  }
0xbd: {  	[sflag:s31] =	ssyncset.done $0x0  }
0xbe: {  	[sflag:s31] =	ssyncadd.s32 $0xFFFFB800  }
0xbf: {  	[tilespmem:s28], [sflag:$0x1] =	stream.indirect.gather [hbm4b:s26+s6], $0x90, s13, s6, $0xb8;
	[tilespmem:$0x9A80] =	vst v63  }
0xc0: {  	_ =	swait.ge [sflag:s1], $0x4800  }
0xc1: {  	[sflag:s1] =	ssyncset.done $0x0  }
0xc2: {  	s10 =	rddreg [dreg:$0x1d];
	[sflag:s1] =	ssyncadd.s32 $0xFFFFB800  }
0xc3: {  	[hbm4b:s10+s2] =	stream.linear.scatter [tilespmem:s29], [sflag:$0x4], $0x4800, $0x38;
	[tilespmem:$0x9A80] =	vst v63  }
0xc4: {  	_ =	swait.ge [sflag:s0], $0x4800  }
0xc5: {  	[sflag:s0] =	ssyncset.done $0x0  }
0xc6: {  	[sflag:s0] =	ssyncadd.s32 $0xFFFFB800  }
0xc7: {  	[tilespmem:s29], [sflag:$0x2] =	stream.indirect.gather [hbm4b:s26+s6], $0x90, s14, s6, $0xb8;
	[tilespmem:$0x9A80] =	vst v63  }
0xc8: {  	_ =	swait.ge [sflag:s30], $0x4800  }
0xc9: {  	[sflag:s30] =	ssyncset.done $0x0  }
0xca: {  	s11 =	rddreg [dreg:$0x1e];
	[sflag:s30] =	ssyncadd.s32 $0xFFFFB800  }
0xcb: {  	[hbm4b:s11+s2] =	stream.linear.scatter [tilespmem:s28], [sflag:$0x3], $0x4800, $0x38;
	[tilespmem:$0x9A80] =	vst v63  }
0xcc: {  	_ =	swait.ge [sflag:s31], $0x4800  }
0xcd: {  	[sflag:s31] =	ssyncset.done $0x0  }
0xce: {  	[sflag:s31] =	ssyncadd.s32 $0xFFFFB800  }
0xcf: {  	[tilespmem:s28], [sflag:$0x1] =	stream.indirect.gather [hbm4b:s26+s6], $0x90, s15, s6, $0xb8;
	[tilespmem:$0x9A80] =	vst v63  }
0xd0: {  	_ =	swait.ge [sflag:s1], $0x4800  }
0xd1: {  	[sflag:s1] =	ssyncset.done $0x0  }
0xd2: {  	s12 =	rddreg [dreg:$0x1f];
	[sflag:s1] =	ssyncadd.s32 $0xFFFFB800  }
0xd3: {  	[hbm4b:s12+s2] =	stream.linear.scatter [tilespmem:s29], [sflag:$0x4], $0x4800, $0x38;
	[tilespmem:$0x9A80] =	vst v63  }
0xd4: {  	_ =	swait.ge [sflag:s0], $0x4800  }
0xd5: {  	[sflag:s0] =	ssyncset.done $0x0  }
0xd6: {  	[sflag:s0] =	ssyncadd.s32 $0xFFFFB800  }
0xd7: {  	[tilespmem:s29], [sflag:$0x2] =	stream.indirect.gather [hbm4b:s26+s6], $0x90, s16, s6, $0xb8;
	[tilespmem:$0x9A80] =	vst v63  }
0xd8: {  	_ =	swait.ge [sflag:s30], $0x4800  }
0xd9: {  	s13 =	sld [smem:$0x7F3]  }
0xda: {  	[sflag:s30] =	ssyncset.done $0x0  }
0xdb: {  	[sflag:s30] =	ssyncadd.s32 $0xFFFFB800  }
0xdc: {  	[hbm4b:s13+s2] =	stream.linear.scatter [tilespmem:s28], [sflag:$0x3], $0x4800, $0x38;
	[tilespmem:$0x9A80] =	vst v63  }
0xdd: {  	_ =	swait.ge [sflag:s31], $0x4800  }
0xde: {  	[sflag:s31] =	ssyncset.done $0x0  }
0xdf: {  	[sflag:s31] =	ssyncadd.s32 $0xFFFFB800  }
0xe0: {  	[tilespmem:s28], [sflag:$0x1] =	stream.indirect.gather [hbm4b:s26+s6], $0x90, s17, s6, $0xb8;
	[tilespmem:$0x9A80] =	vst v63  }
0xe1: {  	_ =	swait.ge [sflag:s1], $0x4800  }
0xe2: {  	s14 =	sld [smem:$0x7F4]  }
0xe3: {  	[sflag:s1] =	ssyncset.done $0x0  }
0xe4: {  	[sflag:s1] =	ssyncadd.s32 $0xFFFFB800  }
0xe5: {  	[hbm4b:s14+s2] =	stream.linear.scatter [tilespmem:s29], [sflag:$0x4], $0x4800, $0x38;
	[tilespmem:$0x9A80] =	vst v63  }
0xe6: {  	_ =	swait.ge [sflag:s0], $0x4800  }
0xe7: {  	[sflag:s0] =	ssyncset.done $0x0  }
0xe8: {  	[sflag:s0] =	ssyncadd.s32 $0xFFFFB800  }
0xe9: {  	[tilespmem:s29], [sflag:$0x2] =	stream.indirect.gather [hbm4b:s26+s6], $0x90, s18, s6, $0xb8;
	[tilespmem:$0x9A80] =	vst v63  }
0xea: {  	_ =	swait.ge [sflag:s30], $0x4800  }
0xeb: {  	s15 =	sld [smem:$0x7F5]  }
0xec: {  	[sflag:s30] =	ssyncset.done $0x0  }
0xed: {  	[sflag:s30] =	ssyncadd.s32 $0xFFFFB800  }
0xee: {  	[hbm4b:s15+s2] =	stream.linear.scatter [tilespmem:s28], [sflag:$0x3], $0x4800, $0x38;
	[tilespmem:$0x9A80] =	vst v63  }
0xef: {  	_ =	swait.ge [sflag:s31], $0x4800  }
0xf0: {  	[sflag:s31] =	ssyncset.done $0x0  }
0xf1: {  	[sflag:s31] =	ssyncadd.s32 $0xFFFFB800  }
0xf2: {  	[tilespmem:s28], [sflag:$0x1] =	stream.indirect.gather [hbm4b:s26+s6], $0x90, s19, s6, $0xb8;
	[tilespmem:$0x9A80] =	vst v63  }
0xf3: {  	_ =	swait.ge [sflag:s1], $0x4800  }
0xf4: {  	s16 =	sld [smem:$0x7F6]  }
0xf5: {  	[sflag:s1] =	ssyncset.done $0x0  }
0xf6: {  	[sflag:s1] =	ssyncadd.s32 $0xFFFFB800  }
0xf7: {  	[hbm4b:s16+s2] =	stream.linear.scatter [tilespmem:s29], [sflag:$0x4], $0x4800, $0x38;
	[tilespmem:$0x9A80] =	vst v63  }
0xf8: {  	_ =	swait.ge [sflag:s0], $0x4800  }
0xf9: {  	[sflag:s0] =	ssyncset.done $0x0  }
0xfa: {  	[sflag:s0] =	ssyncadd.s32 $0xFFFFB800  }
0xfb: {  	[tilespmem:s29], [sflag:$0x2] =	stream.indirect.gather [hbm4b:s26+s6], $0x90, s20, s6, $0xb8;
	[tilespmem:$0x9A80] =	vst v63  }
0xfc: {  	_ =	swait.ge [sflag:s30], $0x4800  }
0xfd: {  	s17 =	sld [smem:$0x7F7]  }
0xfe: {  	[sflag:s30] =	ssyncset.done $0x0  }
0xff: {  	[sflag:s30] =	ssyncadd.s32 $0xFFFFB800  }
0x100: {  	[hbm4b:s17+s2] =	stream.linear.scatter [tilespmem:s28], [sflag:$0x3], $0x4800, $0x38;
	[tilespmem:$0x9A80] =	vst v63  }
0x101: {  	_ =	swait.ge [sflag:s31], $0x4800  }
0x102: {  	[sflag:s31] =	ssyncset.done $0x0  }
0x103: {  	[sflag:s31] =	ssyncadd.s32 $0xFFFFB800  }
0x104: {  	[tilespmem:s28], [sflag:$0x1] =	stream.indirect.gather [hbm4b:s26+s6], $0x90, s21, s6, $0xb8;
	[tilespmem:$0x9A80] =	vst v63  }
0x105: {  	_ =	swait.ge [sflag:s1], $0x4800  }
0x106: {  	s18 =	sld [smem:$0x7F8]  }
0x107: {  	[sflag:s1] =	ssyncset.done $0x0  }
0x108: {  	[sflag:s1] =	ssyncadd.s32 $0xFFFFB800  }
0x109: {  	[hbm4b:s18+s2] =	stream.linear.scatter [tilespmem:s29], [sflag:$0x4], $0x4800, $0x38;
	[tilespmem:$0x9A80] =	vst v63  }
0x10a: {  	_ =	swait.ge [sflag:s0], $0x4800  }
0x10b: {  	[sflag:s0] =	ssyncset.done $0x0  }
0x10c: {  	[sflag:s0] =	ssyncadd.s32 $0xFFFFB800  }
0x10d: {  	[tilespmem:s29], [sflag:$0x2] =	stream.indirect.gather [hbm4b:s26+s6], $0x90, s22, s6, $0xb8;
	[tilespmem:$0x9A80] =	vst v63  }
0x10e: {  	_ =	swait.ge [sflag:s30], $0x4800  }
0x10f: {  	s19 =	sld [smem:$0x7F9]  }
0x110: {  	[sflag:s30] =	ssyncset.done $0x0  }
0x111: {  	[sflag:s30] =	ssyncadd.s32 $0xFFFFB800  }
0x112: {  	[hbm4b:s19+s2] =	stream.linear.scatter [tilespmem:s28], [sflag:$0x3], $0x4800, $0x38;
	[tilespmem:$0x9A80] =	vst v63  }
0x113: {  	_ =	swait.ge [sflag:s31], $0x4800  }
0x114: {  	[sflag:s31] =	ssyncset.done $0x0  }
0x115: {  	[sflag:s31] =	ssyncadd.s32 $0xFFFFB800  }
0x116: {  	[tilespmem:s28], [sflag:$0x1] =	stream.indirect.gather [hbm4b:s26+s6], $0x90, s23, s6, $0xb8;
	[tilespmem:$0x9A80] =	vst v63  }
0x117: {  	_ =	swait.ge [sflag:s1], $0x4800  }
0x118: {  	s20 =	sld [smem:$0x7FA]  }
0x119: {  	[sflag:s1] =	ssyncset.done $0x0  }
0x11a: {  	[sflag:s1] =	ssyncadd.s32 $0xFFFFB800  }
0x11b: {  	[hbm4b:s20+s2] =	stream.linear.scatter [tilespmem:s29], [sflag:$0x4], $0x4800, $0x38;
	[tilespmem:$0x9A80] =	vst v63  }
0x11c: {  	_ =	swait.ge [sflag:s0], $0x4800  }
0x11d: {  	[sflag:s0] =	ssyncset.done $0x0  }
0x11e: {  	[sflag:s0] =	ssyncadd.s32 $0xFFFFB800  }
0x11f: {  	[tilespmem:s29], [sflag:$0x2] =	stream.indirect.gather [hbm4b:s26+s6], $0x90, s24, s6, $0xb8;
	[tilespmem:$0x9A80] =	vst v63  }
0x120: {  	_ =	swait.ge [sflag:s30], $0x4800  }
0x121: {  	s21 =	sld [smem:$0x7FB]  }
0x122: {  	[sflag:s30] =	ssyncset.done $0x0  }
0x123: {  	[sflag:s30] =	ssyncadd.s32 $0xFFFFB800  }
0x124: {  	[hbm4b:s21+s2] =	stream.linear.scatter [tilespmem:s28], [sflag:$0x3], $0x4800, $0x38;
	[tilespmem:$0x9A80] =	vst v63  }
0x125: {  	_ =	swait.ge [sflag:s31], $0x4800  }
0x126: {  	[sflag:s31] =	ssyncset.done $0x0  }
0x127: {  	[sflag:s31] =	ssyncadd.s32 $0xFFFFB800  }
0x128: {  	[tilespmem:s28], [sflag:$0x1] =	stream.indirect.gather [hbm4b:s26+s6], $0x90, s7, s6, $0xb8;
	[tilespmem:$0x9A80] =	vst v63  }
0x129: {  	_ =	swait.ge [sflag:s1], $0x4800  }
0x12a: {  	s22 =	sld [smem:$0x7FC]  }
0x12b: {  	[sflag:s1] =	ssyncset.done $0x0  }
0x12c: {  	s24 =	ssub.s32 $0x2, s25;
	[sflag:s1] =	ssyncadd.s32 $0xFFFFB800  }
0x12d: {  	[hbm4b:s22+s2] =	stream.linear.scatter [tilespmem:s29], [sflag:$0x4], $0x4800, $0x38;
	[tilespmem:$0x9A80] =	vst v63  }
0x12e: {  	s25 =	sshrl.u32 s24, $0x1;
	_ =	swait.ge [sflag:s30], $0x4800  }
0x12f: {  	s3 =	ssub.s32 s24, s25;
	s23 =	sld [smem:$0x7FD]  }
0x130: {  	s3 =	smax.u32 s3, $0x1;
	[sflag:s30] =	ssyncset.done $0x0  }
0x131: {  	p0 =	sne.s32 s3, $0x1;
	[sflag:s30] =	ssyncadd.s32 $0xFFFFB800  }
0x132: {  	[hbm4b:s23+s2] =	stream.linear.scatter [tilespmem:s28], [sflag:$0x3], $0x4800, $0x38;
	[tilespmem:$0x9A80] =	vst v63  }
.Ltmp0:
0x133: {  	_ =	swait.ge [sflag:s0], $0x4800;
	(pc) =	sbr.rel @!p0 .LBB2_3-.Ltmp0, $4  }
0x134: {  	[sflag:s0] =	ssyncset.done $0x0  }
0x135: {  	[sflag:s0] =	ssyncadd.s32 $0xFFFFB800  }
0x136: {  	_ =	swait.ge [sflag:s31], $0x4800  }
0x137: {  	s3 =	sadd.s32 $0xFFFFFFFF, s3;
	[sflag:s31] =	ssyncset.done $0x0  }
0x138: {  	s8 =	simm.s32 $0x100  }
0x139: {  	s9 =	simm.s32 $0x180;
	s10 =	simm.s32 $0x200;
	s11 =	simm.s32 $0x280  }
0x13a: {  	s12 =	simm.s32 $0x300;
	s13 =	simm.s32 $0x380;
	s14 =	simm.s32 $0x400  }
0x13b: {  	s15 =	simm.s32 $0x480;
	s16 =	simm.s32 $0x500;
	s17 =	simm.s32 $0x580  }
0x13c: {  	s18 =	simm.s32 $0x600;
	s19 =	simm.s32 $0x680;
	s20 =	simm.s32 $0x700  }
0x13d: {  	s21 =	simm.s32 $0x780;
	s22 =	simm.s32 $0x800;
	s23 =	simm.s32 $0x880  }
0x13e: {  	s24 =	simm.s32 $0x900;
	s25 =	simm.s32 $0x980;
	s7 =	simm.s32 $0xA00  }
.LBB2_2:
0x13f: {  	s4 =	sld [smem:$0x7F1];
	_ =	sdelay $0x1  }
0x140: {  	[sflag:s31] =	ssyncadd.s32 $0xFFFFB800  }
0x141: {  	[tilespmem:s2], [sflag:$0x5] =	stream.linear.gather [hbm4b:s4+s2], $0x80, $0x38;
	[tilespmem:$0x9A80] =	vst v63  }
0x142: {  	_ =	swait.ge [sflag:s5], $0x80  }
0x143: {  	[sflag:s5] =	ssyncset.done $0x0  }
0x144: {  	s4 =	rddreg [dreg:$0x3];
	[sflag:s5] =	ssyncadd.s32 $0xFFFFFF80  }
0x145: {  	[tilespmem:s6], [sflag:$0x5] =	stream.linear.gather [hbm4b:s4+s2], $0x80, $0x38;
	[tilespmem:$0x9A80] =	vst v63  }
0x146: {  	_ =	swait.ge [sflag:s5], $0x80  }
0x147: {  	[sflag:s5] =	ssyncset.done $0x0  }
0x148: {  	s4 =	rddreg [dreg:$0x4];
	[sflag:s5] =	ssyncadd.s32 $0xFFFFFF80  }
0x149: {  	[tilespmem:s8], [sflag:$0x5] =	stream.linear.gather [hbm4b:s4+s2], $0x80, $0x38;
	[tilespmem:$0x9A80] =	vst v63  }
0x14a: {  	_ =	swait.ge [sflag:s5], $0x80  }
0x14b: {  	[sflag:s5] =	ssyncset.done $0x0  }
0x14c: {  	s4 =	rddreg [dreg:$0x5];
	[sflag:s5] =	ssyncadd.s32 $0xFFFFFF80  }
0x14d: {  	[tilespmem:s9], [sflag:$0x5] =	stream.linear.gather [hbm4b:s4+s2], $0x80, $0x38;
	[tilespmem:$0x9A80] =	vst v63  }
0x14e: {  	_ =	swait.ge [sflag:s5], $0x80  }
0x14f: {  	[sflag:s5] =	ssyncset.done $0x0  }
0x150: {  	s4 =	rddreg [dreg:$0x6];
	[sflag:s5] =	ssyncadd.s32 $0xFFFFFF80  }
0x151: {  	[tilespmem:s10], [sflag:$0x5] =	stream.linear.gather [hbm4b:s4+s2], $0x80, $0x38;
	[tilespmem:$0x9A80] =	vst v63  }
0x152: {  	_ =	swait.ge [sflag:s5], $0x80  }
0x153: {  	[sflag:s5] =	ssyncset.done $0x0  }
0x154: {  	s4 =	rddreg [dreg:$0x7];
	[sflag:s5] =	ssyncadd.s32 $0xFFFFFF80  }
0x155: {  	[tilespmem:s11], [sflag:$0x5] =	stream.linear.gather [hbm4b:s4+s2], $0x80, $0x38;
	[tilespmem:$0x9A80] =	vst v63  }
0x156: {  	_ =	swait.ge [sflag:s5], $0x80  }
0x157: {  	[sflag:s5] =	ssyncset.done $0x0  }
0x158: {  	s4 =	rddreg [dreg:$0x8];
	[sflag:s5] =	ssyncadd.s32 $0xFFFFFF80  }
0x159: {  	[tilespmem:s12], [sflag:$0x5] =	stream.linear.gather [hbm4b:s4+s2], $0x80, $0x38;
	[tilespmem:$0x9A80] =	vst v63  }
0x15a: {  	_ =	swait.ge [sflag:s5], $0x80  }
0x15b: {  	[sflag:s5] =	ssyncset.done $0x0  }
0x15c: {  	s4 =	rddreg [dreg:$0x9];
	[sflag:s5] =	ssyncadd.s32 $0xFFFFFF80  }
0x15d: {  	[tilespmem:s13], [sflag:$0x5] =	stream.linear.gather [hbm4b:s4+s2], $0x80, $0x38;
	[tilespmem:$0x9A80] =	vst v63  }
0x15e: {  	_ =	swait.ge [sflag:s5], $0x80  }
0x15f: {  	[sflag:s5] =	ssyncset.done $0x0  }
0x160: {  	s4 =	rddreg [dreg:$0xa];
	[sflag:s5] =	ssyncadd.s32 $0xFFFFFF80  }
0x161: {  	[tilespmem:s14], [sflag:$0x5] =	stream.linear.gather [hbm4b:s4+s2], $0x80, $0x38;
	[tilespmem:$0x9A80] =	vst v63  }
0x162: {  	_ =	swait.ge [sflag:s5], $0x80  }
0x163: {  	[sflag:s5] =	ssyncset.done $0x0  }
0x164: {  	s4 =	rddreg [dreg:$0xb];
	[sflag:s5] =	ssyncadd.s32 $0xFFFFFF80  }
0x165: {  	[tilespmem:s15], [sflag:$0x5] =	stream.linear.gather [hbm4b:s4+s2], $0x80, $0x38;
	[tilespmem:$0x9A80] =	vst v63  }
0x166: {  	_ =	swait.ge [sflag:s5], $0x80  }
0x167: {  	[sflag:s5] =	ssyncset.done $0x0  }
0x168: {  	s4 =	rddreg [dreg:$0xc];
	[sflag:s5] =	ssyncadd.s32 $0xFFFFFF80  }
0x169: {  	[tilespmem:s16], [sflag:$0x5] =	stream.linear.gather [hbm4b:s4+s2], $0x80, $0x38;
	[tilespmem:$0x9A80] =	vst v63  }
0x16a: {  	_ =	swait.ge [sflag:s5], $0x80  }
0x16b: {  	[sflag:s5] =	ssyncset.done $0x0  }
0x16c: {  	s4 =	rddreg [dreg:$0xd];
	[sflag:s5] =	ssyncadd.s32 $0xFFFFFF80  }
0x16d: {  	[tilespmem:s17], [sflag:$0x5] =	stream.linear.gather [hbm4b:s4+s2], $0x80, $0x38;
	[tilespmem:$0x9A80] =	vst v63  }
0x16e: {  	_ =	swait.ge [sflag:s5], $0x80  }
0x16f: {  	[sflag:s5] =	ssyncset.done $0x0  }
0x170: {  	s4 =	rddreg [dreg:$0xe];
	[sflag:s5] =	ssyncadd.s32 $0xFFFFFF80  }
0x171: {  	[tilespmem:s18], [sflag:$0x5] =	stream.linear.gather [hbm4b:s4+s2], $0x80, $0x38;
	[tilespmem:$0x9A80] =	vst v63  }
0x172: {  	_ =	swait.ge [sflag:s5], $0x80  }
0x173: {  	[sflag:s5] =	ssyncset.done $0x0  }
0x174: {  	s4 =	rddreg [dreg:$0xf];
	[sflag:s5] =	ssyncadd.s32 $0xFFFFFF80  }
0x175: {  	[tilespmem:s19], [sflag:$0x5] =	stream.linear.gather [hbm4b:s4+s2], $0x80, $0x38;
	[tilespmem:$0x9A80] =	vst v63  }
0x176: {  	_ =	swait.ge [sflag:s5], $0x80  }
0x177: {  	[sflag:s5] =	ssyncset.done $0x0  }
0x178: {  	s4 =	rddreg [dreg:$0x10];
	[sflag:s5] =	ssyncadd.s32 $0xFFFFFF80  }
0x179: {  	[tilespmem:s20], [sflag:$0x5] =	stream.linear.gather [hbm4b:s4+s2], $0x80, $0x38;
	[tilespmem:$0x9A80] =	vst v63  }
0x17a: {  	_ =	swait.ge [sflag:s5], $0x80  }
0x17b: {  	[sflag:s5] =	ssyncset.done $0x0  }
0x17c: {  	s4 =	rddreg [dreg:$0x11];
	[sflag:s5] =	ssyncadd.s32 $0xFFFFFF80  }
0x17d: {  	[tilespmem:s21], [sflag:$0x5] =	stream.linear.gather [hbm4b:s4+s2], $0x80, $0x38;
	[tilespmem:$0x9A80] =	vst v63  }
0x17e: {  	_ =	swait.ge [sflag:s5], $0x80  }
0x17f: {  	[sflag:s5] =	ssyncset.done $0x0  }
0x180: {  	s4 =	rddreg [dreg:$0x12];
	[sflag:s5] =	ssyncadd.s32 $0xFFFFFF80  }
0x181: {  	[tilespmem:s22], [sflag:$0x5] =	stream.linear.gather [hbm4b:s4+s2], $0x80, $0x38;
	[tilespmem:$0x9A80] =	vst v63  }
0x182: {  	_ =	swait.ge [sflag:s5], $0x80  }
0x183: {  	[sflag:s5] =	ssyncset.done $0x0  }
0x184: {  	s4 =	rddreg [dreg:$0x13];
	[sflag:s5] =	ssyncadd.s32 $0xFFFFFF80  }
0x185: {  	[tilespmem:s23], [sflag:$0x5] =	stream.linear.gather [hbm4b:s4+s2], $0x80, $0x38;
	[tilespmem:$0x9A80] =	vst v63  }
0x186: {  	_ =	swait.ge [sflag:s5], $0x80  }
0x187: {  	[sflag:s5] =	ssyncset.done $0x0  }
0x188: {  	s4 =	rddreg [dreg:$0x14];
	[sflag:s5] =	ssyncadd.s32 $0xFFFFFF80  }
0x189: {  	[tilespmem:s24], [sflag:$0x5] =	stream.linear.gather [hbm4b:s4+s2], $0x80, $0x38;
	[tilespmem:$0x9A80] =	vst v63  }
0x18a: {  	_ =	swait.ge [sflag:s5], $0x80  }
0x18b: {  	[sflag:s5] =	ssyncset.done $0x0  }
0x18c: {  	s4 =	rddreg [dreg:$0x15];
	[sflag:s5] =	ssyncadd.s32 $0xFFFFFF80  }
0x18d: {  	[tilespmem:s25], [sflag:$0x5] =	stream.linear.gather [hbm4b:s4+s2], $0x80, $0x38;
	[tilespmem:$0x9A80] =	vst v63  }
0x18e: {  	_ =	swait.ge [sflag:s5], $0x80  }
0x18f: {  	[sflag:s5] =	ssyncset.done $0x0  }
0x190: {  	s4 =	rddreg [dreg:$0x16];
	[sflag:s5] =	ssyncadd.s32 $0xFFFFFF80  }
0x191: {  	[tilespmem:s7], [sflag:$0x5] =	stream.linear.gather [hbm4b:s4+s2], $0x80, $0x38;
	[tilespmem:$0x9A80] =	vst v63  }
0x192: {  	_ =	swait.ge [sflag:s5], $0x80  }
0x193: {  	[sflag:s5] =	ssyncset.done $0x0  }
0x194: {  	[sflag:s5] =	ssyncadd.s32 $0xFFFFFF80  }
0x195: {  	[tilespmem:s28], [sflag:$0x1] =	stream.indirect.gather [hbm4b:s26+s6], $0x90, s2, s6, $0xb8;
	[tilespmem:$0x9A80] =	vst v63  }
0x196: {  	_ = 	snop  }
0x197: {  	[tilespmem:s29], [sflag:$0x2] =	stream.indirect.gather [hbm4b:s26+s6], $0x90, s6, s6, $0xb8;
	[tilespmem:$0x9A80] =	vst v63  }
0x198: {  	_ =	swait.ge [sflag:s30], $0x4800  }
0x199: {  	s4 =	sld [smem:$0x7F2]  }
0x19a: {  	[sflag:s30] =	ssyncset.done $0x0  }
0x19b: {  	[sflag:s30] =	ssyncadd.s32 $0xFFFFB800  }
0x19c: {  	[hbm4b:s4+s2] =	stream.linear.scatter [tilespmem:s28], [sflag:$0x3], $0x4800, $0x38;
	[tilespmem:$0x9A80] =	vst v63  }
0x19d: {  	_ =	swait.ge [sflag:s31], $0x4800  }
0x19e: {  	[sflag:s31] =	ssyncset.done $0x0  }
0x19f: {  	[sflag:s31] =	ssyncadd.s32 $0xFFFFB800  }
0x1a0: {  	[tilespmem:s28], [sflag:$0x1] =	stream.indirect.gather [hbm4b:s26+s6], $0x90, s8, s6, $0xb8;
	[tilespmem:$0x9A80] =	vst v63  }
0x1a1: {  	_ =	swait.ge [sflag:s1], $0x4800  }
0x1a2: {  	[sflag:s1] =	ssyncset.done $0x0  }
0x1a3: {  	s4 =	rddreg [dreg:$0x17];
	[sflag:s1] =	ssyncadd.s32 $0xFFFFB800  }
0x1a4: {  	[hbm4b:s4+s2] =	stream.linear.scatter [tilespmem:s29], [sflag:$0x4], $0x4800, $0x38;
	[tilespmem:$0x9A80] =	vst v63  }
0x1a5: {  	_ =	swait.ge [sflag:s0], $0x4800  }
0x1a6: {  	[sflag:s0] =	ssyncset.done $0x0  }
0x1a7: {  	[sflag:s0] =	ssyncadd.s32 $0xFFFFB800  }
0x1a8: {  	[tilespmem:s29], [sflag:$0x2] =	stream.indirect.gather [hbm4b:s26+s6], $0x90, s9, s6, $0xb8;
	[tilespmem:$0x9A80] =	vst v63  }
0x1a9: {  	_ =	swait.ge [sflag:s30], $0x4800  }
0x1aa: {  	[sflag:s30] =	ssyncset.done $0x0  }
0x1ab: {  	s4 =	rddreg [dreg:$0x18];
	[sflag:s30] =	ssyncadd.s32 $0xFFFFB800  }
0x1ac: {  	[hbm4b:s4+s2] =	stream.linear.scatter [tilespmem:s28], [sflag:$0x3], $0x4800, $0x38;
	[tilespmem:$0x9A80] =	vst v63  }
0x1ad: {  	_ =	swait.ge [sflag:s31], $0x4800  }
0x1ae: {  	[sflag:s31] =	ssyncset.done $0x0  }
0x1af: {  	[sflag:s31] =	ssyncadd.s32 $0xFFFFB800  }
0x1b0: {  	[tilespmem:s28], [sflag:$0x1] =	stream.indirect.gather [hbm4b:s26+s6], $0x90, s10, s6, $0xb8;
	[tilespmem:$0x9A80] =	vst v63  }
0x1b1: {  	_ =	swait.ge [sflag:s1], $0x4800  }
0x1b2: {  	[sflag:s1] =	ssyncset.done $0x0  }
0x1b3: {  	s4 =	rddreg [dreg:$0x19];
	[sflag:s1] =	ssyncadd.s32 $0xFFFFB800  }
0x1b4: {  	[hbm4b:s4+s2] =	stream.linear.scatter [tilespmem:s29], [sflag:$0x4], $0x4800, $0x38;
	[tilespmem:$0x9A80] =	vst v63  }
0x1b5: {  	_ =	swait.ge [sflag:s0], $0x4800  }
0x1b6: {  	[sflag:s0] =	ssyncset.done $0x0  }
0x1b7: {  	[sflag:s0] =	ssyncadd.s32 $0xFFFFB800  }
0x1b8: {  	[tilespmem:s29], [sflag:$0x2] =	stream.indirect.gather [hbm4b:s26+s6], $0x90, s11, s6, $0xb8;
	[tilespmem:$0x9A80] =	vst v63  }
0x1b9: {  	_ =	swait.ge [sflag:s30], $0x4800  }
0x1ba: {  	[sflag:s30] =	ssyncset.done $0x0  }
0x1bb: {  	s4 =	rddreg [dreg:$0x1a];
	[sflag:s30] =	ssyncadd.s32 $0xFFFFB800  }
0x1bc: {  	[hbm4b:s4+s2] =	stream.linear.scatter [tilespmem:s28], [sflag:$0x3], $0x4800, $0x38;
	[tilespmem:$0x9A80] =	vst v63  }
0x1bd: {  	_ =	swait.ge [sflag:s31], $0x4800  }
0x1be: {  	[sflag:s31] =	ssyncset.done $0x0  }
0x1bf: {  	[sflag:s31] =	ssyncadd.s32 $0xFFFFB800  }
0x1c0: {  	[tilespmem:s28], [sflag:$0x1] =	stream.indirect.gather [hbm4b:s26+s6], $0x90, s12, s6, $0xb8;
	[tilespmem:$0x9A80] =	vst v63  }
0x1c1: {  	_ =	swait.ge [sflag:s1], $0x4800  }
0x1c2: {  	[sflag:s1] =	ssyncset.done $0x0  }
0x1c3: {  	s4 =	rddreg [dreg:$0x1b];
	[sflag:s1] =	ssyncadd.s32 $0xFFFFB800  }
0x1c4: {  	[hbm4b:s4+s2] =	stream.linear.scatter [tilespmem:s29], [sflag:$0x4], $0x4800, $0x38;
	[tilespmem:$0x9A80] =	vst v63  }
0x1c5: {  	_ =	swait.ge [sflag:s0], $0x4800  }
0x1c6: {  	[sflag:s0] =	ssyncset.done $0x0  }
0x1c7: {  	[sflag:s0] =	ssyncadd.s32 $0xFFFFB800  }
0x1c8: {  	[tilespmem:s29], [sflag:$0x2] =	stream.indirect.gather [hbm4b:s26+s6], $0x90, s13, s6, $0xb8;
	[tilespmem:$0x9A80] =	vst v63  }
0x1c9: {  	_ =	swait.ge [sflag:s30], $0x4800  }
0x1ca: {  	[sflag:s30] =	ssyncset.done $0x0  }
0x1cb: {  	s4 =	rddreg [dreg:$0x1c];
	[sflag:s30] =	ssyncadd.s32 $0xFFFFB800  }
0x1cc: {  	[hbm4b:s4+s2] =	stream.linear.scatter [tilespmem:s28], [sflag:$0x3], $0x4800, $0x38;
	[tilespmem:$0x9A80] =	vst v63  }
0x1cd: {  	_ =	swait.ge [sflag:s31], $0x4800  }
0x1ce: {  	[sflag:s31] =	ssyncset.done $0x0  }
0x1cf: {  	[sflag:s31] =	ssyncadd.s32 $0xFFFFB800  }
0x1d0: {  	[tilespmem:s28], [sflag:$0x1] =	stream.indirect.gather [hbm4b:s26+s6], $0x90, s14, s6, $0xb8;
	[tilespmem:$0x9A80] =	vst v63  }
0x1d1: {  	_ =	swait.ge [sflag:s1], $0x4800  }
0x1d2: {  	[sflag:s1] =	ssyncset.done $0x0  }
0x1d3: {  	s4 =	rddreg [dreg:$0x1d];
	[sflag:s1] =	ssyncadd.s32 $0xFFFFB800  }
0x1d4: {  	[hbm4b:s4+s2] =	stream.linear.scatter [tilespmem:s29], [sflag:$0x4], $0x4800, $0x38;
	[tilespmem:$0x9A80] =	vst v63  }
0x1d5: {  	_ =	swait.ge [sflag:s0], $0x4800  }
0x1d6: {  	[sflag:s0] =	ssyncset.done $0x0  }
0x1d7: {  	[sflag:s0] =	ssyncadd.s32 $0xFFFFB800  }
0x1d8: {  	[tilespmem:s29], [sflag:$0x2] =	stream.indirect.gather [hbm4b:s26+s6], $0x90, s15, s6, $0xb8;
	[tilespmem:$0x9A80] =	vst v63  }
0x1d9: {  	_ =	swait.ge [sflag:s30], $0x4800  }
0x1da: {  	[sflag:s30] =	ssyncset.done $0x0  }
0x1db: {  	s4 =	rddreg [dreg:$0x1e];
	[sflag:s30] =	ssyncadd.s32 $0xFFFFB800  }
0x1dc: {  	[hbm4b:s4+s2] =	stream.linear.scatter [tilespmem:s28], [sflag:$0x3], $0x4800, $0x38;
	[tilespmem:$0x9A80] =	vst v63  }
0x1dd: {  	_ =	swait.ge [sflag:s31], $0x4800  }
0x1de: {  	[sflag:s31] =	ssyncset.done $0x0  }
0x1df: {  	[sflag:s31] =	ssyncadd.s32 $0xFFFFB800  }
0x1e0: {  	[tilespmem:s28], [sflag:$0x1] =	stream.indirect.gather [hbm4b:s26+s6], $0x90, s16, s6, $0xb8;
	[tilespmem:$0x9A80] =	vst v63  }
0x1e1: {  	_ =	swait.ge [sflag:s1], $0x4800  }
0x1e2: {  	[sflag:s1] =	ssyncset.done $0x0  }
0x1e3: {  	s4 =	rddreg [dreg:$0x1f];
	[sflag:s1] =	ssyncadd.s32 $0xFFFFB800  }
0x1e4: {  	[hbm4b:s4+s2] =	stream.linear.scatter [tilespmem:s29], [sflag:$0x4], $0x4800, $0x38;
	[tilespmem:$0x9A80] =	vst v63  }
0x1e5: {  	_ =	swait.ge [sflag:s0], $0x4800  }
0x1e6: {  	[sflag:s0] =	ssyncset.done $0x0  }
0x1e7: {  	[sflag:s0] =	ssyncadd.s32 $0xFFFFB800  }
0x1e8: {  	[tilespmem:s29], [sflag:$0x2] =	stream.indirect.gather [hbm4b:s26+s6], $0x90, s17, s6, $0xb8;
	[tilespmem:$0x9A80] =	vst v63  }
0x1e9: {  	_ =	swait.ge [sflag:s30], $0x4800  }
0x1ea: {  	s4 =	sld [smem:$0x7F3]  }
0x1eb: {  	[sflag:s30] =	ssyncset.done $0x0  }
0x1ec: {  	[sflag:s30] =	ssyncadd.s32 $0xFFFFB800  }
0x1ed: {  	[hbm4b:s4+s2] =	stream.linear.scatter [tilespmem:s28], [sflag:$0x3], $0x4800, $0x38;
	[tilespmem:$0x9A80] =	vst v63  }
0x1ee: {  	_ =	swait.ge [sflag:s31], $0x4800  }
0x1ef: {  	[sflag:s31] =	ssyncset.done $0x0  }
0x1f0: {  	[sflag:s31] =	ssyncadd.s32 $0xFFFFB800  }
0x1f1: {  	[tilespmem:s28], [sflag:$0x1] =	stream.indirect.gather [hbm4b:s26+s6], $0x90, s18, s6, $0xb8;
	[tilespmem:$0x9A80] =	vst v63  }
0x1f2: {  	_ =	swait.ge [sflag:s1], $0x4800  }
0x1f3: {  	s4 =	sld [smem:$0x7F4]  }
0x1f4: {  	[sflag:s1] =	ssyncset.done $0x0  }
0x1f5: {  	[sflag:s1] =	ssyncadd.s32 $0xFFFFB800  }
0x1f6: {  	[hbm4b:s4+s2] =	stream.linear.scatter [tilespmem:s29], [sflag:$0x4], $0x4800, $0x38;
	[tilespmem:$0x9A80] =	vst v63  }
0x1f7: {  	_ =	swait.ge [sflag:s0], $0x4800  }
0x1f8: {  	[sflag:s0] =	ssyncset.done $0x0  }
0x1f9: {  	[sflag:s0] =	ssyncadd.s32 $0xFFFFB800  }
0x1fa: {  	[tilespmem:s29], [sflag:$0x2] =	stream.indirect.gather [hbm4b:s26+s6], $0x90, s19, s6, $0xb8;
	[tilespmem:$0x9A80] =	vst v63  }
0x1fb: {  	_ =	swait.ge [sflag:s30], $0x4800  }
0x1fc: {  	s4 =	sld [smem:$0x7F5]  }
0x1fd: {  	[sflag:s30] =	ssyncset.done $0x0  }
0x1fe: {  	[sflag:s30] =	ssyncadd.s32 $0xFFFFB800  }
0x1ff: {  	[hbm4b:s4+s2] =	stream.linear.scatter [tilespmem:s28], [sflag:$0x3], $0x4800, $0x38;
	[tilespmem:$0x9A80] =	vst v63  }
0x200: {  	_ =	swait.ge [sflag:s31], $0x4800  }
0x201: {  	[sflag:s31] =	ssyncset.done $0x0  }
0x202: {  	[sflag:s31] =	ssyncadd.s32 $0xFFFFB800  }
0x203: {  	[tilespmem:s28], [sflag:$0x1] =	stream.indirect.gather [hbm4b:s26+s6], $0x90, s20, s6, $0xb8;
	[tilespmem:$0x9A80] =	vst v63  }
0x204: {  	_ =	swait.ge [sflag:s1], $0x4800  }
0x205: {  	s4 =	sld [smem:$0x7F6]  }
0x206: {  	[sflag:s1] =	ssyncset.done $0x0  }
0x207: {  	[sflag:s1] =	ssyncadd.s32 $0xFFFFB800  }
0x208: {  	[hbm4b:s4+s2] =	stream.linear.scatter [tilespmem:s29], [sflag:$0x4], $0x4800, $0x38;
	[tilespmem:$0x9A80] =	vst v63  }
0x209: {  	_ =	swait.ge [sflag:s0], $0x4800  }
0x20a: {  	[sflag:s0] =	ssyncset.done $0x0  }
0x20b: {  	[sflag:s0] =	ssyncadd.s32 $0xFFFFB800  }
0x20c: {  	[tilespmem:s29], [sflag:$0x2] =	stream.indirect.gather [hbm4b:s26+s6], $0x90, s21, s6, $0xb8;
	[tilespmem:$0x9A80] =	vst v63  }
0x20d: {  	_ =	swait.ge [sflag:s30], $0x4800  }
0x20e: {  	s4 =	sld [smem:$0x7F7]  }
0x20f: {  	[sflag:s30] =	ssyncset.done $0x0  }
0x210: {  	[sflag:s30] =	ssyncadd.s32 $0xFFFFB800  }
0x211: {  	[hbm4b:s4+s2] =	stream.linear.scatter [tilespmem:s28], [sflag:$0x3], $0x4800, $0x38;
	[tilespmem:$0x9A80] =	vst v63  }
0x212: {  	_ =	swait.ge [sflag:s31], $0x4800  }
0x213: {  	[sflag:s31] =	ssyncset.done $0x0  }
0x214: {  	[sflag:s31] =	ssyncadd.s32 $0xFFFFB800  }
0x215: {  	[tilespmem:s28], [sflag:$0x1] =	stream.indirect.gather [hbm4b:s26+s6], $0x90, s22, s6, $0xb8;
	[tilespmem:$0x9A80] =	vst v63  }
0x216: {  	_ =	swait.ge [sflag:s1], $0x4800  }
0x217: {  	s4 =	sld [smem:$0x7F8]  }
0x218: {  	[sflag:s1] =	ssyncset.done $0x0  }
0x219: {  	[sflag:s1] =	ssyncadd.s32 $0xFFFFB800  }
0x21a: {  	[hbm4b:s4+s2] =	stream.linear.scatter [tilespmem:s29], [sflag:$0x4], $0x4800, $0x38;
	[tilespmem:$0x9A80] =	vst v63  }
0x21b: {  	_ =	swait.ge [sflag:s0], $0x4800  }
0x21c: {  	[sflag:s0] =	ssyncset.done $0x0  }
0x21d: {  	[sflag:s0] =	ssyncadd.s32 $0xFFFFB800  }
0x21e: {  	[tilespmem:s29], [sflag:$0x2] =	stream.indirect.gather [hbm4b:s26+s6], $0x90, s23, s6, $0xb8;
	[tilespmem:$0x9A80] =	vst v63  }
0x21f: {  	_ =	swait.ge [sflag:s30], $0x4800  }
0x220: {  	s4 =	sld [smem:$0x7F9]  }
0x221: {  	[sflag:s30] =	ssyncset.done $0x0  }
0x222: {  	[sflag:s30] =	ssyncadd.s32 $0xFFFFB800  }
0x223: {  	[hbm4b:s4+s2] =	stream.linear.scatter [tilespmem:s28], [sflag:$0x3], $0x4800, $0x38;
	[tilespmem:$0x9A80] =	vst v63  }
0x224: {  	_ =	swait.ge [sflag:s31], $0x4800  }
0x225: {  	[sflag:s31] =	ssyncset.done $0x0  }
0x226: {  	[sflag:s31] =	ssyncadd.s32 $0xFFFFB800  }
0x227: {  	[tilespmem:s28], [sflag:$0x1] =	stream.indirect.gather [hbm4b:s26+s6], $0x90, s24, s6, $0xb8;
	[tilespmem:$0x9A80] =	vst v63  }
0x228: {  	_ =	swait.ge [sflag:s1], $0x4800  }
0x229: {  	s4 =	sld [smem:$0x7FA]  }
0x22a: {  	[sflag:s1] =	ssyncset.done $0x0  }
0x22b: {  	[sflag:s1] =	ssyncadd.s32 $0xFFFFB800  }
0x22c: {  	[hbm4b:s4+s2] =	stream.linear.scatter [tilespmem:s29], [sflag:$0x4], $0x4800, $0x38;
	[tilespmem:$0x9A80] =	vst v63  }
0x22d: {  	_ =	swait.ge [sflag:s0], $0x4800  }
0x22e: {  	[sflag:s0] =	ssyncset.done $0x0  }
0x22f: {  	[sflag:s0] =	ssyncadd.s32 $0xFFFFB800  }
0x230: {  	[tilespmem:s29], [sflag:$0x2] =	stream.indirect.gather [hbm4b:s26+s6], $0x90, s25, s6, $0xb8;
	[tilespmem:$0x9A80] =	vst v63  }
0x231: {  	_ =	swait.ge [sflag:s30], $0x4800  }
0x232: {  	s4 =	sld [smem:$0x7FB]  }
0x233: {  	[sflag:s30] =	ssyncset.done $0x0  }
0x234: {  	[sflag:s30] =	ssyncadd.s32 $0xFFFFB800  }
0x235: {  	[hbm4b:s4+s2] =	stream.linear.scatter [tilespmem:s28], [sflag:$0x3], $0x4800, $0x38;
	[tilespmem:$0x9A80] =	vst v63  }
0x236: {  	_ =	swait.ge [sflag:s31], $0x4800  }
0x237: {  	[sflag:s31] =	ssyncset.done $0x0  }
0x238: {  	[sflag:s31] =	ssyncadd.s32 $0xFFFFB800  }
0x239: {  	[tilespmem:s28], [sflag:$0x1] =	stream.indirect.gather [hbm4b:s26+s6], $0x90, s7, s6, $0xb8;
	[tilespmem:$0x9A80] =	vst v63  }
0x23a: {  	_ =	swait.ge [sflag:s1], $0x4800  }
0x23b: {  	s4 =	sld [smem:$0x7FC]  }
0x23c: {  	[sflag:s1] =	ssyncset.done $0x0  }
0x23d: {  	[sflag:s1] =	ssyncadd.s32 $0xFFFFB800  }
0x23e: {  	[hbm4b:s4+s2] =	stream.linear.scatter [tilespmem:s29], [sflag:$0x4], $0x4800, $0x38;
	[tilespmem:$0x9A80] =	vst v63  }
0x23f: {  	_ =	swait.ge [sflag:s30], $0x4800  }
0x240: {  	s4 =	sld [smem:$0x7FD]  }
0x241: {  	[sflag:s30] =	ssyncset.done $0x0  }
0x242: {  	p0 =	sne.s32 s3, $0x1;
	[sflag:s30] =	ssyncadd.s32 $0xFFFFB800  }
0x243: {  	[hbm4b:s4+s2] =	stream.linear.scatter [tilespmem:s28], [sflag:$0x3], $0x4800, $0x38;
	[tilespmem:$0x9A80] =	vst v63  }
.Ltmp1:
0x244: {  	_ =	swait.ge [sflag:s0], $0x4800;
	(pc) =	sbr.rel @p0 .LBB2_2-.Ltmp1, $4  }
0x245: {  	[sflag:s0] =	ssyncset.done $0x0  }
0x246: {  	[sflag:s0] =	ssyncadd.s32 $0xFFFFB800  }
0x247: {  	_ =	swait.ge [sflag:s31], $0x4800  }
0x248: {  	s3 =	sadd.s32 $0xFFFFFFFF, s3;
	[sflag:s31] =	ssyncset.done $0x0  }
.LBB2_3:
0x249: {  	[sflag:s31] =	ssyncadd.s32 $0xFFFFB800  }
0x24a: {  	_ =	sfence.sel $0x180000  }
0x24b: {  	[bflag:$0x0] =	sbarrier.arrive $0xFFFF  }
0x24c: {  	_ =	strace $0x9000004D  }
0x24d: {  	s0 =	stileid.u32;
	[bflag:$0x2] =	sbarrier.arrive $0xFFFF  }
0x24e: {  	p0 =	sne.s32 s0, $0x0;
	s0 =	rddreg [dreg:$0x2]  }
0x24f: {  	s0 =	sadd.s32 @!p0 $0x100000, s0  }
0x250: {  	[sflag:s0] =	ssyncadd.tile.s32 @!p0 $0x1;
	_ =	shalt  }
.Lfunc_end2:
_tile_overlayer_lowered:
.L_overlay_start_2:
0x251: {  	(tag) =	ssettag $0x2  }
0x252: {  	s0 =	rddreg [dreg:$0x0];
	s2 =	stileid.u32  }
0x253: {  	s1 =	rddreg [dreg:$0x1];
	p0 =	sne.s32 s2, $0x0  }
0x254: {  	s3 =	rddreg [dreg:$0x2];
	[bflag:$0x3] =	sbarrier.arrive $0xFFFF;
	s2 =	simm.s32 @!p0 $0x1C05  }
0x255: {  	[timem:s3], [sflag:s2] =	dma.local @!p0 [hbm:s0], s1  }
0x256: {  	s0 =	simm.s32 @!p0 $0x5  }
0x257: {  	_ =	swait.ge @!p0 [sflag:s0], s1  }
0x258: {  	s1 =	ssub.s32 @!p0 $0x0, s1;
	[sflag:s0] =	ssyncset.done @!p0 $0x0  }
0x259: {  	[sflag:s0] =	ssyncadd.s32 @!p0 s1  }
0x25a: {  	[bflag:$0x3] =	sbarrier.arrive $0xFFFF  }
0x25b: {  	_ =	shalt  }

</sc_bundles>
